<compile_context>
chip_gen: v7x
topology: tpu7x:2x2x1
jax: 0.10.2.dev20260603
libtpu: 0.0.44.dev20260713+nightly
codegen_flags: <defaults>
</compile_context>

<pallas_src>
import functools

import jax
import jax.numpy as jnp
from jax import lax
from jax.experimental import pallas as pl
from jax.experimental.pallas import tpu as pltpu
from jax.experimental.pallas import tpu_sc as plsc

N, F = 200000, 26
NB, D = 256, 16

NW = 32
CROWS = 400
CELEMS = CROWS * F
NCHUNK = N // CROWS
SGROUPS = CELEMS // 208
PGROUPS = CROWS // 16
MAGIC26 = 20165
DP = D + 1
TP = D // 2 + 1


def _prep_body(x_ref, bins_ref, emb_ref, w_ref, b_ref, bt_ref, t2_ref,
               mn_s, mx_s, *, nsteps):
    i = pl.program_id(0)
    bmin = jnp.min(x_ref[...], axis=0, keepdims=True)
    bmax = jnp.max(x_ref[...], axis=0, keepdims=True)

    @pl.when(i == 0)
    def _():
        mn_s[...] = bmin
        mx_s[...] = bmax

    @pl.when(i > 0)
    def _():
        mn_s[...] = jnp.minimum(mn_s[...], bmin)
        mx_s[...] = jnp.maximum(mx_s[...], bmax)

    @pl.when(i == nsteps - 1)
    def _():
        rng = mx_s[...] - mn_s[...] + 1e-6
        bt_ref[...] = bins_ref[...] * rng + mn_s[...]
        t2 = lax.dot_general(emb_ref[...], w_ref[...],
                             (((1,), (1,)), ((), ())),
                             precision=lax.Precision.HIGHEST,
                             preferred_element_type=jnp.float32)
        tb = t2 + b_ref[...]
        lo = jax.lax.bitcast_convert_type(
            tb[:, :8].astype(jnp.bfloat16), jnp.uint16).astype(jnp.uint32)
        hi = jax.lax.bitcast_convert_type(
            tb[:, 8:].astype(jnp.bfloat16), jnp.uint16).astype(jnp.uint32)
        packed = jax.lax.bitcast_convert_type(lo | (hi << 16), jnp.int32)
        t2_ref[...] = jnp.concatenate(
            [packed, jnp.zeros((NB, 1), jnp.int32)], axis=1)


def _sc_body(x_hbm, bt_hbm, t2_hbm, out_hbm, btb, t2b, xbuf, posbuf, obuf17,
             outbuf):
    wid = lax.axis_index("s") * 2 + lax.axis_index("c")

    pltpu.sync_copy(bt_hbm, btb)
    pltpu.sync_copy(t2_hbm, t2b)

    iota = lax.iota(jnp.int32, 16)
    fvs = [(jnp.int32(jj * 16) + iota) % F for jj in range(13)]
    iota26 = iota * F

    def chunk_body(ci, _):
        c = wid + NW * ci

        @pl.when(c < NCHUNK)
        def _():
            pltpu.sync_copy(x_hbm.at[pl.ds(c * CELEMS, CELEMS)], xbuf)

            def search_group(g, _):
                base = g * 208
                xvs = [xbuf[pl.ds(base + jj * 16, 16)] for jj in range(13)]
                ps = list(fvs)
                for s in (128, 64, 32, 16, 8, 4, 2, 1):
                    c1 = (s - 1) * F
                    step = s * F
                    bvals = [plsc.load_gather(btb, [ps[jj] + c1])
                             for jj in range(13)]
                    for jj in range(13):
                        ps[jj] = ps[jj] + jnp.where(bvals[jj] < xvs[jj],
                                                    step, 0)
                for jj in range(13):
                    pos = jax.lax.shift_right_logical(ps[jj] * MAGIC26, 19)
                    post = jnp.minimum(pos, NB - 1) * TP
                    posbuf[pl.ds(base + jj * 16, 16)] = post
                return 0

            lax.fori_loop(0, SGROUPS, search_group, 0, unroll=False)

            def pool_group(g, _):
                pb0 = iota26 + g * (16 * F)
                ob0 = iota * DP + g * (16 * DP)
                pvs = [plsc.load_gather(posbuf, [pb0 + f]) for f in range(F)]
                himask = jnp.full((16,), -65536, jnp.int32)
                accs = [None] * D
                for f in range(F):
                    for j in range(8):
                        w = plsc.load_gather(t2b, [pvs[f] + j])
                        lo = plsc.bitcast(w << 16, jnp.float32)
                        hi = plsc.bitcast(w & himask, jnp.float32)
                        if f == 0:
                            accs[j], accs[j + 8] = lo, hi
                        else:
                            accs[j] = accs[j] + lo
                            accs[j + 8] = accs[j + 8] + hi
                for d in range(D):
                    plsc.store_scatter(obuf17, [ob0 + d], accs[d])
                return 0

            lax.fori_loop(0, PGROUPS, pool_group, 0, unroll=False)

            def repack(r16, _):
                for k in range(16):
                    r = r16 * 16 + k
                    outbuf[pl.ds(r * D, D)] = obuf17[pl.ds(r * DP, D)]
                return 0

            lax.fori_loop(0, CROWS // 16, repack, 0, unroll=False)

            pltpu.sync_copy(outbuf, out_hbm.at[pl.ds(c * CROWS * D, CROWS * D)])

        return 0

    lax.fori_loop(0, (NCHUNK + NW - 1) // NW, chunk_body, 0, unroll=False)


def kernel(x, bin_logits, embed_table, W, b):
    probs = jax.nn.softmax(bin_logits)
    bins = jnp.cumsum(probs).reshape(NB, 1)

    R1 = 20000
    n1 = N // R1
    bt, t2p = pl.pallas_call(
        functools.partial(_prep_body, nsteps=n1),
        grid=(n1,),
        in_specs=[
            pl.BlockSpec((R1, F), lambda i: (i, 0)),
            pl.BlockSpec((NB, 1), lambda i: (0, 0)),
            pl.BlockSpec((NB, D), lambda i: (0, 0)),
            pl.BlockSpec((D, D), lambda i: (0, 0)),
            pl.BlockSpec((1, D), lambda i: (0, 0)),
        ],
        out_specs=[pl.BlockSpec((NB, F), lambda i: (0, 0)),
                   pl.BlockSpec((NB, TP), lambda i: (0, 0))],
        out_shape=[jax.ShapeDtypeStruct((NB, F), jnp.float32),
                   jax.ShapeDtypeStruct((NB, TP), jnp.int32)],
        scratch_shapes=[pltpu.VMEM((1, F), jnp.float32),
                        pltpu.VMEM((1, F), jnp.float32)],
        compiler_params=pltpu.CompilerParams(
            dimension_semantics=("arbitrary",)),
    )(x, bins, embed_table, W, b.reshape(1, D))

    x_flat = x.reshape(-1)
    mesh = plsc.VectorSubcoreMesh(core_axis_name="c", subcore_axis_name="s")
    sc_fn = functools.partial(pl.kernel, mesh=mesh,
                              compiler_params=pltpu.CompilerParams(
                                  needs_layout_passes=False),
                              out_type=jax.ShapeDtypeStruct((N * D,),
                                                            jnp.float32),
                              scratch_types=[
                                  pltpu.VMEM((NB * F,), jnp.float32),
                                  pltpu.VMEM((NB * TP,), jnp.int32),
                                  pltpu.VMEM((CELEMS,), jnp.float32),
                                  pltpu.VMEM((CELEMS,), jnp.int32),
                                  pltpu.VMEM((CROWS * DP,), jnp.float32),
                                  pltpu.VMEM((CROWS * D,), jnp.float32),
                              ])(_sc_body)
    out = sc_fn(x_flat, bt.reshape(-1), t2p.reshape(-1))
    return out.reshape(N, D)

# --- scband reference (transcript-rebuilt; emitter-appended) ---
"""Pipeline reference for scband-dy-bemlayer-893353198381 (READ-ONLY COPY).

The authoritative reference and input builder live on the scoring server;
editing this copy changes nothing except your own understanding.
"""

import jax, jax.numpy as jnp
import numpy as np

N, F = 200000, 26
NUM_BINS, D = 256, 16


def setup_inputs(seed: int = 0) -> dict:
    key = jax.random.key(seed)
    k1, k2, k3, k4 = jax.random.split(key, 4)
    x = jax.random.normal(k1, (N, F), dtype=jnp.float32)
    bin_logits = jax.random.normal(k2, (NUM_BINS,), dtype=jnp.float32)
    embed_table = jax.random.normal(k3, (NUM_BINS, D), dtype=jnp.float32)
    W = jax.random.normal(k4, (D, D), dtype=jnp.float32) * (1.0 / np.sqrt(D))
    b = jnp.zeros((D,), dtype=jnp.float32)
    return {"x": x, "bin_logits": bin_logits, "embed_table": embed_table, "W": W, "b": b}


def reference(x, bin_logits, embed_table, W, b):
    # per-column min-max normalization (dim=0 reduction, as in torch)
    x_min = jnp.min(x, axis=0)
    x_max = jnp.max(x, axis=0)
    x_norm = (x - x_min) / (x_max - x_min + 1e-06)
    # learned dynamic bin boundaries: softmax -> cumsum
    probs = jax.nn.softmax(bin_logits, axis=0)
    bins = jnp.cumsum(probs, axis=0)
    # torch.bucketize(x, bins) with right=False == searchsorted side='left'
    idx = jnp.clip(jnp.searchsorted(bins, x_norm, side='left'), 0, NUM_BINS - 1)
    # embedding gather: [N, F] -> [N, F, D]
    out = jnp.take(embed_table, idx, axis=0)
    # linear layer: out @ W^T + b
    out = out @ W.T + b
    # sum over feature dim -> [N, D]
    return out.sum(axis=1)

if __name__ == "__main__":
    import jax
    _d = setup_inputs()
    print(jax.jit(kernel)(*tuple(_d.values())))

</pallas_src>

<mosaic_0001>
#map = affine_map<(d0, d1) -> (0)>
module attributes {stable_mosaic.version = 14 : i64} {
  func.func @_sc_body(%arg0: i32, %arg1: i32, %arg2: memref<5200000xf32, #tpu.memory_space<hbm>>, %arg3: memref<6656xf32, #tpu.memory_space<hbm>>, %arg4: memref<2304xi32, #tpu.memory_space<hbm>>, %arg5: memref<3200000xf32, #tpu.memory_space<hbm>>, %arg6: memref<6656xf32, #tpu.memory_space<vmem>>, %arg7: memref<2304xi32, #tpu.memory_space<vmem>>, %arg8: memref<10400xf32, #tpu.memory_space<vmem>>, %arg9: memref<10400xi32, #tpu.memory_space<vmem>>, %arg10: memref<6800xf32, #tpu.memory_space<vmem>>, %arg11: memref<6400xf32, #tpu.memory_space<vmem>>) attributes {dimension_semantics = [#tpu.dimension_semantics<core_parallel>, #tpu.dimension_semantics<subcore_parallel>], iteration_bounds = array<i64: 2, 16>, scalar_prefetch = 0 : i64, scratch_operands = 6 : i64, tpu.core_type = #tpu.core_type<sc_vector_subcore>, window_params = [{transform_indices = #map}, {transform_indices = #map}, {transform_indices = #map}, {transform_indices = #map}]} {
    %mul3A = arith.constant 2 : i32
    %mul3A_0 = arith.muli %arg1, %mul3A : i32
    %add3A = arith.addi %mul3A_0, %arg0 : i32
    "tpu.region"() ({
      %run_scoped3A = tpu.sem_alloc : memref<!tpu.dma_semaphore, #tpu.memory_space<semaphore_mem>>
      tpu.enqueue_dma source(%arg3 : memref<6656xf32, #tpu.memory_space<hbm>>) target(%arg6 : memref<6656xf32, #tpu.memory_space<vmem>>) target_semaphore(%run_scoped3A : memref<!tpu.dma_semaphore, #tpu.memory_space<semaphore_mem>>)
      tpu.wait_dma2 semaphore(%run_scoped3A : memref<!tpu.dma_semaphore, #tpu.memory_space<semaphore_mem>>) src(%arg3 : memref<6656xf32, #tpu.memory_space<hbm>>) dst(%arg6 : memref<6656xf32, #tpu.memory_space<vmem>>)
      tpu.yield
    }) : () -> ()
    "tpu.region"() ({
      %run_scoped3A = tpu.sem_alloc : memref<!tpu.dma_semaphore, #tpu.memory_space<semaphore_mem>>
      tpu.enqueue_dma source(%arg4 : memref<2304xi32, #tpu.memory_space<hbm>>) target(%arg7 : memref<2304xi32, #tpu.memory_space<vmem>>) target_semaphore(%run_scoped3A : memref<!tpu.dma_semaphore, #tpu.memory_space<semaphore_mem>>)
      tpu.wait_dma2 semaphore(%run_scoped3A : memref<!tpu.dma_semaphore, #tpu.memory_space<semaphore_mem>>) src(%arg4 : memref<2304xi32, #tpu.memory_space<hbm>>) dst(%arg7 : memref<2304xi32, #tpu.memory_space<vmem>>)
      tpu.yield
    }) : () -> ()
    %iota3A = tpu.iota {dimensions = array<i32: 0>} : vector<16xi32>
    %add3A_1 = arith.constant 0 : i32
    %add3A_2 = vector.broadcast %add3A_1 : i32 to vector<16xi32>
    %add3A_3 = arith.addi %add3A_2, %iota3A : vector<16xi32>
    %jit3A = arith.constant 26 : i32
    %eq3A = arith.constant 0 : i32
    %eq3A_4 = arith.cmpi eq, %jit3A, %eq3A : i32
    %jit3A_5 = arith.constant 1 : i32
    %select_n3A = arith.select %eq3A_4, %jit3A_5, %jit3A : i32
    %rem3A = vector.broadcast %select_n3A : i32 to vector<16xi32>
    %rem3A_6 = arith.remsi %add3A_3, %rem3A : vector<16xi32>
    %ne3A = arith.constant 0 : i32
    %ne3A_7 = vector.broadcast %ne3A : i32 to vector<16xi32>
    %ne3A_8 = arith.cmpi ne, %rem3A_6, %ne3A_7 : vector<16xi32>
    %lt3A = arith.constant 0 : i32
    %lt3A_9 = vector.broadcast %lt3A : i32 to vector<16xi32>
    %lt3A_10 = arith.cmpi slt, %rem3A_6, %lt3A_9 : vector<16xi32>
    %lt3A_11 = arith.constant 0 : i32
    %lt3A_12 = arith.cmpi slt, %select_n3A, %lt3A_11 : i32
    %ne3A_13 = vector.broadcast %lt3A_12 : i1 to vector<16xi1>
    %ne3A_14 = vector.broadcast %ne3A_13 : vector<16xi1> to vector<16xi1>
    %ne3A_15 = arith.xori %lt3A_10, %ne3A_14 : vector<16xi1>
    %and3A = arith.andi %ne3A_15, %ne3A_8 : vector<16xi1>
    %add3A_16 = vector.broadcast %select_n3A : i32 to vector<16xi32>
    %add3A_17 = arith.addi %rem3A_6, %add3A_16 : vector<16xi32>
    %select_n3A_18 = arith.select %and3A, %add3A_17, %rem3A_6 : vector<16xi1>, vector<16xi32>
    %add3A_19 = arith.constant 16 : i32
    %add3A_20 = vector.broadcast %add3A_19 : i32 to vector<16xi32>
    %add3A_21 = arith.addi %add3A_20, %iota3A : vector<16xi32>
    %jit3A_22 = arith.constant 26 : i32
    %eq3A_23 = arith.constant 0 : i32
    %eq3A_24 = arith.cmpi eq, %jit3A_22, %eq3A_23 : i32
    %jit3A_25 = arith.constant 1 : i32
    %select_n3A_26 = arith.select %eq3A_24, %jit3A_25, %jit3A_22 : i32
    %rem3A_27 = vector.broadcast %select_n3A_26 : i32 to vector<16xi32>
    %rem3A_28 = arith.remsi %add3A_21, %rem3A_27 : vector<16xi32>
    %ne3A_29 = arith.constant 0 : i32
    %ne3A_30 = vector.broadcast %ne3A_29 : i32 to vector<16xi32>
    %ne3A_31 = arith.cmpi ne, %rem3A_28, %ne3A_30 : vector<16xi32>
    %lt3A_32 = arith.constant 0 : i32
    %lt3A_33 = vector.broadcast %lt3A_32 : i32 to vector<16xi32>
    %lt3A_34 = arith.cmpi slt, %rem3A_28, %lt3A_33 : vector<16xi32>
    %lt3A_35 = arith.constant 0 : i32
    %lt3A_36 = arith.cmpi slt, %select_n3A_26, %lt3A_35 : i32
    %ne3A_37 = vector.broadcast %lt3A_36 : i1 to vector<16xi1>
    %ne3A_38 = vector.broadcast %ne3A_37 : vector<16xi1> to vector<16xi1>
    %ne3A_39 = arith.xori %lt3A_34, %ne3A_38 : vector<16xi1>
    %and3A_40 = arith.andi %ne3A_39, %ne3A_31 : vector<16xi1>
    %add3A_41 = vector.broadcast %select_n3A_26 : i32 to vector<16xi32>
    %add3A_42 = arith.addi %rem3A_28, %add3A_41 : vector<16xi32>
    %select_n3A_43 = arith.select %and3A_40, %add3A_42, %rem3A_28 : vector<16xi1>, vector<16xi32>
    %add3A_44 = arith.constant 32 : i32
    %add3A_45 = vector.broadcast %add3A_44 : i32 to vector<16xi32>
    %add3A_46 = arith.addi %add3A_45, %iota3A : vector<16xi32>
    %jit3A_47 = arith.constant 26 : i32
    %eq3A_48 = arith.constant 0 : i32
    %eq3A_49 = arith.cmpi eq, %jit3A_47, %eq3A_48 : i32
    %jit3A_50 = arith.constant 1 : i32
    %select_n3A_51 = arith.select %eq3A_49, %jit3A_50, %jit3A_47 : i32
    %rem3A_52 = vector.broadcast %select_n3A_51 : i32 to vector<16xi32>
    %rem3A_53 = arith.remsi %add3A_46, %rem3A_52 : vector<16xi32>
    %ne3A_54 = arith.constant 0 : i32
    %ne3A_55 = vector.broadcast %ne3A_54 : i32 to vector<16xi32>
    %ne3A_56 = arith.cmpi ne, %rem3A_53, %ne3A_55 : vector<16xi32>
    %lt3A_57 = arith.constant 0 : i32
    %lt3A_58 = vector.broadcast %lt3A_57 : i32 to vector<16xi32>
    %lt3A_59 = arith.cmpi slt, %rem3A_53, %lt3A_58 : vector<16xi32>
    %lt3A_60 = arith.constant 0 : i32
    %lt3A_61 = arith.cmpi slt, %select_n3A_51, %lt3A_60 : i32
    %ne3A_62 = vector.broadcast %lt3A_61 : i1 to vector<16xi1>
    %ne3A_63 = vector.broadcast %ne3A_62 : vector<16xi1> to vector<16xi1>
    %ne3A_64 = arith.xori %lt3A_59, %ne3A_63 : vector<16xi1>
    %and3A_65 = arith.andi %ne3A_64, %ne3A_56 : vector<16xi1>
    %add3A_66 = vector.broadcast %select_n3A_51 : i32 to vector<16xi32>
    %add3A_67 = arith.addi %rem3A_53, %add3A_66 : vector<16xi32>
    %select_n3A_68 = arith.select %and3A_65, %add3A_67, %rem3A_53 : vector<16xi1>, vector<16xi32>
    %add3A_69 = arith.constant 48 : i32
    %add3A_70 = vector.broadcast %add3A_69 : i32 to vector<16xi32>
    %add3A_71 = arith.addi %add3A_70, %iota3A : vector<16xi32>
    %jit3A_72 = arith.constant 26 : i32
    %eq3A_73 = arith.constant 0 : i32
    %eq3A_74 = arith.cmpi eq, %jit3A_72, %eq3A_73 : i32
    %jit3A_75 = arith.constant 1 : i32
    %select_n3A_76 = arith.select %eq3A_74, %jit3A_75, %jit3A_72 : i32
    %rem3A_77 = vector.broadcast %select_n3A_76 : i32 to vector<16xi32>
    %rem3A_78 = arith.remsi %add3A_71, %rem3A_77 : vector<16xi32>
    %ne3A_79 = arith.constant 0 : i32
    %ne3A_80 = vector.broadcast %ne3A_79 : i32 to vector<16xi32>
    %ne3A_81 = arith.cmpi ne, %rem3A_78, %ne3A_80 : vector<16xi32>
    %lt3A_82 = arith.constant 0 : i32
    %lt3A_83 = vector.broadcast %lt3A_82 : i32 to vector<16xi32>
    %lt3A_84 = arith.cmpi slt, %rem3A_78, %lt3A_83 : vector<16xi32>
    %lt3A_85 = arith.constant 0 : i32
    %lt3A_86 = arith.cmpi slt, %select_n3A_76, %lt3A_85 : i32
    %ne3A_87 = vector.broadcast %lt3A_86 : i1 to vector<16xi1>
    %ne3A_88 = vector.broadcast %ne3A_87 : vector<16xi1> to vector<16xi1>
    %ne3A_89 = arith.xori %lt3A_84, %ne3A_88 : vector<16xi1>
    %and3A_90 = arith.andi %ne3A_89, %ne3A_81 : vector<16xi1>
    %add3A_91 = vector.broadcast %select_n3A_76 : i32 to vector<16xi32>
    %add3A_92 = arith.addi %rem3A_78, %add3A_91 : vector<16xi32>
    %select_n3A_93 = arith.select %and3A_90, %add3A_92, %rem3A_78 : vector<16xi1>, vector<16xi32>
    %add3A_94 = arith.constant 64 : i32
    %add3A_95 = vector.broadcast %add3A_94 : i32 to vector<16xi32>
    %add3A_96 = arith.addi %add3A_95, %iota3A : vector<16xi32>
    %jit3A_97 = arith.constant 26 : i32
    %eq3A_98 = arith.constant 0 : i32
    %eq3A_99 = arith.cmpi eq, %jit3A_97, %eq3A_98 : i32
    %jit3A_100 = arith.constant 1 : i32
    %select_n3A_101 = arith.select %eq3A_99, %jit3A_100, %jit3A_97 : i32
    %rem3A_102 = vector.broadcast %select_n3A_101 : i32 to vector<16xi32>
    %rem3A_103 = arith.remsi %add3A_96, %rem3A_102 : vector<16xi32>
    %ne3A_104 = arith.constant 0 : i32
    %ne3A_105 = vector.broadcast %ne3A_104 : i32 to vector<16xi32>
    %ne3A_106 = arith.cmpi ne, %rem3A_103, %ne3A_105 : vector<16xi32>
    %lt3A_107 = arith.constant 0 : i32
    %lt3A_108 = vector.broadcast %lt3A_107 : i32 to vector<16xi32>
    %lt3A_109 = arith.cmpi slt, %rem3A_103, %lt3A_108 : vector<16xi32>
    %lt3A_110 = arith.constant 0 : i32
    %lt3A_111 = arith.cmpi slt, %select_n3A_101, %lt3A_110 : i32
    %ne3A_112 = vector.broadcast %lt3A_111 : i1 to vector<16xi1>
    %ne3A_113 = vector.broadcast %ne3A_112 : vector<16xi1> to vector<16xi1>
    %ne3A_114 = arith.xori %lt3A_109, %ne3A_113 : vector<16xi1>
    %and3A_115 = arith.andi %ne3A_114, %ne3A_106 : vector<16xi1>
    %add3A_116 = vector.broadcast %select_n3A_101 : i32 to vector<16xi32>
    %add3A_117 = arith.addi %rem3A_103, %add3A_116 : vector<16xi32>
    %select_n3A_118 = arith.select %and3A_115, %add3A_117, %rem3A_103 : vector<16xi1>, vector<16xi32>
    %add3A_119 = arith.constant 80 : i32
    %add3A_120 = vector.broadcast %add3A_119 : i32 to vector<16xi32>
    %add3A_121 = arith.addi %add3A_120, %iota3A : vector<16xi32>
    %jit3A_122 = arith.constant 26 : i32
    %eq3A_123 = arith.constant 0 : i32
    %eq3A_124 = arith.cmpi eq, %jit3A_122, %eq3A_123 : i32
    %jit3A_125 = arith.constant 1 : i32
    %select_n3A_126 = arith.select %eq3A_124, %jit3A_125, %jit3A_122 : i32
    %rem3A_127 = vector.broadcast %select_n3A_126 : i32 to vector<16xi32>
    %rem3A_128 = arith.remsi %add3A_121, %rem3A_127 : vector<16xi32>
    %ne3A_129 = arith.constant 0 : i32
    %ne3A_130 = vector.broadcast %ne3A_129 : i32 to vector<16xi32>
    %ne3A_131 = arith.cmpi ne, %rem3A_128, %ne3A_130 : vector<16xi32>
    %lt3A_132 = arith.constant 0 : i32
    %lt3A_133 = vector.broadcast %lt3A_132 : i32 to vector<16xi32>
    %lt3A_134 = arith.cmpi slt, %rem3A_128, %lt3A_133 : vector<16xi32>
    %lt3A_135 = arith.constant 0 : i32
    %lt3A_136 = arith.cmpi slt, %select_n3A_126, %lt3A_135 : i32
    %ne3A_137 = vector.broadcast %lt3A_136 : i1 to vector<16xi1>
    %ne3A_138 = vector.broadcast %ne3A_137 : vector<16xi1> to vector<16xi1>
    %ne3A_139 = arith.xori %lt3A_134, %ne3A_138 : vector<16xi1>
    %and3A_140 = arith.andi %ne3A_139, %ne3A_131 : vector<16xi1>
    %add3A_141 = vector.broadcast %select_n3A_126 : i32 to vector<16xi32>
    %add3A_142 = arith.addi %rem3A_128, %add3A_141 : vector<16xi32>
    %select_n3A_143 = arith.select %and3A_140, %add3A_142, %rem3A_128 : vector<16xi1>, vector<16xi32>
    %add3A_144 = arith.constant 96 : i32
    %add3A_145 = vector.broadcast %add3A_144 : i32 to vector<16xi32>
    %add3A_146 = arith.addi %add3A_145, %iota3A : vector<16xi32>
    %jit3A_147 = arith.constant 26 : i32
    %eq3A_148 = arith.constant 0 : i32
    %eq3A_149 = arith.cmpi eq, %jit3A_147, %eq3A_148 : i32
    %jit3A_150 = arith.constant 1 : i32
    %select_n3A_151 = arith.select %eq3A_149, %jit3A_150, %jit3A_147 : i32
    %rem3A_152 = vector.broadcast %select_n3A_151 : i32 to vector<16xi32>
    %rem3A_153 = arith.remsi %add3A_146, %rem3A_152 : vector<16xi32>
    %ne3A_154 = arith.constant 0 : i32
    %ne3A_155 = vector.broadcast %ne3A_154 : i32 to vector<16xi32>
    %ne3A_156 = arith.cmpi ne, %rem3A_153, %ne3A_155 : vector<16xi32>
    %lt3A_157 = arith.constant 0 : i32
    %lt3A_158 = vector.broadcast %lt3A_157 : i32 to vector<16xi32>
    %lt3A_159 = arith.cmpi slt, %rem3A_153, %lt3A_158 : vector<16xi32>
    %lt3A_160 = arith.constant 0 : i32
    %lt3A_161 = arith.cmpi slt, %select_n3A_151, %lt3A_160 : i32
    %ne3A_162 = vector.broadcast %lt3A_161 : i1 to vector<16xi1>
    %ne3A_163 = vector.broadcast %ne3A_162 : vector<16xi1> to vector<16xi1>
    %ne3A_164 = arith.xori %lt3A_159, %ne3A_163 : vector<16xi1>
    %and3A_165 = arith.andi %ne3A_164, %ne3A_156 : vector<16xi1>
    %add3A_166 = vector.broadcast %select_n3A_151 : i32 to vector<16xi32>
    %add3A_167 = arith.addi %rem3A_153, %add3A_166 : vector<16xi32>
    %select_n3A_168 = arith.select %and3A_165, %add3A_167, %rem3A_153 : vector<16xi1>, vector<16xi32>
    %add3A_169 = arith.constant 112 : i32
    %add3A_170 = vector.broadcast %add3A_169 : i32 to vector<16xi32>
    %add3A_171 = arith.addi %add3A_170, %iota3A : vector<16xi32>
    %jit3A_172 = arith.constant 26 : i32
    %eq3A_173 = arith.constant 0 : i32
    %eq3A_174 = arith.cmpi eq, %jit3A_172, %eq3A_173 : i32
    %jit3A_175 = arith.constant 1 : i32
    %select_n3A_176 = arith.select %eq3A_174, %jit3A_175, %jit3A_172 : i32
    %rem3A_177 = vector.broadcast %select_n3A_176 : i32 to vector<16xi32>
    %rem3A_178 = arith.remsi %add3A_171, %rem3A_177 : vector<16xi32>
    %ne3A_179 = arith.constant 0 : i32
    %ne3A_180 = vector.broadcast %ne3A_179 : i32 to vector<16xi32>
    %ne3A_181 = arith.cmpi ne, %rem3A_178, %ne3A_180 : vector<16xi32>
    %lt3A_182 = arith.constant 0 : i32
    %lt3A_183 = vector.broadcast %lt3A_182 : i32 to vector<16xi32>
    %lt3A_184 = arith.cmpi slt, %rem3A_178, %lt3A_183 : vector<16xi32>
    %lt3A_185 = arith.constant 0 : i32
    %lt3A_186 = arith.cmpi slt, %select_n3A_176, %lt3A_185 : i32
    %ne3A_187 = vector.broadcast %lt3A_186 : i1 to vector<16xi1>
    %ne3A_188 = vector.broadcast %ne3A_187 : vector<16xi1> to vector<16xi1>
    %ne3A_189 = arith.xori %lt3A_184, %ne3A_188 : vector<16xi1>
    %and3A_190 = arith.andi %ne3A_189, %ne3A_181 : vector<16xi1>
    %add3A_191 = vector.broadcast %select_n3A_176 : i32 to vector<16xi32>
    %add3A_192 = arith.addi %rem3A_178, %add3A_191 : vector<16xi32>
    %select_n3A_193 = arith.select %and3A_190, %add3A_192, %rem3A_178 : vector<16xi1>, vector<16xi32>
    %add3A_194 = arith.constant 128 : i32
    %add3A_195 = vector.broadcast %add3A_194 : i32 to vector<16xi32>
    %add3A_196 = arith.addi %add3A_195, %iota3A : vector<16xi32>
    %jit3A_197 = arith.constant 26 : i32
    %eq3A_198 = arith.constant 0 : i32
    %eq3A_199 = arith.cmpi eq, %jit3A_197, %eq3A_198 : i32
    %jit3A_200 = arith.constant 1 : i32
    %select_n3A_201 = arith.select %eq3A_199, %jit3A_200, %jit3A_197 : i32
    %rem3A_202 = vector.broadcast %select_n3A_201 : i32 to vector<16xi32>
    %rem3A_203 = arith.remsi %add3A_196, %rem3A_202 : vector<16xi32>
    %ne3A_204 = arith.constant 0 : i32
    %ne3A_205 = vector.broadcast %ne3A_204 : i32 to vector<16xi32>
    %ne3A_206 = arith.cmpi ne, %rem3A_203, %ne3A_205 : vector<16xi32>
    %lt3A_207 = arith.constant 0 : i32
    %lt3A_208 = vector.broadcast %lt3A_207 : i32 to vector<16xi32>
    %lt3A_209 = arith.cmpi slt, %rem3A_203, %lt3A_208 : vector<16xi32>
    %lt3A_210 = arith.constant 0 : i32
    %lt3A_211 = arith.cmpi slt, %select_n3A_201, %lt3A_210 : i32
    %ne3A_212 = vector.broadcast %lt3A_211 : i1 to vector<16xi1>
    %ne3A_213 = vector.broadcast %ne3A_212 : vector<16xi1> to vector<16xi1>
    %ne3A_214 = arith.xori %lt3A_209, %ne3A_213 : vector<16xi1>
    %and3A_215 = arith.andi %ne3A_214, %ne3A_206 : vector<16xi1>
    %add3A_216 = vector.broadcast %select_n3A_201 : i32 to vector<16xi32>
    %add3A_217 = arith.addi %rem3A_203, %add3A_216 : vector<16xi32>
    %select_n3A_218 = arith.select %and3A_215, %add3A_217, %rem3A_203 : vector<16xi1>, vector<16xi32>
    %add3A_219 = arith.constant 144 : i32
    %add3A_220 = vector.broadcast %add3A_219 : i32 to vector<16xi32>
    %add3A_221 = arith.addi %add3A_220, %iota3A : vector<16xi32>
    %jit3A_222 = arith.constant 26 : i32
    %eq3A_223 = arith.constant 0 : i32
    %eq3A_224 = arith.cmpi eq, %jit3A_222, %eq3A_223 : i32
    %jit3A_225 = arith.constant 1 : i32
    %select_n3A_226 = arith.select %eq3A_224, %jit3A_225, %jit3A_222 : i32
    %rem3A_227 = vector.broadcast %select_n3A_226 : i32 to vector<16xi32>
    %rem3A_228 = arith.remsi %add3A_221, %rem3A_227 : vector<16xi32>
    %ne3A_229 = arith.constant 0 : i32
    %ne3A_230 = vector.broadcast %ne3A_229 : i32 to vector<16xi32>
    %ne3A_231 = arith.cmpi ne, %rem3A_228, %ne3A_230 : vector<16xi32>
    %lt3A_232 = arith.constant 0 : i32
    %lt3A_233 = vector.broadcast %lt3A_232 : i32 to vector<16xi32>
    %lt3A_234 = arith.cmpi slt, %rem3A_228, %lt3A_233 : vector<16xi32>
    %lt3A_235 = arith.constant 0 : i32
    %lt3A_236 = arith.cmpi slt, %select_n3A_226, %lt3A_235 : i32
    %ne3A_237 = vector.broadcast %lt3A_236 : i1 to vector<16xi1>
    %ne3A_238 = vector.broadcast %ne3A_237 : vector<16xi1> to vector<16xi1>
    %ne3A_239 = arith.xori %lt3A_234, %ne3A_238 : vector<16xi1>
    %and3A_240 = arith.andi %ne3A_239, %ne3A_231 : vector<16xi1>
    %add3A_241 = vector.broadcast %select_n3A_226 : i32 to vector<16xi32>
    %add3A_242 = arith.addi %rem3A_228, %add3A_241 : vector<16xi32>
    %select_n3A_243 = arith.select %and3A_240, %add3A_242, %rem3A_228 : vector<16xi1>, vector<16xi32>
    %add3A_244 = arith.constant 160 : i32
    %add3A_245 = vector.broadcast %add3A_244 : i32 to vector<16xi32>
    %add3A_246 = arith.addi %add3A_245, %iota3A : vector<16xi32>
    %jit3A_247 = arith.constant 26 : i32
    %eq3A_248 = arith.constant 0 : i32
    %eq3A_249 = arith.cmpi eq, %jit3A_247, %eq3A_248 : i32
    %jit3A_250 = arith.constant 1 : i32
    %select_n3A_251 = arith.select %eq3A_249, %jit3A_250, %jit3A_247 : i32
    %rem3A_252 = vector.broadcast %select_n3A_251 : i32 to vector<16xi32>
    %rem3A_253 = arith.remsi %add3A_246, %rem3A_252 : vector<16xi32>
    %ne3A_254 = arith.constant 0 : i32
    %ne3A_255 = vector.broadcast %ne3A_254 : i32 to vector<16xi32>
    %ne3A_256 = arith.cmpi ne, %rem3A_253, %ne3A_255 : vector<16xi32>
    %lt3A_257 = arith.constant 0 : i32
    %lt3A_258 = vector.broadcast %lt3A_257 : i32 to vector<16xi32>
    %lt3A_259 = arith.cmpi slt, %rem3A_253, %lt3A_258 : vector<16xi32>
    %lt3A_260 = arith.constant 0 : i32
    %lt3A_261 = arith.cmpi slt, %select_n3A_251, %lt3A_260 : i32
    %ne3A_262 = vector.broadcast %lt3A_261 : i1 to vector<16xi1>
    %ne3A_263 = vector.broadcast %ne3A_262 : vector<16xi1> to vector<16xi1>
    %ne3A_264 = arith.xori %lt3A_259, %ne3A_263 : vector<16xi1>
    %and3A_265 = arith.andi %ne3A_264, %ne3A_256 : vector<16xi1>
    %add3A_266 = vector.broadcast %select_n3A_251 : i32 to vector<16xi32>
    %add3A_267 = arith.addi %rem3A_253, %add3A_266 : vector<16xi32>
    %select_n3A_268 = arith.select %and3A_265, %add3A_267, %rem3A_253 : vector<16xi1>, vector<16xi32>
    %add3A_269 = arith.constant 176 : i32
    %add3A_270 = vector.broadcast %add3A_269 : i32 to vector<16xi32>
    %add3A_271 = arith.addi %add3A_270, %iota3A : vector<16xi32>
    %jit3A_272 = arith.constant 26 : i32
    %eq3A_273 = arith.constant 0 : i32
    %eq3A_274 = arith.cmpi eq, %jit3A_272, %eq3A_273 : i32
    %jit3A_275 = arith.constant 1 : i32
    %select_n3A_276 = arith.select %eq3A_274, %jit3A_275, %jit3A_272 : i32
    %rem3A_277 = vector.broadcast %select_n3A_276 : i32 to vector<16xi32>
    %rem3A_278 = arith.remsi %add3A_271, %rem3A_277 : vector<16xi32>
    %ne3A_279 = arith.constant 0 : i32
    %ne3A_280 = vector.broadcast %ne3A_279 : i32 to vector<16xi32>
    %ne3A_281 = arith.cmpi ne, %rem3A_278, %ne3A_280 : vector<16xi32>
    %lt3A_282 = arith.constant 0 : i32
    %lt3A_283 = vector.broadcast %lt3A_282 : i32 to vector<16xi32>
    %lt3A_284 = arith.cmpi slt, %rem3A_278, %lt3A_283 : vector<16xi32>
    %lt3A_285 = arith.constant 0 : i32
    %lt3A_286 = arith.cmpi slt, %select_n3A_276, %lt3A_285 : i32
    %ne3A_287 = vector.broadcast %lt3A_286 : i1 to vector<16xi1>
    %ne3A_288 = vector.broadcast %ne3A_287 : vector<16xi1> to vector<16xi1>
    %ne3A_289 = arith.xori %lt3A_284, %ne3A_288 : vector<16xi1>
    %and3A_290 = arith.andi %ne3A_289, %ne3A_281 : vector<16xi1>
    %add3A_291 = vector.broadcast %select_n3A_276 : i32 to vector<16xi32>
    %add3A_292 = arith.addi %rem3A_278, %add3A_291 : vector<16xi32>
    %select_n3A_293 = arith.select %and3A_290, %add3A_292, %rem3A_278 : vector<16xi1>, vector<16xi32>
    %add3A_294 = arith.constant 192 : i32
    %add3A_295 = vector.broadcast %add3A_294 : i32 to vector<16xi32>
    %add3A_296 = arith.addi %add3A_295, %iota3A : vector<16xi32>
    %jit3A_297 = arith.constant 26 : i32
    %eq3A_298 = arith.constant 0 : i32
    %eq3A_299 = arith.cmpi eq, %jit3A_297, %eq3A_298 : i32
    %jit3A_300 = arith.constant 1 : i32
    %select_n3A_301 = arith.select %eq3A_299, %jit3A_300, %jit3A_297 : i32
    %rem3A_302 = vector.broadcast %select_n3A_301 : i32 to vector<16xi32>
    %rem3A_303 = arith.remsi %add3A_296, %rem3A_302 : vector<16xi32>
    %ne3A_304 = arith.constant 0 : i32
    %ne3A_305 = vector.broadcast %ne3A_304 : i32 to vector<16xi32>
    %ne3A_306 = arith.cmpi ne, %rem3A_303, %ne3A_305 : vector<16xi32>
    %lt3A_307 = arith.constant 0 : i32
    %lt3A_308 = vector.broadcast %lt3A_307 : i32 to vector<16xi32>
    %lt3A_309 = arith.cmpi slt, %rem3A_303, %lt3A_308 : vector<16xi32>
    %lt3A_310 = arith.constant 0 : i32
    %lt3A_311 = arith.cmpi slt, %select_n3A_301, %lt3A_310 : i32
    %ne3A_312 = vector.broadcast %lt3A_311 : i1 to vector<16xi1>
    %ne3A_313 = vector.broadcast %ne3A_312 : vector<16xi1> to vector<16xi1>
    %ne3A_314 = arith.xori %lt3A_309, %ne3A_313 : vector<16xi1>
    %and3A_315 = arith.andi %ne3A_314, %ne3A_306 : vector<16xi1>
    %add3A_316 = vector.broadcast %select_n3A_301 : i32 to vector<16xi32>
    %add3A_317 = arith.addi %rem3A_303, %add3A_316 : vector<16xi32>
    %select_n3A_318 = arith.select %and3A_315, %add3A_317, %rem3A_303 : vector<16xi1>, vector<16xi32>
    %mul3A_319 = arith.constant 26 : i32
    %mul3A_320 = vector.broadcast %mul3A_319 : i32 to vector<16xi32>
    %mul3A_321 = arith.muli %iota3A, %mul3A_320 : vector<16xi32>
    %scan3A = arith.constant 0 : i32
    %scan3A_322 = arith.constant 0 : i32
    %scan3A_323 = arith.constant 16 : i32
    %scan3A_324 = arith.addi %scan3A_322, %scan3A_323 : i32
    %scan3A_325 = arith.constant 1 : i32
    %scan3A_326 = scf.for %scan3A_328 = %scan3A_322 to %scan3A_324 step %scan3A_325 iter_args(%scan3A_329 = %scan3A) -> (i32)  : i32 {
      %mul3A_330 = arith.constant 32 : i32
      %mul3A_331 = arith.muli %mul3A_330, %scan3A_328 : i32
      %add3A_332 = arith.addi %add3A, %mul3A_331 : i32
      %lt3A_333 = arith.constant 500 : i32
      %lt3A_334 = arith.cmpi slt, %add3A_332, %lt3A_333 : i32
      %convert_element_type3A = arith.extui %lt3A_334 : i1 to i32
      %cond3A = arith.constant 0 : i32
      %cond3A_335 = arith.cmpi ne, %convert_element_type3A, %cond3A : i32
      scf.if %cond3A_335 {
        %mul3A_337 = arith.constant 10400 : i32
        %mul3A_338 = arith.muli %add3A_332, %mul3A_337 : i32
        "tpu.region"() ({
          %run_scoped3A = tpu.sem_alloc : memref<!tpu.dma_semaphore, #tpu.memory_space<semaphore_mem>>
          %dma_start3A = tpu.memref_slice %arg2[%mul3A_338] : memref<5200000xf32, #tpu.memory_space<hbm>> -> memref<10400xf32, #tpu.memory_space<hbm>>
          %dma_start3A_364 = tpu.memref_slice %arg2[%mul3A_338] : memref<5200000xf32, #tpu.memory_space<hbm>> -> memref<10400xf32, #tpu.memory_space<hbm>>
          tpu.enqueue_dma source(%dma_start3A_364 : memref<10400xf32, #tpu.memory_space<hbm>>) target(%arg8 : memref<10400xf32, #tpu.memory_space<vmem>>) target_semaphore(%run_scoped3A : memref<!tpu.dma_semaphore, #tpu.memory_space<semaphore_mem>>)
          %dma_wait3A = tpu.memref_slice %arg2[%mul3A_338] : memref<5200000xf32, #tpu.memory_space<hbm>> -> memref<10400xf32, #tpu.memory_space<hbm>>
          %dma_wait3A_365 = tpu.memref_slice %arg2[%mul3A_338] : memref<5200000xf32, #tpu.memory_space<hbm>> -> memref<10400xf32, #tpu.memory_space<hbm>>
          tpu.wait_dma2 semaphore(%run_scoped3A : memref<!tpu.dma_semaphore, #tpu.memory_space<semaphore_mem>>) src(%dma_wait3A_365 : memref<10400xf32, #tpu.memory_space<hbm>>) dst(%arg8 : memref<10400xf32, #tpu.memory_space<vmem>>)
          tpu.yield
        }) : () -> ()
        %scan3A_339 = arith.constant 0 : i32
        %scan3A_340 = arith.constant 0 : i32
        %scan3A_341 = arith.constant 50 : i32
        %scan3A_342 = arith.addi %scan3A_340, %scan3A_341 : i32
        %scan3A_343 = arith.constant 1 : i32
        %scan3A_344 = scf.for %scan3A_364 = %scan3A_340 to %scan3A_342 step %scan3A_343 iter_args(%scan3A_365 = %scan3A_339) -> (i32)  : i32 {
          %mul3A_366 = arith.constant 208 : i32
          %mul3A_367 = arith.muli %scan3A_364, %mul3A_366 : i32
          %add3A_368 = arith.constant 0 : i32
          %add3A_369 = arith.addi %mul3A_367, %add3A_368 : i32
          %get3A = arith.index_cast %add3A_369 : i32 to index
          %get3A_370 = tpu.vector_load %arg8[%get3A] {strides = array<i32>} : memref<10400xf32, #tpu.memory_space<vmem>>, vector<16xf32>,
          %add3A_371 = arith.constant 16 : i32
          %add3A_372 = arith.addi %mul3A_367, %add3A_371 : i32
          %get3A_373 = arith.index_cast %add3A_372 : i32 to index
          %get3A_374 = tpu.vector_load %arg8[%get3A_373] {strides = array<i32>} : memref<10400xf32, #tpu.memory_space<vmem>>, vector<16xf32>,
          %add3A_375 = arith.constant 32 : i32
          %add3A_376 = arith.addi %mul3A_367, %add3A_375 : i32
          %get3A_377 = arith.index_cast %add3A_376 : i32 to index
          %get3A_378 = tpu.vector_load %arg8[%get3A_377] {strides = array<i32>} : memref<10400xf32, #tpu.memory_space<vmem>>, vector<16xf32>,
          %add3A_379 = arith.constant 48 : i32
          %add3A_380 = arith.addi %mul3A_367, %add3A_379 : i32
          %get3A_381 = arith.index_cast %add3A_380 : i32 to index
          %get3A_382 = tpu.vector_load %arg8[%get3A_381] {strides = array<i32>} : memref<10400xf32, #tpu.memory_space<vmem>>, vector<16xf32>,
          %add3A_383 = arith.constant 64 : i32
          %add3A_384 = arith.addi %mul3A_367, %add3A_383 : i32
          %get3A_385 = arith.index_cast %add3A_384 : i32 to index
          %get3A_386 = tpu.vector_load %arg8[%get3A_385] {strides = array<i32>} : memref<10400xf32, #tpu.memory_space<vmem>>, vector<16xf32>,
          %add3A_387 = arith.constant 80 : i32
          %add3A_388 = arith.addi %mul3A_367, %add3A_387 : i32
          %get3A_389 = arith.index_cast %add3A_388 : i32 to index
          %get3A_390 = tpu.vector_load %arg8[%get3A_389] {strides = array<i32>} : memref<10400xf32, #tpu.memory_space<vmem>>, vector<16xf32>,
          %add3A_391 = arith.constant 96 : i32
          %add3A_392 = arith.addi %mul3A_367, %add3A_391 : i32
          %get3A_393 = arith.index_cast %add3A_392 : i32 to index
          %get3A_394 = tpu.vector_load %arg8[%get3A_393] {strides = array<i32>} : memref<10400xf32, #tpu.memory_space<vmem>>, vector<16xf32>,
          %add3A_395 = arith.constant 112 : i32
          %add3A_396 = arith.addi %mul3A_367, %add3A_395 : i32
          %get3A_397 = arith.index_cast %add3A_396 : i32 to index
          %get3A_398 = tpu.vector_load %arg8[%get3A_397] {strides = array<i32>} : memref<10400xf32, #tpu.memory_space<vmem>>, vector<16xf32>,
          %add3A_399 = arith.constant 128 : i32
          %add3A_400 = arith.addi %mul3A_367, %add3A_399 : i32
          %get3A_401 = arith.index_cast %add3A_400 : i32 to index
          %get3A_402 = tpu.vector_load %arg8[%get3A_401] {strides = array<i32>} : memref<10400xf32, #tpu.memory_space<vmem>>, vector<16xf32>,
          %add3A_403 = arith.constant 144 : i32
          %add3A_404 = arith.addi %mul3A_367, %add3A_403 : i32
          %get3A_405 = arith.index_cast %add3A_404 : i32 to index
          %get3A_406 = tpu.vector_load %arg8[%get3A_405] {strides = array<i32>} : memref<10400xf32, #tpu.memory_space<vmem>>, vector<16xf32>,
          %add3A_407 = arith.constant 160 : i32
          %add3A_408 = arith.addi %mul3A_367, %add3A_407 : i32
          %get3A_409 = arith.index_cast %add3A_408 : i32 to index
          %get3A_410 = tpu.vector_load %arg8[%get3A_409] {strides = array<i32>} : memref<10400xf32, #tpu.memory_space<vmem>>, vector<16xf32>,
          %add3A_411 = arith.constant 176 : i32
          %add3A_412 = arith.addi %mul3A_367, %add3A_411 : i32
          %get3A_413 = arith.index_cast %add3A_412 : i32 to index
          %get3A_414 = tpu.vector_load %arg8[%get3A_413] {strides = array<i32>} : memref<10400xf32, #tpu.memory_space<vmem>>, vector<16xf32>,
          %add3A_415 = arith.constant 192 : i32
          %add3A_416 = arith.addi %mul3A_367, %add3A_415 : i32
          %get3A_417 = arith.index_cast %add3A_416 : i32 to index
          %get3A_418 = tpu.vector_load %arg8[%get3A_417] {strides = array<i32>} : memref<10400xf32, #tpu.memory_space<vmem>>, vector<16xf32>,
          %add3A_419 = arith.constant 3302 : i32
          %add3A_420 = vector.broadcast %add3A_419 : i32 to vector<16xi32>
          %add3A_421 = arith.addi %select_n3A_18, %add3A_420 : vector<16xi32>
          %gather3A = tpu.vector_load_idx %arg6[%add3A_421] : memref<6656xf32, #tpu.memory_space<vmem>>[vector<16xi32>], vector<16xf32>,
          %add3A_422 = arith.constant 3302 : i32
          %add3A_423 = vector.broadcast %add3A_422 : i32 to vector<16xi32>
          %add3A_424 = arith.addi %select_n3A_43, %add3A_423 : vector<16xi32>
          %gather3A_425 = tpu.vector_load_idx %arg6[%add3A_424] : memref<6656xf32, #tpu.memory_space<vmem>>[vector<16xi32>], vector<16xf32>,
          %add3A_426 = arith.constant 3302 : i32
          %add3A_427 = vector.broadcast %add3A_426 : i32 to vector<16xi32>
          %add3A_428 = arith.addi %select_n3A_68, %add3A_427 : vector<16xi32>
          %gather3A_429 = tpu.vector_load_idx %arg6[%add3A_428] : memref<6656xf32, #tpu.memory_space<vmem>>[vector<16xi32>], vector<16xf32>,
          %add3A_430 = arith.constant 3302 : i32
          %add3A_431 = vector.broadcast %add3A_430 : i32 to vector<16xi32>
          %add3A_432 = arith.addi %select_n3A_93, %add3A_431 : vector<16xi32>
          %gather3A_433 = tpu.vector_load_idx %arg6[%add3A_432] : memref<6656xf32, #tpu.memory_space<vmem>>[vector<16xi32>], vector<16xf32>,
          %add3A_434 = arith.constant 3302 : i32
          %add3A_435 = vector.broadcast %add3A_434 : i32 to vector<16xi32>
          %add3A_436 = arith.addi %select_n3A_118, %add3A_435 : vector<16xi32>
          %gather3A_437 = tpu.vector_load_idx %arg6[%add3A_436] : memref<6656xf32, #tpu.memory_space<vmem>>[vector<16xi32>], vector<16xf32>,
          %add3A_438 = arith.constant 3302 : i32
          %add3A_439 = vector.broadcast %add3A_438 : i32 to vector<16xi32>
          %add3A_440 = arith.addi %select_n3A_143, %add3A_439 : vector<16xi32>
          %gather3A_441 = tpu.vector_load_idx %arg6[%add3A_440] : memref<6656xf32, #tpu.memory_space<vmem>>[vector<16xi32>], vector<16xf32>,
          %add3A_442 = arith.constant 3302 : i32
          %add3A_443 = vector.broadcast %add3A_442 : i32 to vector<16xi32>
          %add3A_444 = arith.addi %select_n3A_168, %add3A_443 : vector<16xi32>
          %gather3A_445 = tpu.vector_load_idx %arg6[%add3A_444] : memref<6656xf32, #tpu.memory_space<vmem>>[vector<16xi32>], vector<16xf32>,
          %add3A_446 = arith.constant 3302 : i32
          %add3A_447 = vector.broadcast %add3A_446 : i32 to vector<16xi32>
          %add3A_448 = arith.addi %select_n3A_193, %add3A_447 : vector<16xi32>
          %gather3A_449 = tpu.vector_load_idx %arg6[%add3A_448] : memref<6656xf32, #tpu.memory_space<vmem>>[vector<16xi32>], vector<16xf32>,
          %add3A_450 = arith.constant 3302 : i32
          %add3A_451 = vector.broadcast %add3A_450 : i32 to vector<16xi32>
          %add3A_452 = arith.addi %select_n3A_218, %add3A_451 : vector<16xi32>
          %gather3A_453 = tpu.vector_load_idx %arg6[%add3A_452] : memref<6656xf32, #tpu.memory_space<vmem>>[vector<16xi32>], vector<16xf32>,
          %add3A_454 = arith.constant 3302 : i32
          %add3A_455 = vector.broadcast %add3A_454 : i32 to vector<16xi32>
          %add3A_456 = arith.addi %select_n3A_243, %add3A_455 : vector<16xi32>
          %gather3A_457 = tpu.vector_load_idx %arg6[%add3A_456] : memref<6656xf32, #tpu.memory_space<vmem>>[vector<16xi32>], vector<16xf32>,
          %add3A_458 = arith.constant 3302 : i32
          %add3A_459 = vector.broadcast %add3A_458 : i32 to vector<16xi32>
          %add3A_460 = arith.addi %select_n3A_268, %add3A_459 : vector<16xi32>
          %gather3A_461 = tpu.vector_load_idx %arg6[%add3A_460] : memref<6656xf32, #tpu.memory_space<vmem>>[vector<16xi32>], vector<16xf32>,
          %add3A_462 = arith.constant 3302 : i32
          %add3A_463 = vector.broadcast %add3A_462 : i32 to vector<16xi32>
          %add3A_464 = arith.addi %select_n3A_293, %add3A_463 : vector<16xi32>
          %gather3A_465 = tpu.vector_load_idx %arg6[%add3A_464] : memref<6656xf32, #tpu.memory_space<vmem>>[vector<16xi32>], vector<16xf32>,
          %add3A_466 = arith.constant 3302 : i32
          %add3A_467 = vector.broadcast %add3A_466 : i32 to vector<16xi32>
          %add3A_468 = arith.addi %select_n3A_318, %add3A_467 : vector<16xi32>
          %gather3A_469 = tpu.vector_load_idx %arg6[%add3A_468] : memref<6656xf32, #tpu.memory_space<vmem>>[vector<16xi32>], vector<16xf32>,
          %lt3A_470 = arith.cmpf olt, %gather3A, %get3A_370 : vector<16xf32>
          %jit3A_471 = arith.constant 3328 : i32
          %jit3A_472 = arith.constant 0 : i32
          %broadcast_in_dim3A = vector.broadcast %jit3A_471 : i32 to vector<16xi32>
          %broadcast_in_dim3A_473 = vector.broadcast %jit3A_472 : i32 to vector<16xi32>
          %select_n3A_474 = arith.select %lt3A_470, %broadcast_in_dim3A, %broadcast_in_dim3A_473 : vector<16xi1>, vector<16xi32>
          %add3A_475 = arith.addi %select_n3A_18, %select_n3A_474 : vector<16xi32>
          %lt3A_476 = arith.cmpf olt, %gather3A_425, %get3A_374 : vector<16xf32>
          %jit3A_477 = arith.constant 3328 : i32
          %jit3A_478 = arith.constant 0 : i32
          %broadcast_in_dim3A_479 = vector.broadcast %jit3A_477 : i32 to vector<16xi32>
          %broadcast_in_dim3A_480 = vector.broadcast %jit3A_478 : i32 to vector<16xi32>
          %select_n3A_481 = arith.select %lt3A_476, %broadcast_in_dim3A_479, %broadcast_in_dim3A_480 : vector<16xi1>, vector<16xi32>
          %add3A_482 = arith.addi %select_n3A_43, %select_n3A_481 : vector<16xi32>
          %lt3A_483 = arith.cmpf olt, %gather3A_429, %get3A_378 : vector<16xf32>
          %jit3A_484 = arith.constant 3328 : i32
          %jit3A_485 = arith.constant 0 : i32
          %broadcast_in_dim3A_486 = vector.broadcast %jit3A_484 : i32 to vector<16xi32>
          %broadcast_in_dim3A_487 = vector.broadcast %jit3A_485 : i32 to vector<16xi32>
          %select_n3A_488 = arith.select %lt3A_483, %broadcast_in_dim3A_486, %broadcast_in_dim3A_487 : vector<16xi1>, vector<16xi32>
          %add3A_489 = arith.addi %select_n3A_68, %select_n3A_488 : vector<16xi32>
          %lt3A_490 = arith.cmpf olt, %gather3A_433, %get3A_382 : vector<16xf32>
          %jit3A_491 = arith.constant 3328 : i32
          %jit3A_492 = arith.constant 0 : i32
          %broadcast_in_dim3A_493 = vector.broadcast %jit3A_491 : i32 to vector<16xi32>
          %broadcast_in_dim3A_494 = vector.broadcast %jit3A_492 : i32 to vector<16xi32>
          %select_n3A_495 = arith.select %lt3A_490, %broadcast_in_dim3A_493, %broadcast_in_dim3A_494 : vector<16xi1>, vector<16xi32>
          %add3A_496 = arith.addi %select_n3A_93, %select_n3A_495 : vector<16xi32>
          %lt3A_497 = arith.cmpf olt, %gather3A_437, %get3A_386 : vector<16xf32>
          %jit3A_498 = arith.constant 3328 : i32
          %jit3A_499 = arith.constant 0 : i32
          %broadcast_in_dim3A_500 = vector.broadcast %jit3A_498 : i32 to vector<16xi32>
          %broadcast_in_dim3A_501 = vector.broadcast %jit3A_499 : i32 to vector<16xi32>
          %select_n3A_502 = arith.select %lt3A_497, %broadcast_in_dim3A_500, %broadcast_in_dim3A_501 : vector<16xi1>, vector<16xi32>
          %add3A_503 = arith.addi %select_n3A_118, %select_n3A_502 : vector<16xi32>
          %lt3A_504 = arith.cmpf olt, %gather3A_441, %get3A_390 : vector<16xf32>
          %jit3A_505 = arith.constant 3328 : i32
          %jit3A_506 = arith.constant 0 : i32
          %broadcast_in_dim3A_507 = vector.broadcast %jit3A_505 : i32 to vector<16xi32>
          %broadcast_in_dim3A_508 = vector.broadcast %jit3A_506 : i32 to vector<16xi32>
          %select_n3A_509 = arith.select %lt3A_504, %broadcast_in_dim3A_507, %broadcast_in_dim3A_508 : vector<16xi1>, vector<16xi32>
          %add3A_510 = arith.addi %select_n3A_143, %select_n3A_509 : vector<16xi32>
          %lt3A_511 = arith.cmpf olt, %gather3A_445, %get3A_394 : vector<16xf32>
          %jit3A_512 = arith.constant 3328 : i32
          %jit3A_513 = arith.constant 0 : i32
          %broadcast_in_dim3A_514 = vector.broadcast %jit3A_512 : i32 to vector<16xi32>
          %broadcast_in_dim3A_515 = vector.broadcast %jit3A_513 : i32 to vector<16xi32>
          %select_n3A_516 = arith.select %lt3A_511, %broadcast_in_dim3A_514, %broadcast_in_dim3A_515 : vector<16xi1>, vector<16xi32>
          %add3A_517 = arith.addi %select_n3A_168, %select_n3A_516 : vector<16xi32>
          %lt3A_518 = arith.cmpf olt, %gather3A_449, %get3A_398 : vector<16xf32>
          %jit3A_519 = arith.constant 3328 : i32
          %jit3A_520 = arith.constant 0 : i32
          %broadcast_in_dim3A_521 = vector.broadcast %jit3A_519 : i32 to vector<16xi32>
          %broadcast_in_dim3A_522 = vector.broadcast %jit3A_520 : i32 to vector<16xi32>
          %select_n3A_523 = arith.select %lt3A_518, %broadcast_in_dim3A_521, %broadcast_in_dim3A_522 : vector<16xi1>, vector<16xi32>
          %add3A_524 = arith.addi %select_n3A_193, %select_n3A_523 : vector<16xi32>
          %lt3A_525 = arith.cmpf olt, %gather3A_453, %get3A_402 : vector<16xf32>
          %jit3A_526 = arith.constant 3328 : i32
          %jit3A_527 = arith.constant 0 : i32
          %broadcast_in_dim3A_528 = vector.broadcast %jit3A_526 : i32 to vector<16xi32>
          %broadcast_in_dim3A_529 = vector.broadcast %jit3A_527 : i32 to vector<16xi32>
          %select_n3A_530 = arith.select %lt3A_525, %broadcast_in_dim3A_528, %broadcast_in_dim3A_529 : vector<16xi1>, vector<16xi32>
          %add3A_531 = arith.addi %select_n3A_218, %select_n3A_530 : vector<16xi32>
          %lt3A_532 = arith.cmpf olt, %gather3A_457, %get3A_406 : vector<16xf32>
          %jit3A_533 = arith.constant 3328 : i32
          %jit3A_534 = arith.constant 0 : i32
          %broadcast_in_dim3A_535 = vector.broadcast %jit3A_533 : i32 to vector<16xi32>
          %broadcast_in_dim3A_536 = vector.broadcast %jit3A_534 : i32 to vector<16xi32>
          %select_n3A_537 = arith.select %lt3A_532, %broadcast_in_dim3A_535, %broadcast_in_dim3A_536 : vector<16xi1>, vector<16xi32>
          %add3A_538 = arith.addi %select_n3A_243, %select_n3A_537 : vector<16xi32>
          %lt3A_539 = arith.cmpf olt, %gather3A_461, %get3A_410 : vector<16xf32>
          %jit3A_540 = arith.constant 3328 : i32
          %jit3A_541 = arith.constant 0 : i32
          %broadcast_in_dim3A_542 = vector.broadcast %jit3A_540 : i32 to vector<16xi32>
          %broadcast_in_dim3A_543 = vector.broadcast %jit3A_541 : i32 to vector<16xi32>
          %select_n3A_544 = arith.select %lt3A_539, %broadcast_in_dim3A_542, %broadcast_in_dim3A_543 : vector<16xi1>, vector<16xi32>
          %add3A_545 = arith.addi %select_n3A_268, %select_n3A_544 : vector<16xi32>
          %lt3A_546 = arith.cmpf olt, %gather3A_465, %get3A_414 : vector<16xf32>
          %jit3A_547 = arith.constant 3328 : i32
          %jit3A_548 = arith.constant 0 : i32
          %broadcast_in_dim3A_549 = vector.broadcast %jit3A_547 : i32 to vector<16xi32>
          %broadcast_in_dim3A_550 = vector.broadcast %jit3A_548 : i32 to vector<16xi32>
          %select_n3A_551 = arith.select %lt3A_546, %broadcast_in_dim3A_549, %broadcast_in_dim3A_550 : vector<16xi1>, vector<16xi32>
          %add3A_552 = arith.addi %select_n3A_293, %select_n3A_551 : vector<16xi32>
          %lt3A_553 = arith.cmpf olt, %gather3A_469, %get3A_418 : vector<16xf32>
          %jit3A_554 = arith.constant 3328 : i32
          %jit3A_555 = arith.constant 0 : i32
          %broadcast_in_dim3A_556 = vector.broadcast %jit3A_554 : i32 to vector<16xi32>
          %broadcast_in_dim3A_557 = vector.broadcast %jit3A_555 : i32 to vector<16xi32>
          %select_n3A_558 = arith.select %lt3A_553, %broadcast_in_dim3A_556, %broadcast_in_dim3A_557 : vector<16xi1>, vector<16xi32>
          %add3A_559 = arith.addi %select_n3A_318, %select_n3A_558 : vector<16xi32>
          %add3A_560 = arith.constant 1638 : i32
          %add3A_561 = vector.broadcast %add3A_560 : i32 to vector<16xi32>
          %add3A_562 = arith.addi %add3A_475, %add3A_561 : vector<16xi32>
          %gather3A_563 = tpu.vector_load_idx %arg6[%add3A_562] : memref<6656xf32, #tpu.memory_space<vmem>>[vector<16xi32>], vector<16xf32>,
          %add3A_564 = arith.constant 1638 : i32
          %add3A_565 = vector.broadcast %add3A_564 : i32 to vector<16xi32>
          %add3A_566 = arith.addi %add3A_482, %add3A_565 : vector<16xi32>
          %gather3A_567 = tpu.vector_load_idx %arg6[%add3A_566] : memref<6656xf32, #tpu.memory_space<vmem>>[vector<16xi32>], vector<16xf32>,
          %add3A_568 = arith.constant 1638 : i32
          %add3A_569 = vector.broadcast %add3A_568 : i32 to vector<16xi32>
          %add3A_570 = arith.addi %add3A_489, %add3A_569 : vector<16xi32>
          %gather3A_571 = tpu.vector_load_idx %arg6[%add3A_570] : memref<6656xf32, #tpu.memory_space<vmem>>[vector<16xi32>], vector<16xf32>,
          %add3A_572 = arith.constant 1638 : i32
          %add3A_573 = vector.broadcast %add3A_572 : i32 to vector<16xi32>
          %add3A_574 = arith.addi %add3A_496, %add3A_573 : vector<16xi32>
          %gather3A_575 = tpu.vector_load_idx %arg6[%add3A_574] : memref<6656xf32, #tpu.memory_space<vmem>>[vector<16xi32>], vector<16xf32>,
          %add3A_576 = arith.constant 1638 : i32
          %add3A_577 = vector.broadcast %add3A_576 : i32 to vector<16xi32>
          %add3A_578 = arith.addi %add3A_503, %add3A_577 : vector<16xi32>
          %gather3A_579 = tpu.vector_load_idx %arg6[%add3A_578] : memref<6656xf32, #tpu.memory_space<vmem>>[vector<16xi32>], vector<16xf32>,
          %add3A_580 = arith.constant 1638 : i32
          %add3A_581 = vector.broadcast %add3A_580 : i32 to vector<16xi32>
          %add3A_582 = arith.addi %add3A_510, %add3A_581 : vector<16xi32>
          %gather3A_583 = tpu.vector_load_idx %arg6[%add3A_582] : memref<6656xf32, #tpu.memory_space<vmem>>[vector<16xi32>], vector<16xf32>,
          %add3A_584 = arith.constant 1638 : i32
          %add3A_585 = vector.broadcast %add3A_584 : i32 to vector<16xi32>
          %add3A_586 = arith.addi %add3A_517, %add3A_585 : vector<16xi32>
          %gather3A_587 = tpu.vector_load_idx %arg6[%add3A_586] : memref<6656xf32, #tpu.memory_space<vmem>>[vector<16xi32>], vector<16xf32>,
          %add3A_588 = arith.constant 1638 : i32
          %add3A_589 = vector.broadcast %add3A_588 : i32 to vector<16xi32>
          %add3A_590 = arith.addi %add3A_524, %add3A_589 : vector<16xi32>
          %gather3A_591 = tpu.vector_load_idx %arg6[%add3A_590] : memref<6656xf32, #tpu.memory_space<vmem>>[vector<16xi32>], vector<16xf32>,
          %add3A_592 = arith.constant 1638 : i32
          %add3A_593 = vector.broadcast %add3A_592 : i32 to vector<16xi32>
          %add3A_594 = arith.addi %add3A_531, %add3A_593 : vector<16xi32>
          %gather3A_595 = tpu.vector_load_idx %arg6[%add3A_594] : memref<6656xf32, #tpu.memory_space<vmem>>[vector<16xi32>], vector<16xf32>,
          %add3A_596 = arith.constant 1638 : i32
          %add3A_597 = vector.broadcast %add3A_596 : i32 to vector<16xi32>
          %add3A_598 = arith.addi %add3A_538, %add3A_597 : vector<16xi32>
          %gather3A_599 = tpu.vector_load_idx %arg6[%add3A_598] : memref<6656xf32, #tpu.memory_space<vmem>>[vector<16xi32>], vector<16xf32>,
          %add3A_600 = arith.constant 1638 : i32
          %add3A_601 = vector.broadcast %add3A_600 : i32 to vector<16xi32>
          %add3A_602 = arith.addi %add3A_545, %add3A_601 : vector<16xi32>
          %gather3A_603 = tpu.vector_load_idx %arg6[%add3A_602] : memref<6656xf32, #tpu.memory_space<vmem>>[vector<16xi32>], vector<16xf32>,
          %add3A_604 = arith.constant 1638 : i32
          %add3A_605 = vector.broadcast %add3A_604 : i32 to vector<16xi32>
          %add3A_606 = arith.addi %add3A_552, %add3A_605 : vector<16xi32>
          %gather3A_607 = tpu.vector_load_idx %arg6[%add3A_606] : memref<6656xf32, #tpu.memory_space<vmem>>[vector<16xi32>], vector<16xf32>,
          %add3A_608 = arith.constant 1638 : i32
          %add3A_609 = vector.broadcast %add3A_608 : i32 to vector<16xi32>
          %add3A_610 = arith.addi %add3A_559, %add3A_609 : vector<16xi32>
          %gather3A_611 = tpu.vector_load_idx %arg6[%add3A_610] : memref<6656xf32, #tpu.memory_space<vmem>>[vector<16xi32>], vector<16xf32>,
          %lt3A_612 = arith.cmpf olt, %gather3A_563, %get3A_370 : vector<16xf32>
          %jit3A_613 = arith.constant 1664 : i32
          %jit3A_614 = arith.constant 0 : i32
          %broadcast_in_dim3A_615 = vector.broadcast %jit3A_613 : i32 to vector<16xi32>
          %broadcast_in_dim3A_616 = vector.broadcast %jit3A_614 : i32 to vector<16xi32>
          %select_n3A_617 = arith.select %lt3A_612, %broadcast_in_dim3A_615, %broadcast_in_dim3A_616 : vector<16xi1>, vector<16xi32>
          %add3A_618 = arith.addi %add3A_475, %select_n3A_617 : vector<16xi32>
          %lt3A_619 = arith.cmpf olt, %gather3A_567, %get3A_374 : vector<16xf32>
          %jit3A_620 = arith.constant 1664 : i32
          %jit3A_621 = arith.constant 0 : i32
          %broadcast_in_dim3A_622 = vector.broadcast %jit3A_620 : i32 to vector<16xi32>
          %broadcast_in_dim3A_623 = vector.broadcast %jit3A_621 : i32 to vector<16xi32>
          %select_n3A_624 = arith.select %lt3A_619, %broadcast_in_dim3A_622, %broadcast_in_dim3A_623 : vector<16xi1>, vector<16xi32>
          %add3A_625 = arith.addi %add3A_482, %select_n3A_624 : vector<16xi32>
          %lt3A_626 = arith.cmpf olt, %gather3A_571, %get3A_378 : vector<16xf32>
          %jit3A_627 = arith.constant 1664 : i32
          %jit3A_628 = arith.constant 0 : i32
          %broadcast_in_dim3A_629 = vector.broadcast %jit3A_627 : i32 to vector<16xi32>
          %broadcast_in_dim3A_630 = vector.broadcast %jit3A_628 : i32 to vector<16xi32>
          %select_n3A_631 = arith.select %lt3A_626, %broadcast_in_dim3A_629, %broadcast_in_dim3A_630 : vector<16xi1>, vector<16xi32>
          %add3A_632 = arith.addi %add3A_489, %select_n3A_631 : vector<16xi32>
          %lt3A_633 = arith.cmpf olt, %gather3A_575, %get3A_382 : vector<16xf32>
          %jit3A_634 = arith.constant 1664 : i32
          %jit3A_635 = arith.constant 0 : i32
          %broadcast_in_dim3A_636 = vector.broadcast %jit3A_634 : i32 to vector<16xi32>
          %broadcast_in_dim3A_637 = vector.broadcast %jit3A_635 : i32 to vector<16xi32>
          %select_n3A_638 = arith.select %lt3A_633, %broadcast_in_dim3A_636, %broadcast_in_dim3A_637 : vector<16xi1>, vector<16xi32>
          %add3A_639 = arith.addi %add3A_496, %select_n3A_638 : vector<16xi32>
          %lt3A_640 = arith.cmpf olt, %gather3A_579, %get3A_386 : vector<16xf32>
          %jit3A_641 = arith.constant 1664 : i32
          %jit3A_642 = arith.constant 0 : i32
          %broadcast_in_dim3A_643 = vector.broadcast %jit3A_641 : i32 to vector<16xi32>
          %broadcast_in_dim3A_644 = vector.broadcast %jit3A_642 : i32 to vector<16xi32>
          %select_n3A_645 = arith.select %lt3A_640, %broadcast_in_dim3A_643, %broadcast_in_dim3A_644 : vector<16xi1>, vector<16xi32>
          %add3A_646 = arith.addi %add3A_503, %select_n3A_645 : vector<16xi32>
          %lt3A_647 = arith.cmpf olt, %gather3A_583, %get3A_390 : vector<16xf32>
          %jit3A_648 = arith.constant 1664 : i32
          %jit3A_649 = arith.constant 0 : i32
          %broadcast_in_dim3A_650 = vector.broadcast %jit3A_648 : i32 to vector<16xi32>
          %broadcast_in_dim3A_651 = vector.broadcast %jit3A_649 : i32 to vector<16xi32>
          %select_n3A_652 = arith.select %lt3A_647, %broadcast_in_dim3A_650, %broadcast_in_dim3A_651 : vector<16xi1>, vector<16xi32>
          %add3A_653 = arith.addi %add3A_510, %select_n3A_652 : vector<16xi32>
          %lt3A_654 = arith.cmpf olt, %gather3A_587, %get3A_394 : vector<16xf32>
          %jit3A_655 = arith.constant 1664 : i32
          %jit3A_656 = arith.constant 0 : i32
          %broadcast_in_dim3A_657 = vector.broadcast %jit3A_655 : i32 to vector<16xi32>
          %broadcast_in_dim3A_658 = vector.broadcast %jit3A_656 : i32 to vector<16xi32>
          %select_n3A_659 = arith.select %lt3A_654, %broadcast_in_dim3A_657, %broadcast_in_dim3A_658 : vector<16xi1>, vector<16xi32>
          %add3A_660 = arith.addi %add3A_517, %select_n3A_659 : vector<16xi32>
          %lt3A_661 = arith.cmpf olt, %gather3A_591, %get3A_398 : vector<16xf32>
          %jit3A_662 = arith.constant 1664 : i32
          %jit3A_663 = arith.constant 0 : i32
          %broadcast_in_dim3A_664 = vector.broadcast %jit3A_662 : i32 to vector<16xi32>
          %broadcast_in_dim3A_665 = vector.broadcast %jit3A_663 : i32 to vector<16xi32>
          %select_n3A_666 = arith.select %lt3A_661, %broadcast_in_dim3A_664, %broadcast_in_dim3A_665 : vector<16xi1>, vector<16xi32>
          %add3A_667 = arith.addi %add3A_524, %select_n3A_666 : vector<16xi32>
          %lt3A_668 = arith.cmpf olt, %gather3A_595, %get3A_402 : vector<16xf32>
          %jit3A_669 = arith.constant 1664 : i32
          %jit3A_670 = arith.constant 0 : i32
          %broadcast_in_dim3A_671 = vector.broadcast %jit3A_669 : i32 to vector<16xi32>
          %broadcast_in_dim3A_672 = vector.broadcast %jit3A_670 : i32 to vector<16xi32>
          %select_n3A_673 = arith.select %lt3A_668, %broadcast_in_dim3A_671, %broadcast_in_dim3A_672 : vector<16xi1>, vector<16xi32>
          %add3A_674 = arith.addi %add3A_531, %select_n3A_673 : vector<16xi32>
          %lt3A_675 = arith.cmpf olt, %gather3A_599, %get3A_406 : vector<16xf32>
          %jit3A_676 = arith.constant 1664 : i32
          %jit3A_677 = arith.constant 0 : i32
          %broadcast_in_dim3A_678 = vector.broadcast %jit3A_676 : i32 to vector<16xi32>
          %broadcast_in_dim3A_679 = vector.broadcast %jit3A_677 : i32 to vector<16xi32>
          %select_n3A_680 = arith.select %lt3A_675, %broadcast_in_dim3A_678, %broadcast_in_dim3A_679 : vector<16xi1>, vector<16xi32>
          %add3A_681 = arith.addi %add3A_538, %select_n3A_680 : vector<16xi32>
          %lt3A_682 = arith.cmpf olt, %gather3A_603, %get3A_410 : vector<16xf32>
          %jit3A_683 = arith.constant 1664 : i32
          %jit3A_684 = arith.constant 0 : i32
          %broadcast_in_dim3A_685 = vector.broadcast %jit3A_683 : i32 to vector<16xi32>
          %broadcast_in_dim3A_686 = vector.broadcast %jit3A_684 : i32 to vector<16xi32>
          %select_n3A_687 = arith.select %lt3A_682, %broadcast_in_dim3A_685, %broadcast_in_dim3A_686 : vector<16xi1>, vector<16xi32>
          %add3A_688 = arith.addi %add3A_545, %select_n3A_687 : vector<16xi32>
          %lt3A_689 = arith.cmpf olt, %gather3A_607, %get3A_414 : vector<16xf32>
          %jit3A_690 = arith.constant 1664 : i32
          %jit3A_691 = arith.constant 0 : i32
          %broadcast_in_dim3A_692 = vector.broadcast %jit3A_690 : i32 to vector<16xi32>
          %broadcast_in_dim3A_693 = vector.broadcast %jit3A_691 : i32 to vector<16xi32>
          %select_n3A_694 = arith.select %lt3A_689, %broadcast_in_dim3A_692, %broadcast_in_dim3A_693 : vector<16xi1>, vector<16xi32>
          %add3A_695 = arith.addi %add3A_552, %select_n3A_694 : vector<16xi32>
          %lt3A_696 = arith.cmpf olt, %gather3A_611, %get3A_418 : vector<16xf32>
          %jit3A_697 = arith.constant 1664 : i32
          %jit3A_698 = arith.constant 0 : i32
          %broadcast_in_dim3A_699 = vector.broadcast %jit3A_697 : i32 to vector<16xi32>
          %broadcast_in_dim3A_700 = vector.broadcast %jit3A_698 : i32 to vector<16xi32>
          %select_n3A_701 = arith.select %lt3A_696, %broadcast_in_dim3A_699, %broadcast_in_dim3A_700 : vector<16xi1>, vector<16xi32>
          %add3A_702 = arith.addi %add3A_559, %select_n3A_701 : vector<16xi32>
          %add3A_703 = arith.constant 806 : i32
          %add3A_704 = vector.broadcast %add3A_703 : i32 to vector<16xi32>
          %add3A_705 = arith.addi %add3A_618, %add3A_704 : vector<16xi32>
          %gather3A_706 = tpu.vector_load_idx %arg6[%add3A_705] : memref<6656xf32, #tpu.memory_space<vmem>>[vector<16xi32>], vector<16xf32>,
          %add3A_707 = arith.constant 806 : i32
          %add3A_708 = vector.broadcast %add3A_707 : i32 to vector<16xi32>
          %add3A_709 = arith.addi %add3A_625, %add3A_708 : vector<16xi32>
          %gather3A_710 = tpu.vector_load_idx %arg6[%add3A_709] : memref<6656xf32, #tpu.memory_space<vmem>>[vector<16xi32>], vector<16xf32>,
          %add3A_711 = arith.constant 806 : i32
          %add3A_712 = vector.broadcast %add3A_711 : i32 to vector<16xi32>
          %add3A_713 = arith.addi %add3A_632, %add3A_712 : vector<16xi32>
          %gather3A_714 = tpu.vector_load_idx %arg6[%add3A_713] : memref<6656xf32, #tpu.memory_space<vmem>>[vector<16xi32>], vector<16xf32>,
          %add3A_715 = arith.constant 806 : i32
          %add3A_716 = vector.broadcast %add3A_715 : i32 to vector<16xi32>
          %add3A_717 = arith.addi %add3A_639, %add3A_716 : vector<16xi32>
          %gather3A_718 = tpu.vector_load_idx %arg6[%add3A_717] : memref<6656xf32, #tpu.memory_space<vmem>>[vector<16xi32>], vector<16xf32>,
          %add3A_719 = arith.constant 806 : i32
          %add3A_720 = vector.broadcast %add3A_719 : i32 to vector<16xi32>
          %add3A_721 = arith.addi %add3A_646, %add3A_720 : vector<16xi32>
          %gather3A_722 = tpu.vector_load_idx %arg6[%add3A_721] : memref<6656xf32, #tpu.memory_space<vmem>>[vector<16xi32>], vector<16xf32>,
          %add3A_723 = arith.constant 806 : i32
          %add3A_724 = vector.broadcast %add3A_723 : i32 to vector<16xi32>
          %add3A_725 = arith.addi %add3A_653, %add3A_724 : vector<16xi32>
          %gather3A_726 = tpu.vector_load_idx %arg6[%add3A_725] : memref<6656xf32, #tpu.memory_space<vmem>>[vector<16xi32>], vector<16xf32>,
          %add3A_727 = arith.constant 806 : i32
          %add3A_728 = vector.broadcast %add3A_727 : i32 to vector<16xi32>
          %add3A_729 = arith.addi %add3A_660, %add3A_728 : vector<16xi32>
          %gather3A_730 = tpu.vector_load_idx %arg6[%add3A_729] : memref<6656xf32, #tpu.memory_space<vmem>>[vector<16xi32>], vector<16xf32>,
          %add3A_731 = arith.constant 806 : i32
          %add3A_732 = vector.broadcast %add3A_731 : i32 to vector<16xi32>
          %add3A_733 = arith.addi %add3A_667, %add3A_732 : vector<16xi32>
          %gather3A_734 = tpu.vector_load_idx %arg6[%add3A_733] : memref<6656xf32, #tpu.memory_space<vmem>>[vector<16xi32>], vector<16xf32>,
          %add3A_735 = arith.constant 806 : i32
          %add3A_736 = vector.broadcast %add3A_735 : i32 to vector<16xi32>
          %add3A_737 = arith.addi %add3A_674, %add3A_736 : vector<16xi32>
          %gather3A_738 = tpu.vector_load_idx %arg6[%add3A_737] : memref<6656xf32, #tpu.memory_space<vmem>>[vector<16xi32>], vector<16xf32>,
          %add3A_739 = arith.constant 806 : i32
          %add3A_740 = vector.broadcast %add3A_739 : i32 to vector<16xi32>
          %add3A_741 = arith.addi %add3A_681, %add3A_740 : vector<16xi32>
          %gather3A_742 = tpu.vector_load_idx %arg6[%add3A_741] : memref<6656xf32, #tpu.memory_space<vmem>>[vector<16xi32>], vector<16xf32>,
          %add3A_743 = arith.constant 806 : i32
          %add3A_744 = vector.broadcast %add3A_743 : i32 to vector<16xi32>
          %add3A_745 = arith.addi %add3A_688, %add3A_744 : vector<16xi32>
          %gather3A_746 = tpu.vector_load_idx %arg6[%add3A_745] : memref<6656xf32, #tpu.memory_space<vmem>>[vector<16xi32>], vector<16xf32>,
          %add3A_747 = arith.constant 806 : i32
          %add3A_748 = vector.broadcast %add3A_747 : i32 to vector<16xi32>
          %add3A_749 = arith.addi %add3A_695, %add3A_748 : vector<16xi32>
          %gather3A_750 = tpu.vector_load_idx %arg6[%add3A_749] : memref<6656xf32, #tpu.memory_space<vmem>>[vector<16xi32>], vector<16xf32>,
          %add3A_751 = arith.constant 806 : i32
          %add3A_752 = vector.broadcast %add3A_751 : i32 to vector<16xi32>
          %add3A_753 = arith.addi %add3A_702, %add3A_752 : vector<16xi32>
          %gather3A_754 = tpu.vector_load_idx %arg6[%add3A_753] : memref<6656xf32, #tpu.memory_space<vmem>>[vector<16xi32>], vector<16xf32>,
          %lt3A_755 = arith.cmpf olt, %gather3A_706, %get3A_370 : vector<16xf32>
          %jit3A_756 = arith.constant 832 : i32
          %jit3A_757 = arith.constant 0 : i32
          %broadcast_in_dim3A_758 = vector.broadcast %jit3A_756 : i32 to vector<16xi32>
          %broadcast_in_dim3A_759 = vector.broadcast %jit3A_757 : i32 to vector<16xi32>
          %select_n3A_760 = arith.select %lt3A_755, %broadcast_in_dim3A_758, %broadcast_in_dim3A_759 : vector<16xi1>, vector<16xi32>
          %add3A_761 = arith.addi %add3A_618, %select_n3A_760 : vector<16xi32>
          %lt3A_762 = arith.cmpf olt, %gather3A_710, %get3A_374 : vector<16xf32>
          %jit3A_763 = arith.constant 832 : i32
          %jit3A_764 = arith.constant 0 : i32
          %broadcast_in_dim3A_765 = vector.broadcast %jit3A_763 : i32 to vector<16xi32>
          %broadcast_in_dim3A_766 = vector.broadcast %jit3A_764 : i32 to vector<16xi32>
          %select_n3A_767 = arith.select %lt3A_762, %broadcast_in_dim3A_765, %broadcast_in_dim3A_766 : vector<16xi1>, vector<16xi32>
          %add3A_768 = arith.addi %add3A_625, %select_n3A_767 : vector<16xi32>
          %lt3A_769 = arith.cmpf olt, %gather3A_714, %get3A_378 : vector<16xf32>
          %jit3A_770 = arith.constant 832 : i32
          %jit3A_771 = arith.constant 0 : i32
          %broadcast_in_dim3A_772 = vector.broadcast %jit3A_770 : i32 to vector<16xi32>
          %broadcast_in_dim3A_773 = vector.broadcast %jit3A_771 : i32 to vector<16xi32>
          %select_n3A_774 = arith.select %lt3A_769, %broadcast_in_dim3A_772, %broadcast_in_dim3A_773 : vector<16xi1>, vector<16xi32>
          %add3A_775 = arith.addi %add3A_632, %select_n3A_774 : vector<16xi32>
          %lt3A_776 = arith.cmpf olt, %gather3A_718, %get3A_382 : vector<16xf32>
          %jit3A_777 = arith.constant 832 : i32
          %jit3A_778 = arith.constant 0 : i32
          %broadcast_in_dim3A_779 = vector.broadcast %jit3A_777 : i32 to vector<16xi32>
          %broadcast_in_dim3A_780 = vector.broadcast %jit3A_778 : i32 to vector<16xi32>
          %select_n3A_781 = arith.select %lt3A_776, %broadcast_in_dim3A_779, %broadcast_in_dim3A_780 : vector<16xi1>, vector<16xi32>
          %add3A_782 = arith.addi %add3A_639, %select_n3A_781 : vector<16xi32>
          %lt3A_783 = arith.cmpf olt, %gather3A_722, %get3A_386 : vector<16xf32>
          %jit3A_784 = arith.constant 832 : i32
          %jit3A_785 = arith.constant 0 : i32
          %broadcast_in_dim3A_786 = vector.broadcast %jit3A_784 : i32 to vector<16xi32>
          %broadcast_in_dim3A_787 = vector.broadcast %jit3A_785 : i32 to vector<16xi32>
          %select_n3A_788 = arith.select %lt3A_783, %broadcast_in_dim3A_786, %broadcast_in_dim3A_787 : vector<16xi1>, vector<16xi32>
          %add3A_789 = arith.addi %add3A_646, %select_n3A_788 : vector<16xi32>
          %lt3A_790 = arith.cmpf olt, %gather3A_726, %get3A_390 : vector<16xf32>
          %jit3A_791 = arith.constant 832 : i32
          %jit3A_792 = arith.constant 0 : i32
          %broadcast_in_dim3A_793 = vector.broadcast %jit3A_791 : i32 to vector<16xi32>
          %broadcast_in_dim3A_794 = vector.broadcast %jit3A_792 : i32 to vector<16xi32>
          %select_n3A_795 = arith.select %lt3A_790, %broadcast_in_dim3A_793, %broadcast_in_dim3A_794 : vector<16xi1>, vector<16xi32>
          %add3A_796 = arith.addi %add3A_653, %select_n3A_795 : vector<16xi32>
          %lt3A_797 = arith.cmpf olt, %gather3A_730, %get3A_394 : vector<16xf32>
          %jit3A_798 = arith.constant 832 : i32
          %jit3A_799 = arith.constant 0 : i32
          %broadcast_in_dim3A_800 = vector.broadcast %jit3A_798 : i32 to vector<16xi32>
          %broadcast_in_dim3A_801 = vector.broadcast %jit3A_799 : i32 to vector<16xi32>
          %select_n3A_802 = arith.select %lt3A_797, %broadcast_in_dim3A_800, %broadcast_in_dim3A_801 : vector<16xi1>, vector<16xi32>
          %add3A_803 = arith.addi %add3A_660, %select_n3A_802 : vector<16xi32>
          %lt3A_804 = arith.cmpf olt, %gather3A_734, %get3A_398 : vector<16xf32>
          %jit3A_805 = arith.constant 832 : i32
          %jit3A_806 = arith.constant 0 : i32
          %broadcast_in_dim3A_807 = vector.broadcast %jit3A_805 : i32 to vector<16xi32>
          %broadcast_in_dim3A_808 = vector.broadcast %jit3A_806 : i32 to vector<16xi32>
          %select_n3A_809 = arith.select %lt3A_804, %broadcast_in_dim3A_807, %broadcast_in_dim3A_808 : vector<16xi1>, vector<16xi32>
          %add3A_810 = arith.addi %add3A_667, %select_n3A_809 : vector<16xi32>
          %lt3A_811 = arith.cmpf olt, %gather3A_738, %get3A_402 : vector<16xf32>
          %jit3A_812 = arith.constant 832 : i32
          %jit3A_813 = arith.constant 0 : i32
          %broadcast_in_dim3A_814 = vector.broadcast %jit3A_812 : i32 to vector<16xi32>
          %broadcast_in_dim3A_815 = vector.broadcast %jit3A_813 : i32 to vector<16xi32>
          %select_n3A_816 = arith.select %lt3A_811, %broadcast_in_dim3A_814, %broadcast_in_dim3A_815 : vector<16xi1>, vector<16xi32>
          %add3A_817 = arith.addi %add3A_674, %select_n3A_816 : vector<16xi32>
          %lt3A_818 = arith.cmpf olt, %gather3A_742, %get3A_406 : vector<16xf32>
          %jit3A_819 = arith.constant 832 : i32
          %jit3A_820 = arith.constant 0 : i32
          %broadcast_in_dim3A_821 = vector.broadcast %jit3A_819 : i32 to vector<16xi32>
          %broadcast_in_dim3A_822 = vector.broadcast %jit3A_820 : i32 to vector<16xi32>
          %select_n3A_823 = arith.select %lt3A_818, %broadcast_in_dim3A_821, %broadcast_in_dim3A_822 : vector<16xi1>, vector<16xi32>
          %add3A_824 = arith.addi %add3A_681, %select_n3A_823 : vector<16xi32>
          %lt3A_825 = arith.cmpf olt, %gather3A_746, %get3A_410 : vector<16xf32>
          %jit3A_826 = arith.constant 832 : i32
          %jit3A_827 = arith.constant 0 : i32
          %broadcast_in_dim3A_828 = vector.broadcast %jit3A_826 : i32 to vector<16xi32>
          %broadcast_in_dim3A_829 = vector.broadcast %jit3A_827 : i32 to vector<16xi32>
          %select_n3A_830 = arith.select %lt3A_825, %broadcast_in_dim3A_828, %broadcast_in_dim3A_829 : vector<16xi1>, vector<16xi32>
          %add3A_831 = arith.addi %add3A_688, %select_n3A_830 : vector<16xi32>
          %lt3A_832 = arith.cmpf olt, %gather3A_750, %get3A_414 : vector<16xf32>
          %jit3A_833 = arith.constant 832 : i32
          %jit3A_834 = arith.constant 0 : i32
          %broadcast_in_dim3A_835 = vector.broadcast %jit3A_833 : i32 to vector<16xi32>
          %broadcast_in_dim3A_836 = vector.broadcast %jit3A_834 : i32 to vector<16xi32>
          %select_n3A_837 = arith.select %lt3A_832, %broadcast_in_dim3A_835, %broadcast_in_dim3A_836 : vector<16xi1>, vector<16xi32>
          %add3A_838 = arith.addi %add3A_695, %select_n3A_837 : vector<16xi32>
          %lt3A_839 = arith.cmpf olt, %gather3A_754, %get3A_418 : vector<16xf32>
          %jit3A_840 = arith.constant 832 : i32
          %jit3A_841 = arith.constant 0 : i32
          %broadcast_in_dim3A_842 = vector.broadcast %jit3A_840 : i32 to vector<16xi32>
          %broadcast_in_dim3A_843 = vector.broadcast %jit3A_841 : i32 to vector<16xi32>
          %select_n3A_844 = arith.select %lt3A_839, %broadcast_in_dim3A_842, %broadcast_in_dim3A_843 : vector<16xi1>, vector<16xi32>
          %add3A_845 = arith.addi %add3A_702, %select_n3A_844 : vector<16xi32>
          %add3A_846 = arith.constant 390 : i32
          %add3A_847 = vector.broadcast %add3A_846 : i32 to vector<16xi32>
          %add3A_848 = arith.addi %add3A_761, %add3A_847 : vector<16xi32>
          %gather3A_849 = tpu.vector_load_idx %arg6[%add3A_848] : memref<6656xf32, #tpu.memory_space<vmem>>[vector<16xi32>], vector<16xf32>,
          %add3A_850 = arith.constant 390 : i32
          %add3A_851 = vector.broadcast %add3A_850 : i32 to vector<16xi32>
          %add3A_852 = arith.addi %add3A_768, %add3A_851 : vector<16xi32>
          %gather3A_853 = tpu.vector_load_idx %arg6[%add3A_852] : memref<6656xf32, #tpu.memory_space<vmem>>[vector<16xi32>], vector<16xf32>,
          %add3A_854 = arith.constant 390 : i32
          %add3A_855 = vector.broadcast %add3A_854 : i32 to vector<16xi32>
          %add3A_856 = arith.addi %add3A_775, %add3A_855 : vector<16xi32>
          %gather3A_857 = tpu.vector_load_idx %arg6[%add3A_856] : memref<6656xf32, #tpu.memory_space<vmem>>[vector<16xi32>], vector<16xf32>,
          %add3A_858 = arith.constant 390 : i32
          %add3A_859 = vector.broadcast %add3A_858 : i32 to vector<16xi32>
          %add3A_860 = arith.addi %add3A_782, %add3A_859 : vector<16xi32>
          %gather3A_861 = tpu.vector_load_idx %arg6[%add3A_860] : memref<6656xf32, #tpu.memory_space<vmem>>[vector<16xi32>], vector<16xf32>,
          %add3A_862 = arith.constant 390 : i32
          %add3A_863 = vector.broadcast %add3A_862 : i32 to vector<16xi32>
          %add3A_864 = arith.addi %add3A_789, %add3A_863 : vector<16xi32>
          %gather3A_865 = tpu.vector_load_idx %arg6[%add3A_864] : memref<6656xf32, #tpu.memory_space<vmem>>[vector<16xi32>], vector<16xf32>,
          %add3A_866 = arith.constant 390 : i32
          %add3A_867 = vector.broadcast %add3A_866 : i32 to vector<16xi32>
          %add3A_868 = arith.addi %add3A_796, %add3A_867 : vector<16xi32>
          %gather3A_869 = tpu.vector_load_idx %arg6[%add3A_868] : memref<6656xf32, #tpu.memory_space<vmem>>[vector<16xi32>], vector<16xf32>,
          %add3A_870 = arith.constant 390 : i32
          %add3A_871 = vector.broadcast %add3A_870 : i32 to vector<16xi32>
          %add3A_872 = arith.addi %add3A_803, %add3A_871 : vector<16xi32>
          %gather3A_873 = tpu.vector_load_idx %arg6[%add3A_872] : memref<6656xf32, #tpu.memory_space<vmem>>[vector<16xi32>], vector<16xf32>,
          %add3A_874 = arith.constant 390 : i32
          %add3A_875 = vector.broadcast %add3A_874 : i32 to vector<16xi32>
          %add3A_876 = arith.addi %add3A_810, %add3A_875 : vector<16xi32>
          %gather3A_877 = tpu.vector_load_idx %arg6[%add3A_876] : memref<6656xf32, #tpu.memory_space<vmem>>[vector<16xi32>], vector<16xf32>,
          %add3A_878 = arith.constant 390 : i32
          %add3A_879 = vector.broadcast %add3A_878 : i32 to vector<16xi32>
          %add3A_880 = arith.addi %add3A_817, %add3A_879 : vector<16xi32>
          %gather3A_881 = tpu.vector_load_idx %arg6[%add3A_880] : memref<6656xf32, #tpu.memory_space<vmem>>[vector<16xi32>], vector<16xf32>,
          %add3A_882 = arith.constant 390 : i32
          %add3A_883 = vector.broadcast %add3A_882 : i32 to vector<16xi32>
          %add3A_884 = arith.addi %add3A_824, %add3A_883 : vector<16xi32>
          %gather3A_885 = tpu.vector_load_idx %arg6[%add3A_884] : memref<6656xf32, #tpu.memory_space<vmem>>[vector<16xi32>], vector<16xf32>,
          %add3A_886 = arith.constant 390 : i32
          %add3A_887 = vector.broadcast %add3A_886 : i32 to vector<16xi32>
          %add3A_888 = arith.addi %add3A_831, %add3A_887 : vector<16xi32>
          %gather3A_889 = tpu.vector_load_idx %arg6[%add3A_888] : memref<6656xf32, #tpu.memory_space<vmem>>[vector<16xi32>], vector<16xf32>,
          %add3A_890 = arith.constant 390 : i32
          %add3A_891 = vector.broadcast %add3A_890 : i32 to vector<16xi32>
          %add3A_892 = arith.addi %add3A_838, %add3A_891 : vector<16xi32>
          %gather3A_893 = tpu.vector_load_idx %arg6[%add3A_892] : memref<6656xf32, #tpu.memory_space<vmem>>[vector<16xi32>], vector<16xf32>,
          %add3A_894 = arith.constant 390 : i32
          %add3A_895 = vector.broadcast %add3A_894 : i32 to vector<16xi32>
          %add3A_896 = arith.addi %add3A_845, %add3A_895 : vector<16xi32>
          %gather3A_897 = tpu.vector_load_idx %arg6[%add3A_896] : memref<6656xf32, #tpu.memory_space<vmem>>[vector<16xi32>], vector<16xf32>,
          %lt3A_898 = arith.cmpf olt, %gather3A_849, %get3A_370 : vector<16xf32>
          %jit3A_899 = arith.constant 416 : i32
          %jit3A_900 = arith.constant 0 : i32
          %broadcast_in_dim3A_901 = vector.broadcast %jit3A_899 : i32 to vector<16xi32>
          %broadcast_in_dim3A_902 = vector.broadcast %jit3A_900 : i32 to vector<16xi32>
          %select_n3A_903 = arith.select %lt3A_898, %broadcast_in_dim3A_901, %broadcast_in_dim3A_902 : vector<16xi1>, vector<16xi32>
          %add3A_904 = arith.addi %add3A_761, %select_n3A_903 : vector<16xi32>
          %lt3A_905 = arith.cmpf olt, %gather3A_853, %get3A_374 : vector<16xf32>
          %jit3A_906 = arith.constant 416 : i32
          %jit3A_907 = arith.constant 0 : i32
          %broadcast_in_dim3A_908 = vector.broadcast %jit3A_906 : i32 to vector<16xi32>
          %broadcast_in_dim3A_909 = vector.broadcast %jit3A_907 : i32 to vector<16xi32>
          %select_n3A_910 = arith.select %lt3A_905, %broadcast_in_dim3A_908, %broadcast_in_dim3A_909 : vector<16xi1>, vector<16xi32>
          %add3A_911 = arith.addi %add3A_768, %select_n3A_910 : vector<16xi32>
          %lt3A_912 = arith.cmpf olt, %gather3A_857, %get3A_378 : vector<16xf32>
          %jit3A_913 = arith.constant 416 : i32
          %jit3A_914 = arith.constant 0 : i32
          %broadcast_in_dim3A_915 = vector.broadcast %jit3A_913 : i32 to vector<16xi32>
          %broadcast_in_dim3A_916 = vector.broadcast %jit3A_914 : i32 to vector<16xi32>
          %select_n3A_917 = arith.select %lt3A_912, %broadcast_in_dim3A_915, %broadcast_in_dim3A_916 : vector<16xi1>, vector<16xi32>
          %add3A_918 = arith.addi %add3A_775, %select_n3A_917 : vector<16xi32>
          %lt3A_919 = arith.cmpf olt, %gather3A_861, %get3A_382 : vector<16xf32>
          %jit3A_920 = arith.constant 416 : i32
          %jit3A_921 = arith.constant 0 : i32
          %broadcast_in_dim3A_922 = vector.broadcast %jit3A_920 : i32 to vector<16xi32>
          %broadcast_in_dim3A_923 = vector.broadcast %jit3A_921 : i32 to vector<16xi32>
          %select_n3A_924 = arith.select %lt3A_919, %broadcast_in_dim3A_922, %broadcast_in_dim3A_923 : vector<16xi1>, vector<16xi32>
          %add3A_925 = arith.addi %add3A_782, %select_n3A_924 : vector<16xi32>
          %lt3A_926 = arith.cmpf olt, %gather3A_865, %get3A_386 : vector<16xf32>
          %jit3A_927 = arith.constant 416 : i32
          %jit3A_928 = arith.constant 0 : i32
          %broadcast_in_dim3A_929 = vector.broadcast %jit3A_927 : i32 to vector<16xi32>
          %broadcast_in_dim3A_930 = vector.broadcast %jit3A_928 : i32 to vector<16xi32>
          %select_n3A_931 = arith.select %lt3A_926, %broadcast_in_dim3A_929, %broadcast_in_dim3A_930 : vector<16xi1>, vector<16xi32>
          %add3A_932 = arith.addi %add3A_789, %select_n3A_931 : vector<16xi32>
          %lt3A_933 = arith.cmpf olt, %gather3A_869, %get3A_390 : vector<16xf32>
          %jit3A_934 = arith.constant 416 : i32
          %jit3A_935 = arith.constant 0 : i32
          %broadcast_in_dim3A_936 = vector.broadcast %jit3A_934 : i32 to vector<16xi32>
          %broadcast_in_dim3A_937 = vector.broadcast %jit3A_935 : i32 to vector<16xi32>
          %select_n3A_938 = arith.select %lt3A_933, %broadcast_in_dim3A_936, %broadcast_in_dim3A_937 : vector<16xi1>, vector<16xi32>
          %add3A_939 = arith.addi %add3A_796, %select_n3A_938 : vector<16xi32>
          %lt3A_940 = arith.cmpf olt, %gather3A_873, %get3A_394 : vector<16xf32>
          %jit3A_941 = arith.constant 416 : i32
          %jit3A_942 = arith.constant 0 : i32
          %broadcast_in_dim3A_943 = vector.broadcast %jit3A_941 : i32 to vector<16xi32>
          %broadcast_in_dim3A_944 = vector.broadcast %jit3A_942 : i32 to vector<16xi32>
          %select_n3A_945 = arith.select %lt3A_940, %broadcast_in_dim3A_943, %broadcast_in_dim3A_944 : vector<16xi1>, vector<16xi32>
          %add3A_946 = arith.addi %add3A_803, %select_n3A_945 : vector<16xi32>
          %lt3A_947 = arith.cmpf olt, %gather3A_877, %get3A_398 : vector<16xf32>
          %jit3A_948 = arith.constant 416 : i32
          %jit3A_949 = arith.constant 0 : i32
          %broadcast_in_dim3A_950 = vector.broadcast %jit3A_948 : i32 to vector<16xi32>
          %broadcast_in_dim3A_951 = vector.broadcast %jit3A_949 : i32 to vector<16xi32>
          %select_n3A_952 = arith.select %lt3A_947, %broadcast_in_dim3A_950, %broadcast_in_dim3A_951 : vector<16xi1>, vector<16xi32>
          %add3A_953 = arith.addi %add3A_810, %select_n3A_952 : vector<16xi32>
          %lt3A_954 = arith.cmpf olt, %gather3A_881, %get3A_402 : vector<16xf32>
          %jit3A_955 = arith.constant 416 : i32
          %jit3A_956 = arith.constant 0 : i32
          %broadcast_in_dim3A_957 = vector.broadcast %jit3A_955 : i32 to vector<16xi32>
          %broadcast_in_dim3A_958 = vector.broadcast %jit3A_956 : i32 to vector<16xi32>
          %select_n3A_959 = arith.select %lt3A_954, %broadcast_in_dim3A_957, %broadcast_in_dim3A_958 : vector<16xi1>, vector<16xi32>
          %add3A_960 = arith.addi %add3A_817, %select_n3A_959 : vector<16xi32>
          %lt3A_961 = arith.cmpf olt, %gather3A_885, %get3A_406 : vector<16xf32>
          %jit3A_962 = arith.constant 416 : i32
          %jit3A_963 = arith.constant 0 : i32
          %broadcast_in_dim3A_964 = vector.broadcast %jit3A_962 : i32 to vector<16xi32>
          %broadcast_in_dim3A_965 = vector.broadcast %jit3A_963 : i32 to vector<16xi32>
          %select_n3A_966 = arith.select %lt3A_961, %broadcast_in_dim3A_964, %broadcast_in_dim3A_965 : vector<16xi1>, vector<16xi32>
          %add3A_967 = arith.addi %add3A_824, %select_n3A_966 : vector<16xi32>
          %lt3A_968 = arith.cmpf olt, %gather3A_889, %get3A_410 : vector<16xf32>
          %jit3A_969 = arith.constant 416 : i32
          %jit3A_970 = arith.constant 0 : i32
          %broadcast_in_dim3A_971 = vector.broadcast %jit3A_969 : i32 to vector<16xi32>
          %broadcast_in_dim3A_972 = vector.broadcast %jit3A_970 : i32 to vector<16xi32>
          %select_n3A_973 = arith.select %lt3A_968, %broadcast_in_dim3A_971, %broadcast_in_dim3A_972 : vector<16xi1>, vector<16xi32>
          %add3A_974 = arith.addi %add3A_831, %select_n3A_973 : vector<16xi32>
          %lt3A_975 = arith.cmpf olt, %gather3A_893, %get3A_414 : vector<16xf32>
          %jit3A_976 = arith.constant 416 : i32
          %jit3A_977 = arith.constant 0 : i32
          %broadcast_in_dim3A_978 = vector.broadcast %jit3A_976 : i32 to vector<16xi32>
          %broadcast_in_dim3A_979 = vector.broadcast %jit3A_977 : i32 to vector<16xi32>
          %select_n3A_980 = arith.select %lt3A_975, %broadcast_in_dim3A_978, %broadcast_in_dim3A_979 : vector<16xi1>, vector<16xi32>
          %add3A_981 = arith.addi %add3A_838, %select_n3A_980 : vector<16xi32>
          %lt3A_982 = arith.cmpf olt, %gather3A_897, %get3A_418 : vector<16xf32>
          %jit3A_983 = arith.constant 416 : i32
          %jit3A_984 = arith.constant 0 : i32
          %broadcast_in_dim3A_985 = vector.broadcast %jit3A_983 : i32 to vector<16xi32>
          %broadcast_in_dim3A_986 = vector.broadcast %jit3A_984 : i32 to vector<16xi32>
          %select_n3A_987 = arith.select %lt3A_982, %broadcast_in_dim3A_985, %broadcast_in_dim3A_986 : vector<16xi1>, vector<16xi32>
          %add3A_988 = arith.addi %add3A_845, %select_n3A_987 : vector<16xi32>
          %add3A_989 = arith.constant 182 : i32
          %add3A_990 = vector.broadcast %add3A_989 : i32 to vector<16xi32>
          %add3A_991 = arith.addi %add3A_904, %add3A_990 : vector<16xi32>
          %gather3A_992 = tpu.vector_load_idx %arg6[%add3A_991] : memref<6656xf32, #tpu.memory_space<vmem>>[vector<16xi32>], vector<16xf32>,
          %add3A_993 = arith.constant 182 : i32
          %add3A_994 = vector.broadcast %add3A_993 : i32 to vector<16xi32>
          %add3A_995 = arith.addi %add3A_911, %add3A_994 : vector<16xi32>
          %gather3A_996 = tpu.vector_load_idx %arg6[%add3A_995] : memref<6656xf32, #tpu.memory_space<vmem>>[vector<16xi32>], vector<16xf32>,
          %add3A_997 = arith.constant 182 : i32
          %add3A_998 = vector.broadcast %add3A_997 : i32 to vector<16xi32>
          %add3A_999 = arith.addi %add3A_918, %add3A_998 : vector<16xi32>
          %gather3A_1000 = tpu.vector_load_idx %arg6[%add3A_999] : memref<6656xf32, #tpu.memory_space<vmem>>[vector<16xi32>], vector<16xf32>,
          %add3A_1001 = arith.constant 182 : i32
          %add3A_1002 = vector.broadcast %add3A_1001 : i32 to vector<16xi32>
          %add3A_1003 = arith.addi %add3A_925, %add3A_1002 : vector<16xi32>
          %gather3A_1004 = tpu.vector_load_idx %arg6[%add3A_1003] : memref<6656xf32, #tpu.memory_space<vmem>>[vector<16xi32>], vector<16xf32>,
          %add3A_1005 = arith.constant 182 : i32
          %add3A_1006 = vector.broadcast %add3A_1005 : i32 to vector<16xi32>
          %add3A_1007 = arith.addi %add3A_932, %add3A_1006 : vector<16xi32>
          %gather3A_1008 = tpu.vector_load_idx %arg6[%add3A_1007] : memref<6656xf32, #tpu.memory_space<vmem>>[vector<16xi32>], vector<16xf32>,
          %add3A_1009 = arith.constant 182 : i32
          %add3A_1010 = vector.broadcast %add3A_1009 : i32 to vector<16xi32>
          %add3A_1011 = arith.addi %add3A_939, %add3A_1010 : vector<16xi32>
          %gather3A_1012 = tpu.vector_load_idx %arg6[%add3A_1011] : memref<6656xf32, #tpu.memory_space<vmem>>[vector<16xi32>], vector<16xf32>,
          %add3A_1013 = arith.constant 182 : i32
          %add3A_1014 = vector.broadcast %add3A_1013 : i32 to vector<16xi32>
          %add3A_1015 = arith.addi %add3A_946, %add3A_1014 : vector<16xi32>
          %gather3A_1016 = tpu.vector_load_idx %arg6[%add3A_1015] : memref<6656xf32, #tpu.memory_space<vmem>>[vector<16xi32>], vector<16xf32>,
          %add3A_1017 = arith.constant 182 : i32
          %add3A_1018 = vector.broadcast %add3A_1017 : i32 to vector<16xi32>
          %add3A_1019 = arith.addi %add3A_953, %add3A_1018 : vector<16xi32>
          %gather3A_1020 = tpu.vector_load_idx %arg6[%add3A_1019] : memref<6656xf32, #tpu.memory_space<vmem>>[vector<16xi32>], vector<16xf32>,
          %add3A_1021 = arith.constant 182 : i32
          %add3A_1022 = vector.broadcast %add3A_1021 : i32 to vector<16xi32>
          %add3A_1023 = arith.addi %add3A_960, %add3A_1022 : vector<16xi32>
          %gather3A_1024 = tpu.vector_load_idx %arg6[%add3A_1023] : memref<6656xf32, #tpu.memory_space<vmem>>[vector<16xi32>], vector<16xf32>,
          %add3A_1025 = arith.constant 182 : i32
          %add3A_1026 = vector.broadcast %add3A_1025 : i32 to vector<16xi32>
          %add3A_1027 = arith.addi %add3A_967, %add3A_1026 : vector<16xi32>
          %gather3A_1028 = tpu.vector_load_idx %arg6[%add3A_1027] : memref<6656xf32, #tpu.memory_space<vmem>>[vector<16xi32>], vector<16xf32>,
          %add3A_1029 = arith.constant 182 : i32
          %add3A_1030 = vector.broadcast %add3A_1029 : i32 to vector<16xi32>
          %add3A_1031 = arith.addi %add3A_974, %add3A_1030 : vector<16xi32>
          %gather3A_1032 = tpu.vector_load_idx %arg6[%add3A_1031] : memref<6656xf32, #tpu.memory_space<vmem>>[vector<16xi32>], vector<16xf32>,
          %add3A_1033 = arith.constant 182 : i32
          %add3A_1034 = vector.broadcast %add3A_1033 : i32 to vector<16xi32>
          %add3A_1035 = arith.addi %add3A_981, %add3A_1034 : vector<16xi32>
          %gather3A_1036 = tpu.vector_load_idx %arg6[%add3A_1035] : memref<6656xf32, #tpu.memory_space<vmem>>[vector<16xi32>], vector<16xf32>,
          %add3A_1037 = arith.constant 182 : i32
          %add3A_1038 = vector.broadcast %add3A_1037 : i32 to vector<16xi32>
          %add3A_1039 = arith.addi %add3A_988, %add3A_1038 : vector<16xi32>
          %gather3A_1040 = tpu.vector_load_idx %arg6[%add3A_1039] : memref<6656xf32, #tpu.memory_space<vmem>>[vector<16xi32>], vector<16xf32>,
          %lt3A_1041 = arith.cmpf olt, %gather3A_992, %get3A_370 : vector<16xf32>
          %jit3A_1042 = arith.constant 208 : i32
          %jit3A_1043 = arith.constant 0 : i32
          %broadcast_in_dim3A_1044 = vector.broadcast %jit3A_1042 : i32 to vector<16xi32>
          %broadcast_in_dim3A_1045 = vector.broadcast %jit3A_1043 : i32 to vector<16xi32>
          %select_n3A_1046 = arith.select %lt3A_1041, %broadcast_in_dim3A_1044, %broadcast_in_dim3A_1045 : vector<16xi1>, vector<16xi32>
          %add3A_1047 = arith.addi %add3A_904, %select_n3A_1046 : vector<16xi32>
          %lt3A_1048 = arith.cmpf olt, %gather3A_996, %get3A_374 : vector<16xf32>
          %jit3A_1049 = arith.constant 208 : i32
          %jit3A_1050 = arith.constant 0 : i32
          %broadcast_in_dim3A_1051 = vector.broadcast %jit3A_1049 : i32 to vector<16xi32>
          %broadcast_in_dim3A_1052 = vector.broadcast %jit3A_1050 : i32 to vector<16xi32>
          %select_n3A_1053 = arith.select %lt3A_1048, %broadcast_in_dim3A_1051, %broadcast_in_dim3A_1052 : vector<16xi1>, vector<16xi32>
          %add3A_1054 = arith.addi %add3A_911, %select_n3A_1053 : vector<16xi32>
          %lt3A_1055 = arith.cmpf olt, %gather3A_1000, %get3A_378 : vector<16xf32>
          %jit3A_1056 = arith.constant 208 : i32
          %jit3A_1057 = arith.constant 0 : i32
          %broadcast_in_dim3A_1058 = vector.broadcast %jit3A_1056 : i32 to vector<16xi32>
          %broadcast_in_dim3A_1059 = vector.broadcast %jit3A_1057 : i32 to vector<16xi32>
          %select_n3A_1060 = arith.select %lt3A_1055, %broadcast_in_dim3A_1058, %broadcast_in_dim3A_1059 : vector<16xi1>, vector<16xi32>
          %add3A_1061 = arith.addi %add3A_918, %select_n3A_1060 : vector<16xi32>
          %lt3A_1062 = arith.cmpf olt, %gather3A_1004, %get3A_382 : vector<16xf32>
          %jit3A_1063 = arith.constant 208 : i32
          %jit3A_1064 = arith.constant 0 : i32
          %broadcast_in_dim3A_1065 = vector.broadcast %jit3A_1063 : i32 to vector<16xi32>
          %broadcast_in_dim3A_1066 = vector.broadcast %jit3A_1064 : i32 to vector<16xi32>
          %select_n3A_1067 = arith.select %lt3A_1062, %broadcast_in_dim3A_1065, %broadcast_in_dim3A_1066 : vector<16xi1>, vector<16xi32>
          %add3A_1068 = arith.addi %add3A_925, %select_n3A_1067 : vector<16xi32>
          %lt3A_1069 = arith.cmpf olt, %gather3A_1008, %get3A_386 : vector<16xf32>
          %jit3A_1070 = arith.constant 208 : i32
          %jit3A_1071 = arith.constant 0 : i32
          %broadcast_in_dim3A_1072 = vector.broadcast %jit3A_1070 : i32 to vector<16xi32>
          %broadcast_in_dim3A_1073 = vector.broadcast %jit3A_1071 : i32 to vector<16xi32>
          %select_n3A_1074 = arith.select %lt3A_1069, %broadcast_in_dim3A_1072, %broadcast_in_dim3A_1073 : vector<16xi1>, vector<16xi32>
          %add3A_1075 = arith.addi %add3A_932, %select_n3A_1074 : vector<16xi32>
          %lt3A_1076 = arith.cmpf olt, %gather3A_1012, %get3A_390 : vector<16xf32>
          %jit3A_1077 = arith.constant 208 : i32
          %jit3A_1078 = arith.constant 0 : i32
          %broadcast_in_dim3A_1079 = vector.broadcast %jit3A_1077 : i32 to vector<16xi32>
          %broadcast_in_dim3A_1080 = vector.broadcast %jit3A_1078 : i32 to vector<16xi32>
          %select_n3A_1081 = arith.select %lt3A_1076, %broadcast_in_dim3A_1079, %broadcast_in_dim3A_1080 : vector<16xi1>, vector<16xi32>
          %add3A_1082 = arith.addi %add3A_939, %select_n3A_1081 : vector<16xi32>
          %lt3A_1083 = arith.cmpf olt, %gather3A_1016, %get3A_394 : vector<16xf32>
          %jit3A_1084 = arith.constant 208 : i32
          %jit3A_1085 = arith.constant 0 : i32
          %broadcast_in_dim3A_1086 = vector.broadcast %jit3A_1084 : i32 to vector<16xi32>
          %broadcast_in_dim3A_1087 = vector.broadcast %jit3A_1085 : i32 to vector<16xi32>
          %select_n3A_1088 = arith.select %lt3A_1083, %broadcast_in_dim3A_1086, %broadcast_in_dim3A_1087 : vector<16xi1>, vector<16xi32>
          %add3A_1089 = arith.addi %add3A_946, %select_n3A_1088 : vector<16xi32>
          %lt3A_1090 = arith.cmpf olt, %gather3A_1020, %get3A_398 : vector<16xf32>
          %jit3A_1091 = arith.constant 208 : i32
          %jit3A_1092 = arith.constant 0 : i32
          %broadcast_in_dim3A_1093 = vector.broadcast %jit3A_1091 : i32 to vector<16xi32>
          %broadcast_in_dim3A_1094 = vector.broadcast %jit3A_1092 : i32 to vector<16xi32>
          %select_n3A_1095 = arith.select %lt3A_1090, %broadcast_in_dim3A_1093, %broadcast_in_dim3A_1094 : vector<16xi1>, vector<16xi32>
          %add3A_1096 = arith.addi %add3A_953, %select_n3A_1095 : vector<16xi32>
          %lt3A_1097 = arith.cmpf olt, %gather3A_1024, %get3A_402 : vector<16xf32>
          %jit3A_1098 = arith.constant 208 : i32
          %jit3A_1099 = arith.constant 0 : i32
          %broadcast_in_dim3A_1100 = vector.broadcast %jit3A_1098 : i32 to vector<16xi32>
          %broadcast_in_dim3A_1101 = vector.broadcast %jit3A_1099 : i32 to vector<16xi32>
          %select_n3A_1102 = arith.select %lt3A_1097, %broadcast_in_dim3A_1100, %broadcast_in_dim3A_1101 : vector<16xi1>, vector<16xi32>
          %add3A_1103 = arith.addi %add3A_960, %select_n3A_1102 : vector<16xi32>
          %lt3A_1104 = arith.cmpf olt, %gather3A_1028, %get3A_406 : vector<16xf32>
          %jit3A_1105 = arith.constant 208 : i32
          %jit3A_1106 = arith.constant 0 : i32
          %broadcast_in_dim3A_1107 = vector.broadcast %jit3A_1105 : i32 to vector<16xi32>
          %broadcast_in_dim3A_1108 = vector.broadcast %jit3A_1106 : i32 to vector<16xi32>
          %select_n3A_1109 = arith.select %lt3A_1104, %broadcast_in_dim3A_1107, %broadcast_in_dim3A_1108 : vector<16xi1>, vector<16xi32>
          %add3A_1110 = arith.addi %add3A_967, %select_n3A_1109 : vector<16xi32>
          %lt3A_1111 = arith.cmpf olt, %gather3A_1032, %get3A_410 : vector<16xf32>
          %jit3A_1112 = arith.constant 208 : i32
          %jit3A_1113 = arith.constant 0 : i32
          %broadcast_in_dim3A_1114 = vector.broadcast %jit3A_1112 : i32 to vector<16xi32>
          %broadcast_in_dim3A_1115 = vector.broadcast %jit3A_1113 : i32 to vector<16xi32>
          %select_n3A_1116 = arith.select %lt3A_1111, %broadcast_in_dim3A_1114, %broadcast_in_dim3A_1115 : vector<16xi1>, vector<16xi32>
          %add3A_1117 = arith.addi %add3A_974, %select_n3A_1116 : vector<16xi32>
          %lt3A_1118 = arith.cmpf olt, %gather3A_1036, %get3A_414 : vector<16xf32>
          %jit3A_1119 = arith.constant 208 : i32
          %jit3A_1120 = arith.constant 0 : i32
          %broadcast_in_dim3A_1121 = vector.broadcast %jit3A_1119 : i32 to vector<16xi32>
          %broadcast_in_dim3A_1122 = vector.broadcast %jit3A_1120 : i32 to vector<16xi32>
          %select_n3A_1123 = arith.select %lt3A_1118, %broadcast_in_dim3A_1121, %broadcast_in_dim3A_1122 : vector<16xi1>, vector<16xi32>
          %add3A_1124 = arith.addi %add3A_981, %select_n3A_1123 : vector<16xi32>
          %lt3A_1125 = arith.cmpf olt, %gather3A_1040, %get3A_418 : vector<16xf32>
          %jit3A_1126 = arith.constant 208 : i32
          %jit3A_1127 = arith.constant 0 : i32
          %broadcast_in_dim3A_1128 = vector.broadcast %jit3A_1126 : i32 to vector<16xi32>
          %broadcast_in_dim3A_1129 = vector.broadcast %jit3A_1127 : i32 to vector<16xi32>
          %select_n3A_1130 = arith.select %lt3A_1125, %broadcast_in_dim3A_1128, %broadcast_in_dim3A_1129 : vector<16xi1>, vector<16xi32>
          %add3A_1131 = arith.addi %add3A_988, %select_n3A_1130 : vector<16xi32>
          %add3A_1132 = arith.constant 78 : i32
          %add3A_1133 = vector.broadcast %add3A_1132 : i32 to vector<16xi32>
          %add3A_1134 = arith.addi %add3A_1047, %add3A_1133 : vector<16xi32>
          %gather3A_1135 = tpu.vector_load_idx %arg6[%add3A_1134] : memref<6656xf32, #tpu.memory_space<vmem>>[vector<16xi32>], vector<16xf32>,
          %add3A_1136 = arith.constant 78 : i32
          %add3A_1137 = vector.broadcast %add3A_1136 : i32 to vector<16xi32>
          %add3A_1138 = arith.addi %add3A_1054, %add3A_1137 : vector<16xi32>
          %gather3A_1139 = tpu.vector_load_idx %arg6[%add3A_1138] : memref<6656xf32, #tpu.memory_space<vmem>>[vector<16xi32>], vector<16xf32>,
          %add3A_1140 = arith.constant 78 : i32
          %add3A_1141 = vector.broadcast %add3A_1140 : i32 to vector<16xi32>
          %add3A_1142 = arith.addi %add3A_1061, %add3A_1141 : vector<16xi32>
          %gather3A_1143 = tpu.vector_load_idx %arg6[%add3A_1142] : memref<6656xf32, #tpu.memory_space<vmem>>[vector<16xi32>], vector<16xf32>,
          %add3A_1144 = arith.constant 78 : i32
          %add3A_1145 = vector.broadcast %add3A_1144 : i32 to vector<16xi32>
          %add3A_1146 = arith.addi %add3A_1068, %add3A_1145 : vector<16xi32>
          %gather3A_1147 = tpu.vector_load_idx %arg6[%add3A_1146] : memref<6656xf32, #tpu.memory_space<vmem>>[vector<16xi32>], vector<16xf32>,
          %add3A_1148 = arith.constant 78 : i32
          %add3A_1149 = vector.broadcast %add3A_1148 : i32 to vector<16xi32>
          %add3A_1150 = arith.addi %add3A_1075, %add3A_1149 : vector<16xi32>
          %gather3A_1151 = tpu.vector_load_idx %arg6[%add3A_1150] : memref<6656xf32, #tpu.memory_space<vmem>>[vector<16xi32>], vector<16xf32>,
          %add3A_1152 = arith.constant 78 : i32
          %add3A_1153 = vector.broadcast %add3A_1152 : i32 to vector<16xi32>
          %add3A_1154 = arith.addi %add3A_1082, %add3A_1153 : vector<16xi32>
          %gather3A_1155 = tpu.vector_load_idx %arg6[%add3A_1154] : memref<6656xf32, #tpu.memory_space<vmem>>[vector<16xi32>], vector<16xf32>,
          %add3A_1156 = arith.constant 78 : i32
          %add3A_1157 = vector.broadcast %add3A_1156 : i32 to vector<16xi32>
          %add3A_1158 = arith.addi %add3A_1089, %add3A_1157 : vector<16xi32>
          %gather3A_1159 = tpu.vector_load_idx %arg6[%add3A_1158] : memref<6656xf32, #tpu.memory_space<vmem>>[vector<16xi32>], vector<16xf32>,
          %add3A_1160 = arith.constant 78 : i32
          %add3A_1161 = vector.broadcast %add3A_1160 : i32 to vector<16xi32>
          %add3A_1162 = arith.addi %add3A_1096, %add3A_1161 : vector<16xi32>
          %gather3A_1163 = tpu.vector_load_idx %arg6[%add3A_1162] : memref<6656xf32, #tpu.memory_space<vmem>>[vector<16xi32>], vector<16xf32>,
          %add3A_1164 = arith.constant 78 : i32
          %add3A_1165 = vector.broadcast %add3A_1164 : i32 to vector<16xi32>
          %add3A_1166 = arith.addi %add3A_1103, %add3A_1165 : vector<16xi32>
          %gather3A_1167 = tpu.vector_load_idx %arg6[%add3A_1166] : memref<6656xf32, #tpu.memory_space<vmem>>[vector<16xi32>], vector<16xf32>,
          %add3A_1168 = arith.constant 78 : i32
          %add3A_1169 = vector.broadcast %add3A_1168 : i32 to vector<16xi32>
          %add3A_1170 = arith.addi %add3A_1110, %add3A_1169 : vector<16xi32>
          %gather3A_1171 = tpu.vector_load_idx %arg6[%add3A_1170] : memref<6656xf32, #tpu.memory_space<vmem>>[vector<16xi32>], vector<16xf32>,
          %add3A_1172 = arith.constant 78 : i32
          %add3A_1173 = vector.broadcast %add3A_1172 : i32 to vector<16xi32>
          %add3A_1174 = arith.addi %add3A_1117, %add3A_1173 : vector<16xi32>
          %gather3A_1175 = tpu.vector_load_idx %arg6[%add3A_1174] : memref<6656xf32, #tpu.memory_space<vmem>>[vector<16xi32>], vector<16xf32>,
          %add3A_1176 = arith.constant 78 : i32
          %add3A_1177 = vector.broadcast %add3A_1176 : i32 to vector<16xi32>
          %add3A_1178 = arith.addi %add3A_1124, %add3A_1177 : vector<16xi32>
          %gather3A_1179 = tpu.vector_load_idx %arg6[%add3A_1178] : memref<6656xf32, #tpu.memory_space<vmem>>[vector<16xi32>], vector<16xf32>,
          %add3A_1180 = arith.constant 78 : i32
          %add3A_1181 = vector.broadcast %add3A_1180 : i32 to vector<16xi32>
          %add3A_1182 = arith.addi %add3A_1131, %add3A_1181 : vector<16xi32>
          %gather3A_1183 = tpu.vector_load_idx %arg6[%add3A_1182] : memref<6656xf32, #tpu.memory_space<vmem>>[vector<16xi32>], vector<16xf32>,
          %lt3A_1184 = arith.cmpf olt, %gather3A_1135, %get3A_370 : vector<16xf32>
          %jit3A_1185 = arith.constant 104 : i32
          %jit3A_1186 = arith.constant 0 : i32
          %broadcast_in_dim3A_1187 = vector.broadcast %jit3A_1185 : i32 to vector<16xi32>
          %broadcast_in_dim3A_1188 = vector.broadcast %jit3A_1186 : i32 to vector<16xi32>
          %select_n3A_1189 = arith.select %lt3A_1184, %broadcast_in_dim3A_1187, %broadcast_in_dim3A_1188 : vector<16xi1>, vector<16xi32>
          %add3A_1190 = arith.addi %add3A_1047, %select_n3A_1189 : vector<16xi32>
          %lt3A_1191 = arith.cmpf olt, %gather3A_1139, %get3A_374 : vector<16xf32>
          %jit3A_1192 = arith.constant 104 : i32
          %jit3A_1193 = arith.constant 0 : i32
          %broadcast_in_dim3A_1194 = vector.broadcast %jit3A_1192 : i32 to vector<16xi32>
          %broadcast_in_dim3A_1195 = vector.broadcast %jit3A_1193 : i32 to vector<16xi32>
          %select_n3A_1196 = arith.select %lt3A_1191, %broadcast_in_dim3A_1194, %broadcast_in_dim3A_1195 : vector<16xi1>, vector<16xi32>
          %add3A_1197 = arith.addi %add3A_1054, %select_n3A_1196 : vector<16xi32>
          %lt3A_1198 = arith.cmpf olt, %gather3A_1143, %get3A_378 : vector<16xf32>
          %jit3A_1199 = arith.constant 104 : i32
          %jit3A_1200 = arith.constant 0 : i32
          %broadcast_in_dim3A_1201 = vector.broadcast %jit3A_1199 : i32 to vector<16xi32>
          %broadcast_in_dim3A_1202 = vector.broadcast %jit3A_1200 : i32 to vector<16xi32>
          %select_n3A_1203 = arith.select %lt3A_1198, %broadcast_in_dim3A_1201, %broadcast_in_dim3A_1202 : vector<16xi1>, vector<16xi32>
          %add3A_1204 = arith.addi %add3A_1061, %select_n3A_1203 : vector<16xi32>
          %lt3A_1205 = arith.cmpf olt, %gather3A_1147, %get3A_382 : vector<16xf32>
          %jit3A_1206 = arith.constant 104 : i32
          %jit3A_1207 = arith.constant 0 : i32
          %broadcast_in_dim3A_1208 = vector.broadcast %jit3A_1206 : i32 to vector<16xi32>
          %broadcast_in_dim3A_1209 = vector.broadcast %jit3A_1207 : i32 to vector<16xi32>
          %select_n3A_1210 = arith.select %lt3A_1205, %broadcast_in_dim3A_1208, %broadcast_in_dim3A_1209 : vector<16xi1>, vector<16xi32>
          %add3A_1211 = arith.addi %add3A_1068, %select_n3A_1210 : vector<16xi32>
          %lt3A_1212 = arith.cmpf olt, %gather3A_1151, %get3A_386 : vector<16xf32>
          %jit3A_1213 = arith.constant 104 : i32
          %jit3A_1214 = arith.constant 0 : i32
          %broadcast_in_dim3A_1215 = vector.broadcast %jit3A_1213 : i32 to vector<16xi32>
          %broadcast_in_dim3A_1216 = vector.broadcast %jit3A_1214 : i32 to vector<16xi32>
          %select_n3A_1217 = arith.select %lt3A_1212, %broadcast_in_dim3A_1215, %broadcast_in_dim3A_1216 : vector<16xi1>, vector<16xi32>
          %add3A_1218 = arith.addi %add3A_1075, %select_n3A_1217 : vector<16xi32>
          %lt3A_1219 = arith.cmpf olt, %gather3A_1155, %get3A_390 : vector<16xf32>
          %jit3A_1220 = arith.constant 104 : i32
          %jit3A_1221 = arith.constant 0 : i32
          %broadcast_in_dim3A_1222 = vector.broadcast %jit3A_1220 : i32 to vector<16xi32>
          %broadcast_in_dim3A_1223 = vector.broadcast %jit3A_1221 : i32 to vector<16xi32>
          %select_n3A_1224 = arith.select %lt3A_1219, %broadcast_in_dim3A_1222, %broadcast_in_dim3A_1223 : vector<16xi1>, vector<16xi32>
          %add3A_1225 = arith.addi %add3A_1082, %select_n3A_1224 : vector<16xi32>
          %lt3A_1226 = arith.cmpf olt, %gather3A_1159, %get3A_394 : vector<16xf32>
          %jit3A_1227 = arith.constant 104 : i32
          %jit3A_1228 = arith.constant 0 : i32
          %broadcast_in_dim3A_1229 = vector.broadcast %jit3A_1227 : i32 to vector<16xi32>
          %broadcast_in_dim3A_1230 = vector.broadcast %jit3A_1228 : i32 to vector<16xi32>
          %select_n3A_1231 = arith.select %lt3A_1226, %broadcast_in_dim3A_1229, %broadcast_in_dim3A_1230 : vector<16xi1>, vector<16xi32>
          %add3A_1232 = arith.addi %add3A_1089, %select_n3A_1231 : vector<16xi32>
          %lt3A_1233 = arith.cmpf olt, %gather3A_1163, %get3A_398 : vector<16xf32>
          %jit3A_1234 = arith.constant 104 : i32
          %jit3A_1235 = arith.constant 0 : i32
          %broadcast_in_dim3A_1236 = vector.broadcast %jit3A_1234 : i32 to vector<16xi32>
          %broadcast_in_dim3A_1237 = vector.broadcast %jit3A_1235 : i32 to vector<16xi32>
          %select_n3A_1238 = arith.select %lt3A_1233, %broadcast_in_dim3A_1236, %broadcast_in_dim3A_1237 : vector<16xi1>, vector<16xi32>
          %add3A_1239 = arith.addi %add3A_1096, %select_n3A_1238 : vector<16xi32>
          %lt3A_1240 = arith.cmpf olt, %gather3A_1167, %get3A_402 : vector<16xf32>
          %jit3A_1241 = arith.constant 104 : i32
          %jit3A_1242 = arith.constant 0 : i32
          %broadcast_in_dim3A_1243 = vector.broadcast %jit3A_1241 : i32 to vector<16xi32>
          %broadcast_in_dim3A_1244 = vector.broadcast %jit3A_1242 : i32 to vector<16xi32>
          %select_n3A_1245 = arith.select %lt3A_1240, %broadcast_in_dim3A_1243, %broadcast_in_dim3A_1244 : vector<16xi1>, vector<16xi32>
          %add3A_1246 = arith.addi %add3A_1103, %select_n3A_1245 : vector<16xi32>
          %lt3A_1247 = arith.cmpf olt, %gather3A_1171, %get3A_406 : vector<16xf32>
          %jit3A_1248 = arith.constant 104 : i32
          %jit3A_1249 = arith.constant 0 : i32
          %broadcast_in_dim3A_1250 = vector.broadcast %jit3A_1248 : i32 to vector<16xi32>
          %broadcast_in_dim3A_1251 = vector.broadcast %jit3A_1249 : i32 to vector<16xi32>
          %select_n3A_1252 = arith.select %lt3A_1247, %broadcast_in_dim3A_1250, %broadcast_in_dim3A_1251 : vector<16xi1>, vector<16xi32>
          %add3A_1253 = arith.addi %add3A_1110, %select_n3A_1252 : vector<16xi32>
          %lt3A_1254 = arith.cmpf olt, %gather3A_1175, %get3A_410 : vector<16xf32>
          %jit3A_1255 = arith.constant 104 : i32
          %jit3A_1256 = arith.constant 0 : i32
          %broadcast_in_dim3A_1257 = vector.broadcast %jit3A_1255 : i32 to vector<16xi32>
          %broadcast_in_dim3A_1258 = vector.broadcast %jit3A_1256 : i32 to vector<16xi32>
          %select_n3A_1259 = arith.select %lt3A_1254, %broadcast_in_dim3A_1257, %broadcast_in_dim3A_1258 : vector<16xi1>, vector<16xi32>
          %add3A_1260 = arith.addi %add3A_1117, %select_n3A_1259 : vector<16xi32>
          %lt3A_1261 = arith.cmpf olt, %gather3A_1179, %get3A_414 : vector<16xf32>
          %jit3A_1262 = arith.constant 104 : i32
          %jit3A_1263 = arith.constant 0 : i32
          %broadcast_in_dim3A_1264 = vector.broadcast %jit3A_1262 : i32 to vector<16xi32>
          %broadcast_in_dim3A_1265 = vector.broadcast %jit3A_1263 : i32 to vector<16xi32>
          %select_n3A_1266 = arith.select %lt3A_1261, %broadcast_in_dim3A_1264, %broadcast_in_dim3A_1265 : vector<16xi1>, vector<16xi32>
          %add3A_1267 = arith.addi %add3A_1124, %select_n3A_1266 : vector<16xi32>
          %lt3A_1268 = arith.cmpf olt, %gather3A_1183, %get3A_418 : vector<16xf32>
          %jit3A_1269 = arith.constant 104 : i32
          %jit3A_1270 = arith.constant 0 : i32
          %broadcast_in_dim3A_1271 = vector.broadcast %jit3A_1269 : i32 to vector<16xi32>
          %broadcast_in_dim3A_1272 = vector.broadcast %jit3A_1270 : i32 to vector<16xi32>
          %select_n3A_1273 = arith.select %lt3A_1268, %broadcast_in_dim3A_1271, %broadcast_in_dim3A_1272 : vector<16xi1>, vector<16xi32>
          %add3A_1274 = arith.addi %add3A_1131, %select_n3A_1273 : vector<16xi32>
          %add3A_1275 = arith.constant 26 : i32
          %add3A_1276 = vector.broadcast %add3A_1275 : i32 to vector<16xi32>
          %add3A_1277 = arith.addi %add3A_1190, %add3A_1276 : vector<16xi32>
          %gather3A_1278 = tpu.vector_load_idx %arg6[%add3A_1277] : memref<6656xf32, #tpu.memory_space<vmem>>[vector<16xi32>], vector<16xf32>,
          %add3A_1279 = arith.constant 26 : i32
          %add3A_1280 = vector.broadcast %add3A_1279 : i32 to vector<16xi32>
          %add3A_1281 = arith.addi %add3A_1197, %add3A_1280 : vector<16xi32>
          %gather3A_1282 = tpu.vector_load_idx %arg6[%add3A_1281] : memref<6656xf32, #tpu.memory_space<vmem>>[vector<16xi32>], vector<16xf32>,
          %add3A_1283 = arith.constant 26 : i32
          %add3A_1284 = vector.broadcast %add3A_1283 : i32 to vector<16xi32>
          %add3A_1285 = arith.addi %add3A_1204, %add3A_1284 : vector<16xi32>
          %gather3A_1286 = tpu.vector_load_idx %arg6[%add3A_1285] : memref<6656xf32, #tpu.memory_space<vmem>>[vector<16xi32>], vector<16xf32>,
          %add3A_1287 = arith.constant 26 : i32
          %add3A_1288 = vector.broadcast %add3A_1287 : i32 to vector<16xi32>
          %add3A_1289 = arith.addi %add3A_1211, %add3A_1288 : vector<16xi32>
          %gather3A_1290 = tpu.vector_load_idx %arg6[%add3A_1289] : memref<6656xf32, #tpu.memory_space<vmem>>[vector<16xi32>], vector<16xf32>,
          %add3A_1291 = arith.constant 26 : i32
          %add3A_1292 = vector.broadcast %add3A_1291 : i32 to vector<16xi32>
          %add3A_1293 = arith.addi %add3A_1218, %add3A_1292 : vector<16xi32>
          %gather3A_1294 = tpu.vector_load_idx %arg6[%add3A_1293] : memref<6656xf32, #tpu.memory_space<vmem>>[vector<16xi32>], vector<16xf32>,
          %add3A_1295 = arith.constant 26 : i32
          %add3A_1296 = vector.broadcast %add3A_1295 : i32 to vector<16xi32>
          %add3A_1297 = arith.addi %add3A_1225, %add3A_1296 : vector<16xi32>
          %gather3A_1298 = tpu.vector_load_idx %arg6[%add3A_1297] : memref<6656xf32, #tpu.memory_space<vmem>>[vector<16xi32>], vector<16xf32>,
          %add3A_1299 = arith.constant 26 : i32
          %add3A_1300 = vector.broadcast %add3A_1299 : i32 to vector<16xi32>
          %add3A_1301 = arith.addi %add3A_1232, %add3A_1300 : vector<16xi32>
          %gather3A_1302 = tpu.vector_load_idx %arg6[%add3A_1301] : memref<6656xf32, #tpu.memory_space<vmem>>[vector<16xi32>], vector<16xf32>,
          %add3A_1303 = arith.constant 26 : i32
          %add3A_1304 = vector.broadcast %add3A_1303 : i32 to vector<16xi32>
          %add3A_1305 = arith.addi %add3A_1239, %add3A_1304 : vector<16xi32>
          %gather3A_1306 = tpu.vector_load_idx %arg6[%add3A_1305] : memref<6656xf32, #tpu.memory_space<vmem>>[vector<16xi32>], vector<16xf32>,
          %add3A_1307 = arith.constant 26 : i32
          %add3A_1308 = vector.broadcast %add3A_1307 : i32 to vector<16xi32>
          %add3A_1309 = arith.addi %add3A_1246, %add3A_1308 : vector<16xi32>
          %gather3A_1310 = tpu.vector_load_idx %arg6[%add3A_1309] : memref<6656xf32, #tpu.memory_space<vmem>>[vector<16xi32>], vector<16xf32>,
          %add3A_1311 = arith.constant 26 : i32
          %add3A_1312 = vector.broadcast %add3A_1311 : i32 to vector<16xi32>
          %add3A_1313 = arith.addi %add3A_1253, %add3A_1312 : vector<16xi32>
          %gather3A_1314 = tpu.vector_load_idx %arg6[%add3A_1313] : memref<6656xf32, #tpu.memory_space<vmem>>[vector<16xi32>], vector<16xf32>,
          %add3A_1315 = arith.constant 26 : i32
          %add3A_1316 = vector.broadcast %add3A_1315 : i32 to vector<16xi32>
          %add3A_1317 = arith.addi %add3A_1260, %add3A_1316 : vector<16xi32>
          %gather3A_1318 = tpu.vector_load_idx %arg6[%add3A_1317] : memref<6656xf32, #tpu.memory_space<vmem>>[vector<16xi32>], vector<16xf32>,
          %add3A_1319 = arith.constant 26 : i32
          %add3A_1320 = vector.broadcast %add3A_1319 : i32 to vector<16xi32>
          %add3A_1321 = arith.addi %add3A_1267, %add3A_1320 : vector<16xi32>
          %gather3A_1322 = tpu.vector_load_idx %arg6[%add3A_1321] : memref<6656xf32, #tpu.memory_space<vmem>>[vector<16xi32>], vector<16xf32>,
          %add3A_1323 = arith.constant 26 : i32
          %add3A_1324 = vector.broadcast %add3A_1323 : i32 to vector<16xi32>
          %add3A_1325 = arith.addi %add3A_1274, %add3A_1324 : vector<16xi32>
          %gather3A_1326 = tpu.vector_load_idx %arg6[%add3A_1325] : memref<6656xf32, #tpu.memory_space<vmem>>[vector<16xi32>], vector<16xf32>,
          %lt3A_1327 = arith.cmpf olt, %gather3A_1278, %get3A_370 : vector<16xf32>
          %jit3A_1328 = arith.constant 52 : i32
          %jit3A_1329 = arith.constant 0 : i32
          %broadcast_in_dim3A_1330 = vector.broadcast %jit3A_1328 : i32 to vector<16xi32>
          %broadcast_in_dim3A_1331 = vector.broadcast %jit3A_1329 : i32 to vector<16xi32>
          %select_n3A_1332 = arith.select %lt3A_1327, %broadcast_in_dim3A_1330, %broadcast_in_dim3A_1331 : vector<16xi1>, vector<16xi32>
          %add3A_1333 = arith.addi %add3A_1190, %select_n3A_1332 : vector<16xi32>
          %lt3A_1334 = arith.cmpf olt, %gather3A_1282, %get3A_374 : vector<16xf32>
          %jit3A_1335 = arith.constant 52 : i32
          %jit3A_1336 = arith.constant 0 : i32
          %broadcast_in_dim3A_1337 = vector.broadcast %jit3A_1335 : i32 to vector<16xi32>
          %broadcast_in_dim3A_1338 = vector.broadcast %jit3A_1336 : i32 to vector<16xi32>
          %select_n3A_1339 = arith.select %lt3A_1334, %broadcast_in_dim3A_1337, %broadcast_in_dim3A_1338 : vector<16xi1>, vector<16xi32>
          %add3A_1340 = arith.addi %add3A_1197, %select_n3A_1339 : vector<16xi32>
          %lt3A_1341 = arith.cmpf olt, %gather3A_1286, %get3A_378 : vector<16xf32>
          %jit3A_1342 = arith.constant 52 : i32
          %jit3A_1343 = arith.constant 0 : i32
          %broadcast_in_dim3A_1344 = vector.broadcast %jit3A_1342 : i32 to vector<16xi32>
          %broadcast_in_dim3A_1345 = vector.broadcast %jit3A_1343 : i32 to vector<16xi32>
          %select_n3A_1346 = arith.select %lt3A_1341, %broadcast_in_dim3A_1344, %broadcast_in_dim3A_1345 : vector<16xi1>, vector<16xi32>
          %add3A_1347 = arith.addi %add3A_1204, %select_n3A_1346 : vector<16xi32>
          %lt3A_1348 = arith.cmpf olt, %gather3A_1290, %get3A_382 : vector<16xf32>
          %jit3A_1349 = arith.constant 52 : i32
          %jit3A_1350 = arith.constant 0 : i32
          %broadcast_in_dim3A_1351 = vector.broadcast %jit3A_1349 : i32 to vector<16xi32>
          %broadcast_in_dim3A_1352 = vector.broadcast %jit3A_1350 : i32 to vector<16xi32>
          %select_n3A_1353 = arith.select %lt3A_1348, %broadcast_in_dim3A_1351, %broadcast_in_dim3A_1352 : vector<16xi1>, vector<16xi32>
          %add3A_1354 = arith.addi %add3A_1211, %select_n3A_1353 : vector<16xi32>
          %lt3A_1355 = arith.cmpf olt, %gather3A_1294, %get3A_386 : vector<16xf32>
          %jit3A_1356 = arith.constant 52 : i32
          %jit3A_1357 = arith.constant 0 : i32
          %broadcast_in_dim3A_1358 = vector.broadcast %jit3A_1356 : i32 to vector<16xi32>
          %broadcast_in_dim3A_1359 = vector.broadcast %jit3A_1357 : i32 to vector<16xi32>
          %select_n3A_1360 = arith.select %lt3A_1355, %broadcast_in_dim3A_1358, %broadcast_in_dim3A_1359 : vector<16xi1>, vector<16xi32>
          %add3A_1361 = arith.addi %add3A_1218, %select_n3A_1360 : vector<16xi32>
          %lt3A_1362 = arith.cmpf olt, %gather3A_1298, %get3A_390 : vector<16xf32>
          %jit3A_1363 = arith.constant 52 : i32
          %jit3A_1364 = arith.constant 0 : i32
          %broadcast_in_dim3A_1365 = vector.broadcast %jit3A_1363 : i32 to vector<16xi32>
          %broadcast_in_dim3A_1366 = vector.broadcast %jit3A_1364 : i32 to vector<16xi32>
          %select_n3A_1367 = arith.select %lt3A_1362, %broadcast_in_dim3A_1365, %broadcast_in_dim3A_1366 : vector<16xi1>, vector<16xi32>
          %add3A_1368 = arith.addi %add3A_1225, %select_n3A_1367 : vector<16xi32>
          %lt3A_1369 = arith.cmpf olt, %gather3A_1302, %get3A_394 : vector<16xf32>
          %jit3A_1370 = arith.constant 52 : i32
          %jit3A_1371 = arith.constant 0 : i32
          %broadcast_in_dim3A_1372 = vector.broadcast %jit3A_1370 : i32 to vector<16xi32>
          %broadcast_in_dim3A_1373 = vector.broadcast %jit3A_1371 : i32 to vector<16xi32>
          %select_n3A_1374 = arith.select %lt3A_1369, %broadcast_in_dim3A_1372, %broadcast_in_dim3A_1373 : vector<16xi1>, vector<16xi32>
          %add3A_1375 = arith.addi %add3A_1232, %select_n3A_1374 : vector<16xi32>
          %lt3A_1376 = arith.cmpf olt, %gather3A_1306, %get3A_398 : vector<16xf32>
          %jit3A_1377 = arith.constant 52 : i32
          %jit3A_1378 = arith.constant 0 : i32
          %broadcast_in_dim3A_1379 = vector.broadcast %jit3A_1377 : i32 to vector<16xi32>
          %broadcast_in_dim3A_1380 = vector.broadcast %jit3A_1378 : i32 to vector<16xi32>
          %select_n3A_1381 = arith.select %lt3A_1376, %broadcast_in_dim3A_1379, %broadcast_in_dim3A_1380 : vector<16xi1>, vector<16xi32>
          %add3A_1382 = arith.addi %add3A_1239, %select_n3A_1381 : vector<16xi32>
          %lt3A_1383 = arith.cmpf olt, %gather3A_1310, %get3A_402 : vector<16xf32>
          %jit3A_1384 = arith.constant 52 : i32
          %jit3A_1385 = arith.constant 0 : i32
          %broadcast_in_dim3A_1386 = vector.broadcast %jit3A_1384 : i32 to vector<16xi32>
          %broadcast_in_dim3A_1387 = vector.broadcast %jit3A_1385 : i32 to vector<16xi32>
          %select_n3A_1388 = arith.select %lt3A_1383, %broadcast_in_dim3A_1386, %broadcast_in_dim3A_1387 : vector<16xi1>, vector<16xi32>
          %add3A_1389 = arith.addi %add3A_1246, %select_n3A_1388 : vector<16xi32>
          %lt3A_1390 = arith.cmpf olt, %gather3A_1314, %get3A_406 : vector<16xf32>
          %jit3A_1391 = arith.constant 52 : i32
          %jit3A_1392 = arith.constant 0 : i32
          %broadcast_in_dim3A_1393 = vector.broadcast %jit3A_1391 : i32 to vector<16xi32>
          %broadcast_in_dim3A_1394 = vector.broadcast %jit3A_1392 : i32 to vector<16xi32>
          %select_n3A_1395 = arith.select %lt3A_1390, %broadcast_in_dim3A_1393, %broadcast_in_dim3A_1394 : vector<16xi1>, vector<16xi32>
          %add3A_1396 = arith.addi %add3A_1253, %select_n3A_1395 : vector<16xi32>
          %lt3A_1397 = arith.cmpf olt, %gather3A_1318, %get3A_410 : vector<16xf32>
          %jit3A_1398 = arith.constant 52 : i32
          %jit3A_1399 = arith.constant 0 : i32
          %broadcast_in_dim3A_1400 = vector.broadcast %jit3A_1398 : i32 to vector<16xi32>
          %broadcast_in_dim3A_1401 = vector.broadcast %jit3A_1399 : i32 to vector<16xi32>
          %select_n3A_1402 = arith.select %lt3A_1397, %broadcast_in_dim3A_1400, %broadcast_in_dim3A_1401 : vector<16xi1>, vector<16xi32>
          %add3A_1403 = arith.addi %add3A_1260, %select_n3A_1402 : vector<16xi32>
          %lt3A_1404 = arith.cmpf olt, %gather3A_1322, %get3A_414 : vector<16xf32>
          %jit3A_1405 = arith.constant 52 : i32
          %jit3A_1406 = arith.constant 0 : i32
          %broadcast_in_dim3A_1407 = vector.broadcast %jit3A_1405 : i32 to vector<16xi32>
          %broadcast_in_dim3A_1408 = vector.broadcast %jit3A_1406 : i32 to vector<16xi32>
          %select_n3A_1409 = arith.select %lt3A_1404, %broadcast_in_dim3A_1407, %broadcast_in_dim3A_1408 : vector<16xi1>, vector<16xi32>
          %add3A_1410 = arith.addi %add3A_1267, %select_n3A_1409 : vector<16xi32>
          %lt3A_1411 = arith.cmpf olt, %gather3A_1326, %get3A_418 : vector<16xf32>
          %jit3A_1412 = arith.constant 52 : i32
          %jit3A_1413 = arith.constant 0 : i32
          %broadcast_in_dim3A_1414 = vector.broadcast %jit3A_1412 : i32 to vector<16xi32>
          %broadcast_in_dim3A_1415 = vector.broadcast %jit3A_1413 : i32 to vector<16xi32>
          %select_n3A_1416 = arith.select %lt3A_1411, %broadcast_in_dim3A_1414, %broadcast_in_dim3A_1415 : vector<16xi1>, vector<16xi32>
          %add3A_1417 = arith.addi %add3A_1274, %select_n3A_1416 : vector<16xi32>
          %add3A_1418 = arith.constant 0 : i32
          %add3A_1419 = vector.broadcast %add3A_1418 : i32 to vector<16xi32>
          %add3A_1420 = arith.addi %add3A_1333, %add3A_1419 : vector<16xi32>
          %gather3A_1421 = tpu.vector_load_idx %arg6[%add3A_1420] : memref<6656xf32, #tpu.memory_space<vmem>>[vector<16xi32>], vector<16xf32>,
          %add3A_1422 = arith.constant 0 : i32
          %add3A_1423 = vector.broadcast %add3A_1422 : i32 to vector<16xi32>
          %add3A_1424 = arith.addi %add3A_1340, %add3A_1423 : vector<16xi32>
          %gather3A_1425 = tpu.vector_load_idx %arg6[%add3A_1424] : memref<6656xf32, #tpu.memory_space<vmem>>[vector<16xi32>], vector<16xf32>,
          %add3A_1426 = arith.constant 0 : i32
          %add3A_1427 = vector.broadcast %add3A_1426 : i32 to vector<16xi32>
          %add3A_1428 = arith.addi %add3A_1347, %add3A_1427 : vector<16xi32>
          %gather3A_1429 = tpu.vector_load_idx %arg6[%add3A_1428] : memref<6656xf32, #tpu.memory_space<vmem>>[vector<16xi32>], vector<16xf32>,
          %add3A_1430 = arith.constant 0 : i32
          %add3A_1431 = vector.broadcast %add3A_1430 : i32 to vector<16xi32>
          %add3A_1432 = arith.addi %add3A_1354, %add3A_1431 : vector<16xi32>
          %gather3A_1433 = tpu.vector_load_idx %arg6[%add3A_1432] : memref<6656xf32, #tpu.memory_space<vmem>>[vector<16xi32>], vector<16xf32>,
          %add3A_1434 = arith.constant 0 : i32
          %add3A_1435 = vector.broadcast %add3A_1434 : i32 to vector<16xi32>
          %add3A_1436 = arith.addi %add3A_1361, %add3A_1435 : vector<16xi32>
          %gather3A_1437 = tpu.vector_load_idx %arg6[%add3A_1436] : memref<6656xf32, #tpu.memory_space<vmem>>[vector<16xi32>], vector<16xf32>,
          %add3A_1438 = arith.constant 0 : i32
          %add3A_1439 = vector.broadcast %add3A_1438 : i32 to vector<16xi32>
          %add3A_1440 = arith.addi %add3A_1368, %add3A_1439 : vector<16xi32>
          %gather3A_1441 = tpu.vector_load_idx %arg6[%add3A_1440] : memref<6656xf32, #tpu.memory_space<vmem>>[vector<16xi32>], vector<16xf32>,
          %add3A_1442 = arith.constant 0 : i32
          %add3A_1443 = vector.broadcast %add3A_1442 : i32 to vector<16xi32>
          %add3A_1444 = arith.addi %add3A_1375, %add3A_1443 : vector<16xi32>
          %gather3A_1445 = tpu.vector_load_idx %arg6[%add3A_1444] : memref<6656xf32, #tpu.memory_space<vmem>>[vector<16xi32>], vector<16xf32>,
          %add3A_1446 = arith.constant 0 : i32
          %add3A_1447 = vector.broadcast %add3A_1446 : i32 to vector<16xi32>
          %add3A_1448 = arith.addi %add3A_1382, %add3A_1447 : vector<16xi32>
          %gather3A_1449 = tpu.vector_load_idx %arg6[%add3A_1448] : memref<6656xf32, #tpu.memory_space<vmem>>[vector<16xi32>], vector<16xf32>,
          %add3A_1450 = arith.constant 0 : i32
          %add3A_1451 = vector.broadcast %add3A_1450 : i32 to vector<16xi32>
          %add3A_1452 = arith.addi %add3A_1389, %add3A_1451 : vector<16xi32>
          %gather3A_1453 = tpu.vector_load_idx %arg6[%add3A_1452] : memref<6656xf32, #tpu.memory_space<vmem>>[vector<16xi32>], vector<16xf32>,
          %add3A_1454 = arith.constant 0 : i32
          %add3A_1455 = vector.broadcast %add3A_1454 : i32 to vector<16xi32>
          %add3A_1456 = arith.addi %add3A_1396, %add3A_1455 : vector<16xi32>
          %gather3A_1457 = tpu.vector_load_idx %arg6[%add3A_1456] : memref<6656xf32, #tpu.memory_space<vmem>>[vector<16xi32>], vector<16xf32>,
          %add3A_1458 = arith.constant 0 : i32
          %add3A_1459 = vector.broadcast %add3A_1458 : i32 to vector<16xi32>
          %add3A_1460 = arith.addi %add3A_1403, %add3A_1459 : vector<16xi32>
          %gather3A_1461 = tpu.vector_load_idx %arg6[%add3A_1460] : memref<6656xf32, #tpu.memory_space<vmem>>[vector<16xi32>], vector<16xf32>,
          %add3A_1462 = arith.constant 0 : i32
          %add3A_1463 = vector.broadcast %add3A_1462 : i32 to vector<16xi32>
          %add3A_1464 = arith.addi %add3A_1410, %add3A_1463 : vector<16xi32>
          %gather3A_1465 = tpu.vector_load_idx %arg6[%add3A_1464] : memref<6656xf32, #tpu.memory_space<vmem>>[vector<16xi32>], vector<16xf32>,
          %add3A_1466 = arith.constant 0 : i32
          %add3A_1467 = vector.broadcast %add3A_1466 : i32 to vector<16xi32>
          %add3A_1468 = arith.addi %add3A_1417, %add3A_1467 : vector<16xi32>
          %gather3A_1469 = tpu.vector_load_idx %arg6[%add3A_1468] : memref<6656xf32, #tpu.memory_space<vmem>>[vector<16xi32>], vector<16xf32>,
          %lt3A_1470 = arith.cmpf olt, %gather3A_1421, %get3A_370 : vector<16xf32>
          %jit3A_1471 = arith.constant 26 : i32
          %jit3A_1472 = arith.constant 0 : i32
          %broadcast_in_dim3A_1473 = vector.broadcast %jit3A_1471 : i32 to vector<16xi32>
          %broadcast_in_dim3A_1474 = vector.broadcast %jit3A_1472 : i32 to vector<16xi32>
          %select_n3A_1475 = arith.select %lt3A_1470, %broadcast_in_dim3A_1473, %broadcast_in_dim3A_1474 : vector<16xi1>, vector<16xi32>
          %add3A_1476 = arith.addi %add3A_1333, %select_n3A_1475 : vector<16xi32>
          %lt3A_1477 = arith.cmpf olt, %gather3A_1425, %get3A_374 : vector<16xf32>
          %jit3A_1478 = arith.constant 26 : i32
          %jit3A_1479 = arith.constant 0 : i32
          %broadcast_in_dim3A_1480 = vector.broadcast %jit3A_1478 : i32 to vector<16xi32>
          %broadcast_in_dim3A_1481 = vector.broadcast %jit3A_1479 : i32 to vector<16xi32>
          %select_n3A_1482 = arith.select %lt3A_1477, %broadcast_in_dim3A_1480, %broadcast_in_dim3A_1481 : vector<16xi1>, vector<16xi32>
          %add3A_1483 = arith.addi %add3A_1340, %select_n3A_1482 : vector<16xi32>
          %lt3A_1484 = arith.cmpf olt, %gather3A_1429, %get3A_378 : vector<16xf32>
          %jit3A_1485 = arith.constant 26 : i32
          %jit3A_1486 = arith.constant 0 : i32
          %broadcast_in_dim3A_1487 = vector.broadcast %jit3A_1485 : i32 to vector<16xi32>
          %broadcast_in_dim3A_1488 = vector.broadcast %jit3A_1486 : i32 to vector<16xi32>
          %select_n3A_1489 = arith.select %lt3A_1484, %broadcast_in_dim3A_1487, %broadcast_in_dim3A_1488 : vector<16xi1>, vector<16xi32>
          %add3A_1490 = arith.addi %add3A_1347, %select_n3A_1489 : vector<16xi32>
          %lt3A_1491 = arith.cmpf olt, %gather3A_1433, %get3A_382 : vector<16xf32>
          %jit3A_1492 = arith.constant 26 : i32
          %jit3A_1493 = arith.constant 0 : i32
          %broadcast_in_dim3A_1494 = vector.broadcast %jit3A_1492 : i32 to vector<16xi32>
          %broadcast_in_dim3A_1495 = vector.broadcast %jit3A_1493 : i32 to vector<16xi32>
          %select_n3A_1496 = arith.select %lt3A_1491, %broadcast_in_dim3A_1494, %broadcast_in_dim3A_1495 : vector<16xi1>, vector<16xi32>
          %add3A_1497 = arith.addi %add3A_1354, %select_n3A_1496 : vector<16xi32>
          %lt3A_1498 = arith.cmpf olt, %gather3A_1437, %get3A_386 : vector<16xf32>
          %jit3A_1499 = arith.constant 26 : i32
          %jit3A_1500 = arith.constant 0 : i32
          %broadcast_in_dim3A_1501 = vector.broadcast %jit3A_1499 : i32 to vector<16xi32>
          %broadcast_in_dim3A_1502 = vector.broadcast %jit3A_1500 : i32 to vector<16xi32>
          %select_n3A_1503 = arith.select %lt3A_1498, %broadcast_in_dim3A_1501, %broadcast_in_dim3A_1502 : vector<16xi1>, vector<16xi32>
          %add3A_1504 = arith.addi %add3A_1361, %select_n3A_1503 : vector<16xi32>
          %lt3A_1505 = arith.cmpf olt, %gather3A_1441, %get3A_390 : vector<16xf32>
          %jit3A_1506 = arith.constant 26 : i32
          %jit3A_1507 = arith.constant 0 : i32
          %broadcast_in_dim3A_1508 = vector.broadcast %jit3A_1506 : i32 to vector<16xi32>
          %broadcast_in_dim3A_1509 = vector.broadcast %jit3A_1507 : i32 to vector<16xi32>
          %select_n3A_1510 = arith.select %lt3A_1505, %broadcast_in_dim3A_1508, %broadcast_in_dim3A_1509 : vector<16xi1>, vector<16xi32>
          %add3A_1511 = arith.addi %add3A_1368, %select_n3A_1510 : vector<16xi32>
          %lt3A_1512 = arith.cmpf olt, %gather3A_1445, %get3A_394 : vector<16xf32>
          %jit3A_1513 = arith.constant 26 : i32
          %jit3A_1514 = arith.constant 0 : i32
          %broadcast_in_dim3A_1515 = vector.broadcast %jit3A_1513 : i32 to vector<16xi32>
          %broadcast_in_dim3A_1516 = vector.broadcast %jit3A_1514 : i32 to vector<16xi32>
          %select_n3A_1517 = arith.select %lt3A_1512, %broadcast_in_dim3A_1515, %broadcast_in_dim3A_1516 : vector<16xi1>, vector<16xi32>
          %add3A_1518 = arith.addi %add3A_1375, %select_n3A_1517 : vector<16xi32>
          %lt3A_1519 = arith.cmpf olt, %gather3A_1449, %get3A_398 : vector<16xf32>
          %jit3A_1520 = arith.constant 26 : i32
          %jit3A_1521 = arith.constant 0 : i32
          %broadcast_in_dim3A_1522 = vector.broadcast %jit3A_1520 : i32 to vector<16xi32>
          %broadcast_in_dim3A_1523 = vector.broadcast %jit3A_1521 : i32 to vector<16xi32>
          %select_n3A_1524 = arith.select %lt3A_1519, %broadcast_in_dim3A_1522, %broadcast_in_dim3A_1523 : vector<16xi1>, vector<16xi32>
          %add3A_1525 = arith.addi %add3A_1382, %select_n3A_1524 : vector<16xi32>
          %lt3A_1526 = arith.cmpf olt, %gather3A_1453, %get3A_402 : vector<16xf32>
          %jit3A_1527 = arith.constant 26 : i32
          %jit3A_1528 = arith.constant 0 : i32
          %broadcast_in_dim3A_1529 = vector.broadcast %jit3A_1527 : i32 to vector<16xi32>
          %broadcast_in_dim3A_1530 = vector.broadcast %jit3A_1528 : i32 to vector<16xi32>
          %select_n3A_1531 = arith.select %lt3A_1526, %broadcast_in_dim3A_1529, %broadcast_in_dim3A_1530 : vector<16xi1>, vector<16xi32>
          %add3A_1532 = arith.addi %add3A_1389, %select_n3A_1531 : vector<16xi32>
          %lt3A_1533 = arith.cmpf olt, %gather3A_1457, %get3A_406 : vector<16xf32>
          %jit3A_1534 = arith.constant 26 : i32
          %jit3A_1535 = arith.constant 0 : i32
          %broadcast_in_dim3A_1536 = vector.broadcast %jit3A_1534 : i32 to vector<16xi32>
          %broadcast_in_dim3A_1537 = vector.broadcast %jit3A_1535 : i32 to vector<16xi32>
          %select_n3A_1538 = arith.select %lt3A_1533, %broadcast_in_dim3A_1536, %broadcast_in_dim3A_1537 : vector<16xi1>, vector<16xi32>
          %add3A_1539 = arith.addi %add3A_1396, %select_n3A_1538 : vector<16xi32>
          %lt3A_1540 = arith.cmpf olt, %gather3A_1461, %get3A_410 : vector<16xf32>
          %jit3A_1541 = arith.constant 26 : i32
          %jit3A_1542 = arith.constant 0 : i32
          %broadcast_in_dim3A_1543 = vector.broadcast %jit3A_1541 : i32 to vector<16xi32>
          %broadcast_in_dim3A_1544 = vector.broadcast %jit3A_1542 : i32 to vector<16xi32>
          %select_n3A_1545 = arith.select %lt3A_1540, %broadcast_in_dim3A_1543, %broadcast_in_dim3A_1544 : vector<16xi1>, vector<16xi32>
          %add3A_1546 = arith.addi %add3A_1403, %select_n3A_1545 : vector<16xi32>
          %lt3A_1547 = arith.cmpf olt, %gather3A_1465, %get3A_414 : vector<16xf32>
          %jit3A_1548 = arith.constant 26 : i32
          %jit3A_1549 = arith.constant 0 : i32
          %broadcast_in_dim3A_1550 = vector.broadcast %jit3A_1548 : i32 to vector<16xi32>
          %broadcast_in_dim3A_1551 = vector.broadcast %jit3A_1549 : i32 to vector<16xi32>
          %select_n3A_1552 = arith.select %lt3A_1547, %broadcast_in_dim3A_1550, %broadcast_in_dim3A_1551 : vector<16xi1>, vector<16xi32>
          %add3A_1553 = arith.addi %add3A_1410, %select_n3A_1552 : vector<16xi32>
          %lt3A_1554 = arith.cmpf olt, %gather3A_1469, %get3A_418 : vector<16xf32>
          %jit3A_1555 = arith.constant 26 : i32
          %jit3A_1556 = arith.constant 0 : i32
          %broadcast_in_dim3A_1557 = vector.broadcast %jit3A_1555 : i32 to vector<16xi32>
          %broadcast_in_dim3A_1558 = vector.broadcast %jit3A_1556 : i32 to vector<16xi32>
          %select_n3A_1559 = arith.select %lt3A_1554, %broadcast_in_dim3A_1557, %broadcast_in_dim3A_1558 : vector<16xi1>, vector<16xi32>
          %add3A_1560 = arith.addi %add3A_1417, %select_n3A_1559 : vector<16xi32>
          %mul3A_1561 = arith.constant 20165 : i32
          %mul3A_1562 = vector.broadcast %mul3A_1561 : i32 to vector<16xi32>
          %mul3A_1563 = arith.muli %add3A_1476, %mul3A_1562 : vector<16xi32>
          %shift_right_logical3A = arith.constant 19 : i32
          %shift_right_logical3A_1564 = vector.broadcast %shift_right_logical3A : i32 to vector<16xi32>
          %shift_right_logical3A_1565 = arith.shrui %mul3A_1563, %shift_right_logical3A_1564 : vector<16xi32>
          %min3A = arith.constant 255 : i32
          %min3A_1566 = vector.broadcast %min3A : i32 to vector<16xi32>
          %min3A_1567 = arith.minsi %shift_right_logical3A_1565, %min3A_1566 : vector<16xi32>
          %mul3A_1568 = arith.constant 9 : i32
          %mul3A_1569 = vector.broadcast %mul3A_1568 : i32 to vector<16xi32>
          %mul3A_1570 = arith.muli %min3A_1567, %mul3A_1569 : vector<16xi32>
          %add3A_1571 = arith.constant 0 : i32
          %add3A_1572 = arith.addi %mul3A_367, %add3A_1571 : i32
          %swap3A = arith.index_cast %add3A_1572 : i32 to index
          %swap3A_1573 = tpu.vector_load %arg9[%swap3A] {strides = array<i32>} : memref<10400xi32, #tpu.memory_space<vmem>>, vector<16xi32>,
          tpu.vector_store %arg9[%swap3A], %mul3A_1570 {strides = array<i32>} : memref<10400xi32, #tpu.memory_space<vmem>>, vector<16xi32>,
          %mul3A_1574 = arith.constant 20165 : i32
          %mul3A_1575 = vector.broadcast %mul3A_1574 : i32 to vector<16xi32>
          %mul3A_1576 = arith.muli %add3A_1483, %mul3A_1575 : vector<16xi32>
          %shift_right_logical3A_1577 = arith.constant 19 : i32
          %shift_right_logical3A_1578 = vector.broadcast %shift_right_logical3A_1577 : i32 to vector<16xi32>
          %shift_right_logical3A_1579 = arith.shrui %mul3A_1576, %shift_right_logical3A_1578 : vector<16xi32>
          %min3A_1580 = arith.constant 255 : i32
          %min3A_1581 = vector.broadcast %min3A_1580 : i32 to vector<16xi32>
          %min3A_1582 = arith.minsi %shift_right_logical3A_1579, %min3A_1581 : vector<16xi32>
          %mul3A_1583 = arith.constant 9 : i32
          %mul3A_1584 = vector.broadcast %mul3A_1583 : i32 to vector<16xi32>
          %mul3A_1585 = arith.muli %min3A_1582, %mul3A_1584 : vector<16xi32>
          %add3A_1586 = arith.constant 16 : i32
          %add3A_1587 = arith.addi %mul3A_367, %add3A_1586 : i32
          %swap3A_1588 = arith.index_cast %add3A_1587 : i32 to index
          %swap3A_1589 = tpu.vector_load %arg9[%swap3A_1588] {strides = array<i32>} : memref<10400xi32, #tpu.memory_space<vmem>>, vector<16xi32>,
          tpu.vector_store %arg9[%swap3A_1588], %mul3A_1585 {strides = array<i32>} : memref<10400xi32, #tpu.memory_space<vmem>>, vector<16xi32>,
          %mul3A_1590 = arith.constant 20165 : i32
          %mul3A_1591 = vector.broadcast %mul3A_1590 : i32 to vector<16xi32>
          %mul3A_1592 = arith.muli %add3A_1490, %mul3A_1591 : vector<16xi32>
          %shift_right_logical3A_1593 = arith.constant 19 : i32
          %shift_right_logical3A_1594 = vector.broadcast %shift_right_logical3A_1593 : i32 to vector<16xi32>
          %shift_right_logical3A_1595 = arith.shrui %mul3A_1592, %shift_right_logical3A_1594 : vector<16xi32>
          %min3A_1596 = arith.constant 255 : i32
          %min3A_1597 = vector.broadcast %min3A_1596 : i32 to vector<16xi32>
          %min3A_1598 = arith.minsi %shift_right_logical3A_1595, %min3A_1597 : vector<16xi32>
          %mul3A_1599 = arith.constant 9 : i32
          %mul3A_1600 = vector.broadcast %mul3A_1599 : i32 to vector<16xi32>
          %mul3A_1601 = arith.muli %min3A_1598, %mul3A_1600 : vector<16xi32>
          %add3A_1602 = arith.constant 32 : i32
          %add3A_1603 = arith.addi %mul3A_367, %add3A_1602 : i32
          %swap3A_1604 = arith.index_cast %add3A_1603 : i32 to index
          %swap3A_1605 = tpu.vector_load %arg9[%swap3A_1604] {strides = array<i32>} : memref<10400xi32, #tpu.memory_space<vmem>>, vector<16xi32>,
          tpu.vector_store %arg9[%swap3A_1604], %mul3A_1601 {strides = array<i32>} : memref<10400xi32, #tpu.memory_space<vmem>>, vector<16xi32>,
          %mul3A_1606 = arith.constant 20165 : i32
          %mul3A_1607 = vector.broadcast %mul3A_1606 : i32 to vector<16xi32>
          %mul3A_1608 = arith.muli %add3A_1497, %mul3A_1607 : vector<16xi32>
          %shift_right_logical3A_1609 = arith.constant 19 : i32
          %shift_right_logical3A_1610 = vector.broadcast %shift_right_logical3A_1609 : i32 to vector<16xi32>
          %shift_right_logical3A_1611 = arith.shrui %mul3A_1608, %shift_right_logical3A_1610 : vector<16xi32>
          %min3A_1612 = arith.constant 255 : i32
          %min3A_1613 = vector.broadcast %min3A_1612 : i32 to vector<16xi32>
          %min3A_1614 = arith.minsi %shift_right_logical3A_1611, %min3A_1613 : vector<16xi32>
          %mul3A_1615 = arith.constant 9 : i32
          %mul3A_1616 = vector.broadcast %mul3A_1615 : i32 to vector<16xi32>
          %mul3A_1617 = arith.muli %min3A_1614, %mul3A_1616 : vector<16xi32>
          %add3A_1618 = arith.constant 48 : i32
          %add3A_1619 = arith.addi %mul3A_367, %add3A_1618 : i32
          %swap3A_1620 = arith.index_cast %add3A_1619 : i32 to index
          %swap3A_1621 = tpu.vector_load %arg9[%swap3A_1620] {strides = array<i32>} : memref<10400xi32, #tpu.memory_space<vmem>>, vector<16xi32>,
          tpu.vector_store %arg9[%swap3A_1620], %mul3A_1617 {strides = array<i32>} : memref<10400xi32, #tpu.memory_space<vmem>>, vector<16xi32>,
          %mul3A_1622 = arith.constant 20165 : i32
          %mul3A_1623 = vector.broadcast %mul3A_1622 : i32 to vector<16xi32>
          %mul3A_1624 = arith.muli %add3A_1504, %mul3A_1623 : vector<16xi32>
          %shift_right_logical3A_1625 = arith.constant 19 : i32
          %shift_right_logical3A_1626 = vector.broadcast %shift_right_logical3A_1625 : i32 to vector<16xi32>
          %shift_right_logical3A_1627 = arith.shrui %mul3A_1624, %shift_right_logical3A_1626 : vector<16xi32>
          %min3A_1628 = arith.constant 255 : i32
          %min3A_1629 = vector.broadcast %min3A_1628 : i32 to vector<16xi32>
          %min3A_1630 = arith.minsi %shift_right_logical3A_1627, %min3A_1629 : vector<16xi32>
          %mul3A_1631 = arith.constant 9 : i32
          %mul3A_1632 = vector.broadcast %mul3A_1631 : i32 to vector<16xi32>
          %mul3A_1633 = arith.muli %min3A_1630, %mul3A_1632 : vector<16xi32>
          %add3A_1634 = arith.constant 64 : i32
          %add3A_1635 = arith.addi %mul3A_367, %add3A_1634 : i32
          %swap3A_1636 = arith.index_cast %add3A_1635 : i32 to index
          %swap3A_1637 = tpu.vector_load %arg9[%swap3A_1636] {strides = array<i32>} : memref<10400xi32, #tpu.memory_space<vmem>>, vector<16xi32>,
          tpu.vector_store %arg9[%swap3A_1636], %mul3A_1633 {strides = array<i32>} : memref<10400xi32, #tpu.memory_space<vmem>>, vector<16xi32>,
          %mul3A_1638 = arith.constant 20165 : i32
          %mul3A_1639 = vector.broadcast %mul3A_1638 : i32 to vector<16xi32>
          %mul3A_1640 = arith.muli %add3A_1511, %mul3A_1639 : vector<16xi32>
          %shift_right_logical3A_1641 = arith.constant 19 : i32
          %shift_right_logical3A_1642 = vector.broadcast %shift_right_logical3A_1641 : i32 to vector<16xi32>
          %shift_right_logical3A_1643 = arith.shrui %mul3A_1640, %shift_right_logical3A_1642 : vector<16xi32>
          %min3A_1644 = arith.constant 255 : i32
          %min3A_1645 = vector.broadcast %min3A_1644 : i32 to vector<16xi32>
          %min3A_1646 = arith.minsi %shift_right_logical3A_1643, %min3A_1645 : vector<16xi32>
          %mul3A_1647 = arith.constant 9 : i32
          %mul3A_1648 = vector.broadcast %mul3A_1647 : i32 to vector<16xi32>
          %mul3A_1649 = arith.muli %min3A_1646, %mul3A_1648 : vector<16xi32>
          %add3A_1650 = arith.constant 80 : i32
          %add3A_1651 = arith.addi %mul3A_367, %add3A_1650 : i32
          %swap3A_1652 = arith.index_cast %add3A_1651 : i32 to index
          %swap3A_1653 = tpu.vector_load %arg9[%swap3A_1652] {strides = array<i32>} : memref<10400xi32, #tpu.memory_space<vmem>>, vector<16xi32>,
          tpu.vector_store %arg9[%swap3A_1652], %mul3A_1649 {strides = array<i32>} : memref<10400xi32, #tpu.memory_space<vmem>>, vector<16xi32>,
          %mul3A_1654 = arith.constant 20165 : i32
          %mul3A_1655 = vector.broadcast %mul3A_1654 : i32 to vector<16xi32>
          %mul3A_1656 = arith.muli %add3A_1518, %mul3A_1655 : vector<16xi32>
          %shift_right_logical3A_1657 = arith.constant 19 : i32
          %shift_right_logical3A_1658 = vector.broadcast %shift_right_logical3A_1657 : i32 to vector<16xi32>
          %shift_right_logical3A_1659 = arith.shrui %mul3A_1656, %shift_right_logical3A_1658 : vector<16xi32>
          %min3A_1660 = arith.constant 255 : i32
          %min3A_1661 = vector.broadcast %min3A_1660 : i32 to vector<16xi32>
          %min3A_1662 = arith.minsi %shift_right_logical3A_1659, %min3A_1661 : vector<16xi32>
          %mul3A_1663 = arith.constant 9 : i32
          %mul3A_1664 = vector.broadcast %mul3A_1663 : i32 to vector<16xi32>
          %mul3A_1665 = arith.muli %min3A_1662, %mul3A_1664 : vector<16xi32>
          %add3A_1666 = arith.constant 96 : i32
          %add3A_1667 = arith.addi %mul3A_367, %add3A_1666 : i32
          %swap3A_1668 = arith.index_cast %add3A_1667 : i32 to index
          %swap3A_1669 = tpu.vector_load %arg9[%swap3A_1668] {strides = array<i32>} : memref<10400xi32, #tpu.memory_space<vmem>>, vector<16xi32>,
          tpu.vector_store %arg9[%swap3A_1668], %mul3A_1665 {strides = array<i32>} : memref<10400xi32, #tpu.memory_space<vmem>>, vector<16xi32>,
          %mul3A_1670 = arith.constant 20165 : i32
          %mul3A_1671 = vector.broadcast %mul3A_1670 : i32 to vector<16xi32>
          %mul3A_1672 = arith.muli %add3A_1525, %mul3A_1671 : vector<16xi32>
          %shift_right_logical3A_1673 = arith.constant 19 : i32
          %shift_right_logical3A_1674 = vector.broadcast %shift_right_logical3A_1673 : i32 to vector<16xi32>
          %shift_right_logical3A_1675 = arith.shrui %mul3A_1672, %shift_right_logical3A_1674 : vector<16xi32>
          %min3A_1676 = arith.constant 255 : i32
          %min3A_1677 = vector.broadcast %min3A_1676 : i32 to vector<16xi32>
          %min3A_1678 = arith.minsi %shift_right_logical3A_1675, %min3A_1677 : vector<16xi32>
          %mul3A_1679 = arith.constant 9 : i32
          %mul3A_1680 = vector.broadcast %mul3A_1679 : i32 to vector<16xi32>
          %mul3A_1681 = arith.muli %min3A_1678, %mul3A_1680 : vector<16xi32>
          %add3A_1682 = arith.constant 112 : i32
          %add3A_1683 = arith.addi %mul3A_367, %add3A_1682 : i32
          %swap3A_1684 = arith.index_cast %add3A_1683 : i32 to index
          %swap3A_1685 = tpu.vector_load %arg9[%swap3A_1684] {strides = array<i32>} : memref<10400xi32, #tpu.memory_space<vmem>>, vector<16xi32>,
          tpu.vector_store %arg9[%swap3A_1684], %mul3A_1681 {strides = array<i32>} : memref<10400xi32, #tpu.memory_space<vmem>>, vector<16xi32>,
          %mul3A_1686 = arith.constant 20165 : i32
          %mul3A_1687 = vector.broadcast %mul3A_1686 : i32 to vector<16xi32>
          %mul3A_1688 = arith.muli %add3A_1532, %mul3A_1687 : vector<16xi32>
          %shift_right_logical3A_1689 = arith.constant 19 : i32
          %shift_right_logical3A_1690 = vector.broadcast %shift_right_logical3A_1689 : i32 to vector<16xi32>
          %shift_right_logical3A_1691 = arith.shrui %mul3A_1688, %shift_right_logical3A_1690 : vector<16xi32>
          %min3A_1692 = arith.constant 255 : i32
          %min3A_1693 = vector.broadcast %min3A_1692 : i32 to vector<16xi32>
          %min3A_1694 = arith.minsi %shift_right_logical3A_1691, %min3A_1693 : vector<16xi32>
          %mul3A_1695 = arith.constant 9 : i32
          %mul3A_1696 = vector.broadcast %mul3A_1695 : i32 to vector<16xi32>
          %mul3A_1697 = arith.muli %min3A_1694, %mul3A_1696 : vector<16xi32>
          %add3A_1698 = arith.constant 128 : i32
          %add3A_1699 = arith.addi %mul3A_367, %add3A_1698 : i32
          %swap3A_1700 = arith.index_cast %add3A_1699 : i32 to index
          %swap3A_1701 = tpu.vector_load %arg9[%swap3A_1700] {strides = array<i32>} : memref<10400xi32, #tpu.memory_space<vmem>>, vector<16xi32>,
          tpu.vector_store %arg9[%swap3A_1700], %mul3A_1697 {strides = array<i32>} : memref<10400xi32, #tpu.memory_space<vmem>>, vector<16xi32>,
          %mul3A_1702 = arith.constant 20165 : i32
          %mul3A_1703 = vector.broadcast %mul3A_1702 : i32 to vector<16xi32>
          %mul3A_1704 = arith.muli %add3A_1539, %mul3A_1703 : vector<16xi32>
          %shift_right_logical3A_1705 = arith.constant 19 : i32
          %shift_right_logical3A_1706 = vector.broadcast %shift_right_logical3A_1705 : i32 to vector<16xi32>
          %shift_right_logical3A_1707 = arith.shrui %mul3A_1704, %shift_right_logical3A_1706 : vector<16xi32>
          %min3A_1708 = arith.constant 255 : i32
          %min3A_1709 = vector.broadcast %min3A_1708 : i32 to vector<16xi32>
          %min3A_1710 = arith.minsi %shift_right_logical3A_1707, %min3A_1709 : vector<16xi32>
          %mul3A_1711 = arith.constant 9 : i32
          %mul3A_1712 = vector.broadcast %mul3A_1711 : i32 to vector<16xi32>
          %mul3A_1713 = arith.muli %min3A_1710, %mul3A_1712 : vector<16xi32>
          %add3A_1714 = arith.constant 144 : i32
          %add3A_1715 = arith.addi %mul3A_367, %add3A_1714 : i32
          %swap3A_1716 = arith.index_cast %add3A_1715 : i32 to index
          %swap3A_1717 = tpu.vector_load %arg9[%swap3A_1716] {strides = array<i32>} : memref<10400xi32, #tpu.memory_space<vmem>>, vector<16xi32>,
          tpu.vector_store %arg9[%swap3A_1716], %mul3A_1713 {strides = array<i32>} : memref<10400xi32, #tpu.memory_space<vmem>>, vector<16xi32>,
          %mul3A_1718 = arith.constant 20165 : i32
          %mul3A_1719 = vector.broadcast %mul3A_1718 : i32 to vector<16xi32>
          %mul3A_1720 = arith.muli %add3A_1546, %mul3A_1719 : vector<16xi32>
          %shift_right_logical3A_1721 = arith.constant 19 : i32
          %shift_right_logical3A_1722 = vector.broadcast %shift_right_logical3A_1721 : i32 to vector<16xi32>
          %shift_right_logical3A_1723 = arith.shrui %mul3A_1720, %shift_right_logical3A_1722 : vector<16xi32>
          %min3A_1724 = arith.constant 255 : i32
          %min3A_1725 = vector.broadcast %min3A_1724 : i32 to vector<16xi32>
          %min3A_1726 = arith.minsi %shift_right_logical3A_1723, %min3A_1725 : vector<16xi32>
          %mul3A_1727 = arith.constant 9 : i32
          %mul3A_1728 = vector.broadcast %mul3A_1727 : i32 to vector<16xi32>
          %mul3A_1729 = arith.muli %min3A_1726, %mul3A_1728 : vector<16xi32>
          %add3A_1730 = arith.constant 160 : i32
          %add3A_1731 = arith.addi %mul3A_367, %add3A_1730 : i32
          %swap3A_1732 = arith.index_cast %add3A_1731 : i32 to index
          %swap3A_1733 = tpu.vector_load %arg9[%swap3A_1732] {strides = array<i32>} : memref<10400xi32, #tpu.memory_space<vmem>>, vector<16xi32>,
          tpu.vector_store %arg9[%swap3A_1732], %mul3A_1729 {strides = array<i32>} : memref<10400xi32, #tpu.memory_space<vmem>>, vector<16xi32>,
          %mul3A_1734 = arith.constant 20165 : i32
          %mul3A_1735 = vector.broadcast %mul3A_1734 : i32 to vector<16xi32>
          %mul3A_1736 = arith.muli %add3A_1553, %mul3A_1735 : vector<16xi32>
          %shift_right_logical3A_1737 = arith.constant 19 : i32
          %shift_right_logical3A_1738 = vector.broadcast %shift_right_logical3A_1737 : i32 to vector<16xi32>
          %shift_right_logical3A_1739 = arith.shrui %mul3A_1736, %shift_right_logical3A_1738 : vector<16xi32>
          %min3A_1740 = arith.constant 255 : i32
          %min3A_1741 = vector.broadcast %min3A_1740 : i32 to vector<16xi32>
          %min3A_1742 = arith.minsi %shift_right_logical3A_1739, %min3A_1741 : vector<16xi32>
          %mul3A_1743 = arith.constant 9 : i32
          %mul3A_1744 = vector.broadcast %mul3A_1743 : i32 to vector<16xi32>
          %mul3A_1745 = arith.muli %min3A_1742, %mul3A_1744 : vector<16xi32>
          %add3A_1746 = arith.constant 176 : i32
          %add3A_1747 = arith.addi %mul3A_367, %add3A_1746 : i32
          %swap3A_1748 = arith.index_cast %add3A_1747 : i32 to index
          %swap3A_1749 = tpu.vector_load %arg9[%swap3A_1748] {strides = array<i32>} : memref<10400xi32, #tpu.memory_space<vmem>>, vector<16xi32>,
          tpu.vector_store %arg9[%swap3A_1748], %mul3A_1745 {strides = array<i32>} : memref<10400xi32, #tpu.memory_space<vmem>>, vector<16xi32>,
          %mul3A_1750 = arith.constant 20165 : i32
          %mul3A_1751 = vector.broadcast %mul3A_1750 : i32 to vector<16xi32>
          %mul3A_1752 = arith.muli %add3A_1560, %mul3A_1751 : vector<16xi32>
          %shift_right_logical3A_1753 = arith.constant 19 : i32
          %shift_right_logical3A_1754 = vector.broadcast %shift_right_logical3A_1753 : i32 to vector<16xi32>
          %shift_right_logical3A_1755 = arith.shrui %mul3A_1752, %shift_right_logical3A_1754 : vector<16xi32>
          %min3A_1756 = arith.constant 255 : i32
          %min3A_1757 = vector.broadcast %min3A_1756 : i32 to vector<16xi32>
          %min3A_1758 = arith.minsi %shift_right_logical3A_1755, %min3A_1757 : vector<16xi32>
          %mul3A_1759 = arith.constant 9 : i32
          %mul3A_1760 = vector.broadcast %mul3A_1759 : i32 to vector<16xi32>
          %mul3A_1761 = arith.muli %min3A_1758, %mul3A_1760 : vector<16xi32>
          %add3A_1762 = arith.constant 192 : i32
          %add3A_1763 = arith.addi %mul3A_367, %add3A_1762 : i32
          %swap3A_1764 = arith.index_cast %add3A_1763 : i32 to index
          %swap3A_1765 = tpu.vector_load %arg9[%swap3A_1764] {strides = array<i32>} : memref<10400xi32, #tpu.memory_space<vmem>>, vector<16xi32>,
          tpu.vector_store %arg9[%swap3A_1764], %mul3A_1761 {strides = array<i32>} : memref<10400xi32, #tpu.memory_space<vmem>>, vector<16xi32>,
          %scan3A_1766 = arith.constant 0 : i32
          scf.yield %scan3A_1766 : i32
        }
        %scan3A_345 = arith.constant 50 : i32
        %scan3A_346 = arith.constant 0 : i32
        %scan3A_347 = arith.constant 0 : i32
        %scan3A_348 = arith.constant 25 : i32
        %scan3A_349 = arith.addi %scan3A_347, %scan3A_348 : i32
        %scan3A_350 = arith.constant 1 : i32
        %scan3A_351 = scf.for %scan3A_364 = %scan3A_347 to %scan3A_349 step %scan3A_350 iter_args(%scan3A_365 = %scan3A_346) -> (i32)  : i32 {
          %mul3A_366 = arith.constant 416 : i32
          %mul3A_367 = arith.muli %scan3A_364, %mul3A_366 : i32
          %add3A_368 = vector.broadcast %mul3A_367 : i32 to vector<16xi32>
          %add3A_369 = arith.addi %mul3A_321, %add3A_368 : vector<16xi32>
          %mul3A_370 = arith.constant 17 : i32
          %mul3A_371 = vector.broadcast %mul3A_370 : i32 to vector<16xi32>
          %mul3A_372 = arith.muli %iota3A, %mul3A_371 : vector<16xi32>
          %mul3A_373 = arith.constant 272 : i32
          %mul3A_374 = arith.muli %scan3A_364, %mul3A_373 : i32
          %add3A_375 = vector.broadcast %mul3A_374 : i32 to vector<16xi32>
          %add3A_376 = arith.addi %mul3A_372, %add3A_375 : vector<16xi32>
          %add3A_377 = arith.constant 0 : i32
          %add3A_378 = vector.broadcast %add3A_377 : i32 to vector<16xi32>
          %add3A_379 = arith.addi %add3A_369, %add3A_378 : vector<16xi32>
          %gather3A = tpu.vector_load_idx %arg9[%add3A_379] : memref<10400xi32, #tpu.memory_space<vmem>>[vector<16xi32>], vector<16xi32>,
          %add3A_380 = arith.constant 1 : i32
          %add3A_381 = vector.broadcast %add3A_380 : i32 to vector<16xi32>
          %add3A_382 = arith.addi %add3A_369, %add3A_381 : vector<16xi32>
          %gather3A_383 = tpu.vector_load_idx %arg9[%add3A_382] : memref<10400xi32, #tpu.memory_space<vmem>>[vector<16xi32>], vector<16xi32>,
          %add3A_384 = arith.constant 2 : i32
          %add3A_385 = vector.broadcast %add3A_384 : i32 to vector<16xi32>
          %add3A_386 = arith.addi %add3A_369, %add3A_385 : vector<16xi32>
          %gather3A_387 = tpu.vector_load_idx %arg9[%add3A_386] : memref<10400xi32, #tpu.memory_space<vmem>>[vector<16xi32>], vector<16xi32>,
          %add3A_388 = arith.constant 3 : i32
          %add3A_389 = vector.broadcast %add3A_388 : i32 to vector<16xi32>
          %add3A_390 = arith.addi %add3A_369, %add3A_389 : vector<16xi32>
          %gather3A_391 = tpu.vector_load_idx %arg9[%add3A_390] : memref<10400xi32, #tpu.memory_space<vmem>>[vector<16xi32>], vector<16xi32>,
          %add3A_392 = arith.constant 4 : i32
          %add3A_393 = vector.broadcast %add3A_392 : i32 to vector<16xi32>
          %add3A_394 = arith.addi %add3A_369, %add3A_393 : vector<16xi32>
          %gather3A_395 = tpu.vector_load_idx %arg9[%add3A_394] : memref<10400xi32, #tpu.memory_space<vmem>>[vector<16xi32>], vector<16xi32>,
          %add3A_396 = arith.constant 5 : i32
          %add3A_397 = vector.broadcast %add3A_396 : i32 to vector<16xi32>
          %add3A_398 = arith.addi %add3A_369, %add3A_397 : vector<16xi32>
          %gather3A_399 = tpu.vector_load_idx %arg9[%add3A_398] : memref<10400xi32, #tpu.memory_space<vmem>>[vector<16xi32>], vector<16xi32>,
          %add3A_400 = arith.constant 6 : i32
          %add3A_401 = vector.broadcast %add3A_400 : i32 to vector<16xi32>
          %add3A_402 = arith.addi %add3A_369, %add3A_401 : vector<16xi32>
          %gather3A_403 = tpu.vector_load_idx %arg9[%add3A_402] : memref<10400xi32, #tpu.memory_space<vmem>>[vector<16xi32>], vector<16xi32>,
          %add3A_404 = arith.constant 7 : i32
          %add3A_405 = vector.broadcast %add3A_404 : i32 to vector<16xi32>
          %add3A_406 = arith.addi %add3A_369, %add3A_405 : vector<16xi32>
          %gather3A_407 = tpu.vector_load_idx %arg9[%add3A_406] : memref<10400xi32, #tpu.memory_space<vmem>>[vector<16xi32>], vector<16xi32>,
          %add3A_408 = arith.constant 8 : i32
          %add3A_409 = vector.broadcast %add3A_408 : i32 to vector<16xi32>
          %add3A_410 = arith.addi %add3A_369, %add3A_409 : vector<16xi32>
          %gather3A_411 = tpu.vector_load_idx %arg9[%add3A_410] : memref<10400xi32, #tpu.memory_space<vmem>>[vector<16xi32>], vector<16xi32>,
          %add3A_412 = arith.constant 9 : i32
          %add3A_413 = vector.broadcast %add3A_412 : i32 to vector<16xi32>
          %add3A_414 = arith.addi %add3A_369, %add3A_413 : vector<16xi32>
          %gather3A_415 = tpu.vector_load_idx %arg9[%add3A_414] : memref<10400xi32, #tpu.memory_space<vmem>>[vector<16xi32>], vector<16xi32>,
          %add3A_416 = arith.constant 10 : i32
          %add3A_417 = vector.broadcast %add3A_416 : i32 to vector<16xi32>
          %add3A_418 = arith.addi %add3A_369, %add3A_417 : vector<16xi32>
          %gather3A_419 = tpu.vector_load_idx %arg9[%add3A_418] : memref<10400xi32, #tpu.memory_space<vmem>>[vector<16xi32>], vector<16xi32>,
          %add3A_420 = arith.constant 11 : i32
          %add3A_421 = vector.broadcast %add3A_420 : i32 to vector<16xi32>
          %add3A_422 = arith.addi %add3A_369, %add3A_421 : vector<16xi32>
          %gather3A_423 = tpu.vector_load_idx %arg9[%add3A_422] : memref<10400xi32, #tpu.memory_space<vmem>>[vector<16xi32>], vector<16xi32>,
          %add3A_424 = arith.constant 12 : i32
          %add3A_425 = vector.broadcast %add3A_424 : i32 to vector<16xi32>
          %add3A_426 = arith.addi %add3A_369, %add3A_425 : vector<16xi32>
          %gather3A_427 = tpu.vector_load_idx %arg9[%add3A_426] : memref<10400xi32, #tpu.memory_space<vmem>>[vector<16xi32>], vector<16xi32>,
          %add3A_428 = arith.constant 13 : i32
          %add3A_429 = vector.broadcast %add3A_428 : i32 to vector<16xi32>
          %add3A_430 = arith.addi %add3A_369, %add3A_429 : vector<16xi32>
          %gather3A_431 = tpu.vector_load_idx %arg9[%add3A_430] : memref<10400xi32, #tpu.memory_space<vmem>>[vector<16xi32>], vector<16xi32>,
          %add3A_432 = arith.constant 14 : i32
          %add3A_433 = vector.broadcast %add3A_432 : i32 to vector<16xi32>
          %add3A_434 = arith.addi %add3A_369, %add3A_433 : vector<16xi32>
          %gather3A_435 = tpu.vector_load_idx %arg9[%add3A_434] : memref<10400xi32, #tpu.memory_space<vmem>>[vector<16xi32>], vector<16xi32>,
          %add3A_436 = arith.constant 15 : i32
          %add3A_437 = vector.broadcast %add3A_436 : i32 to vector<16xi32>
          %add3A_438 = arith.addi %add3A_369, %add3A_437 : vector<16xi32>
          %gather3A_439 = tpu.vector_load_idx %arg9[%add3A_438] : memref<10400xi32, #tpu.memory_space<vmem>>[vector<16xi32>], vector<16xi32>,
          %add3A_440 = arith.constant 16 : i32
          %add3A_441 = vector.broadcast %add3A_440 : i32 to vector<16xi32>
          %add3A_442 = arith.addi %add3A_369, %add3A_441 : vector<16xi32>
          %gather3A_443 = tpu.vector_load_idx %arg9[%add3A_442] : memref<10400xi32, #tpu.memory_space<vmem>>[vector<16xi32>], vector<16xi32>,
          %add3A_444 = arith.constant 17 : i32
          %add3A_445 = vector.broadcast %add3A_444 : i32 to vector<16xi32>
          %add3A_446 = arith.addi %add3A_369, %add3A_445 : vector<16xi32>
          %gather3A_447 = tpu.vector_load_idx %arg9[%add3A_446] : memref<10400xi32, #tpu.memory_space<vmem>>[vector<16xi32>], vector<16xi32>,
          %add3A_448 = arith.constant 18 : i32
          %add3A_449 = vector.broadcast %add3A_448 : i32 to vector<16xi32>
          %add3A_450 = arith.addi %add3A_369, %add3A_449 : vector<16xi32>
          %gather3A_451 = tpu.vector_load_idx %arg9[%add3A_450] : memref<10400xi32, #tpu.memory_space<vmem>>[vector<16xi32>], vector<16xi32>,
          %add3A_452 = arith.constant 19 : i32
          %add3A_453 = vector.broadcast %add3A_452 : i32 to vector<16xi32>
          %add3A_454 = arith.addi %add3A_369, %add3A_453 : vector<16xi32>
          %gather3A_455 = tpu.vector_load_idx %arg9[%add3A_454] : memref<10400xi32, #tpu.memory_space<vmem>>[vector<16xi32>], vector<16xi32>,
          %add3A_456 = arith.constant 20 : i32
          %add3A_457 = vector.broadcast %add3A_456 : i32 to vector<16xi32>
          %add3A_458 = arith.addi %add3A_369, %add3A_457 : vector<16xi32>
          %gather3A_459 = tpu.vector_load_idx %arg9[%add3A_458] : memref<10400xi32, #tpu.memory_space<vmem>>[vector<16xi32>], vector<16xi32>,
          %add3A_460 = arith.constant 21 : i32
          %add3A_461 = vector.broadcast %add3A_460 : i32 to vector<16xi32>
          %add3A_462 = arith.addi %add3A_369, %add3A_461 : vector<16xi32>
          %gather3A_463 = tpu.vector_load_idx %arg9[%add3A_462] : memref<10400xi32, #tpu.memory_space<vmem>>[vector<16xi32>], vector<16xi32>,
          %add3A_464 = arith.constant 22 : i32
          %add3A_465 = vector.broadcast %add3A_464 : i32 to vector<16xi32>
          %add3A_466 = arith.addi %add3A_369, %add3A_465 : vector<16xi32>
          %gather3A_467 = tpu.vector_load_idx %arg9[%add3A_466] : memref<10400xi32, #tpu.memory_space<vmem>>[vector<16xi32>], vector<16xi32>,
          %add3A_468 = arith.constant 23 : i32
          %add3A_469 = vector.broadcast %add3A_468 : i32 to vector<16xi32>
          %add3A_470 = arith.addi %add3A_369, %add3A_469 : vector<16xi32>
          %gather3A_471 = tpu.vector_load_idx %arg9[%add3A_470] : memref<10400xi32, #tpu.memory_space<vmem>>[vector<16xi32>], vector<16xi32>,
          %add3A_472 = arith.constant 24 : i32
          %add3A_473 = vector.broadcast %add3A_472 : i32 to vector<16xi32>
          %add3A_474 = arith.addi %add3A_369, %add3A_473 : vector<16xi32>
          %gather3A_475 = tpu.vector_load_idx %arg9[%add3A_474] : memref<10400xi32, #tpu.memory_space<vmem>>[vector<16xi32>], vector<16xi32>,
          %add3A_476 = arith.constant 25 : i32
          %add3A_477 = vector.broadcast %add3A_476 : i32 to vector<16xi32>
          %add3A_478 = arith.addi %add3A_369, %add3A_477 : vector<16xi32>
          %gather3A_479 = tpu.vector_load_idx %arg9[%add3A_478] : memref<10400xi32, #tpu.memory_space<vmem>>[vector<16xi32>], vector<16xi32>,
          %broadcast_in_dim3A = arith.constant -65536 : i32
          %broadcast_in_dim3A_480 = vector.broadcast %broadcast_in_dim3A : i32 to vector<16xi32>
          %add3A_481 = arith.constant 0 : i32
          %add3A_482 = vector.broadcast %add3A_481 : i32 to vector<16xi32>
          %add3A_483 = arith.addi %gather3A, %add3A_482 : vector<16xi32>
          %gather3A_484 = tpu.vector_load_idx %arg7[%add3A_483] : memref<2304xi32, #tpu.memory_space<vmem>>[vector<16xi32>], vector<16xi32>,
          %shift_left3A = arith.constant 16 : i32
          %shift_left3A_485 = vector.broadcast %shift_left3A : i32 to vector<16xi32>
          %shift_left3A_486 = arith.shli %gather3A_484, %shift_left3A_485 : vector<16xi32>
          %bitcast3A = vector.bitcast %shift_left3A_486 : vector<16xi32> to vector<16xf32>
          %and3A_487 = arith.andi %gather3A_484, %broadcast_in_dim3A_480 : vector<16xi32>
          %bitcast3A_488 = vector.bitcast %and3A_487 : vector<16xi32> to vector<16xf32>
          %add3A_489 = arith.constant 1 : i32
          %add3A_490 = vector.broadcast %add3A_489 : i32 to vector<16xi32>
          %add3A_491 = arith.addi %gather3A, %add3A_490 : vector<16xi32>
          %gather3A_492 = tpu.vector_load_idx %arg7[%add3A_491] : memref<2304xi32, #tpu.memory_space<vmem>>[vector<16xi32>], vector<16xi32>,
          %shift_left3A_493 = arith.constant 16 : i32
          %shift_left3A_494 = vector.broadcast %shift_left3A_493 : i32 to vector<16xi32>
          %shift_left3A_495 = arith.shli %gather3A_492, %shift_left3A_494 : vector<16xi32>
          %bitcast3A_496 = vector.bitcast %shift_left3A_495 : vector<16xi32> to vector<16xf32>
          %and3A_497 = arith.andi %gather3A_492, %broadcast_in_dim3A_480 : vector<16xi32>
          %bitcast3A_498 = vector.bitcast %and3A_497 : vector<16xi32> to vector<16xf32>
          %add3A_499 = arith.constant 2 : i32
          %add3A_500 = vector.broadcast %add3A_499 : i32 to vector<16xi32>
          %add3A_501 = arith.addi %gather3A, %add3A_500 : vector<16xi32>
          %gather3A_502 = tpu.vector_load_idx %arg7[%add3A_501] : memref<2304xi32, #tpu.memory_space<vmem>>[vector<16xi32>], vector<16xi32>,
          %shift_left3A_503 = arith.constant 16 : i32
          %shift_left3A_504 = vector.broadcast %shift_left3A_503 : i32 to vector<16xi32>
          %shift_left3A_505 = arith.shli %gather3A_502, %shift_left3A_504 : vector<16xi32>
          %bitcast3A_506 = vector.bitcast %shift_left3A_505 : vector<16xi32> to vector<16xf32>
          %and3A_507 = arith.andi %gather3A_502, %broadcast_in_dim3A_480 : vector<16xi32>
          %bitcast3A_508 = vector.bitcast %and3A_507 : vector<16xi32> to vector<16xf32>
          %add3A_509 = arith.constant 3 : i32
          %add3A_510 = vector.broadcast %add3A_509 : i32 to vector<16xi32>
          %add3A_511 = arith.addi %gather3A, %add3A_510 : vector<16xi32>
          %gather3A_512 = tpu.vector_load_idx %arg7[%add3A_511] : memref<2304xi32, #tpu.memory_space<vmem>>[vector<16xi32>], vector<16xi32>,
          %shift_left3A_513 = arith.constant 16 : i32
          %shift_left3A_514 = vector.broadcast %shift_left3A_513 : i32 to vector<16xi32>
          %shift_left3A_515 = arith.shli %gather3A_512, %shift_left3A_514 : vector<16xi32>
          %bitcast3A_516 = vector.bitcast %shift_left3A_515 : vector<16xi32> to vector<16xf32>
          %and3A_517 = arith.andi %gather3A_512, %broadcast_in_dim3A_480 : vector<16xi32>
          %bitcast3A_518 = vector.bitcast %and3A_517 : vector<16xi32> to vector<16xf32>
          %add3A_519 = arith.constant 4 : i32
          %add3A_520 = vector.broadcast %add3A_519 : i32 to vector<16xi32>
          %add3A_521 = arith.addi %gather3A, %add3A_520 : vector<16xi32>
          %gather3A_522 = tpu.vector_load_idx %arg7[%add3A_521] : memref<2304xi32, #tpu.memory_space<vmem>>[vector<16xi32>], vector<16xi32>,
          %shift_left3A_523 = arith.constant 16 : i32
          %shift_left3A_524 = vector.broadcast %shift_left3A_523 : i32 to vector<16xi32>
          %shift_left3A_525 = arith.shli %gather3A_522, %shift_left3A_524 : vector<16xi32>
          %bitcast3A_526 = vector.bitcast %shift_left3A_525 : vector<16xi32> to vector<16xf32>
          %and3A_527 = arith.andi %gather3A_522, %broadcast_in_dim3A_480 : vector<16xi32>
          %bitcast3A_528 = vector.bitcast %and3A_527 : vector<16xi32> to vector<16xf32>
          %add3A_529 = arith.constant 5 : i32
          %add3A_530 = vector.broadcast %add3A_529 : i32 to vector<16xi32>
          %add3A_531 = arith.addi %gather3A, %add3A_530 : vector<16xi32>
          %gather3A_532 = tpu.vector_load_idx %arg7[%add3A_531] : memref<2304xi32, #tpu.memory_space<vmem>>[vector<16xi32>], vector<16xi32>,
          %shift_left3A_533 = arith.constant 16 : i32
          %shift_left3A_534 = vector.broadcast %shift_left3A_533 : i32 to vector<16xi32>
          %shift_left3A_535 = arith.shli %gather3A_532, %shift_left3A_534 : vector<16xi32>
          %bitcast3A_536 = vector.bitcast %shift_left3A_535 : vector<16xi32> to vector<16xf32>
          %and3A_537 = arith.andi %gather3A_532, %broadcast_in_dim3A_480 : vector<16xi32>
          %bitcast3A_538 = vector.bitcast %and3A_537 : vector<16xi32> to vector<16xf32>
          %add3A_539 = arith.constant 6 : i32
          %add3A_540 = vector.broadcast %add3A_539 : i32 to vector<16xi32>
          %add3A_541 = arith.addi %gather3A, %add3A_540 : vector<16xi32>
          %gather3A_542 = tpu.vector_load_idx %arg7[%add3A_541] : memref<2304xi32, #tpu.memory_space<vmem>>[vector<16xi32>], vector<16xi32>,
          %shift_left3A_543 = arith.constant 16 : i32
          %shift_left3A_544 = vector.broadcast %shift_left3A_543 : i32 to vector<16xi32>
          %shift_left3A_545 = arith.shli %gather3A_542, %shift_left3A_544 : vector<16xi32>
          %bitcast3A_546 = vector.bitcast %shift_left3A_545 : vector<16xi32> to vector<16xf32>
          %and3A_547 = arith.andi %gather3A_542, %broadcast_in_dim3A_480 : vector<16xi32>
          %bitcast3A_548 = vector.bitcast %and3A_547 : vector<16xi32> to vector<16xf32>
          %add3A_549 = arith.constant 7 : i32
          %add3A_550 = vector.broadcast %add3A_549 : i32 to vector<16xi32>
          %add3A_551 = arith.addi %gather3A, %add3A_550 : vector<16xi32>
          %gather3A_552 = tpu.vector_load_idx %arg7[%add3A_551] : memref<2304xi32, #tpu.memory_space<vmem>>[vector<16xi32>], vector<16xi32>,
          %shift_left3A_553 = arith.constant 16 : i32
          %shift_left3A_554 = vector.broadcast %shift_left3A_553 : i32 to vector<16xi32>
          %shift_left3A_555 = arith.shli %gather3A_552, %shift_left3A_554 : vector<16xi32>
          %bitcast3A_556 = vector.bitcast %shift_left3A_555 : vector<16xi32> to vector<16xf32>
          %and3A_557 = arith.andi %gather3A_552, %broadcast_in_dim3A_480 : vector<16xi32>
          %bitcast3A_558 = vector.bitcast %and3A_557 : vector<16xi32> to vector<16xf32>
          %add3A_559 = arith.constant 0 : i32
          %add3A_560 = vector.broadcast %add3A_559 : i32 to vector<16xi32>
          %add3A_561 = arith.addi %gather3A_383, %add3A_560 : vector<16xi32>
          %gather3A_562 = tpu.vector_load_idx %arg7[%add3A_561] : memref<2304xi32, #tpu.memory_space<vmem>>[vector<16xi32>], vector<16xi32>,
          %shift_left3A_563 = arith.constant 16 : i32
          %shift_left3A_564 = vector.broadcast %shift_left3A_563 : i32 to vector<16xi32>
          %shift_left3A_565 = arith.shli %gather3A_562, %shift_left3A_564 : vector<16xi32>
          %bitcast3A_566 = vector.bitcast %shift_left3A_565 : vector<16xi32> to vector<16xf32>
          %and3A_567 = arith.andi %gather3A_562, %broadcast_in_dim3A_480 : vector<16xi32>
          %bitcast3A_568 = vector.bitcast %and3A_567 : vector<16xi32> to vector<16xf32>
          %add3A_569 = arith.addf %bitcast3A, %bitcast3A_566 : vector<16xf32>
          %add3A_570 = arith.addf %bitcast3A_488, %bitcast3A_568 : vector<16xf32>
          %add3A_571 = arith.constant 1 : i32
          %add3A_572 = vector.broadcast %add3A_571 : i32 to vector<16xi32>
          %add3A_573 = arith.addi %gather3A_383, %add3A_572 : vector<16xi32>
          %gather3A_574 = tpu.vector_load_idx %arg7[%add3A_573] : memref<2304xi32, #tpu.memory_space<vmem>>[vector<16xi32>], vector<16xi32>,
          %shift_left3A_575 = arith.constant 16 : i32
          %shift_left3A_576 = vector.broadcast %shift_left3A_575 : i32 to vector<16xi32>
          %shift_left3A_577 = arith.shli %gather3A_574, %shift_left3A_576 : vector<16xi32>
          %bitcast3A_578 = vector.bitcast %shift_left3A_577 : vector<16xi32> to vector<16xf32>
          %and3A_579 = arith.andi %gather3A_574, %broadcast_in_dim3A_480 : vector<16xi32>
          %bitcast3A_580 = vector.bitcast %and3A_579 : vector<16xi32> to vector<16xf32>
          %add3A_581 = arith.addf %bitcast3A_496, %bitcast3A_578 : vector<16xf32>
          %add3A_582 = arith.addf %bitcast3A_498, %bitcast3A_580 : vector<16xf32>
          %add3A_583 = arith.constant 2 : i32
          %add3A_584 = vector.broadcast %add3A_583 : i32 to vector<16xi32>
          %add3A_585 = arith.addi %gather3A_383, %add3A_584 : vector<16xi32>
          %gather3A_586 = tpu.vector_load_idx %arg7[%add3A_585] : memref<2304xi32, #tpu.memory_space<vmem>>[vector<16xi32>], vector<16xi32>,
          %shift_left3A_587 = arith.constant 16 : i32
          %shift_left3A_588 = vector.broadcast %shift_left3A_587 : i32 to vector<16xi32>
          %shift_left3A_589 = arith.shli %gather3A_586, %shift_left3A_588 : vector<16xi32>
          %bitcast3A_590 = vector.bitcast %shift_left3A_589 : vector<16xi32> to vector<16xf32>
          %and3A_591 = arith.andi %gather3A_586, %broadcast_in_dim3A_480 : vector<16xi32>
          %bitcast3A_592 = vector.bitcast %and3A_591 : vector<16xi32> to vector<16xf32>
          %add3A_593 = arith.addf %bitcast3A_506, %bitcast3A_590 : vector<16xf32>
          %add3A_594 = arith.addf %bitcast3A_508, %bitcast3A_592 : vector<16xf32>
          %add3A_595 = arith.constant 3 : i32
          %add3A_596 = vector.broadcast %add3A_595 : i32 to vector<16xi32>
          %add3A_597 = arith.addi %gather3A_383, %add3A_596 : vector<16xi32>
          %gather3A_598 = tpu.vector_load_idx %arg7[%add3A_597] : memref<2304xi32, #tpu.memory_space<vmem>>[vector<16xi32>], vector<16xi32>,
          %shift_left3A_599 = arith.constant 16 : i32
          %shift_left3A_600 = vector.broadcast %shift_left3A_599 : i32 to vector<16xi32>
          %shift_left3A_601 = arith.shli %gather3A_598, %shift_left3A_600 : vector<16xi32>
          %bitcast3A_602 = vector.bitcast %shift_left3A_601 : vector<16xi32> to vector<16xf32>
          %and3A_603 = arith.andi %gather3A_598, %broadcast_in_dim3A_480 : vector<16xi32>
          %bitcast3A_604 = vector.bitcast %and3A_603 : vector<16xi32> to vector<16xf32>
          %add3A_605 = arith.addf %bitcast3A_516, %bitcast3A_602 : vector<16xf32>
          %add3A_606 = arith.addf %bitcast3A_518, %bitcast3A_604 : vector<16xf32>
          %add3A_607 = arith.constant 4 : i32
          %add3A_608 = vector.broadcast %add3A_607 : i32 to vector<16xi32>
          %add3A_609 = arith.addi %gather3A_383, %add3A_608 : vector<16xi32>
          %gather3A_610 = tpu.vector_load_idx %arg7[%add3A_609] : memref<2304xi32, #tpu.memory_space<vmem>>[vector<16xi32>], vector<16xi32>,
          %shift_left3A_611 = arith.constant 16 : i32
          %shift_left3A_612 = vector.broadcast %shift_left3A_611 : i32 to vector<16xi32>
          %shift_left3A_613 = arith.shli %gather3A_610, %shift_left3A_612 : vector<16xi32>
          %bitcast3A_614 = vector.bitcast %shift_left3A_613 : vector<16xi32> to vector<16xf32>
          %and3A_615 = arith.andi %gather3A_610, %broadcast_in_dim3A_480 : vector<16xi32>
          %bitcast3A_616 = vector.bitcast %and3A_615 : vector<16xi32> to vector<16xf32>
          %add3A_617 = arith.addf %bitcast3A_526, %bitcast3A_614 : vector<16xf32>
          %add3A_618 = arith.addf %bitcast3A_528, %bitcast3A_616 : vector<16xf32>
          %add3A_619 = arith.constant 5 : i32
          %add3A_620 = vector.broadcast %add3A_619 : i32 to vector<16xi32>
          %add3A_621 = arith.addi %gather3A_383, %add3A_620 : vector<16xi32>
          %gather3A_622 = tpu.vector_load_idx %arg7[%add3A_621] : memref<2304xi32, #tpu.memory_space<vmem>>[vector<16xi32>], vector<16xi32>,
          %shift_left3A_623 = arith.constant 16 : i32
          %shift_left3A_624 = vector.broadcast %shift_left3A_623 : i32 to vector<16xi32>
          %shift_left3A_625 = arith.shli %gather3A_622, %shift_left3A_624 : vector<16xi32>
          %bitcast3A_626 = vector.bitcast %shift_left3A_625 : vector<16xi32> to vector<16xf32>
          %and3A_627 = arith.andi %gather3A_622, %broadcast_in_dim3A_480 : vector<16xi32>
          %bitcast3A_628 = vector.bitcast %and3A_627 : vector<16xi32> to vector<16xf32>
          %add3A_629 = arith.addf %bitcast3A_536, %bitcast3A_626 : vector<16xf32>
          %add3A_630 = arith.addf %bitcast3A_538, %bitcast3A_628 : vector<16xf32>
          %add3A_631 = arith.constant 6 : i32
          %add3A_632 = vector.broadcast %add3A_631 : i32 to vector<16xi32>
          %add3A_633 = arith.addi %gather3A_383, %add3A_632 : vector<16xi32>
          %gather3A_634 = tpu.vector_load_idx %arg7[%add3A_633] : memref<2304xi32, #tpu.memory_space<vmem>>[vector<16xi32>], vector<16xi32>,
          %shift_left3A_635 = arith.constant 16 : i32
          %shift_left3A_636 = vector.broadcast %shift_left3A_635 : i32 to vector<16xi32>
          %shift_left3A_637 = arith.shli %gather3A_634, %shift_left3A_636 : vector<16xi32>
          %bitcast3A_638 = vector.bitcast %shift_left3A_637 : vector<16xi32> to vector<16xf32>
          %and3A_639 = arith.andi %gather3A_634, %broadcast_in_dim3A_480 : vector<16xi32>
          %bitcast3A_640 = vector.bitcast %and3A_639 : vector<16xi32> to vector<16xf32>
          %add3A_641 = arith.addf %bitcast3A_546, %bitcast3A_638 : vector<16xf32>
          %add3A_642 = arith.addf %bitcast3A_548, %bitcast3A_640 : vector<16xf32>
          %add3A_643 = arith.constant 7 : i32
          %add3A_644 = vector.broadcast %add3A_643 : i32 to vector<16xi32>
          %add3A_645 = arith.addi %gather3A_383, %add3A_644 : vector<16xi32>
          %gather3A_646 = tpu.vector_load_idx %arg7[%add3A_645] : memref<2304xi32, #tpu.memory_space<vmem>>[vector<16xi32>], vector<16xi32>,
          %shift_left3A_647 = arith.constant 16 : i32
          %shift_left3A_648 = vector.broadcast %shift_left3A_647 : i32 to vector<16xi32>
          %shift_left3A_649 = arith.shli %gather3A_646, %shift_left3A_648 : vector<16xi32>
          %bitcast3A_650 = vector.bitcast %shift_left3A_649 : vector<16xi32> to vector<16xf32>
          %and3A_651 = arith.andi %gather3A_646, %broadcast_in_dim3A_480 : vector<16xi32>
          %bitcast3A_652 = vector.bitcast %and3A_651 : vector<16xi32> to vector<16xf32>
          %add3A_653 = arith.addf %bitcast3A_556, %bitcast3A_650 : vector<16xf32>
          %add3A_654 = arith.addf %bitcast3A_558, %bitcast3A_652 : vector<16xf32>
          %add3A_655 = arith.constant 0 : i32
          %add3A_656 = vector.broadcast %add3A_655 : i32 to vector<16xi32>
          %add3A_657 = arith.addi %gather3A_387, %add3A_656 : vector<16xi32>
          %gather3A_658 = tpu.vector_load_idx %arg7[%add3A_657] : memref<2304xi32, #tpu.memory_space<vmem>>[vector<16xi32>], vector<16xi32>,
          %shift_left3A_659 = arith.constant 16 : i32
          %shift_left3A_660 = vector.broadcast %shift_left3A_659 : i32 to vector<16xi32>
          %shift_left3A_661 = arith.shli %gather3A_658, %shift_left3A_660 : vector<16xi32>
          %bitcast3A_662 = vector.bitcast %shift_left3A_661 : vector<16xi32> to vector<16xf32>
          %and3A_663 = arith.andi %gather3A_658, %broadcast_in_dim3A_480 : vector<16xi32>
          %bitcast3A_664 = vector.bitcast %and3A_663 : vector<16xi32> to vector<16xf32>
          %add3A_665 = arith.addf %add3A_569, %bitcast3A_662 : vector<16xf32>
          %add3A_666 = arith.addf %add3A_570, %bitcast3A_664 : vector<16xf32>
          %add3A_667 = arith.constant 1 : i32
          %add3A_668 = vector.broadcast %add3A_667 : i32 to vector<16xi32>
          %add3A_669 = arith.addi %gather3A_387, %add3A_668 : vector<16xi32>
          %gather3A_670 = tpu.vector_load_idx %arg7[%add3A_669] : memref<2304xi32, #tpu.memory_space<vmem>>[vector<16xi32>], vector<16xi32>,
          %shift_left3A_671 = arith.constant 16 : i32
          %shift_left3A_672 = vector.broadcast %shift_left3A_671 : i32 to vector<16xi32>
          %shift_left3A_673 = arith.shli %gather3A_670, %shift_left3A_672 : vector<16xi32>
          %bitcast3A_674 = vector.bitcast %shift_left3A_673 : vector<16xi32> to vector<16xf32>
          %and3A_675 = arith.andi %gather3A_670, %broadcast_in_dim3A_480 : vector<16xi32>
          %bitcast3A_676 = vector.bitcast %and3A_675 : vector<16xi32> to vector<16xf32>
          %add3A_677 = arith.addf %add3A_581, %bitcast3A_674 : vector<16xf32>
          %add3A_678 = arith.addf %add3A_582, %bitcast3A_676 : vector<16xf32>
          %add3A_679 = arith.constant 2 : i32
          %add3A_680 = vector.broadcast %add3A_679 : i32 to vector<16xi32>
          %add3A_681 = arith.addi %gather3A_387, %add3A_680 : vector<16xi32>
          %gather3A_682 = tpu.vector_load_idx %arg7[%add3A_681] : memref<2304xi32, #tpu.memory_space<vmem>>[vector<16xi32>], vector<16xi32>,
          %shift_left3A_683 = arith.constant 16 : i32
          %shift_left3A_684 = vector.broadcast %shift_left3A_683 : i32 to vector<16xi32>
          %shift_left3A_685 = arith.shli %gather3A_682, %shift_left3A_684 : vector<16xi32>
          %bitcast3A_686 = vector.bitcast %shift_left3A_685 : vector<16xi32> to vector<16xf32>
          %and3A_687 = arith.andi %gather3A_682, %broadcast_in_dim3A_480 : vector<16xi32>
          %bitcast3A_688 = vector.bitcast %and3A_687 : vector<16xi32> to vector<16xf32>
          %add3A_689 = arith.addf %add3A_593, %bitcast3A_686 : vector<16xf32>
          %add3A_690 = arith.addf %add3A_594, %bitcast3A_688 : vector<16xf32>
          %add3A_691 = arith.constant 3 : i32
          %add3A_692 = vector.broadcast %add3A_691 : i32 to vector<16xi32>
          %add3A_693 = arith.addi %gather3A_387, %add3A_692 : vector<16xi32>
          %gather3A_694 = tpu.vector_load_idx %arg7[%add3A_693] : memref<2304xi32, #tpu.memory_space<vmem>>[vector<16xi32>], vector<16xi32>,
          %shift_left3A_695 = arith.constant 16 : i32
          %shift_left3A_696 = vector.broadcast %shift_left3A_695 : i32 to vector<16xi32>
          %shift_left3A_697 = arith.shli %gather3A_694, %shift_left3A_696 : vector<16xi32>
          %bitcast3A_698 = vector.bitcast %shift_left3A_697 : vector<16xi32> to vector<16xf32>
          %and3A_699 = arith.andi %gather3A_694, %broadcast_in_dim3A_480 : vector<16xi32>
          %bitcast3A_700 = vector.bitcast %and3A_699 : vector<16xi32> to vector<16xf32>
          %add3A_701 = arith.addf %add3A_605, %bitcast3A_698 : vector<16xf32>
          %add3A_702 = arith.addf %add3A_606, %bitcast3A_700 : vector<16xf32>
          %add3A_703 = arith.constant 4 : i32
          %add3A_704 = vector.broadcast %add3A_703 : i32 to vector<16xi32>
          %add3A_705 = arith.addi %gather3A_387, %add3A_704 : vector<16xi32>
          %gather3A_706 = tpu.vector_load_idx %arg7[%add3A_705] : memref<2304xi32, #tpu.memory_space<vmem>>[vector<16xi32>], vector<16xi32>,
          %shift_left3A_707 = arith.constant 16 : i32
          %shift_left3A_708 = vector.broadcast %shift_left3A_707 : i32 to vector<16xi32>
          %shift_left3A_709 = arith.shli %gather3A_706, %shift_left3A_708 : vector<16xi32>
          %bitcast3A_710 = vector.bitcast %shift_left3A_709 : vector<16xi32> to vector<16xf32>
          %and3A_711 = arith.andi %gather3A_706, %broadcast_in_dim3A_480 : vector<16xi32>
          %bitcast3A_712 = vector.bitcast %and3A_711 : vector<16xi32> to vector<16xf32>
          %add3A_713 = arith.addf %add3A_617, %bitcast3A_710 : vector<16xf32>
          %add3A_714 = arith.addf %add3A_618, %bitcast3A_712 : vector<16xf32>
          %add3A_715 = arith.constant 5 : i32
          %add3A_716 = vector.broadcast %add3A_715 : i32 to vector<16xi32>
          %add3A_717 = arith.addi %gather3A_387, %add3A_716 : vector<16xi32>
          %gather3A_718 = tpu.vector_load_idx %arg7[%add3A_717] : memref<2304xi32, #tpu.memory_space<vmem>>[vector<16xi32>], vector<16xi32>,
          %shift_left3A_719 = arith.constant 16 : i32
          %shift_left3A_720 = vector.broadcast %shift_left3A_719 : i32 to vector<16xi32>
          %shift_left3A_721 = arith.shli %gather3A_718, %shift_left3A_720 : vector<16xi32>
          %bitcast3A_722 = vector.bitcast %shift_left3A_721 : vector<16xi32> to vector<16xf32>
          %and3A_723 = arith.andi %gather3A_718, %broadcast_in_dim3A_480 : vector<16xi32>
          %bitcast3A_724 = vector.bitcast %and3A_723 : vector<16xi32> to vector<16xf32>
          %add3A_725 = arith.addf %add3A_629, %bitcast3A_722 : vector<16xf32>
          %add3A_726 = arith.addf %add3A_630, %bitcast3A_724 : vector<16xf32>
          %add3A_727 = arith.constant 6 : i32
          %add3A_728 = vector.broadcast %add3A_727 : i32 to vector<16xi32>
          %add3A_729 = arith.addi %gather3A_387, %add3A_728 : vector<16xi32>
          %gather3A_730 = tpu.vector_load_idx %arg7[%add3A_729] : memref<2304xi32, #tpu.memory_space<vmem>>[vector<16xi32>], vector<16xi32>,
          %shift_left3A_731 = arith.constant 16 : i32
          %shift_left3A_732 = vector.broadcast %shift_left3A_731 : i32 to vector<16xi32>
          %shift_left3A_733 = arith.shli %gather3A_730, %shift_left3A_732 : vector<16xi32>
          %bitcast3A_734 = vector.bitcast %shift_left3A_733 : vector<16xi32> to vector<16xf32>
          %and3A_735 = arith.andi %gather3A_730, %broadcast_in_dim3A_480 : vector<16xi32>
          %bitcast3A_736 = vector.bitcast %and3A_735 : vector<16xi32> to vector<16xf32>
          %add3A_737 = arith.addf %add3A_641, %bitcast3A_734 : vector<16xf32>
          %add3A_738 = arith.addf %add3A_642, %bitcast3A_736 : vector<16xf32>
          %add3A_739 = arith.constant 7 : i32
          %add3A_740 = vector.broadcast %add3A_739 : i32 to vector<16xi32>
          %add3A_741 = arith.addi %gather3A_387, %add3A_740 : vector<16xi32>
          %gather3A_742 = tpu.vector_load_idx %arg7[%add3A_741] : memref<2304xi32, #tpu.memory_space<vmem>>[vector<16xi32>], vector<16xi32>,
          %shift_left3A_743 = arith.constant 16 : i32
          %shift_left3A_744 = vector.broadcast %shift_left3A_743 : i32 to vector<16xi32>
          %shift_left3A_745 = arith.shli %gather3A_742, %shift_left3A_744 : vector<16xi32>
          %bitcast3A_746 = vector.bitcast %shift_left3A_745 : vector<16xi32> to vector<16xf32>
          %and3A_747 = arith.andi %gather3A_742, %broadcast_in_dim3A_480 : vector<16xi32>
          %bitcast3A_748 = vector.bitcast %and3A_747 : vector<16xi32> to vector<16xf32>
          %add3A_749 = arith.addf %add3A_653, %bitcast3A_746 : vector<16xf32>
          %add3A_750 = arith.addf %add3A_654, %bitcast3A_748 : vector<16xf32>
          %add3A_751 = arith.constant 0 : i32
          %add3A_752 = vector.broadcast %add3A_751 : i32 to vector<16xi32>
          %add3A_753 = arith.addi %gather3A_391, %add3A_752 : vector<16xi32>
          %gather3A_754 = tpu.vector_load_idx %arg7[%add3A_753] : memref<2304xi32, #tpu.memory_space<vmem>>[vector<16xi32>], vector<16xi32>,
          %shift_left3A_755 = arith.constant 16 : i32
          %shift_left3A_756 = vector.broadcast %shift_left3A_755 : i32 to vector<16xi32>
          %shift_left3A_757 = arith.shli %gather3A_754, %shift_left3A_756 : vector<16xi32>
          %bitcast3A_758 = vector.bitcast %shift_left3A_757 : vector<16xi32> to vector<16xf32>
          %and3A_759 = arith.andi %gather3A_754, %broadcast_in_dim3A_480 : vector<16xi32>
          %bitcast3A_760 = vector.bitcast %and3A_759 : vector<16xi32> to vector<16xf32>
          %add3A_761 = arith.addf %add3A_665, %bitcast3A_758 : vector<16xf32>
          %add3A_762 = arith.addf %add3A_666, %bitcast3A_760 : vector<16xf32>
          %add3A_763 = arith.constant 1 : i32
          %add3A_764 = vector.broadcast %add3A_763 : i32 to vector<16xi32>
          %add3A_765 = arith.addi %gather3A_391, %add3A_764 : vector<16xi32>
          %gather3A_766 = tpu.vector_load_idx %arg7[%add3A_765] : memref<2304xi32, #tpu.memory_space<vmem>>[vector<16xi32>], vector<16xi32>,
          %shift_left3A_767 = arith.constant 16 : i32
          %shift_left3A_768 = vector.broadcast %shift_left3A_767 : i32 to vector<16xi32>
          %shift_left3A_769 = arith.shli %gather3A_766, %shift_left3A_768 : vector<16xi32>
          %bitcast3A_770 = vector.bitcast %shift_left3A_769 : vector<16xi32> to vector<16xf32>
          %and3A_771 = arith.andi %gather3A_766, %broadcast_in_dim3A_480 : vector<16xi32>
          %bitcast3A_772 = vector.bitcast %and3A_771 : vector<16xi32> to vector<16xf32>
          %add3A_773 = arith.addf %add3A_677, %bitcast3A_770 : vector<16xf32>
          %add3A_774 = arith.addf %add3A_678, %bitcast3A_772 : vector<16xf32>
          %add3A_775 = arith.constant 2 : i32
          %add3A_776 = vector.broadcast %add3A_775 : i32 to vector<16xi32>
          %add3A_777 = arith.addi %gather3A_391, %add3A_776 : vector<16xi32>
          %gather3A_778 = tpu.vector_load_idx %arg7[%add3A_777] : memref<2304xi32, #tpu.memory_space<vmem>>[vector<16xi32>], vector<16xi32>,
          %shift_left3A_779 = arith.constant 16 : i32
          %shift_left3A_780 = vector.broadcast %shift_left3A_779 : i32 to vector<16xi32>
          %shift_left3A_781 = arith.shli %gather3A_778, %shift_left3A_780 : vector<16xi32>
          %bitcast3A_782 = vector.bitcast %shift_left3A_781 : vector<16xi32> to vector<16xf32>
          %and3A_783 = arith.andi %gather3A_778, %broadcast_in_dim3A_480 : vector<16xi32>
          %bitcast3A_784 = vector.bitcast %and3A_783 : vector<16xi32> to vector<16xf32>
          %add3A_785 = arith.addf %add3A_689, %bitcast3A_782 : vector<16xf32>
          %add3A_786 = arith.addf %add3A_690, %bitcast3A_784 : vector<16xf32>
          %add3A_787 = arith.constant 3 : i32
          %add3A_788 = vector.broadcast %add3A_787 : i32 to vector<16xi32>
          %add3A_789 = arith.addi %gather3A_391, %add3A_788 : vector<16xi32>
          %gather3A_790 = tpu.vector_load_idx %arg7[%add3A_789] : memref<2304xi32, #tpu.memory_space<vmem>>[vector<16xi32>], vector<16xi32>,
          %shift_left3A_791 = arith.constant 16 : i32
          %shift_left3A_792 = vector.broadcast %shift_left3A_791 : i32 to vector<16xi32>
          %shift_left3A_793 = arith.shli %gather3A_790, %shift_left3A_792 : vector<16xi32>
          %bitcast3A_794 = vector.bitcast %shift_left3A_793 : vector<16xi32> to vector<16xf32>
          %and3A_795 = arith.andi %gather3A_790, %broadcast_in_dim3A_480 : vector<16xi32>
          %bitcast3A_796 = vector.bitcast %and3A_795 : vector<16xi32> to vector<16xf32>
          %add3A_797 = arith.addf %add3A_701, %bitcast3A_794 : vector<16xf32>
          %add3A_798 = arith.addf %add3A_702, %bitcast3A_796 : vector<16xf32>
          %add3A_799 = arith.constant 4 : i32
          %add3A_800 = vector.broadcast %add3A_799 : i32 to vector<16xi32>
          %add3A_801 = arith.addi %gather3A_391, %add3A_800 : vector<16xi32>
          %gather3A_802 = tpu.vector_load_idx %arg7[%add3A_801] : memref<2304xi32, #tpu.memory_space<vmem>>[vector<16xi32>], vector<16xi32>,
          %shift_left3A_803 = arith.constant 16 : i32
          %shift_left3A_804 = vector.broadcast %shift_left3A_803 : i32 to vector<16xi32>
          %shift_left3A_805 = arith.shli %gather3A_802, %shift_left3A_804 : vector<16xi32>
          %bitcast3A_806 = vector.bitcast %shift_left3A_805 : vector<16xi32> to vector<16xf32>
          %and3A_807 = arith.andi %gather3A_802, %broadcast_in_dim3A_480 : vector<16xi32>
          %bitcast3A_808 = vector.bitcast %and3A_807 : vector<16xi32> to vector<16xf32>
          %add3A_809 = arith.addf %add3A_713, %bitcast3A_806 : vector<16xf32>
          %add3A_810 = arith.addf %add3A_714, %bitcast3A_808 : vector<16xf32>
          %add3A_811 = arith.constant 5 : i32
          %add3A_812 = vector.broadcast %add3A_811 : i32 to vector<16xi32>
          %add3A_813 = arith.addi %gather3A_391, %add3A_812 : vector<16xi32>
          %gather3A_814 = tpu.vector_load_idx %arg7[%add3A_813] : memref<2304xi32, #tpu.memory_space<vmem>>[vector<16xi32>], vector<16xi32>,
          %shift_left3A_815 = arith.constant 16 : i32
          %shift_left3A_816 = vector.broadcast %shift_left3A_815 : i32 to vector<16xi32>
          %shift_left3A_817 = arith.shli %gather3A_814, %shift_left3A_816 : vector<16xi32>
          %bitcast3A_818 = vector.bitcast %shift_left3A_817 : vector<16xi32> to vector<16xf32>
          %and3A_819 = arith.andi %gather3A_814, %broadcast_in_dim3A_480 : vector<16xi32>
          %bitcast3A_820 = vector.bitcast %and3A_819 : vector<16xi32> to vector<16xf32>
          %add3A_821 = arith.addf %add3A_725, %bitcast3A_818 : vector<16xf32>
          %add3A_822 = arith.addf %add3A_726, %bitcast3A_820 : vector<16xf32>
          %add3A_823 = arith.constant 6 : i32
          %add3A_824 = vector.broadcast %add3A_823 : i32 to vector<16xi32>
          %add3A_825 = arith.addi %gather3A_391, %add3A_824 : vector<16xi32>
          %gather3A_826 = tpu.vector_load_idx %arg7[%add3A_825] : memref<2304xi32, #tpu.memory_space<vmem>>[vector<16xi32>], vector<16xi32>,
          %shift_left3A_827 = arith.constant 16 : i32
          %shift_left3A_828 = vector.broadcast %shift_left3A_827 : i32 to vector<16xi32>
          %shift_left3A_829 = arith.shli %gather3A_826, %shift_left3A_828 : vector<16xi32>
          %bitcast3A_830 = vector.bitcast %shift_left3A_829 : vector<16xi32> to vector<16xf32>
          %and3A_831 = arith.andi %gather3A_826, %broadcast_in_dim3A_480 : vector<16xi32>
          %bitcast3A_832 = vector.bitcast %and3A_831 : vector<16xi32> to vector<16xf32>
          %add3A_833 = arith.addf %add3A_737, %bitcast3A_830 : vector<16xf32>
          %add3A_834 = arith.addf %add3A_738, %bitcast3A_832 : vector<16xf32>
          %add3A_835 = arith.constant 7 : i32
          %add3A_836 = vector.broadcast %add3A_835 : i32 to vector<16xi32>
          %add3A_837 = arith.addi %gather3A_391, %add3A_836 : vector<16xi32>
          %gather3A_838 = tpu.vector_load_idx %arg7[%add3A_837] : memref<2304xi32, #tpu.memory_space<vmem>>[vector<16xi32>], vector<16xi32>,
          %shift_left3A_839 = arith.constant 16 : i32
          %shift_left3A_840 = vector.broadcast %shift_left3A_839 : i32 to vector<16xi32>
          %shift_left3A_841 = arith.shli %gather3A_838, %shift_left3A_840 : vector<16xi32>
          %bitcast3A_842 = vector.bitcast %shift_left3A_841 : vector<16xi32> to vector<16xf32>
          %and3A_843 = arith.andi %gather3A_838, %broadcast_in_dim3A_480 : vector<16xi32>
          %bitcast3A_844 = vector.bitcast %and3A_843 : vector<16xi32> to vector<16xf32>
          %add3A_845 = arith.addf %add3A_749, %bitcast3A_842 : vector<16xf32>
          %add3A_846 = arith.addf %add3A_750, %bitcast3A_844 : vector<16xf32>
          %add3A_847 = arith.constant 0 : i32
          %add3A_848 = vector.broadcast %add3A_847 : i32 to vector<16xi32>
          %add3A_849 = arith.addi %gather3A_395, %add3A_848 : vector<16xi32>
          %gather3A_850 = tpu.vector_load_idx %arg7[%add3A_849] : memref<2304xi32, #tpu.memory_space<vmem>>[vector<16xi32>], vector<16xi32>,
          %shift_left3A_851 = arith.constant 16 : i32
          %shift_left3A_852 = vector.broadcast %shift_left3A_851 : i32 to vector<16xi32>
          %shift_left3A_853 = arith.shli %gather3A_850, %shift_left3A_852 : vector<16xi32>
          %bitcast3A_854 = vector.bitcast %shift_left3A_853 : vector<16xi32> to vector<16xf32>
          %and3A_855 = arith.andi %gather3A_850, %broadcast_in_dim3A_480 : vector<16xi32>
          %bitcast3A_856 = vector.bitcast %and3A_855 : vector<16xi32> to vector<16xf32>
          %add3A_857 = arith.addf %add3A_761, %bitcast3A_854 : vector<16xf32>
          %add3A_858 = arith.addf %add3A_762, %bitcast3A_856 : vector<16xf32>
          %add3A_859 = arith.constant 1 : i32
          %add3A_860 = vector.broadcast %add3A_859 : i32 to vector<16xi32>
          %add3A_861 = arith.addi %gather3A_395, %add3A_860 : vector<16xi32>
          %gather3A_862 = tpu.vector_load_idx %arg7[%add3A_861] : memref<2304xi32, #tpu.memory_space<vmem>>[vector<16xi32>], vector<16xi32>,
          %shift_left3A_863 = arith.constant 16 : i32
          %shift_left3A_864 = vector.broadcast %shift_left3A_863 : i32 to vector<16xi32>
          %shift_left3A_865 = arith.shli %gather3A_862, %shift_left3A_864 : vector<16xi32>
          %bitcast3A_866 = vector.bitcast %shift_left3A_865 : vector<16xi32> to vector<16xf32>
          %and3A_867 = arith.andi %gather3A_862, %broadcast_in_dim3A_480 : vector<16xi32>
          %bitcast3A_868 = vector.bitcast %and3A_867 : vector<16xi32> to vector<16xf32>
          %add3A_869 = arith.addf %add3A_773, %bitcast3A_866 : vector<16xf32>
          %add3A_870 = arith.addf %add3A_774, %bitcast3A_868 : vector<16xf32>
          %add3A_871 = arith.constant 2 : i32
          %add3A_872 = vector.broadcast %add3A_871 : i32 to vector<16xi32>
          %add3A_873 = arith.addi %gather3A_395, %add3A_872 : vector<16xi32>
          %gather3A_874 = tpu.vector_load_idx %arg7[%add3A_873] : memref<2304xi32, #tpu.memory_space<vmem>>[vector<16xi32>], vector<16xi32>,
          %shift_left3A_875 = arith.constant 16 : i32
          %shift_left3A_876 = vector.broadcast %shift_left3A_875 : i32 to vector<16xi32>
          %shift_left3A_877 = arith.shli %gather3A_874, %shift_left3A_876 : vector<16xi32>
          %bitcast3A_878 = vector.bitcast %shift_left3A_877 : vector<16xi32> to vector<16xf32>
          %and3A_879 = arith.andi %gather3A_874, %broadcast_in_dim3A_480 : vector<16xi32>
          %bitcast3A_880 = vector.bitcast %and3A_879 : vector<16xi32> to vector<16xf32>
          %add3A_881 = arith.addf %add3A_785, %bitcast3A_878 : vector<16xf32>
          %add3A_882 = arith.addf %add3A_786, %bitcast3A_880 : vector<16xf32>
          %add3A_883 = arith.constant 3 : i32
          %add3A_884 = vector.broadcast %add3A_883 : i32 to vector<16xi32>
          %add3A_885 = arith.addi %gather3A_395, %add3A_884 : vector<16xi32>
          %gather3A_886 = tpu.vector_load_idx %arg7[%add3A_885] : memref<2304xi32, #tpu.memory_space<vmem>>[vector<16xi32>], vector<16xi32>,
          %shift_left3A_887 = arith.constant 16 : i32
          %shift_left3A_888 = vector.broadcast %shift_left3A_887 : i32 to vector<16xi32>
          %shift_left3A_889 = arith.shli %gather3A_886, %shift_left3A_888 : vector<16xi32>
          %bitcast3A_890 = vector.bitcast %shift_left3A_889 : vector<16xi32> to vector<16xf32>
          %and3A_891 = arith.andi %gather3A_886, %broadcast_in_dim3A_480 : vector<16xi32>
          %bitcast3A_892 = vector.bitcast %and3A_891 : vector<16xi32> to vector<16xf32>
          %add3A_893 = arith.addf %add3A_797, %bitcast3A_890 : vector<16xf32>
          %add3A_894 = arith.addf %add3A_798, %bitcast3A_892 : vector<16xf32>
          %add3A_895 = arith.constant 4 : i32
          %add3A_896 = vector.broadcast %add3A_895 : i32 to vector<16xi32>
          %add3A_897 = arith.addi %gather3A_395, %add3A_896 : vector<16xi32>
          %gather3A_898 = tpu.vector_load_idx %arg7[%add3A_897] : memref<2304xi32, #tpu.memory_space<vmem>>[vector<16xi32>], vector<16xi32>,
          %shift_left3A_899 = arith.constant 16 : i32
          %shift_left3A_900 = vector.broadcast %shift_left3A_899 : i32 to vector<16xi32>
          %shift_left3A_901 = arith.shli %gather3A_898, %shift_left3A_900 : vector<16xi32>
          %bitcast3A_902 = vector.bitcast %shift_left3A_901 : vector<16xi32> to vector<16xf32>
          %and3A_903 = arith.andi %gather3A_898, %broadcast_in_dim3A_480 : vector<16xi32>
          %bitcast3A_904 = vector.bitcast %and3A_903 : vector<16xi32> to vector<16xf32>
          %add3A_905 = arith.addf %add3A_809, %bitcast3A_902 : vector<16xf32>
          %add3A_906 = arith.addf %add3A_810, %bitcast3A_904 : vector<16xf32>
          %add3A_907 = arith.constant 5 : i32
          %add3A_908 = vector.broadcast %add3A_907 : i32 to vector<16xi32>
          %add3A_909 = arith.addi %gather3A_395, %add3A_908 : vector<16xi32>
          %gather3A_910 = tpu.vector_load_idx %arg7[%add3A_909] : memref<2304xi32, #tpu.memory_space<vmem>>[vector<16xi32>], vector<16xi32>,
          %shift_left3A_911 = arith.constant 16 : i32
          %shift_left3A_912 = vector.broadcast %shift_left3A_911 : i32 to vector<16xi32>
          %shift_left3A_913 = arith.shli %gather3A_910, %shift_left3A_912 : vector<16xi32>
          %bitcast3A_914 = vector.bitcast %shift_left3A_913 : vector<16xi32> to vector<16xf32>
          %and3A_915 = arith.andi %gather3A_910, %broadcast_in_dim3A_480 : vector<16xi32>
          %bitcast3A_916 = vector.bitcast %and3A_915 : vector<16xi32> to vector<16xf32>
          %add3A_917 = arith.addf %add3A_821, %bitcast3A_914 : vector<16xf32>
          %add3A_918 = arith.addf %add3A_822, %bitcast3A_916 : vector<16xf32>
          %add3A_919 = arith.constant 6 : i32
          %add3A_920 = vector.broadcast %add3A_919 : i32 to vector<16xi32>
          %add3A_921 = arith.addi %gather3A_395, %add3A_920 : vector<16xi32>
          %gather3A_922 = tpu.vector_load_idx %arg7[%add3A_921] : memref<2304xi32, #tpu.memory_space<vmem>>[vector<16xi32>], vector<16xi32>,
          %shift_left3A_923 = arith.constant 16 : i32
          %shift_left3A_924 = vector.broadcast %shift_left3A_923 : i32 to vector<16xi32>
          %shift_left3A_925 = arith.shli %gather3A_922, %shift_left3A_924 : vector<16xi32>
          %bitcast3A_926 = vector.bitcast %shift_left3A_925 : vector<16xi32> to vector<16xf32>
          %and3A_927 = arith.andi %gather3A_922, %broadcast_in_dim3A_480 : vector<16xi32>
          %bitcast3A_928 = vector.bitcast %and3A_927 : vector<16xi32> to vector<16xf32>
          %add3A_929 = arith.addf %add3A_833, %bitcast3A_926 : vector<16xf32>
          %add3A_930 = arith.addf %add3A_834, %bitcast3A_928 : vector<16xf32>
          %add3A_931 = arith.constant 7 : i32
          %add3A_932 = vector.broadcast %add3A_931 : i32 to vector<16xi32>
          %add3A_933 = arith.addi %gather3A_395, %add3A_932 : vector<16xi32>
          %gather3A_934 = tpu.vector_load_idx %arg7[%add3A_933] : memref<2304xi32, #tpu.memory_space<vmem>>[vector<16xi32>], vector<16xi32>,
          %shift_left3A_935 = arith.constant 16 : i32
          %shift_left3A_936 = vector.broadcast %shift_left3A_935 : i32 to vector<16xi32>
          %shift_left3A_937 = arith.shli %gather3A_934, %shift_left3A_936 : vector<16xi32>
          %bitcast3A_938 = vector.bitcast %shift_left3A_937 : vector<16xi32> to vector<16xf32>
          %and3A_939 = arith.andi %gather3A_934, %broadcast_in_dim3A_480 : vector<16xi32>
          %bitcast3A_940 = vector.bitcast %and3A_939 : vector<16xi32> to vector<16xf32>
          %add3A_941 = arith.addf %add3A_845, %bitcast3A_938 : vector<16xf32>
          %add3A_942 = arith.addf %add3A_846, %bitcast3A_940 : vector<16xf32>
          %add3A_943 = arith.constant 0 : i32
          %add3A_944 = vector.broadcast %add3A_943 : i32 to vector<16xi32>
          %add3A_945 = arith.addi %gather3A_399, %add3A_944 : vector<16xi32>
          %gather3A_946 = tpu.vector_load_idx %arg7[%add3A_945] : memref<2304xi32, #tpu.memory_space<vmem>>[vector<16xi32>], vector<16xi32>,
          %shift_left3A_947 = arith.constant 16 : i32
          %shift_left3A_948 = vector.broadcast %shift_left3A_947 : i32 to vector<16xi32>
          %shift_left3A_949 = arith.shli %gather3A_946, %shift_left3A_948 : vector<16xi32>
          %bitcast3A_950 = vector.bitcast %shift_left3A_949 : vector<16xi32> to vector<16xf32>
          %and3A_951 = arith.andi %gather3A_946, %broadcast_in_dim3A_480 : vector<16xi32>
          %bitcast3A_952 = vector.bitcast %and3A_951 : vector<16xi32> to vector<16xf32>
          %add3A_953 = arith.addf %add3A_857, %bitcast3A_950 : vector<16xf32>
          %add3A_954 = arith.addf %add3A_858, %bitcast3A_952 : vector<16xf32>
          %add3A_955 = arith.constant 1 : i32
          %add3A_956 = vector.broadcast %add3A_955 : i32 to vector<16xi32>
          %add3A_957 = arith.addi %gather3A_399, %add3A_956 : vector<16xi32>
          %gather3A_958 = tpu.vector_load_idx %arg7[%add3A_957] : memref<2304xi32, #tpu.memory_space<vmem>>[vector<16xi32>], vector<16xi32>,
          %shift_left3A_959 = arith.constant 16 : i32
          %shift_left3A_960 = vector.broadcast %shift_left3A_959 : i32 to vector<16xi32>
          %shift_left3A_961 = arith.shli %gather3A_958, %shift_left3A_960 : vector<16xi32>
          %bitcast3A_962 = vector.bitcast %shift_left3A_961 : vector<16xi32> to vector<16xf32>
          %and3A_963 = arith.andi %gather3A_958, %broadcast_in_dim3A_480 : vector<16xi32>
          %bitcast3A_964 = vector.bitcast %and3A_963 : vector<16xi32> to vector<16xf32>
          %add3A_965 = arith.addf %add3A_869, %bitcast3A_962 : vector<16xf32>
          %add3A_966 = arith.addf %add3A_870, %bitcast3A_964 : vector<16xf32>
          %add3A_967 = arith.constant 2 : i32
          %add3A_968 = vector.broadcast %add3A_967 : i32 to vector<16xi32>
          %add3A_969 = arith.addi %gather3A_399, %add3A_968 : vector<16xi32>
          %gather3A_970 = tpu.vector_load_idx %arg7[%add3A_969] : memref<2304xi32, #tpu.memory_space<vmem>>[vector<16xi32>], vector<16xi32>,
          %shift_left3A_971 = arith.constant 16 : i32
          %shift_left3A_972 = vector.broadcast %shift_left3A_971 : i32 to vector<16xi32>
          %shift_left3A_973 = arith.shli %gather3A_970, %shift_left3A_972 : vector<16xi32>
          %bitcast3A_974 = vector.bitcast %shift_left3A_973 : vector<16xi32> to vector<16xf32>
          %and3A_975 = arith.andi %gather3A_970, %broadcast_in_dim3A_480 : vector<16xi32>
          %bitcast3A_976 = vector.bitcast %and3A_975 : vector<16xi32> to vector<16xf32>
          %add3A_977 = arith.addf %add3A_881, %bitcast3A_974 : vector<16xf32>
          %add3A_978 = arith.addf %add3A_882, %bitcast3A_976 : vector<16xf32>
          %add3A_979 = arith.constant 3 : i32
          %add3A_980 = vector.broadcast %add3A_979 : i32 to vector<16xi32>
          %add3A_981 = arith.addi %gather3A_399, %add3A_980 : vector<16xi32>
          %gather3A_982 = tpu.vector_load_idx %arg7[%add3A_981] : memref<2304xi32, #tpu.memory_space<vmem>>[vector<16xi32>], vector<16xi32>,
          %shift_left3A_983 = arith.constant 16 : i32
          %shift_left3A_984 = vector.broadcast %shift_left3A_983 : i32 to vector<16xi32>
          %shift_left3A_985 = arith.shli %gather3A_982, %shift_left3A_984 : vector<16xi32>
          %bitcast3A_986 = vector.bitcast %shift_left3A_985 : vector<16xi32> to vector<16xf32>
          %and3A_987 = arith.andi %gather3A_982, %broadcast_in_dim3A_480 : vector<16xi32>
          %bitcast3A_988 = vector.bitcast %and3A_987 : vector<16xi32> to vector<16xf32>
          %add3A_989 = arith.addf %add3A_893, %bitcast3A_986 : vector<16xf32>
          %add3A_990 = arith.addf %add3A_894, %bitcast3A_988 : vector<16xf32>
          %add3A_991 = arith.constant 4 : i32
          %add3A_992 = vector.broadcast %add3A_991 : i32 to vector<16xi32>
          %add3A_993 = arith.addi %gather3A_399, %add3A_992 : vector<16xi32>
          %gather3A_994 = tpu.vector_load_idx %arg7[%add3A_993] : memref<2304xi32, #tpu.memory_space<vmem>>[vector<16xi32>], vector<16xi32>,
          %shift_left3A_995 = arith.constant 16 : i32
          %shift_left3A_996 = vector.broadcast %shift_left3A_995 : i32 to vector<16xi32>
          %shift_left3A_997 = arith.shli %gather3A_994, %shift_left3A_996 : vector<16xi32>
          %bitcast3A_998 = vector.bitcast %shift_left3A_997 : vector<16xi32> to vector<16xf32>
          %and3A_999 = arith.andi %gather3A_994, %broadcast_in_dim3A_480 : vector<16xi32>
          %bitcast3A_1000 = vector.bitcast %and3A_999 : vector<16xi32> to vector<16xf32>
          %add3A_1001 = arith.addf %add3A_905, %bitcast3A_998 : vector<16xf32>
          %add3A_1002 = arith.addf %add3A_906, %bitcast3A_1000 : vector<16xf32>
          %add3A_1003 = arith.constant 5 : i32
          %add3A_1004 = vector.broadcast %add3A_1003 : i32 to vector<16xi32>
          %add3A_1005 = arith.addi %gather3A_399, %add3A_1004 : vector<16xi32>
          %gather3A_1006 = tpu.vector_load_idx %arg7[%add3A_1005] : memref<2304xi32, #tpu.memory_space<vmem>>[vector<16xi32>], vector<16xi32>,
          %shift_left3A_1007 = arith.constant 16 : i32
          %shift_left3A_1008 = vector.broadcast %shift_left3A_1007 : i32 to vector<16xi32>
          %shift_left3A_1009 = arith.shli %gather3A_1006, %shift_left3A_1008 : vector<16xi32>
          %bitcast3A_1010 = vector.bitcast %shift_left3A_1009 : vector<16xi32> to vector<16xf32>
          %and3A_1011 = arith.andi %gather3A_1006, %broadcast_in_dim3A_480 : vector<16xi32>
          %bitcast3A_1012 = vector.bitcast %and3A_1011 : vector<16xi32> to vector<16xf32>
          %add3A_1013 = arith.addf %add3A_917, %bitcast3A_1010 : vector<16xf32>
          %add3A_1014 = arith.addf %add3A_918, %bitcast3A_1012 : vector<16xf32>
          %add3A_1015 = arith.constant 6 : i32
          %add3A_1016 = vector.broadcast %add3A_1015 : i32 to vector<16xi32>
          %add3A_1017 = arith.addi %gather3A_399, %add3A_1016 : vector<16xi32>
          %gather3A_1018 = tpu.vector_load_idx %arg7[%add3A_1017] : memref<2304xi32, #tpu.memory_space<vmem>>[vector<16xi32>], vector<16xi32>,
          %shift_left3A_1019 = arith.constant 16 : i32
          %shift_left3A_1020 = vector.broadcast %shift_left3A_1019 : i32 to vector<16xi32>
          %shift_left3A_1021 = arith.shli %gather3A_1018, %shift_left3A_1020 : vector<16xi32>
          %bitcast3A_1022 = vector.bitcast %shift_left3A_1021 : vector<16xi32> to vector<16xf32>
          %and3A_1023 = arith.andi %gather3A_1018, %broadcast_in_dim3A_480 : vector<16xi32>
          %bitcast3A_1024 = vector.bitcast %and3A_1023 : vector<16xi32> to vector<16xf32>
          %add3A_1025 = arith.addf %add3A_929, %bitcast3A_1022 : vector<16xf32>
          %add3A_1026 = arith.addf %add3A_930, %bitcast3A_1024 : vector<16xf32>
          %add3A_1027 = arith.constant 7 : i32
          %add3A_1028 = vector.broadcast %add3A_1027 : i32 to vector<16xi32>
          %add3A_1029 = arith.addi %gather3A_399, %add3A_1028 : vector<16xi32>
          %gather3A_1030 = tpu.vector_load_idx %arg7[%add3A_1029] : memref<2304xi32, #tpu.memory_space<vmem>>[vector<16xi32>], vector<16xi32>,
          %shift_left3A_1031 = arith.constant 16 : i32
          %shift_left3A_1032 = vector.broadcast %shift_left3A_1031 : i32 to vector<16xi32>
          %shift_left3A_1033 = arith.shli %gather3A_1030, %shift_left3A_1032 : vector<16xi32>
          %bitcast3A_1034 = vector.bitcast %shift_left3A_1033 : vector<16xi32> to vector<16xf32>
          %and3A_1035 = arith.andi %gather3A_1030, %broadcast_in_dim3A_480 : vector<16xi32>
          %bitcast3A_1036 = vector.bitcast %and3A_1035 : vector<16xi32> to vector<16xf32>
          %add3A_1037 = arith.addf %add3A_941, %bitcast3A_1034 : vector<16xf32>
          %add3A_1038 = arith.addf %add3A_942, %bitcast3A_1036 : vector<16xf32>
          %add3A_1039 = arith.constant 0 : i32
          %add3A_1040 = vector.broadcast %add3A_1039 : i32 to vector<16xi32>
          %add3A_1041 = arith.addi %gather3A_403, %add3A_1040 : vector<16xi32>
          %gather3A_1042 = tpu.vector_load_idx %arg7[%add3A_1041] : memref<2304xi32, #tpu.memory_space<vmem>>[vector<16xi32>], vector<16xi32>,
          %shift_left3A_1043 = arith.constant 16 : i32
          %shift_left3A_1044 = vector.broadcast %shift_left3A_1043 : i32 to vector<16xi32>
          %shift_left3A_1045 = arith.shli %gather3A_1042, %shift_left3A_1044 : vector<16xi32>
          %bitcast3A_1046 = vector.bitcast %shift_left3A_1045 : vector<16xi32> to vector<16xf32>
          %and3A_1047 = arith.andi %gather3A_1042, %broadcast_in_dim3A_480 : vector<16xi32>
          %bitcast3A_1048 = vector.bitcast %and3A_1047 : vector<16xi32> to vector<16xf32>
          %add3A_1049 = arith.addf %add3A_953, %bitcast3A_1046 : vector<16xf32>
          %add3A_1050 = arith.addf %add3A_954, %bitcast3A_1048 : vector<16xf32>
          %add3A_1051 = arith.constant 1 : i32
          %add3A_1052 = vector.broadcast %add3A_1051 : i32 to vector<16xi32>
          %add3A_1053 = arith.addi %gather3A_403, %add3A_1052 : vector<16xi32>
          %gather3A_1054 = tpu.vector_load_idx %arg7[%add3A_1053] : memref<2304xi32, #tpu.memory_space<vmem>>[vector<16xi32>], vector<16xi32>,
          %shift_left3A_1055 = arith.constant 16 : i32
          %shift_left3A_1056 = vector.broadcast %shift_left3A_1055 : i32 to vector<16xi32>
          %shift_left3A_1057 = arith.shli %gather3A_1054, %shift_left3A_1056 : vector<16xi32>
          %bitcast3A_1058 = vector.bitcast %shift_left3A_1057 : vector<16xi32> to vector<16xf32>
          %and3A_1059 = arith.andi %gather3A_1054, %broadcast_in_dim3A_480 : vector<16xi32>
          %bitcast3A_1060 = vector.bitcast %and3A_1059 : vector<16xi32> to vector<16xf32>
          %add3A_1061 = arith.addf %add3A_965, %bitcast3A_1058 : vector<16xf32>
          %add3A_1062 = arith.addf %add3A_966, %bitcast3A_1060 : vector<16xf32>
          %add3A_1063 = arith.constant 2 : i32
          %add3A_1064 = vector.broadcast %add3A_1063 : i32 to vector<16xi32>
          %add3A_1065 = arith.addi %gather3A_403, %add3A_1064 : vector<16xi32>
          %gather3A_1066 = tpu.vector_load_idx %arg7[%add3A_1065] : memref<2304xi32, #tpu.memory_space<vmem>>[vector<16xi32>], vector<16xi32>,
          %shift_left3A_1067 = arith.constant 16 : i32
          %shift_left3A_1068 = vector.broadcast %shift_left3A_1067 : i32 to vector<16xi32>
          %shift_left3A_1069 = arith.shli %gather3A_1066, %shift_left3A_1068 : vector<16xi32>
          %bitcast3A_1070 = vector.bitcast %shift_left3A_1069 : vector<16xi32> to vector<16xf32>
          %and3A_1071 = arith.andi %gather3A_1066, %broadcast_in_dim3A_480 : vector<16xi32>
          %bitcast3A_1072 = vector.bitcast %and3A_1071 : vector<16xi32> to vector<16xf32>
          %add3A_1073 = arith.addf %add3A_977, %bitcast3A_1070 : vector<16xf32>
          %add3A_1074 = arith.addf %add3A_978, %bitcast3A_1072 : vector<16xf32>
          %add3A_1075 = arith.constant 3 : i32
          %add3A_1076 = vector.broadcast %add3A_1075 : i32 to vector<16xi32>
          %add3A_1077 = arith.addi %gather3A_403, %add3A_1076 : vector<16xi32>
          %gather3A_1078 = tpu.vector_load_idx %arg7[%add3A_1077] : memref<2304xi32, #tpu.memory_space<vmem>>[vector<16xi32>], vector<16xi32>,
          %shift_left3A_1079 = arith.constant 16 : i32
          %shift_left3A_1080 = vector.broadcast %shift_left3A_1079 : i32 to vector<16xi32>
          %shift_left3A_1081 = arith.shli %gather3A_1078, %shift_left3A_1080 : vector<16xi32>
          %bitcast3A_1082 = vector.bitcast %shift_left3A_1081 : vector<16xi32> to vector<16xf32>
          %and3A_1083 = arith.andi %gather3A_1078, %broadcast_in_dim3A_480 : vector<16xi32>
          %bitcast3A_1084 = vector.bitcast %and3A_1083 : vector<16xi32> to vector<16xf32>
          %add3A_1085 = arith.addf %add3A_989, %bitcast3A_1082 : vector<16xf32>
          %add3A_1086 = arith.addf %add3A_990, %bitcast3A_1084 : vector<16xf32>
          %add3A_1087 = arith.constant 4 : i32
          %add3A_1088 = vector.broadcast %add3A_1087 : i32 to vector<16xi32>
          %add3A_1089 = arith.addi %gather3A_403, %add3A_1088 : vector<16xi32>
          %gather3A_1090 = tpu.vector_load_idx %arg7[%add3A_1089] : memref<2304xi32, #tpu.memory_space<vmem>>[vector<16xi32>], vector<16xi32>,
          %shift_left3A_1091 = arith.constant 16 : i32
          %shift_left3A_1092 = vector.broadcast %shift_left3A_1091 : i32 to vector<16xi32>
          %shift_left3A_1093 = arith.shli %gather3A_1090, %shift_left3A_1092 : vector<16xi32>
          %bitcast3A_1094 = vector.bitcast %shift_left3A_1093 : vector<16xi32> to vector<16xf32>
          %and3A_1095 = arith.andi %gather3A_1090, %broadcast_in_dim3A_480 : vector<16xi32>
          %bitcast3A_1096 = vector.bitcast %and3A_1095 : vector<16xi32> to vector<16xf32>
          %add3A_1097 = arith.addf %add3A_1001, %bitcast3A_1094 : vector<16xf32>
          %add3A_1098 = arith.addf %add3A_1002, %bitcast3A_1096 : vector<16xf32>
          %add3A_1099 = arith.constant 5 : i32
          %add3A_1100 = vector.broadcast %add3A_1099 : i32 to vector<16xi32>
          %add3A_1101 = arith.addi %gather3A_403, %add3A_1100 : vector<16xi32>
          %gather3A_1102 = tpu.vector_load_idx %arg7[%add3A_1101] : memref<2304xi32, #tpu.memory_space<vmem>>[vector<16xi32>], vector<16xi32>,
          %shift_left3A_1103 = arith.constant 16 : i32
          %shift_left3A_1104 = vector.broadcast %shift_left3A_1103 : i32 to vector<16xi32>
          %shift_left3A_1105 = arith.shli %gather3A_1102, %shift_left3A_1104 : vector<16xi32>
          %bitcast3A_1106 = vector.bitcast %shift_left3A_1105 : vector<16xi32> to vector<16xf32>
          %and3A_1107 = arith.andi %gather3A_1102, %broadcast_in_dim3A_480 : vector<16xi32>
          %bitcast3A_1108 = vector.bitcast %and3A_1107 : vector<16xi32> to vector<16xf32>
          %add3A_1109 = arith.addf %add3A_1013, %bitcast3A_1106 : vector<16xf32>
          %add3A_1110 = arith.addf %add3A_1014, %bitcast3A_1108 : vector<16xf32>
          %add3A_1111 = arith.constant 6 : i32
          %add3A_1112 = vector.broadcast %add3A_1111 : i32 to vector<16xi32>
          %add3A_1113 = arith.addi %gather3A_403, %add3A_1112 : vector<16xi32>
          %gather3A_1114 = tpu.vector_load_idx %arg7[%add3A_1113] : memref<2304xi32, #tpu.memory_space<vmem>>[vector<16xi32>], vector<16xi32>,
          %shift_left3A_1115 = arith.constant 16 : i32
          %shift_left3A_1116 = vector.broadcast %shift_left3A_1115 : i32 to vector<16xi32>
          %shift_left3A_1117 = arith.shli %gather3A_1114, %shift_left3A_1116 : vector<16xi32>
          %bitcast3A_1118 = vector.bitcast %shift_left3A_1117 : vector<16xi32> to vector<16xf32>
          %and3A_1119 = arith.andi %gather3A_1114, %broadcast_in_dim3A_480 : vector<16xi32>
          %bitcast3A_1120 = vector.bitcast %and3A_1119 : vector<16xi32> to vector<16xf32>
          %add3A_1121 = arith.addf %add3A_1025, %bitcast3A_1118 : vector<16xf32>
          %add3A_1122 = arith.addf %add3A_1026, %bitcast3A_1120 : vector<16xf32>
          %add3A_1123 = arith.constant 7 : i32
          %add3A_1124 = vector.broadcast %add3A_1123 : i32 to vector<16xi32>
          %add3A_1125 = arith.addi %gather3A_403, %add3A_1124 : vector<16xi32>
          %gather3A_1126 = tpu.vector_load_idx %arg7[%add3A_1125] : memref<2304xi32, #tpu.memory_space<vmem>>[vector<16xi32>], vector<16xi32>,
          %shift_left3A_1127 = arith.constant 16 : i32
          %shift_left3A_1128 = vector.broadcast %shift_left3A_1127 : i32 to vector<16xi32>
          %shift_left3A_1129 = arith.shli %gather3A_1126, %shift_left3A_1128 : vector<16xi32>
          %bitcast3A_1130 = vector.bitcast %shift_left3A_1129 : vector<16xi32> to vector<16xf32>
          %and3A_1131 = arith.andi %gather3A_1126, %broadcast_in_dim3A_480 : vector<16xi32>
          %bitcast3A_1132 = vector.bitcast %and3A_1131 : vector<16xi32> to vector<16xf32>
          %add3A_1133 = arith.addf %add3A_1037, %bitcast3A_1130 : vector<16xf32>
          %add3A_1134 = arith.addf %add3A_1038, %bitcast3A_1132 : vector<16xf32>
          %add3A_1135 = arith.constant 0 : i32
          %add3A_1136 = vector.broadcast %add3A_1135 : i32 to vector<16xi32>
          %add3A_1137 = arith.addi %gather3A_407, %add3A_1136 : vector<16xi32>
          %gather3A_1138 = tpu.vector_load_idx %arg7[%add3A_1137] : memref<2304xi32, #tpu.memory_space<vmem>>[vector<16xi32>], vector<16xi32>,
          %shift_left3A_1139 = arith.constant 16 : i32
          %shift_left3A_1140 = vector.broadcast %shift_left3A_1139 : i32 to vector<16xi32>
          %shift_left3A_1141 = arith.shli %gather3A_1138, %shift_left3A_1140 : vector<16xi32>
          %bitcast3A_1142 = vector.bitcast %shift_left3A_1141 : vector<16xi32> to vector<16xf32>
          %and3A_1143 = arith.andi %gather3A_1138, %broadcast_in_dim3A_480 : vector<16xi32>
          %bitcast3A_1144 = vector.bitcast %and3A_1143 : vector<16xi32> to vector<16xf32>
          %add3A_1145 = arith.addf %add3A_1049, %bitcast3A_1142 : vector<16xf32>
          %add3A_1146 = arith.addf %add3A_1050, %bitcast3A_1144 : vector<16xf32>
          %add3A_1147 = arith.constant 1 : i32
          %add3A_1148 = vector.broadcast %add3A_1147 : i32 to vector<16xi32>
          %add3A_1149 = arith.addi %gather3A_407, %add3A_1148 : vector<16xi32>
          %gather3A_1150 = tpu.vector_load_idx %arg7[%add3A_1149] : memref<2304xi32, #tpu.memory_space<vmem>>[vector<16xi32>], vector<16xi32>,
          %shift_left3A_1151 = arith.constant 16 : i32
          %shift_left3A_1152 = vector.broadcast %shift_left3A_1151 : i32 to vector<16xi32>
          %shift_left3A_1153 = arith.shli %gather3A_1150, %shift_left3A_1152 : vector<16xi32>
          %bitcast3A_1154 = vector.bitcast %shift_left3A_1153 : vector<16xi32> to vector<16xf32>
          %and3A_1155 = arith.andi %gather3A_1150, %broadcast_in_dim3A_480 : vector<16xi32>
          %bitcast3A_1156 = vector.bitcast %and3A_1155 : vector<16xi32> to vector<16xf32>
          %add3A_1157 = arith.addf %add3A_1061, %bitcast3A_1154 : vector<16xf32>
          %add3A_1158 = arith.addf %add3A_1062, %bitcast3A_1156 : vector<16xf32>
          %add3A_1159 = arith.constant 2 : i32
          %add3A_1160 = vector.broadcast %add3A_1159 : i32 to vector<16xi32>
          %add3A_1161 = arith.addi %gather3A_407, %add3A_1160 : vector<16xi32>
          %gather3A_1162 = tpu.vector_load_idx %arg7[%add3A_1161] : memref<2304xi32, #tpu.memory_space<vmem>>[vector<16xi32>], vector<16xi32>,
          %shift_left3A_1163 = arith.constant 16 : i32
          %shift_left3A_1164 = vector.broadcast %shift_left3A_1163 : i32 to vector<16xi32>
          %shift_left3A_1165 = arith.shli %gather3A_1162, %shift_left3A_1164 : vector<16xi32>
          %bitcast3A_1166 = vector.bitcast %shift_left3A_1165 : vector<16xi32> to vector<16xf32>
          %and3A_1167 = arith.andi %gather3A_1162, %broadcast_in_dim3A_480 : vector<16xi32>
          %bitcast3A_1168 = vector.bitcast %and3A_1167 : vector<16xi32> to vector<16xf32>
          %add3A_1169 = arith.addf %add3A_1073, %bitcast3A_1166 : vector<16xf32>
          %add3A_1170 = arith.addf %add3A_1074, %bitcast3A_1168 : vector<16xf32>
          %add3A_1171 = arith.constant 3 : i32
          %add3A_1172 = vector.broadcast %add3A_1171 : i32 to vector<16xi32>
          %add3A_1173 = arith.addi %gather3A_407, %add3A_1172 : vector<16xi32>
          %gather3A_1174 = tpu.vector_load_idx %arg7[%add3A_1173] : memref<2304xi32, #tpu.memory_space<vmem>>[vector<16xi32>], vector<16xi32>,
          %shift_left3A_1175 = arith.constant 16 : i32
          %shift_left3A_1176 = vector.broadcast %shift_left3A_1175 : i32 to vector<16xi32>
          %shift_left3A_1177 = arith.shli %gather3A_1174, %shift_left3A_1176 : vector<16xi32>
          %bitcast3A_1178 = vector.bitcast %shift_left3A_1177 : vector<16xi32> to vector<16xf32>
          %and3A_1179 = arith.andi %gather3A_1174, %broadcast_in_dim3A_480 : vector<16xi32>
          %bitcast3A_1180 = vector.bitcast %and3A_1179 : vector<16xi32> to vector<16xf32>
          %add3A_1181 = arith.addf %add3A_1085, %bitcast3A_1178 : vector<16xf32>
          %add3A_1182 = arith.addf %add3A_1086, %bitcast3A_1180 : vector<16xf32>
          %add3A_1183 = arith.constant 4 : i32
          %add3A_1184 = vector.broadcast %add3A_1183 : i32 to vector<16xi32>
          %add3A_1185 = arith.addi %gather3A_407, %add3A_1184 : vector<16xi32>
          %gather3A_1186 = tpu.vector_load_idx %arg7[%add3A_1185] : memref<2304xi32, #tpu.memory_space<vmem>>[vector<16xi32>], vector<16xi32>,
          %shift_left3A_1187 = arith.constant 16 : i32
          %shift_left3A_1188 = vector.broadcast %shift_left3A_1187 : i32 to vector<16xi32>
          %shift_left3A_1189 = arith.shli %gather3A_1186, %shift_left3A_1188 : vector<16xi32>
          %bitcast3A_1190 = vector.bitcast %shift_left3A_1189 : vector<16xi32> to vector<16xf32>
          %and3A_1191 = arith.andi %gather3A_1186, %broadcast_in_dim3A_480 : vector<16xi32>
          %bitcast3A_1192 = vector.bitcast %and3A_1191 : vector<16xi32> to vector<16xf32>
          %add3A_1193 = arith.addf %add3A_1097, %bitcast3A_1190 : vector<16xf32>
          %add3A_1194 = arith.addf %add3A_1098, %bitcast3A_1192 : vector<16xf32>
          %add3A_1195 = arith.constant 5 : i32
          %add3A_1196 = vector.broadcast %add3A_1195 : i32 to vector<16xi32>
          %add3A_1197 = arith.addi %gather3A_407, %add3A_1196 : vector<16xi32>
          %gather3A_1198 = tpu.vector_load_idx %arg7[%add3A_1197] : memref<2304xi32, #tpu.memory_space<vmem>>[vector<16xi32>], vector<16xi32>,
          %shift_left3A_1199 = arith.constant 16 : i32
          %shift_left3A_1200 = vector.broadcast %shift_left3A_1199 : i32 to vector<16xi32>
          %shift_left3A_1201 = arith.shli %gather3A_1198, %shift_left3A_1200 : vector<16xi32>
          %bitcast3A_1202 = vector.bitcast %shift_left3A_1201 : vector<16xi32> to vector<16xf32>
          %and3A_1203 = arith.andi %gather3A_1198, %broadcast_in_dim3A_480 : vector<16xi32>
          %bitcast3A_1204 = vector.bitcast %and3A_1203 : vector<16xi32> to vector<16xf32>
          %add3A_1205 = arith.addf %add3A_1109, %bitcast3A_1202 : vector<16xf32>
          %add3A_1206 = arith.addf %add3A_1110, %bitcast3A_1204 : vector<16xf32>
          %add3A_1207 = arith.constant 6 : i32
          %add3A_1208 = vector.broadcast %add3A_1207 : i32 to vector<16xi32>
          %add3A_1209 = arith.addi %gather3A_407, %add3A_1208 : vector<16xi32>
          %gather3A_1210 = tpu.vector_load_idx %arg7[%add3A_1209] : memref<2304xi32, #tpu.memory_space<vmem>>[vector<16xi32>], vector<16xi32>,
          %shift_left3A_1211 = arith.constant 16 : i32
          %shift_left3A_1212 = vector.broadcast %shift_left3A_1211 : i32 to vector<16xi32>
          %shift_left3A_1213 = arith.shli %gather3A_1210, %shift_left3A_1212 : vector<16xi32>
          %bitcast3A_1214 = vector.bitcast %shift_left3A_1213 : vector<16xi32> to vector<16xf32>
          %and3A_1215 = arith.andi %gather3A_1210, %broadcast_in_dim3A_480 : vector<16xi32>
          %bitcast3A_1216 = vector.bitcast %and3A_1215 : vector<16xi32> to vector<16xf32>
          %add3A_1217 = arith.addf %add3A_1121, %bitcast3A_1214 : vector<16xf32>
          %add3A_1218 = arith.addf %add3A_1122, %bitcast3A_1216 : vector<16xf32>
          %add3A_1219 = arith.constant 7 : i32
          %add3A_1220 = vector.broadcast %add3A_1219 : i32 to vector<16xi32>
          %add3A_1221 = arith.addi %gather3A_407, %add3A_1220 : vector<16xi32>
          %gather3A_1222 = tpu.vector_load_idx %arg7[%add3A_1221] : memref<2304xi32, #tpu.memory_space<vmem>>[vector<16xi32>], vector<16xi32>,
          %shift_left3A_1223 = arith.constant 16 : i32
          %shift_left3A_1224 = vector.broadcast %shift_left3A_1223 : i32 to vector<16xi32>
          %shift_left3A_1225 = arith.shli %gather3A_1222, %shift_left3A_1224 : vector<16xi32>
          %bitcast3A_1226 = vector.bitcast %shift_left3A_1225 : vector<16xi32> to vector<16xf32>
          %and3A_1227 = arith.andi %gather3A_1222, %broadcast_in_dim3A_480 : vector<16xi32>
          %bitcast3A_1228 = vector.bitcast %and3A_1227 : vector<16xi32> to vector<16xf32>
          %add3A_1229 = arith.addf %add3A_1133, %bitcast3A_1226 : vector<16xf32>
          %add3A_1230 = arith.addf %add3A_1134, %bitcast3A_1228 : vector<16xf32>
          %add3A_1231 = arith.constant 0 : i32
          %add3A_1232 = vector.broadcast %add3A_1231 : i32 to vector<16xi32>
          %add3A_1233 = arith.addi %gather3A_411, %add3A_1232 : vector<16xi32>
          %gather3A_1234 = tpu.vector_load_idx %arg7[%add3A_1233] : memref<2304xi32, #tpu.memory_space<vmem>>[vector<16xi32>], vector<16xi32>,
          %shift_left3A_1235 = arith.constant 16 : i32
          %shift_left3A_1236 = vector.broadcast %shift_left3A_1235 : i32 to vector<16xi32>
          %shift_left3A_1237 = arith.shli %gather3A_1234, %shift_left3A_1236 : vector<16xi32>
          %bitcast3A_1238 = vector.bitcast %shift_left3A_1237 : vector<16xi32> to vector<16xf32>
          %and3A_1239 = arith.andi %gather3A_1234, %broadcast_in_dim3A_480 : vector<16xi32>
          %bitcast3A_1240 = vector.bitcast %and3A_1239 : vector<16xi32> to vector<16xf32>
          %add3A_1241 = arith.addf %add3A_1145, %bitcast3A_1238 : vector<16xf32>
          %add3A_1242 = arith.addf %add3A_1146, %bitcast3A_1240 : vector<16xf32>
          %add3A_1243 = arith.constant 1 : i32
          %add3A_1244 = vector.broadcast %add3A_1243 : i32 to vector<16xi32>
          %add3A_1245 = arith.addi %gather3A_411, %add3A_1244 : vector<16xi32>
          %gather3A_1246 = tpu.vector_load_idx %arg7[%add3A_1245] : memref<2304xi32, #tpu.memory_space<vmem>>[vector<16xi32>], vector<16xi32>,
          %shift_left3A_1247 = arith.constant 16 : i32
          %shift_left3A_1248 = vector.broadcast %shift_left3A_1247 : i32 to vector<16xi32>
          %shift_left3A_1249 = arith.shli %gather3A_1246, %shift_left3A_1248 : vector<16xi32>
          %bitcast3A_1250 = vector.bitcast %shift_left3A_1249 : vector<16xi32> to vector<16xf32>
          %and3A_1251 = arith.andi %gather3A_1246, %broadcast_in_dim3A_480 : vector<16xi32>
          %bitcast3A_1252 = vector.bitcast %and3A_1251 : vector<16xi32> to vector<16xf32>
          %add3A_1253 = arith.addf %add3A_1157, %bitcast3A_1250 : vector<16xf32>
          %add3A_1254 = arith.addf %add3A_1158, %bitcast3A_1252 : vector<16xf32>
          %add3A_1255 = arith.constant 2 : i32
          %add3A_1256 = vector.broadcast %add3A_1255 : i32 to vector<16xi32>
          %add3A_1257 = arith.addi %gather3A_411, %add3A_1256 : vector<16xi32>
          %gather3A_1258 = tpu.vector_load_idx %arg7[%add3A_1257] : memref<2304xi32, #tpu.memory_space<vmem>>[vector<16xi32>], vector<16xi32>,
          %shift_left3A_1259 = arith.constant 16 : i32
          %shift_left3A_1260 = vector.broadcast %shift_left3A_1259 : i32 to vector<16xi32>
          %shift_left3A_1261 = arith.shli %gather3A_1258, %shift_left3A_1260 : vector<16xi32>
          %bitcast3A_1262 = vector.bitcast %shift_left3A_1261 : vector<16xi32> to vector<16xf32>
          %and3A_1263 = arith.andi %gather3A_1258, %broadcast_in_dim3A_480 : vector<16xi32>
          %bitcast3A_1264 = vector.bitcast %and3A_1263 : vector<16xi32> to vector<16xf32>
          %add3A_1265 = arith.addf %add3A_1169, %bitcast3A_1262 : vector<16xf32>
          %add3A_1266 = arith.addf %add3A_1170, %bitcast3A_1264 : vector<16xf32>
          %add3A_1267 = arith.constant 3 : i32
          %add3A_1268 = vector.broadcast %add3A_1267 : i32 to vector<16xi32>
          %add3A_1269 = arith.addi %gather3A_411, %add3A_1268 : vector<16xi32>
          %gather3A_1270 = tpu.vector_load_idx %arg7[%add3A_1269] : memref<2304xi32, #tpu.memory_space<vmem>>[vector<16xi32>], vector<16xi32>,
          %shift_left3A_1271 = arith.constant 16 : i32
          %shift_left3A_1272 = vector.broadcast %shift_left3A_1271 : i32 to vector<16xi32>
          %shift_left3A_1273 = arith.shli %gather3A_1270, %shift_left3A_1272 : vector<16xi32>
          %bitcast3A_1274 = vector.bitcast %shift_left3A_1273 : vector<16xi32> to vector<16xf32>
          %and3A_1275 = arith.andi %gather3A_1270, %broadcast_in_dim3A_480 : vector<16xi32>
          %bitcast3A_1276 = vector.bitcast %and3A_1275 : vector<16xi32> to vector<16xf32>
          %add3A_1277 = arith.addf %add3A_1181, %bitcast3A_1274 : vector<16xf32>
          %add3A_1278 = arith.addf %add3A_1182, %bitcast3A_1276 : vector<16xf32>
          %add3A_1279 = arith.constant 4 : i32
          %add3A_1280 = vector.broadcast %add3A_1279 : i32 to vector<16xi32>
          %add3A_1281 = arith.addi %gather3A_411, %add3A_1280 : vector<16xi32>
          %gather3A_1282 = tpu.vector_load_idx %arg7[%add3A_1281] : memref<2304xi32, #tpu.memory_space<vmem>>[vector<16xi32>], vector<16xi32>,
          %shift_left3A_1283 = arith.constant 16 : i32
          %shift_left3A_1284 = vector.broadcast %shift_left3A_1283 : i32 to vector<16xi32>
          %shift_left3A_1285 = arith.shli %gather3A_1282, %shift_left3A_1284 : vector<16xi32>
          %bitcast3A_1286 = vector.bitcast %shift_left3A_1285 : vector<16xi32> to vector<16xf32>
          %and3A_1287 = arith.andi %gather3A_1282, %broadcast_in_dim3A_480 : vector<16xi32>
          %bitcast3A_1288 = vector.bitcast %and3A_1287 : vector<16xi32> to vector<16xf32>
          %add3A_1289 = arith.addf %add3A_1193, %bitcast3A_1286 : vector<16xf32>
          %add3A_1290 = arith.addf %add3A_1194, %bitcast3A_1288 : vector<16xf32>
          %add3A_1291 = arith.constant 5 : i32
          %add3A_1292 = vector.broadcast %add3A_1291 : i32 to vector<16xi32>
          %add3A_1293 = arith.addi %gather3A_411, %add3A_1292 : vector<16xi32>
          %gather3A_1294 = tpu.vector_load_idx %arg7[%add3A_1293] : memref<2304xi32, #tpu.memory_space<vmem>>[vector<16xi32>], vector<16xi32>,
          %shift_left3A_1295 = arith.constant 16 : i32
          %shift_left3A_1296 = vector.broadcast %shift_left3A_1295 : i32 to vector<16xi32>
          %shift_left3A_1297 = arith.shli %gather3A_1294, %shift_left3A_1296 : vector<16xi32>
          %bitcast3A_1298 = vector.bitcast %shift_left3A_1297 : vector<16xi32> to vector<16xf32>
          %and3A_1299 = arith.andi %gather3A_1294, %broadcast_in_dim3A_480 : vector<16xi32>
          %bitcast3A_1300 = vector.bitcast %and3A_1299 : vector<16xi32> to vector<16xf32>
          %add3A_1301 = arith.addf %add3A_1205, %bitcast3A_1298 : vector<16xf32>
          %add3A_1302 = arith.addf %add3A_1206, %bitcast3A_1300 : vector<16xf32>
          %add3A_1303 = arith.constant 6 : i32
          %add3A_1304 = vector.broadcast %add3A_1303 : i32 to vector<16xi32>
          %add3A_1305 = arith.addi %gather3A_411, %add3A_1304 : vector<16xi32>
          %gather3A_1306 = tpu.vector_load_idx %arg7[%add3A_1305] : memref<2304xi32, #tpu.memory_space<vmem>>[vector<16xi32>], vector<16xi32>,
          %shift_left3A_1307 = arith.constant 16 : i32
          %shift_left3A_1308 = vector.broadcast %shift_left3A_1307 : i32 to vector<16xi32>
          %shift_left3A_1309 = arith.shli %gather3A_1306, %shift_left3A_1308 : vector<16xi32>
          %bitcast3A_1310 = vector.bitcast %shift_left3A_1309 : vector<16xi32> to vector<16xf32>
          %and3A_1311 = arith.andi %gather3A_1306, %broadcast_in_dim3A_480 : vector<16xi32>
          %bitcast3A_1312 = vector.bitcast %and3A_1311 : vector<16xi32> to vector<16xf32>
          %add3A_1313 = arith.addf %add3A_1217, %bitcast3A_1310 : vector<16xf32>
          %add3A_1314 = arith.addf %add3A_1218, %bitcast3A_1312 : vector<16xf32>
          %add3A_1315 = arith.constant 7 : i32
          %add3A_1316 = vector.broadcast %add3A_1315 : i32 to vector<16xi32>
          %add3A_1317 = arith.addi %gather3A_411, %add3A_1316 : vector<16xi32>
          %gather3A_1318 = tpu.vector_load_idx %arg7[%add3A_1317] : memref<2304xi32, #tpu.memory_space<vmem>>[vector<16xi32>], vector<16xi32>,
          %shift_left3A_1319 = arith.constant 16 : i32
          %shift_left3A_1320 = vector.broadcast %shift_left3A_1319 : i32 to vector<16xi32>
          %shift_left3A_1321 = arith.shli %gather3A_1318, %shift_left3A_1320 : vector<16xi32>
          %bitcast3A_1322 = vector.bitcast %shift_left3A_1321 : vector<16xi32> to vector<16xf32>
          %and3A_1323 = arith.andi %gather3A_1318, %broadcast_in_dim3A_480 : vector<16xi32>
          %bitcast3A_1324 = vector.bitcast %and3A_1323 : vector<16xi32> to vector<16xf32>
          %add3A_1325 = arith.addf %add3A_1229, %bitcast3A_1322 : vector<16xf32>
          %add3A_1326 = arith.addf %add3A_1230, %bitcast3A_1324 : vector<16xf32>
          %add3A_1327 = arith.constant 0 : i32
          %add3A_1328 = vector.broadcast %add3A_1327 : i32 to vector<16xi32>
          %add3A_1329 = arith.addi %gather3A_415, %add3A_1328 : vector<16xi32>
          %gather3A_1330 = tpu.vector_load_idx %arg7[%add3A_1329] : memref<2304xi32, #tpu.memory_space<vmem>>[vector<16xi32>], vector<16xi32>,
          %shift_left3A_1331 = arith.constant 16 : i32
          %shift_left3A_1332 = vector.broadcast %shift_left3A_1331 : i32 to vector<16xi32>
          %shift_left3A_1333 = arith.shli %gather3A_1330, %shift_left3A_1332 : vector<16xi32>
          %bitcast3A_1334 = vector.bitcast %shift_left3A_1333 : vector<16xi32> to vector<16xf32>
          %and3A_1335 = arith.andi %gather3A_1330, %broadcast_in_dim3A_480 : vector<16xi32>
          %bitcast3A_1336 = vector.bitcast %and3A_1335 : vector<16xi32> to vector<16xf32>
          %add3A_1337 = arith.addf %add3A_1241, %bitcast3A_1334 : vector<16xf32>
          %add3A_1338 = arith.addf %add3A_1242, %bitcast3A_1336 : vector<16xf32>
          %add3A_1339 = arith.constant 1 : i32
          %add3A_1340 = vector.broadcast %add3A_1339 : i32 to vector<16xi32>
          %add3A_1341 = arith.addi %gather3A_415, %add3A_1340 : vector<16xi32>
          %gather3A_1342 = tpu.vector_load_idx %arg7[%add3A_1341] : memref<2304xi32, #tpu.memory_space<vmem>>[vector<16xi32>], vector<16xi32>,
          %shift_left3A_1343 = arith.constant 16 : i32
          %shift_left3A_1344 = vector.broadcast %shift_left3A_1343 : i32 to vector<16xi32>
          %shift_left3A_1345 = arith.shli %gather3A_1342, %shift_left3A_1344 : vector<16xi32>
          %bitcast3A_1346 = vector.bitcast %shift_left3A_1345 : vector<16xi32> to vector<16xf32>
          %and3A_1347 = arith.andi %gather3A_1342, %broadcast_in_dim3A_480 : vector<16xi32>
          %bitcast3A_1348 = vector.bitcast %and3A_1347 : vector<16xi32> to vector<16xf32>
          %add3A_1349 = arith.addf %add3A_1253, %bitcast3A_1346 : vector<16xf32>
          %add3A_1350 = arith.addf %add3A_1254, %bitcast3A_1348 : vector<16xf32>
          %add3A_1351 = arith.constant 2 : i32
          %add3A_1352 = vector.broadcast %add3A_1351 : i32 to vector<16xi32>
          %add3A_1353 = arith.addi %gather3A_415, %add3A_1352 : vector<16xi32>
          %gather3A_1354 = tpu.vector_load_idx %arg7[%add3A_1353] : memref<2304xi32, #tpu.memory_space<vmem>>[vector<16xi32>], vector<16xi32>,
          %shift_left3A_1355 = arith.constant 16 : i32
          %shift_left3A_1356 = vector.broadcast %shift_left3A_1355 : i32 to vector<16xi32>
          %shift_left3A_1357 = arith.shli %gather3A_1354, %shift_left3A_1356 : vector<16xi32>
          %bitcast3A_1358 = vector.bitcast %shift_left3A_1357 : vector<16xi32> to vector<16xf32>
          %and3A_1359 = arith.andi %gather3A_1354, %broadcast_in_dim3A_480 : vector<16xi32>
          %bitcast3A_1360 = vector.bitcast %and3A_1359 : vector<16xi32> to vector<16xf32>
          %add3A_1361 = arith.addf %add3A_1265, %bitcast3A_1358 : vector<16xf32>
          %add3A_1362 = arith.addf %add3A_1266, %bitcast3A_1360 : vector<16xf32>
          %add3A_1363 = arith.constant 3 : i32
          %add3A_1364 = vector.broadcast %add3A_1363 : i32 to vector<16xi32>
          %add3A_1365 = arith.addi %gather3A_415, %add3A_1364 : vector<16xi32>
          %gather3A_1366 = tpu.vector_load_idx %arg7[%add3A_1365] : memref<2304xi32, #tpu.memory_space<vmem>>[vector<16xi32>], vector<16xi32>,
          %shift_left3A_1367 = arith.constant 16 : i32
          %shift_left3A_1368 = vector.broadcast %shift_left3A_1367 : i32 to vector<16xi32>
          %shift_left3A_1369 = arith.shli %gather3A_1366, %shift_left3A_1368 : vector<16xi32>
          %bitcast3A_1370 = vector.bitcast %shift_left3A_1369 : vector<16xi32> to vector<16xf32>
          %and3A_1371 = arith.andi %gather3A_1366, %broadcast_in_dim3A_480 : vector<16xi32>
          %bitcast3A_1372 = vector.bitcast %and3A_1371 : vector<16xi32> to vector<16xf32>
          %add3A_1373 = arith.addf %add3A_1277, %bitcast3A_1370 : vector<16xf32>
          %add3A_1374 = arith.addf %add3A_1278, %bitcast3A_1372 : vector<16xf32>
          %add3A_1375 = arith.constant 4 : i32
          %add3A_1376 = vector.broadcast %add3A_1375 : i32 to vector<16xi32>
          %add3A_1377 = arith.addi %gather3A_415, %add3A_1376 : vector<16xi32>
          %gather3A_1378 = tpu.vector_load_idx %arg7[%add3A_1377] : memref<2304xi32, #tpu.memory_space<vmem>>[vector<16xi32>], vector<16xi32>,
          %shift_left3A_1379 = arith.constant 16 : i32
          %shift_left3A_1380 = vector.broadcast %shift_left3A_1379 : i32 to vector<16xi32>
          %shift_left3A_1381 = arith.shli %gather3A_1378, %shift_left3A_1380 : vector<16xi32>
          %bitcast3A_1382 = vector.bitcast %shift_left3A_1381 : vector<16xi32> to vector<16xf32>
          %and3A_1383 = arith.andi %gather3A_1378, %broadcast_in_dim3A_480 : vector<16xi32>
          %bitcast3A_1384 = vector.bitcast %and3A_1383 : vector<16xi32> to vector<16xf32>
          %add3A_1385 = arith.addf %add3A_1289, %bitcast3A_1382 : vector<16xf32>
          %add3A_1386 = arith.addf %add3A_1290, %bitcast3A_1384 : vector<16xf32>
          %add3A_1387 = arith.constant 5 : i32
          %add3A_1388 = vector.broadcast %add3A_1387 : i32 to vector<16xi32>
          %add3A_1389 = arith.addi %gather3A_415, %add3A_1388 : vector<16xi32>
          %gather3A_1390 = tpu.vector_load_idx %arg7[%add3A_1389] : memref<2304xi32, #tpu.memory_space<vmem>>[vector<16xi32>], vector<16xi32>,
          %shift_left3A_1391 = arith.constant 16 : i32
          %shift_left3A_1392 = vector.broadcast %shift_left3A_1391 : i32 to vector<16xi32>
          %shift_left3A_1393 = arith.shli %gather3A_1390, %shift_left3A_1392 : vector<16xi32>
          %bitcast3A_1394 = vector.bitcast %shift_left3A_1393 : vector<16xi32> to vector<16xf32>
          %and3A_1395 = arith.andi %gather3A_1390, %broadcast_in_dim3A_480 : vector<16xi32>
          %bitcast3A_1396 = vector.bitcast %and3A_1395 : vector<16xi32> to vector<16xf32>
          %add3A_1397 = arith.addf %add3A_1301, %bitcast3A_1394 : vector<16xf32>
          %add3A_1398 = arith.addf %add3A_1302, %bitcast3A_1396 : vector<16xf32>
          %add3A_1399 = arith.constant 6 : i32
          %add3A_1400 = vector.broadcast %add3A_1399 : i32 to vector<16xi32>
          %add3A_1401 = arith.addi %gather3A_415, %add3A_1400 : vector<16xi32>
          %gather3A_1402 = tpu.vector_load_idx %arg7[%add3A_1401] : memref<2304xi32, #tpu.memory_space<vmem>>[vector<16xi32>], vector<16xi32>,
          %shift_left3A_1403 = arith.constant 16 : i32
          %shift_left3A_1404 = vector.broadcast %shift_left3A_1403 : i32 to vector<16xi32>
          %shift_left3A_1405 = arith.shli %gather3A_1402, %shift_left3A_1404 : vector<16xi32>
          %bitcast3A_1406 = vector.bitcast %shift_left3A_1405 : vector<16xi32> to vector<16xf32>
          %and3A_1407 = arith.andi %gather3A_1402, %broadcast_in_dim3A_480 : vector<16xi32>
          %bitcast3A_1408 = vector.bitcast %and3A_1407 : vector<16xi32> to vector<16xf32>
          %add3A_1409 = arith.addf %add3A_1313, %bitcast3A_1406 : vector<16xf32>
          %add3A_1410 = arith.addf %add3A_1314, %bitcast3A_1408 : vector<16xf32>
          %add3A_1411 = arith.constant 7 : i32
          %add3A_1412 = vector.broadcast %add3A_1411 : i32 to vector<16xi32>
          %add3A_1413 = arith.addi %gather3A_415, %add3A_1412 : vector<16xi32>
          %gather3A_1414 = tpu.vector_load_idx %arg7[%add3A_1413] : memref<2304xi32, #tpu.memory_space<vmem>>[vector<16xi32>], vector<16xi32>,
          %shift_left3A_1415 = arith.constant 16 : i32
          %shift_left3A_1416 = vector.broadcast %shift_left3A_1415 : i32 to vector<16xi32>
          %shift_left3A_1417 = arith.shli %gather3A_1414, %shift_left3A_1416 : vector<16xi32>
          %bitcast3A_1418 = vector.bitcast %shift_left3A_1417 : vector<16xi32> to vector<16xf32>
          %and3A_1419 = arith.andi %gather3A_1414, %broadcast_in_dim3A_480 : vector<16xi32>
          %bitcast3A_1420 = vector.bitcast %and3A_1419 : vector<16xi32> to vector<16xf32>
          %add3A_1421 = arith.addf %add3A_1325, %bitcast3A_1418 : vector<16xf32>
          %add3A_1422 = arith.addf %add3A_1326, %bitcast3A_1420 : vector<16xf32>
          %add3A_1423 = arith.constant 0 : i32
          %add3A_1424 = vector.broadcast %add3A_1423 : i32 to vector<16xi32>
          %add3A_1425 = arith.addi %gather3A_419, %add3A_1424 : vector<16xi32>
          %gather3A_1426 = tpu.vector_load_idx %arg7[%add3A_1425] : memref<2304xi32, #tpu.memory_space<vmem>>[vector<16xi32>], vector<16xi32>,
          %shift_left3A_1427 = arith.constant 16 : i32
          %shift_left3A_1428 = vector.broadcast %shift_left3A_1427 : i32 to vector<16xi32>
          %shift_left3A_1429 = arith.shli %gather3A_1426, %shift_left3A_1428 : vector<16xi32>
          %bitcast3A_1430 = vector.bitcast %shift_left3A_1429 : vector<16xi32> to vector<16xf32>
          %and3A_1431 = arith.andi %gather3A_1426, %broadcast_in_dim3A_480 : vector<16xi32>
          %bitcast3A_1432 = vector.bitcast %and3A_1431 : vector<16xi32> to vector<16xf32>
          %add3A_1433 = arith.addf %add3A_1337, %bitcast3A_1430 : vector<16xf32>
          %add3A_1434 = arith.addf %add3A_1338, %bitcast3A_1432 : vector<16xf32>
          %add3A_1435 = arith.constant 1 : i32
          %add3A_1436 = vector.broadcast %add3A_1435 : i32 to vector<16xi32>
          %add3A_1437 = arith.addi %gather3A_419, %add3A_1436 : vector<16xi32>
          %gather3A_1438 = tpu.vector_load_idx %arg7[%add3A_1437] : memref<2304xi32, #tpu.memory_space<vmem>>[vector<16xi32>], vector<16xi32>,
          %shift_left3A_1439 = arith.constant 16 : i32
          %shift_left3A_1440 = vector.broadcast %shift_left3A_1439 : i32 to vector<16xi32>
          %shift_left3A_1441 = arith.shli %gather3A_1438, %shift_left3A_1440 : vector<16xi32>
          %bitcast3A_1442 = vector.bitcast %shift_left3A_1441 : vector<16xi32> to vector<16xf32>
          %and3A_1443 = arith.andi %gather3A_1438, %broadcast_in_dim3A_480 : vector<16xi32>
          %bitcast3A_1444 = vector.bitcast %and3A_1443 : vector<16xi32> to vector<16xf32>
          %add3A_1445 = arith.addf %add3A_1349, %bitcast3A_1442 : vector<16xf32>
          %add3A_1446 = arith.addf %add3A_1350, %bitcast3A_1444 : vector<16xf32>
          %add3A_1447 = arith.constant 2 : i32
          %add3A_1448 = vector.broadcast %add3A_1447 : i32 to vector<16xi32>
          %add3A_1449 = arith.addi %gather3A_419, %add3A_1448 : vector<16xi32>
          %gather3A_1450 = tpu.vector_load_idx %arg7[%add3A_1449] : memref<2304xi32, #tpu.memory_space<vmem>>[vector<16xi32>], vector<16xi32>,
          %shift_left3A_1451 = arith.constant 16 : i32
          %shift_left3A_1452 = vector.broadcast %shift_left3A_1451 : i32 to vector<16xi32>
          %shift_left3A_1453 = arith.shli %gather3A_1450, %shift_left3A_1452 : vector<16xi32>
          %bitcast3A_1454 = vector.bitcast %shift_left3A_1453 : vector<16xi32> to vector<16xf32>
          %and3A_1455 = arith.andi %gather3A_1450, %broadcast_in_dim3A_480 : vector<16xi32>
          %bitcast3A_1456 = vector.bitcast %and3A_1455 : vector<16xi32> to vector<16xf32>
          %add3A_1457 = arith.addf %add3A_1361, %bitcast3A_1454 : vector<16xf32>
          %add3A_1458 = arith.addf %add3A_1362, %bitcast3A_1456 : vector<16xf32>
          %add3A_1459 = arith.constant 3 : i32
          %add3A_1460 = vector.broadcast %add3A_1459 : i32 to vector<16xi32>
          %add3A_1461 = arith.addi %gather3A_419, %add3A_1460 : vector<16xi32>
          %gather3A_1462 = tpu.vector_load_idx %arg7[%add3A_1461] : memref<2304xi32, #tpu.memory_space<vmem>>[vector<16xi32>], vector<16xi32>,
          %shift_left3A_1463 = arith.constant 16 : i32
          %shift_left3A_1464 = vector.broadcast %shift_left3A_1463 : i32 to vector<16xi32>
          %shift_left3A_1465 = arith.shli %gather3A_1462, %shift_left3A_1464 : vector<16xi32>
          %bitcast3A_1466 = vector.bitcast %shift_left3A_1465 : vector<16xi32> to vector<16xf32>
          %and3A_1467 = arith.andi %gather3A_1462, %broadcast_in_dim3A_480 : vector<16xi32>
          %bitcast3A_1468 = vector.bitcast %and3A_1467 : vector<16xi32> to vector<16xf32>
          %add3A_1469 = arith.addf %add3A_1373, %bitcast3A_1466 : vector<16xf32>
          %add3A_1470 = arith.addf %add3A_1374, %bitcast3A_1468 : vector<16xf32>
          %add3A_1471 = arith.constant 4 : i32
          %add3A_1472 = vector.broadcast %add3A_1471 : i32 to vector<16xi32>
          %add3A_1473 = arith.addi %gather3A_419, %add3A_1472 : vector<16xi32>
          %gather3A_1474 = tpu.vector_load_idx %arg7[%add3A_1473] : memref<2304xi32, #tpu.memory_space<vmem>>[vector<16xi32>], vector<16xi32>,
          %shift_left3A_1475 = arith.constant 16 : i32
          %shift_left3A_1476 = vector.broadcast %shift_left3A_1475 : i32 to vector<16xi32>
          %shift_left3A_1477 = arith.shli %gather3A_1474, %shift_left3A_1476 : vector<16xi32>
          %bitcast3A_1478 = vector.bitcast %shift_left3A_1477 : vector<16xi32> to vector<16xf32>
          %and3A_1479 = arith.andi %gather3A_1474, %broadcast_in_dim3A_480 : vector<16xi32>
          %bitcast3A_1480 = vector.bitcast %and3A_1479 : vector<16xi32> to vector<16xf32>
          %add3A_1481 = arith.addf %add3A_1385, %bitcast3A_1478 : vector<16xf32>
          %add3A_1482 = arith.addf %add3A_1386, %bitcast3A_1480 : vector<16xf32>
          %add3A_1483 = arith.constant 5 : i32
          %add3A_1484 = vector.broadcast %add3A_1483 : i32 to vector<16xi32>
          %add3A_1485 = arith.addi %gather3A_419, %add3A_1484 : vector<16xi32>
          %gather3A_1486 = tpu.vector_load_idx %arg7[%add3A_1485] : memref<2304xi32, #tpu.memory_space<vmem>>[vector<16xi32>], vector<16xi32>,
          %shift_left3A_1487 = arith.constant 16 : i32
          %shift_left3A_1488 = vector.broadcast %shift_left3A_1487 : i32 to vector<16xi32>
          %shift_left3A_1489 = arith.shli %gather3A_1486, %shift_left3A_1488 : vector<16xi32>
          %bitcast3A_1490 = vector.bitcast %shift_left3A_1489 : vector<16xi32> to vector<16xf32>
          %and3A_1491 = arith.andi %gather3A_1486, %broadcast_in_dim3A_480 : vector<16xi32>
          %bitcast3A_1492 = vector.bitcast %and3A_1491 : vector<16xi32> to vector<16xf32>
          %add3A_1493 = arith.addf %add3A_1397, %bitcast3A_1490 : vector<16xf32>
          %add3A_1494 = arith.addf %add3A_1398, %bitcast3A_1492 : vector<16xf32>
          %add3A_1495 = arith.constant 6 : i32
          %add3A_1496 = vector.broadcast %add3A_1495 : i32 to vector<16xi32>
          %add3A_1497 = arith.addi %gather3A_419, %add3A_1496 : vector<16xi32>
          %gather3A_1498 = tpu.vector_load_idx %arg7[%add3A_1497] : memref<2304xi32, #tpu.memory_space<vmem>>[vector<16xi32>], vector<16xi32>,
          %shift_left3A_1499 = arith.constant 16 : i32
          %shift_left3A_1500 = vector.broadcast %shift_left3A_1499 : i32 to vector<16xi32>
          %shift_left3A_1501 = arith.shli %gather3A_1498, %shift_left3A_1500 : vector<16xi32>
          %bitcast3A_1502 = vector.bitcast %shift_left3A_1501 : vector<16xi32> to vector<16xf32>
          %and3A_1503 = arith.andi %gather3A_1498, %broadcast_in_dim3A_480 : vector<16xi32>
          %bitcast3A_1504 = vector.bitcast %and3A_1503 : vector<16xi32> to vector<16xf32>
          %add3A_1505 = arith.addf %add3A_1409, %bitcast3A_1502 : vector<16xf32>
          %add3A_1506 = arith.addf %add3A_1410, %bitcast3A_1504 : vector<16xf32>
          %add3A_1507 = arith.constant 7 : i32
          %add3A_1508 = vector.broadcast %add3A_1507 : i32 to vector<16xi32>
          %add3A_1509 = arith.addi %gather3A_419, %add3A_1508 : vector<16xi32>
          %gather3A_1510 = tpu.vector_load_idx %arg7[%add3A_1509] : memref<2304xi32, #tpu.memory_space<vmem>>[vector<16xi32>], vector<16xi32>,
          %shift_left3A_1511 = arith.constant 16 : i32
          %shift_left3A_1512 = vector.broadcast %shift_left3A_1511 : i32 to vector<16xi32>
          %shift_left3A_1513 = arith.shli %gather3A_1510, %shift_left3A_1512 : vector<16xi32>
          %bitcast3A_1514 = vector.bitcast %shift_left3A_1513 : vector<16xi32> to vector<16xf32>
          %and3A_1515 = arith.andi %gather3A_1510, %broadcast_in_dim3A_480 : vector<16xi32>
          %bitcast3A_1516 = vector.bitcast %and3A_1515 : vector<16xi32> to vector<16xf32>
          %add3A_1517 = arith.addf %add3A_1421, %bitcast3A_1514 : vector<16xf32>
          %add3A_1518 = arith.addf %add3A_1422, %bitcast3A_1516 : vector<16xf32>
          %add3A_1519 = arith.constant 0 : i32
          %add3A_1520 = vector.broadcast %add3A_1519 : i32 to vector<16xi32>
          %add3A_1521 = arith.addi %gather3A_423, %add3A_1520 : vector<16xi32>
          %gather3A_1522 = tpu.vector_load_idx %arg7[%add3A_1521] : memref<2304xi32, #tpu.memory_space<vmem>>[vector<16xi32>], vector<16xi32>,
          %shift_left3A_1523 = arith.constant 16 : i32
          %shift_left3A_1524 = vector.broadcast %shift_left3A_1523 : i32 to vector<16xi32>
          %shift_left3A_1525 = arith.shli %gather3A_1522, %shift_left3A_1524 : vector<16xi32>
          %bitcast3A_1526 = vector.bitcast %shift_left3A_1525 : vector<16xi32> to vector<16xf32>
          %and3A_1527 = arith.andi %gather3A_1522, %broadcast_in_dim3A_480 : vector<16xi32>
          %bitcast3A_1528 = vector.bitcast %and3A_1527 : vector<16xi32> to vector<16xf32>
          %add3A_1529 = arith.addf %add3A_1433, %bitcast3A_1526 : vector<16xf32>
          %add3A_1530 = arith.addf %add3A_1434, %bitcast3A_1528 : vector<16xf32>
          %add3A_1531 = arith.constant 1 : i32
          %add3A_1532 = vector.broadcast %add3A_1531 : i32 to vector<16xi32>
          %add3A_1533 = arith.addi %gather3A_423, %add3A_1532 : vector<16xi32>
          %gather3A_1534 = tpu.vector_load_idx %arg7[%add3A_1533] : memref<2304xi32, #tpu.memory_space<vmem>>[vector<16xi32>], vector<16xi32>,
          %shift_left3A_1535 = arith.constant 16 : i32
          %shift_left3A_1536 = vector.broadcast %shift_left3A_1535 : i32 to vector<16xi32>
          %shift_left3A_1537 = arith.shli %gather3A_1534, %shift_left3A_1536 : vector<16xi32>
          %bitcast3A_1538 = vector.bitcast %shift_left3A_1537 : vector<16xi32> to vector<16xf32>
          %and3A_1539 = arith.andi %gather3A_1534, %broadcast_in_dim3A_480 : vector<16xi32>
          %bitcast3A_1540 = vector.bitcast %and3A_1539 : vector<16xi32> to vector<16xf32>
          %add3A_1541 = arith.addf %add3A_1445, %bitcast3A_1538 : vector<16xf32>
          %add3A_1542 = arith.addf %add3A_1446, %bitcast3A_1540 : vector<16xf32>
          %add3A_1543 = arith.constant 2 : i32
          %add3A_1544 = vector.broadcast %add3A_1543 : i32 to vector<16xi32>
          %add3A_1545 = arith.addi %gather3A_423, %add3A_1544 : vector<16xi32>
          %gather3A_1546 = tpu.vector_load_idx %arg7[%add3A_1545] : memref<2304xi32, #tpu.memory_space<vmem>>[vector<16xi32>], vector<16xi32>,
          %shift_left3A_1547 = arith.constant 16 : i32
          %shift_left3A_1548 = vector.broadcast %shift_left3A_1547 : i32 to vector<16xi32>
          %shift_left3A_1549 = arith.shli %gather3A_1546, %shift_left3A_1548 : vector<16xi32>
          %bitcast3A_1550 = vector.bitcast %shift_left3A_1549 : vector<16xi32> to vector<16xf32>
          %and3A_1551 = arith.andi %gather3A_1546, %broadcast_in_dim3A_480 : vector<16xi32>
          %bitcast3A_1552 = vector.bitcast %and3A_1551 : vector<16xi32> to vector<16xf32>
          %add3A_1553 = arith.addf %add3A_1457, %bitcast3A_1550 : vector<16xf32>
          %add3A_1554 = arith.addf %add3A_1458, %bitcast3A_1552 : vector<16xf32>
          %add3A_1555 = arith.constant 3 : i32
          %add3A_1556 = vector.broadcast %add3A_1555 : i32 to vector<16xi32>
          %add3A_1557 = arith.addi %gather3A_423, %add3A_1556 : vector<16xi32>
          %gather3A_1558 = tpu.vector_load_idx %arg7[%add3A_1557] : memref<2304xi32, #tpu.memory_space<vmem>>[vector<16xi32>], vector<16xi32>,
          %shift_left3A_1559 = arith.constant 16 : i32
          %shift_left3A_1560 = vector.broadcast %shift_left3A_1559 : i32 to vector<16xi32>
          %shift_left3A_1561 = arith.shli %gather3A_1558, %shift_left3A_1560 : vector<16xi32>
          %bitcast3A_1562 = vector.bitcast %shift_left3A_1561 : vector<16xi32> to vector<16xf32>
          %and3A_1563 = arith.andi %gather3A_1558, %broadcast_in_dim3A_480 : vector<16xi32>
          %bitcast3A_1564 = vector.bitcast %and3A_1563 : vector<16xi32> to vector<16xf32>
          %add3A_1565 = arith.addf %add3A_1469, %bitcast3A_1562 : vector<16xf32>
          %add3A_1566 = arith.addf %add3A_1470, %bitcast3A_1564 : vector<16xf32>
          %add3A_1567 = arith.constant 4 : i32
          %add3A_1568 = vector.broadcast %add3A_1567 : i32 to vector<16xi32>
          %add3A_1569 = arith.addi %gather3A_423, %add3A_1568 : vector<16xi32>
          %gather3A_1570 = tpu.vector_load_idx %arg7[%add3A_1569] : memref<2304xi32, #tpu.memory_space<vmem>>[vector<16xi32>], vector<16xi32>,
          %shift_left3A_1571 = arith.constant 16 : i32
          %shift_left3A_1572 = vector.broadcast %shift_left3A_1571 : i32 to vector<16xi32>
          %shift_left3A_1573 = arith.shli %gather3A_1570, %shift_left3A_1572 : vector<16xi32>
          %bitcast3A_1574 = vector.bitcast %shift_left3A_1573 : vector<16xi32> to vector<16xf32>
          %and3A_1575 = arith.andi %gather3A_1570, %broadcast_in_dim3A_480 : vector<16xi32>
          %bitcast3A_1576 = vector.bitcast %and3A_1575 : vector<16xi32> to vector<16xf32>
          %add3A_1577 = arith.addf %add3A_1481, %bitcast3A_1574 : vector<16xf32>
          %add3A_1578 = arith.addf %add3A_1482, %bitcast3A_1576 : vector<16xf32>
          %add3A_1579 = arith.constant 5 : i32
          %add3A_1580 = vector.broadcast %add3A_1579 : i32 to vector<16xi32>
          %add3A_1581 = arith.addi %gather3A_423, %add3A_1580 : vector<16xi32>
          %gather3A_1582 = tpu.vector_load_idx %arg7[%add3A_1581] : memref<2304xi32, #tpu.memory_space<vmem>>[vector<16xi32>], vector<16xi32>,
          %shift_left3A_1583 = arith.constant 16 : i32
          %shift_left3A_1584 = vector.broadcast %shift_left3A_1583 : i32 to vector<16xi32>
          %shift_left3A_1585 = arith.shli %gather3A_1582, %shift_left3A_1584 : vector<16xi32>
          %bitcast3A_1586 = vector.bitcast %shift_left3A_1585 : vector<16xi32> to vector<16xf32>
          %and3A_1587 = arith.andi %gather3A_1582, %broadcast_in_dim3A_480 : vector<16xi32>
          %bitcast3A_1588 = vector.bitcast %and3A_1587 : vector<16xi32> to vector<16xf32>
          %add3A_1589 = arith.addf %add3A_1493, %bitcast3A_1586 : vector<16xf32>
          %add3A_1590 = arith.addf %add3A_1494, %bitcast3A_1588 : vector<16xf32>
          %add3A_1591 = arith.constant 6 : i32
          %add3A_1592 = vector.broadcast %add3A_1591 : i32 to vector<16xi32>
          %add3A_1593 = arith.addi %gather3A_423, %add3A_1592 : vector<16xi32>
          %gather3A_1594 = tpu.vector_load_idx %arg7[%add3A_1593] : memref<2304xi32, #tpu.memory_space<vmem>>[vector<16xi32>], vector<16xi32>,
          %shift_left3A_1595 = arith.constant 16 : i32
          %shift_left3A_1596 = vector.broadcast %shift_left3A_1595 : i32 to vector<16xi32>
          %shift_left3A_1597 = arith.shli %gather3A_1594, %shift_left3A_1596 : vector<16xi32>
          %bitcast3A_1598 = vector.bitcast %shift_left3A_1597 : vector<16xi32> to vector<16xf32>
          %and3A_1599 = arith.andi %gather3A_1594, %broadcast_in_dim3A_480 : vector<16xi32>
          %bitcast3A_1600 = vector.bitcast %and3A_1599 : vector<16xi32> to vector<16xf32>
          %add3A_1601 = arith.addf %add3A_1505, %bitcast3A_1598 : vector<16xf32>
          %add3A_1602 = arith.addf %add3A_1506, %bitcast3A_1600 : vector<16xf32>
          %add3A_1603 = arith.constant 7 : i32
          %add3A_1604 = vector.broadcast %add3A_1603 : i32 to vector<16xi32>
          %add3A_1605 = arith.addi %gather3A_423, %add3A_1604 : vector<16xi32>
          %gather3A_1606 = tpu.vector_load_idx %arg7[%add3A_1605] : memref<2304xi32, #tpu.memory_space<vmem>>[vector<16xi32>], vector<16xi32>,
          %shift_left3A_1607 = arith.constant 16 : i32
          %shift_left3A_1608 = vector.broadcast %shift_left3A_1607 : i32 to vector<16xi32>
          %shift_left3A_1609 = arith.shli %gather3A_1606, %shift_left3A_1608 : vector<16xi32>
          %bitcast3A_1610 = vector.bitcast %shift_left3A_1609 : vector<16xi32> to vector<16xf32>
          %and3A_1611 = arith.andi %gather3A_1606, %broadcast_in_dim3A_480 : vector<16xi32>
          %bitcast3A_1612 = vector.bitcast %and3A_1611 : vector<16xi32> to vector<16xf32>
          %add3A_1613 = arith.addf %add3A_1517, %bitcast3A_1610 : vector<16xf32>
          %add3A_1614 = arith.addf %add3A_1518, %bitcast3A_1612 : vector<16xf32>
          %add3A_1615 = arith.constant 0 : i32
          %add3A_1616 = vector.broadcast %add3A_1615 : i32 to vector<16xi32>
          %add3A_1617 = arith.addi %gather3A_427, %add3A_1616 : vector<16xi32>
          %gather3A_1618 = tpu.vector_load_idx %arg7[%add3A_1617] : memref<2304xi32, #tpu.memory_space<vmem>>[vector<16xi32>], vector<16xi32>,
          %shift_left3A_1619 = arith.constant 16 : i32
          %shift_left3A_1620 = vector.broadcast %shift_left3A_1619 : i32 to vector<16xi32>
          %shift_left3A_1621 = arith.shli %gather3A_1618, %shift_left3A_1620 : vector<16xi32>
          %bitcast3A_1622 = vector.bitcast %shift_left3A_1621 : vector<16xi32> to vector<16xf32>
          %and3A_1623 = arith.andi %gather3A_1618, %broadcast_in_dim3A_480 : vector<16xi32>
          %bitcast3A_1624 = vector.bitcast %and3A_1623 : vector<16xi32> to vector<16xf32>
          %add3A_1625 = arith.addf %add3A_1529, %bitcast3A_1622 : vector<16xf32>
          %add3A_1626 = arith.addf %add3A_1530, %bitcast3A_1624 : vector<16xf32>
          %add3A_1627 = arith.constant 1 : i32
          %add3A_1628 = vector.broadcast %add3A_1627 : i32 to vector<16xi32>
          %add3A_1629 = arith.addi %gather3A_427, %add3A_1628 : vector<16xi32>
          %gather3A_1630 = tpu.vector_load_idx %arg7[%add3A_1629] : memref<2304xi32, #tpu.memory_space<vmem>>[vector<16xi32>], vector<16xi32>,
          %shift_left3A_1631 = arith.constant 16 : i32
          %shift_left3A_1632 = vector.broadcast %shift_left3A_1631 : i32 to vector<16xi32>
          %shift_left3A_1633 = arith.shli %gather3A_1630, %shift_left3A_1632 : vector<16xi32>
          %bitcast3A_1634 = vector.bitcast %shift_left3A_1633 : vector<16xi32> to vector<16xf32>
          %and3A_1635 = arith.andi %gather3A_1630, %broadcast_in_dim3A_480 : vector<16xi32>
          %bitcast3A_1636 = vector.bitcast %and3A_1635 : vector<16xi32> to vector<16xf32>
          %add3A_1637 = arith.addf %add3A_1541, %bitcast3A_1634 : vector<16xf32>
          %add3A_1638 = arith.addf %add3A_1542, %bitcast3A_1636 : vector<16xf32>
          %add3A_1639 = arith.constant 2 : i32
          %add3A_1640 = vector.broadcast %add3A_1639 : i32 to vector<16xi32>
          %add3A_1641 = arith.addi %gather3A_427, %add3A_1640 : vector<16xi32>
          %gather3A_1642 = tpu.vector_load_idx %arg7[%add3A_1641] : memref<2304xi32, #tpu.memory_space<vmem>>[vector<16xi32>], vector<16xi32>,
          %shift_left3A_1643 = arith.constant 16 : i32
          %shift_left3A_1644 = vector.broadcast %shift_left3A_1643 : i32 to vector<16xi32>
          %shift_left3A_1645 = arith.shli %gather3A_1642, %shift_left3A_1644 : vector<16xi32>
          %bitcast3A_1646 = vector.bitcast %shift_left3A_1645 : vector<16xi32> to vector<16xf32>
          %and3A_1647 = arith.andi %gather3A_1642, %broadcast_in_dim3A_480 : vector<16xi32>
          %bitcast3A_1648 = vector.bitcast %and3A_1647 : vector<16xi32> to vector<16xf32>
          %add3A_1649 = arith.addf %add3A_1553, %bitcast3A_1646 : vector<16xf32>
          %add3A_1650 = arith.addf %add3A_1554, %bitcast3A_1648 : vector<16xf32>
          %add3A_1651 = arith.constant 3 : i32
          %add3A_1652 = vector.broadcast %add3A_1651 : i32 to vector<16xi32>
          %add3A_1653 = arith.addi %gather3A_427, %add3A_1652 : vector<16xi32>
          %gather3A_1654 = tpu.vector_load_idx %arg7[%add3A_1653] : memref<2304xi32, #tpu.memory_space<vmem>>[vector<16xi32>], vector<16xi32>,
          %shift_left3A_1655 = arith.constant 16 : i32
          %shift_left3A_1656 = vector.broadcast %shift_left3A_1655 : i32 to vector<16xi32>
          %shift_left3A_1657 = arith.shli %gather3A_1654, %shift_left3A_1656 : vector<16xi32>
          %bitcast3A_1658 = vector.bitcast %shift_left3A_1657 : vector<16xi32> to vector<16xf32>
          %and3A_1659 = arith.andi %gather3A_1654, %broadcast_in_dim3A_480 : vector<16xi32>
          %bitcast3A_1660 = vector.bitcast %and3A_1659 : vector<16xi32> to vector<16xf32>
          %add3A_1661 = arith.addf %add3A_1565, %bitcast3A_1658 : vector<16xf32>
          %add3A_1662 = arith.addf %add3A_1566, %bitcast3A_1660 : vector<16xf32>
          %add3A_1663 = arith.constant 4 : i32
          %add3A_1664 = vector.broadcast %add3A_1663 : i32 to vector<16xi32>
          %add3A_1665 = arith.addi %gather3A_427, %add3A_1664 : vector<16xi32>
          %gather3A_1666 = tpu.vector_load_idx %arg7[%add3A_1665] : memref<2304xi32, #tpu.memory_space<vmem>>[vector<16xi32>], vector<16xi32>,
          %shift_left3A_1667 = arith.constant 16 : i32
          %shift_left3A_1668 = vector.broadcast %shift_left3A_1667 : i32 to vector<16xi32>
          %shift_left3A_1669 = arith.shli %gather3A_1666, %shift_left3A_1668 : vector<16xi32>
          %bitcast3A_1670 = vector.bitcast %shift_left3A_1669 : vector<16xi32> to vector<16xf32>
          %and3A_1671 = arith.andi %gather3A_1666, %broadcast_in_dim3A_480 : vector<16xi32>
          %bitcast3A_1672 = vector.bitcast %and3A_1671 : vector<16xi32> to vector<16xf32>
          %add3A_1673 = arith.addf %add3A_1577, %bitcast3A_1670 : vector<16xf32>
          %add3A_1674 = arith.addf %add3A_1578, %bitcast3A_1672 : vector<16xf32>
          %add3A_1675 = arith.constant 5 : i32
          %add3A_1676 = vector.broadcast %add3A_1675 : i32 to vector<16xi32>
          %add3A_1677 = arith.addi %gather3A_427, %add3A_1676 : vector<16xi32>
          %gather3A_1678 = tpu.vector_load_idx %arg7[%add3A_1677] : memref<2304xi32, #tpu.memory_space<vmem>>[vector<16xi32>], vector<16xi32>,
          %shift_left3A_1679 = arith.constant 16 : i32
          %shift_left3A_1680 = vector.broadcast %shift_left3A_1679 : i32 to vector<16xi32>
          %shift_left3A_1681 = arith.shli %gather3A_1678, %shift_left3A_1680 : vector<16xi32>
          %bitcast3A_1682 = vector.bitcast %shift_left3A_1681 : vector<16xi32> to vector<16xf32>
          %and3A_1683 = arith.andi %gather3A_1678, %broadcast_in_dim3A_480 : vector<16xi32>
          %bitcast3A_1684 = vector.bitcast %and3A_1683 : vector<16xi32> to vector<16xf32>
          %add3A_1685 = arith.addf %add3A_1589, %bitcast3A_1682 : vector<16xf32>
          %add3A_1686 = arith.addf %add3A_1590, %bitcast3A_1684 : vector<16xf32>
          %add3A_1687 = arith.constant 6 : i32
          %add3A_1688 = vector.broadcast %add3A_1687 : i32 to vector<16xi32>
          %add3A_1689 = arith.addi %gather3A_427, %add3A_1688 : vector<16xi32>
          %gather3A_1690 = tpu.vector_load_idx %arg7[%add3A_1689] : memref<2304xi32, #tpu.memory_space<vmem>>[vector<16xi32>], vector<16xi32>,
          %shift_left3A_1691 = arith.constant 16 : i32
          %shift_left3A_1692 = vector.broadcast %shift_left3A_1691 : i32 to vector<16xi32>
          %shift_left3A_1693 = arith.shli %gather3A_1690, %shift_left3A_1692 : vector<16xi32>
          %bitcast3A_1694 = vector.bitcast %shift_left3A_1693 : vector<16xi32> to vector<16xf32>
          %and3A_1695 = arith.andi %gather3A_1690, %broadcast_in_dim3A_480 : vector<16xi32>
          %bitcast3A_1696 = vector.bitcast %and3A_1695 : vector<16xi32> to vector<16xf32>
          %add3A_1697 = arith.addf %add3A_1601, %bitcast3A_1694 : vector<16xf32>
          %add3A_1698 = arith.addf %add3A_1602, %bitcast3A_1696 : vector<16xf32>
          %add3A_1699 = arith.constant 7 : i32
          %add3A_1700 = vector.broadcast %add3A_1699 : i32 to vector<16xi32>
          %add3A_1701 = arith.addi %gather3A_427, %add3A_1700 : vector<16xi32>
          %gather3A_1702 = tpu.vector_load_idx %arg7[%add3A_1701] : memref<2304xi32, #tpu.memory_space<vmem>>[vector<16xi32>], vector<16xi32>,
          %shift_left3A_1703 = arith.constant 16 : i32
          %shift_left3A_1704 = vector.broadcast %shift_left3A_1703 : i32 to vector<16xi32>
          %shift_left3A_1705 = arith.shli %gather3A_1702, %shift_left3A_1704 : vector<16xi32>
          %bitcast3A_1706 = vector.bitcast %shift_left3A_1705 : vector<16xi32> to vector<16xf32>
          %and3A_1707 = arith.andi %gather3A_1702, %broadcast_in_dim3A_480 : vector<16xi32>
          %bitcast3A_1708 = vector.bitcast %and3A_1707 : vector<16xi32> to vector<16xf32>
          %add3A_1709 = arith.addf %add3A_1613, %bitcast3A_1706 : vector<16xf32>
          %add3A_1710 = arith.addf %add3A_1614, %bitcast3A_1708 : vector<16xf32>
          %add3A_1711 = arith.constant 0 : i32
          %add3A_1712 = vector.broadcast %add3A_1711 : i32 to vector<16xi32>
          %add3A_1713 = arith.addi %gather3A_431, %add3A_1712 : vector<16xi32>
          %gather3A_1714 = tpu.vector_load_idx %arg7[%add3A_1713] : memref<2304xi32, #tpu.memory_space<vmem>>[vector<16xi32>], vector<16xi32>,
          %shift_left3A_1715 = arith.constant 16 : i32
          %shift_left3A_1716 = vector.broadcast %shift_left3A_1715 : i32 to vector<16xi32>
          %shift_left3A_1717 = arith.shli %gather3A_1714, %shift_left3A_1716 : vector<16xi32>
          %bitcast3A_1718 = vector.bitcast %shift_left3A_1717 : vector<16xi32> to vector<16xf32>
          %and3A_1719 = arith.andi %gather3A_1714, %broadcast_in_dim3A_480 : vector<16xi32>
          %bitcast3A_1720 = vector.bitcast %and3A_1719 : vector<16xi32> to vector<16xf32>
          %add3A_1721 = arith.addf %add3A_1625, %bitcast3A_1718 : vector<16xf32>
          %add3A_1722 = arith.addf %add3A_1626, %bitcast3A_1720 : vector<16xf32>
          %add3A_1723 = arith.constant 1 : i32
          %add3A_1724 = vector.broadcast %add3A_1723 : i32 to vector<16xi32>
          %add3A_1725 = arith.addi %gather3A_431, %add3A_1724 : vector<16xi32>
          %gather3A_1726 = tpu.vector_load_idx %arg7[%add3A_1725] : memref<2304xi32, #tpu.memory_space<vmem>>[vector<16xi32>], vector<16xi32>,
          %shift_left3A_1727 = arith.constant 16 : i32
          %shift_left3A_1728 = vector.broadcast %shift_left3A_1727 : i32 to vector<16xi32>
          %shift_left3A_1729 = arith.shli %gather3A_1726, %shift_left3A_1728 : vector<16xi32>
          %bitcast3A_1730 = vector.bitcast %shift_left3A_1729 : vector<16xi32> to vector<16xf32>
          %and3A_1731 = arith.andi %gather3A_1726, %broadcast_in_dim3A_480 : vector<16xi32>
          %bitcast3A_1732 = vector.bitcast %and3A_1731 : vector<16xi32> to vector<16xf32>
          %add3A_1733 = arith.addf %add3A_1637, %bitcast3A_1730 : vector<16xf32>
          %add3A_1734 = arith.addf %add3A_1638, %bitcast3A_1732 : vector<16xf32>
          %add3A_1735 = arith.constant 2 : i32
          %add3A_1736 = vector.broadcast %add3A_1735 : i32 to vector<16xi32>
          %add3A_1737 = arith.addi %gather3A_431, %add3A_1736 : vector<16xi32>
          %gather3A_1738 = tpu.vector_load_idx %arg7[%add3A_1737] : memref<2304xi32, #tpu.memory_space<vmem>>[vector<16xi32>], vector<16xi32>,
          %shift_left3A_1739 = arith.constant 16 : i32
          %shift_left3A_1740 = vector.broadcast %shift_left3A_1739 : i32 to vector<16xi32>
          %shift_left3A_1741 = arith.shli %gather3A_1738, %shift_left3A_1740 : vector<16xi32>
          %bitcast3A_1742 = vector.bitcast %shift_left3A_1741 : vector<16xi32> to vector<16xf32>
          %and3A_1743 = arith.andi %gather3A_1738, %broadcast_in_dim3A_480 : vector<16xi32>
          %bitcast3A_1744 = vector.bitcast %and3A_1743 : vector<16xi32> to vector<16xf32>
          %add3A_1745 = arith.addf %add3A_1649, %bitcast3A_1742 : vector<16xf32>
          %add3A_1746 = arith.addf %add3A_1650, %bitcast3A_1744 : vector<16xf32>
          %add3A_1747 = arith.constant 3 : i32
          %add3A_1748 = vector.broadcast %add3A_1747 : i32 to vector<16xi32>
          %add3A_1749 = arith.addi %gather3A_431, %add3A_1748 : vector<16xi32>
          %gather3A_1750 = tpu.vector_load_idx %arg7[%add3A_1749] : memref<2304xi32, #tpu.memory_space<vmem>>[vector<16xi32>], vector<16xi32>,
          %shift_left3A_1751 = arith.constant 16 : i32
          %shift_left3A_1752 = vector.broadcast %shift_left3A_1751 : i32 to vector<16xi32>
          %shift_left3A_1753 = arith.shli %gather3A_1750, %shift_left3A_1752 : vector<16xi32>
          %bitcast3A_1754 = vector.bitcast %shift_left3A_1753 : vector<16xi32> to vector<16xf32>
          %and3A_1755 = arith.andi %gather3A_1750, %broadcast_in_dim3A_480 : vector<16xi32>
          %bitcast3A_1756 = vector.bitcast %and3A_1755 : vector<16xi32> to vector<16xf32>
          %add3A_1757 = arith.addf %add3A_1661, %bitcast3A_1754 : vector<16xf32>
          %add3A_1758 = arith.addf %add3A_1662, %bitcast3A_1756 : vector<16xf32>
          %add3A_1759 = arith.constant 4 : i32
          %add3A_1760 = vector.broadcast %add3A_1759 : i32 to vector<16xi32>
          %add3A_1761 = arith.addi %gather3A_431, %add3A_1760 : vector<16xi32>
          %gather3A_1762 = tpu.vector_load_idx %arg7[%add3A_1761] : memref<2304xi32, #tpu.memory_space<vmem>>[vector<16xi32>], vector<16xi32>,
          %shift_left3A_1763 = arith.constant 16 : i32
          %shift_left3A_1764 = vector.broadcast %shift_left3A_1763 : i32 to vector<16xi32>
          %shift_left3A_1765 = arith.shli %gather3A_1762, %shift_left3A_1764 : vector<16xi32>
          %bitcast3A_1766 = vector.bitcast %shift_left3A_1765 : vector<16xi32> to vector<16xf32>
          %and3A_1767 = arith.andi %gather3A_1762, %broadcast_in_dim3A_480 : vector<16xi32>
          %bitcast3A_1768 = vector.bitcast %and3A_1767 : vector<16xi32> to vector<16xf32>
          %add3A_1769 = arith.addf %add3A_1673, %bitcast3A_1766 : vector<16xf32>
          %add3A_1770 = arith.addf %add3A_1674, %bitcast3A_1768 : vector<16xf32>
          %add3A_1771 = arith.constant 5 : i32
          %add3A_1772 = vector.broadcast %add3A_1771 : i32 to vector<16xi32>
          %add3A_1773 = arith.addi %gather3A_431, %add3A_1772 : vector<16xi32>
          %gather3A_1774 = tpu.vector_load_idx %arg7[%add3A_1773] : memref<2304xi32, #tpu.memory_space<vmem>>[vector<16xi32>], vector<16xi32>,
          %shift_left3A_1775 = arith.constant 16 : i32
          %shift_left3A_1776 = vector.broadcast %shift_left3A_1775 : i32 to vector<16xi32>
          %shift_left3A_1777 = arith.shli %gather3A_1774, %shift_left3A_1776 : vector<16xi32>
          %bitcast3A_1778 = vector.bitcast %shift_left3A_1777 : vector<16xi32> to vector<16xf32>
          %and3A_1779 = arith.andi %gather3A_1774, %broadcast_in_dim3A_480 : vector<16xi32>
          %bitcast3A_1780 = vector.bitcast %and3A_1779 : vector<16xi32> to vector<16xf32>
          %add3A_1781 = arith.addf %add3A_1685, %bitcast3A_1778 : vector<16xf32>
          %add3A_1782 = arith.addf %add3A_1686, %bitcast3A_1780 : vector<16xf32>
          %add3A_1783 = arith.constant 6 : i32
          %add3A_1784 = vector.broadcast %add3A_1783 : i32 to vector<16xi32>
          %add3A_1785 = arith.addi %gather3A_431, %add3A_1784 : vector<16xi32>
          %gather3A_1786 = tpu.vector_load_idx %arg7[%add3A_1785] : memref<2304xi32, #tpu.memory_space<vmem>>[vector<16xi32>], vector<16xi32>,
          %shift_left3A_1787 = arith.constant 16 : i32
          %shift_left3A_1788 = vector.broadcast %shift_left3A_1787 : i32 to vector<16xi32>
          %shift_left3A_1789 = arith.shli %gather3A_1786, %shift_left3A_1788 : vector<16xi32>
          %bitcast3A_1790 = vector.bitcast %shift_left3A_1789 : vector<16xi32> to vector<16xf32>
          %and3A_1791 = arith.andi %gather3A_1786, %broadcast_in_dim3A_480 : vector<16xi32>
          %bitcast3A_1792 = vector.bitcast %and3A_1791 : vector<16xi32> to vector<16xf32>
          %add3A_1793 = arith.addf %add3A_1697, %bitcast3A_1790 : vector<16xf32>
          %add3A_1794 = arith.addf %add3A_1698, %bitcast3A_1792 : vector<16xf32>
          %add3A_1795 = arith.constant 7 : i32
          %add3A_1796 = vector.broadcast %add3A_1795 : i32 to vector<16xi32>
          %add3A_1797 = arith.addi %gather3A_431, %add3A_1796 : vector<16xi32>
          %gather3A_1798 = tpu.vector_load_idx %arg7[%add3A_1797] : memref<2304xi32, #tpu.memory_space<vmem>>[vector<16xi32>], vector<16xi32>,
          %shift_left3A_1799 = arith.constant 16 : i32
          %shift_left3A_1800 = vector.broadcast %shift_left3A_1799 : i32 to vector<16xi32>
          %shift_left3A_1801 = arith.shli %gather3A_1798, %shift_left3A_1800 : vector<16xi32>
          %bitcast3A_1802 = vector.bitcast %shift_left3A_1801 : vector<16xi32> to vector<16xf32>
          %and3A_1803 = arith.andi %gather3A_1798, %broadcast_in_dim3A_480 : vector<16xi32>
          %bitcast3A_1804 = vector.bitcast %and3A_1803 : vector<16xi32> to vector<16xf32>
          %add3A_1805 = arith.addf %add3A_1709, %bitcast3A_1802 : vector<16xf32>
          %add3A_1806 = arith.addf %add3A_1710, %bitcast3A_1804 : vector<16xf32>
          %add3A_1807 = arith.constant 0 : i32
          %add3A_1808 = vector.broadcast %add3A_1807 : i32 to vector<16xi32>
          %add3A_1809 = arith.addi %gather3A_435, %add3A_1808 : vector<16xi32>
          %gather3A_1810 = tpu.vector_load_idx %arg7[%add3A_1809] : memref<2304xi32, #tpu.memory_space<vmem>>[vector<16xi32>], vector<16xi32>,
          %shift_left3A_1811 = arith.constant 16 : i32
          %shift_left3A_1812 = vector.broadcast %shift_left3A_1811 : i32 to vector<16xi32>
          %shift_left3A_1813 = arith.shli %gather3A_1810, %shift_left3A_1812 : vector<16xi32>
          %bitcast3A_1814 = vector.bitcast %shift_left3A_1813 : vector<16xi32> to vector<16xf32>
          %and3A_1815 = arith.andi %gather3A_1810, %broadcast_in_dim3A_480 : vector<16xi32>
          %bitcast3A_1816 = vector.bitcast %and3A_1815 : vector<16xi32> to vector<16xf32>
          %add3A_1817 = arith.addf %add3A_1721, %bitcast3A_1814 : vector<16xf32>
          %add3A_1818 = arith.addf %add3A_1722, %bitcast3A_1816 : vector<16xf32>
          %add3A_1819 = arith.constant 1 : i32
          %add3A_1820 = vector.broadcast %add3A_1819 : i32 to vector<16xi32>
          %add3A_1821 = arith.addi %gather3A_435, %add3A_1820 : vector<16xi32>
          %gather3A_1822 = tpu.vector_load_idx %arg7[%add3A_1821] : memref<2304xi32, #tpu.memory_space<vmem>>[vector<16xi32>], vector<16xi32>,
          %shift_left3A_1823 = arith.constant 16 : i32
          %shift_left3A_1824 = vector.broadcast %shift_left3A_1823 : i32 to vector<16xi32>
          %shift_left3A_1825 = arith.shli %gather3A_1822, %shift_left3A_1824 : vector<16xi32>
          %bitcast3A_1826 = vector.bitcast %shift_left3A_1825 : vector<16xi32> to vector<16xf32>
          %and3A_1827 = arith.andi %gather3A_1822, %broadcast_in_dim3A_480 : vector<16xi32>
          %bitcast3A_1828 = vector.bitcast %and3A_1827 : vector<16xi32> to vector<16xf32>
          %add3A_1829 = arith.addf %add3A_1733, %bitcast3A_1826 : vector<16xf32>
          %add3A_1830 = arith.addf %add3A_1734, %bitcast3A_1828 : vector<16xf32>
          %add3A_1831 = arith.constant 2 : i32
          %add3A_1832 = vector.broadcast %add3A_1831 : i32 to vector<16xi32>
          %add3A_1833 = arith.addi %gather3A_435, %add3A_1832 : vector<16xi32>
          %gather3A_1834 = tpu.vector_load_idx %arg7[%add3A_1833] : memref<2304xi32, #tpu.memory_space<vmem>>[vector<16xi32>], vector<16xi32>,
          %shift_left3A_1835 = arith.constant 16 : i32
          %shift_left3A_1836 = vector.broadcast %shift_left3A_1835 : i32 to vector<16xi32>
          %shift_left3A_1837 = arith.shli %gather3A_1834, %shift_left3A_1836 : vector<16xi32>
          %bitcast3A_1838 = vector.bitcast %shift_left3A_1837 : vector<16xi32> to vector<16xf32>
          %and3A_1839 = arith.andi %gather3A_1834, %broadcast_in_dim3A_480 : vector<16xi32>
          %bitcast3A_1840 = vector.bitcast %and3A_1839 : vector<16xi32> to vector<16xf32>
          %add3A_1841 = arith.addf %add3A_1745, %bitcast3A_1838 : vector<16xf32>
          %add3A_1842 = arith.addf %add3A_1746, %bitcast3A_1840 : vector<16xf32>
          %add3A_1843 = arith.constant 3 : i32
          %add3A_1844 = vector.broadcast %add3A_1843 : i32 to vector<16xi32>
          %add3A_1845 = arith.addi %gather3A_435, %add3A_1844 : vector<16xi32>
          %gather3A_1846 = tpu.vector_load_idx %arg7[%add3A_1845] : memref<2304xi32, #tpu.memory_space<vmem>>[vector<16xi32>], vector<16xi32>,
          %shift_left3A_1847 = arith.constant 16 : i32
          %shift_left3A_1848 = vector.broadcast %shift_left3A_1847 : i32 to vector<16xi32>
          %shift_left3A_1849 = arith.shli %gather3A_1846, %shift_left3A_1848 : vector<16xi32>
          %bitcast3A_1850 = vector.bitcast %shift_left3A_1849 : vector<16xi32> to vector<16xf32>
          %and3A_1851 = arith.andi %gather3A_1846, %broadcast_in_dim3A_480 : vector<16xi32>
          %bitcast3A_1852 = vector.bitcast %and3A_1851 : vector<16xi32> to vector<16xf32>
          %add3A_1853 = arith.addf %add3A_1757, %bitcast3A_1850 : vector<16xf32>
          %add3A_1854 = arith.addf %add3A_1758, %bitcast3A_1852 : vector<16xf32>
          %add3A_1855 = arith.constant 4 : i32
          %add3A_1856 = vector.broadcast %add3A_1855 : i32 to vector<16xi32>
          %add3A_1857 = arith.addi %gather3A_435, %add3A_1856 : vector<16xi32>
          %gather3A_1858 = tpu.vector_load_idx %arg7[%add3A_1857] : memref<2304xi32, #tpu.memory_space<vmem>>[vector<16xi32>], vector<16xi32>,
          %shift_left3A_1859 = arith.constant 16 : i32
          %shift_left3A_1860 = vector.broadcast %shift_left3A_1859 : i32 to vector<16xi32>
          %shift_left3A_1861 = arith.shli %gather3A_1858, %shift_left3A_1860 : vector<16xi32>
          %bitcast3A_1862 = vector.bitcast %shift_left3A_1861 : vector<16xi32> to vector<16xf32>
          %and3A_1863 = arith.andi %gather3A_1858, %broadcast_in_dim3A_480 : vector<16xi32>
          %bitcast3A_1864 = vector.bitcast %and3A_1863 : vector<16xi32> to vector<16xf32>
          %add3A_1865 = arith.addf %add3A_1769, %bitcast3A_1862 : vector<16xf32>
          %add3A_1866 = arith.addf %add3A_1770, %bitcast3A_1864 : vector<16xf32>
          %add3A_1867 = arith.constant 5 : i32
          %add3A_1868 = vector.broadcast %add3A_1867 : i32 to vector<16xi32>
          %add3A_1869 = arith.addi %gather3A_435, %add3A_1868 : vector<16xi32>
          %gather3A_1870 = tpu.vector_load_idx %arg7[%add3A_1869] : memref<2304xi32, #tpu.memory_space<vmem>>[vector<16xi32>], vector<16xi32>,
          %shift_left3A_1871 = arith.constant 16 : i32
          %shift_left3A_1872 = vector.broadcast %shift_left3A_1871 : i32 to vector<16xi32>
          %shift_left3A_1873 = arith.shli %gather3A_1870, %shift_left3A_1872 : vector<16xi32>
          %bitcast3A_1874 = vector.bitcast %shift_left3A_1873 : vector<16xi32> to vector<16xf32>
          %and3A_1875 = arith.andi %gather3A_1870, %broadcast_in_dim3A_480 : vector<16xi32>
          %bitcast3A_1876 = vector.bitcast %and3A_1875 : vector<16xi32> to vector<16xf32>
          %add3A_1877 = arith.addf %add3A_1781, %bitcast3A_1874 : vector<16xf32>
          %add3A_1878 = arith.addf %add3A_1782, %bitcast3A_1876 : vector<16xf32>
          %add3A_1879 = arith.constant 6 : i32
          %add3A_1880 = vector.broadcast %add3A_1879 : i32 to vector<16xi32>
          %add3A_1881 = arith.addi %gather3A_435, %add3A_1880 : vector<16xi32>
          %gather3A_1882 = tpu.vector_load_idx %arg7[%add3A_1881] : memref<2304xi32, #tpu.memory_space<vmem>>[vector<16xi32>], vector<16xi32>,
          %shift_left3A_1883 = arith.constant 16 : i32
          %shift_left3A_1884 = vector.broadcast %shift_left3A_1883 : i32 to vector<16xi32>
          %shift_left3A_1885 = arith.shli %gather3A_1882, %shift_left3A_1884 : vector<16xi32>
          %bitcast3A_1886 = vector.bitcast %shift_left3A_1885 : vector<16xi32> to vector<16xf32>
          %and3A_1887 = arith.andi %gather3A_1882, %broadcast_in_dim3A_480 : vector<16xi32>
          %bitcast3A_1888 = vector.bitcast %and3A_1887 : vector<16xi32> to vector<16xf32>
          %add3A_1889 = arith.addf %add3A_1793, %bitcast3A_1886 : vector<16xf32>
          %add3A_1890 = arith.addf %add3A_1794, %bitcast3A_1888 : vector<16xf32>
          %add3A_1891 = arith.constant 7 : i32
          %add3A_1892 = vector.broadcast %add3A_1891 : i32 to vector<16xi32>
          %add3A_1893 = arith.addi %gather3A_435, %add3A_1892 : vector<16xi32>
          %gather3A_1894 = tpu.vector_load_idx %arg7[%add3A_1893] : memref<2304xi32, #tpu.memory_space<vmem>>[vector<16xi32>], vector<16xi32>,
          %shift_left3A_1895 = arith.constant 16 : i32
          %shift_left3A_1896 = vector.broadcast %shift_left3A_1895 : i32 to vector<16xi32>
          %shift_left3A_1897 = arith.shli %gather3A_1894, %shift_left3A_1896 : vector<16xi32>
          %bitcast3A_1898 = vector.bitcast %shift_left3A_1897 : vector<16xi32> to vector<16xf32>
          %and3A_1899 = arith.andi %gather3A_1894, %broadcast_in_dim3A_480 : vector<16xi32>
          %bitcast3A_1900 = vector.bitcast %and3A_1899 : vector<16xi32> to vector<16xf32>
          %add3A_1901 = arith.addf %add3A_1805, %bitcast3A_1898 : vector<16xf32>
          %add3A_1902 = arith.addf %add3A_1806, %bitcast3A_1900 : vector<16xf32>
          %add3A_1903 = arith.constant 0 : i32
          %add3A_1904 = vector.broadcast %add3A_1903 : i32 to vector<16xi32>
          %add3A_1905 = arith.addi %gather3A_439, %add3A_1904 : vector<16xi32>
          %gather3A_1906 = tpu.vector_load_idx %arg7[%add3A_1905] : memref<2304xi32, #tpu.memory_space<vmem>>[vector<16xi32>], vector<16xi32>,
          %shift_left3A_1907 = arith.constant 16 : i32
          %shift_left3A_1908 = vector.broadcast %shift_left3A_1907 : i32 to vector<16xi32>
          %shift_left3A_1909 = arith.shli %gather3A_1906, %shift_left3A_1908 : vector<16xi32>
          %bitcast3A_1910 = vector.bitcast %shift_left3A_1909 : vector<16xi32> to vector<16xf32>
          %and3A_1911 = arith.andi %gather3A_1906, %broadcast_in_dim3A_480 : vector<16xi32>
          %bitcast3A_1912 = vector.bitcast %and3A_1911 : vector<16xi32> to vector<16xf32>
          %add3A_1913 = arith.addf %add3A_1817, %bitcast3A_1910 : vector<16xf32>
          %add3A_1914 = arith.addf %add3A_1818, %bitcast3A_1912 : vector<16xf32>
          %add3A_1915 = arith.constant 1 : i32
          %add3A_1916 = vector.broadcast %add3A_1915 : i32 to vector<16xi32>
          %add3A_1917 = arith.addi %gather3A_439, %add3A_1916 : vector<16xi32>
          %gather3A_1918 = tpu.vector_load_idx %arg7[%add3A_1917] : memref<2304xi32, #tpu.memory_space<vmem>>[vector<16xi32>], vector<16xi32>,
          %shift_left3A_1919 = arith.constant 16 : i32
          %shift_left3A_1920 = vector.broadcast %shift_left3A_1919 : i32 to vector<16xi32>
          %shift_left3A_1921 = arith.shli %gather3A_1918, %shift_left3A_1920 : vector<16xi32>
          %bitcast3A_1922 = vector.bitcast %shift_left3A_1921 : vector<16xi32> to vector<16xf32>
          %and3A_1923 = arith.andi %gather3A_1918, %broadcast_in_dim3A_480 : vector<16xi32>
          %bitcast3A_1924 = vector.bitcast %and3A_1923 : vector<16xi32> to vector<16xf32>
          %add3A_1925 = arith.addf %add3A_1829, %bitcast3A_1922 : vector<16xf32>
          %add3A_1926 = arith.addf %add3A_1830, %bitcast3A_1924 : vector<16xf32>
          %add3A_1927 = arith.constant 2 : i32
          %add3A_1928 = vector.broadcast %add3A_1927 : i32 to vector<16xi32>
          %add3A_1929 = arith.addi %gather3A_439, %add3A_1928 : vector<16xi32>
          %gather3A_1930 = tpu.vector_load_idx %arg7[%add3A_1929] : memref<2304xi32, #tpu.memory_space<vmem>>[vector<16xi32>], vector<16xi32>,
          %shift_left3A_1931 = arith.constant 16 : i32
          %shift_left3A_1932 = vector.broadcast %shift_left3A_1931 : i32 to vector<16xi32>
          %shift_left3A_1933 = arith.shli %gather3A_1930, %shift_left3A_1932 : vector<16xi32>
          %bitcast3A_1934 = vector.bitcast %shift_left3A_1933 : vector<16xi32> to vector<16xf32>
          %and3A_1935 = arith.andi %gather3A_1930, %broadcast_in_dim3A_480 : vector<16xi32>
          %bitcast3A_1936 = vector.bitcast %and3A_1935 : vector<16xi32> to vector<16xf32>
          %add3A_1937 = arith.addf %add3A_1841, %bitcast3A_1934 : vector<16xf32>
          %add3A_1938 = arith.addf %add3A_1842, %bitcast3A_1936 : vector<16xf32>
          %add3A_1939 = arith.constant 3 : i32
          %add3A_1940 = vector.broadcast %add3A_1939 : i32 to vector<16xi32>
          %add3A_1941 = arith.addi %gather3A_439, %add3A_1940 : vector<16xi32>
          %gather3A_1942 = tpu.vector_load_idx %arg7[%add3A_1941] : memref<2304xi32, #tpu.memory_space<vmem>>[vector<16xi32>], vector<16xi32>,
          %shift_left3A_1943 = arith.constant 16 : i32
          %shift_left3A_1944 = vector.broadcast %shift_left3A_1943 : i32 to vector<16xi32>
          %shift_left3A_1945 = arith.shli %gather3A_1942, %shift_left3A_1944 : vector<16xi32>
          %bitcast3A_1946 = vector.bitcast %shift_left3A_1945 : vector<16xi32> to vector<16xf32>
          %and3A_1947 = arith.andi %gather3A_1942, %broadcast_in_dim3A_480 : vector<16xi32>
          %bitcast3A_1948 = vector.bitcast %and3A_1947 : vector<16xi32> to vector<16xf32>
          %add3A_1949 = arith.addf %add3A_1853, %bitcast3A_1946 : vector<16xf32>
          %add3A_1950 = arith.addf %add3A_1854, %bitcast3A_1948 : vector<16xf32>
          %add3A_1951 = arith.constant 4 : i32
          %add3A_1952 = vector.broadcast %add3A_1951 : i32 to vector<16xi32>
          %add3A_1953 = arith.addi %gather3A_439, %add3A_1952 : vector<16xi32>
          %gather3A_1954 = tpu.vector_load_idx %arg7[%add3A_1953] : memref<2304xi32, #tpu.memory_space<vmem>>[vector<16xi32>], vector<16xi32>,
          %shift_left3A_1955 = arith.constant 16 : i32
          %shift_left3A_1956 = vector.broadcast %shift_left3A_1955 : i32 to vector<16xi32>
          %shift_left3A_1957 = arith.shli %gather3A_1954, %shift_left3A_1956 : vector<16xi32>
          %bitcast3A_1958 = vector.bitcast %shift_left3A_1957 : vector<16xi32> to vector<16xf32>
          %and3A_1959 = arith.andi %gather3A_1954, %broadcast_in_dim3A_480 : vector<16xi32>
          %bitcast3A_1960 = vector.bitcast %and3A_1959 : vector<16xi32> to vector<16xf32>
          %add3A_1961 = arith.addf %add3A_1865, %bitcast3A_1958 : vector<16xf32>
          %add3A_1962 = arith.addf %add3A_1866, %bitcast3A_1960 : vector<16xf32>
          %add3A_1963 = arith.constant 5 : i32
          %add3A_1964 = vector.broadcast %add3A_1963 : i32 to vector<16xi32>
          %add3A_1965 = arith.addi %gather3A_439, %add3A_1964 : vector<16xi32>
          %gather3A_1966 = tpu.vector_load_idx %arg7[%add3A_1965] : memref<2304xi32, #tpu.memory_space<vmem>>[vector<16xi32>], vector<16xi32>,
          %shift_left3A_1967 = arith.constant 16 : i32
          %shift_left3A_1968 = vector.broadcast %shift_left3A_1967 : i32 to vector<16xi32>
          %shift_left3A_1969 = arith.shli %gather3A_1966, %shift_left3A_1968 : vector<16xi32>
          %bitcast3A_1970 = vector.bitcast %shift_left3A_1969 : vector<16xi32> to vector<16xf32>
          %and3A_1971 = arith.andi %gather3A_1966, %broadcast_in_dim3A_480 : vector<16xi32>
          %bitcast3A_1972 = vector.bitcast %and3A_1971 : vector<16xi32> to vector<16xf32>
          %add3A_1973 = arith.addf %add3A_1877, %bitcast3A_1970 : vector<16xf32>
          %add3A_1974 = arith.addf %add3A_1878, %bitcast3A_1972 : vector<16xf32>
          %add3A_1975 = arith.constant 6 : i32
          %add3A_1976 = vector.broadcast %add3A_1975 : i32 to vector<16xi32>
          %add3A_1977 = arith.addi %gather3A_439, %add3A_1976 : vector<16xi32>
          %gather3A_1978 = tpu.vector_load_idx %arg7[%add3A_1977] : memref<2304xi32, #tpu.memory_space<vmem>>[vector<16xi32>], vector<16xi32>,
          %shift_left3A_1979 = arith.constant 16 : i32
          %shift_left3A_1980 = vector.broadcast %shift_left3A_1979 : i32 to vector<16xi32>
          %shift_left3A_1981 = arith.shli %gather3A_1978, %shift_left3A_1980 : vector<16xi32>
          %bitcast3A_1982 = vector.bitcast %shift_left3A_1981 : vector<16xi32> to vector<16xf32>
          %and3A_1983 = arith.andi %gather3A_1978, %broadcast_in_dim3A_480 : vector<16xi32>
          %bitcast3A_1984 = vector.bitcast %and3A_1983 : vector<16xi32> to vector<16xf32>
          %add3A_1985 = arith.addf %add3A_1889, %bitcast3A_1982 : vector<16xf32>
          %add3A_1986 = arith.addf %add3A_1890, %bitcast3A_1984 : vector<16xf32>
          %add3A_1987 = arith.constant 7 : i32
          %add3A_1988 = vector.broadcast %add3A_1987 : i32 to vector<16xi32>
          %add3A_1989 = arith.addi %gather3A_439, %add3A_1988 : vector<16xi32>
          %gather3A_1990 = tpu.vector_load_idx %arg7[%add3A_1989] : memref<2304xi32, #tpu.memory_space<vmem>>[vector<16xi32>], vector<16xi32>,
          %shift_left3A_1991 = arith.constant 16 : i32
          %shift_left3A_1992 = vector.broadcast %shift_left3A_1991 : i32 to vector<16xi32>
          %shift_left3A_1993 = arith.shli %gather3A_1990, %shift_left3A_1992 : vector<16xi32>
          %bitcast3A_1994 = vector.bitcast %shift_left3A_1993 : vector<16xi32> to vector<16xf32>
          %and3A_1995 = arith.andi %gather3A_1990, %broadcast_in_dim3A_480 : vector<16xi32>
          %bitcast3A_1996 = vector.bitcast %and3A_1995 : vector<16xi32> to vector<16xf32>
          %add3A_1997 = arith.addf %add3A_1901, %bitcast3A_1994 : vector<16xf32>
          %add3A_1998 = arith.addf %add3A_1902, %bitcast3A_1996 : vector<16xf32>
          %add3A_1999 = arith.constant 0 : i32
          %add3A_2000 = vector.broadcast %add3A_1999 : i32 to vector<16xi32>
          %add3A_2001 = arith.addi %gather3A_443, %add3A_2000 : vector<16xi32>
          %gather3A_2002 = tpu.vector_load_idx %arg7[%add3A_2001] : memref<2304xi32, #tpu.memory_space<vmem>>[vector<16xi32>], vector<16xi32>,
          %shift_left3A_2003 = arith.constant 16 : i32
          %shift_left3A_2004 = vector.broadcast %shift_left3A_2003 : i32 to vector<16xi32>
          %shift_left3A_2005 = arith.shli %gather3A_2002, %shift_left3A_2004 : vector<16xi32>
          %bitcast3A_2006 = vector.bitcast %shift_left3A_2005 : vector<16xi32> to vector<16xf32>
          %and3A_2007 = arith.andi %gather3A_2002, %broadcast_in_dim3A_480 : vector<16xi32>
          %bitcast3A_2008 = vector.bitcast %and3A_2007 : vector<16xi32> to vector<16xf32>
          %add3A_2009 = arith.addf %add3A_1913, %bitcast3A_2006 : vector<16xf32>
          %add3A_2010 = arith.addf %add3A_1914, %bitcast3A_2008 : vector<16xf32>
          %add3A_2011 = arith.constant 1 : i32
          %add3A_2012 = vector.broadcast %add3A_2011 : i32 to vector<16xi32>
          %add3A_2013 = arith.addi %gather3A_443, %add3A_2012 : vector<16xi32>
          %gather3A_2014 = tpu.vector_load_idx %arg7[%add3A_2013] : memref<2304xi32, #tpu.memory_space<vmem>>[vector<16xi32>], vector<16xi32>,
          %shift_left3A_2015 = arith.constant 16 : i32
          %shift_left3A_2016 = vector.broadcast %shift_left3A_2015 : i32 to vector<16xi32>
          %shift_left3A_2017 = arith.shli %gather3A_2014, %shift_left3A_2016 : vector<16xi32>
          %bitcast3A_2018 = vector.bitcast %shift_left3A_2017 : vector<16xi32> to vector<16xf32>
          %and3A_2019 = arith.andi %gather3A_2014, %broadcast_in_dim3A_480 : vector<16xi32>
          %bitcast3A_2020 = vector.bitcast %and3A_2019 : vector<16xi32> to vector<16xf32>
          %add3A_2021 = arith.addf %add3A_1925, %bitcast3A_2018 : vector<16xf32>
          %add3A_2022 = arith.addf %add3A_1926, %bitcast3A_2020 : vector<16xf32>
          %add3A_2023 = arith.constant 2 : i32
          %add3A_2024 = vector.broadcast %add3A_2023 : i32 to vector<16xi32>
          %add3A_2025 = arith.addi %gather3A_443, %add3A_2024 : vector<16xi32>
          %gather3A_2026 = tpu.vector_load_idx %arg7[%add3A_2025] : memref<2304xi32, #tpu.memory_space<vmem>>[vector<16xi32>], vector<16xi32>,
          %shift_left3A_2027 = arith.constant 16 : i32
          %shift_left3A_2028 = vector.broadcast %shift_left3A_2027 : i32 to vector<16xi32>
          %shift_left3A_2029 = arith.shli %gather3A_2026, %shift_left3A_2028 : vector<16xi32>
          %bitcast3A_2030 = vector.bitcast %shift_left3A_2029 : vector<16xi32> to vector<16xf32>
          %and3A_2031 = arith.andi %gather3A_2026, %broadcast_in_dim3A_480 : vector<16xi32>
          %bitcast3A_2032 = vector.bitcast %and3A_2031 : vector<16xi32> to vector<16xf32>
          %add3A_2033 = arith.addf %add3A_1937, %bitcast3A_2030 : vector<16xf32>
          %add3A_2034 = arith.addf %add3A_1938, %bitcast3A_2032 : vector<16xf32>
          %add3A_2035 = arith.constant 3 : i32
          %add3A_2036 = vector.broadcast %add3A_2035 : i32 to vector<16xi32>
          %add3A_2037 = arith.addi %gather3A_443, %add3A_2036 : vector<16xi32>
          %gather3A_2038 = tpu.vector_load_idx %arg7[%add3A_2037] : memref<2304xi32, #tpu.memory_space<vmem>>[vector<16xi32>], vector<16xi32>,
          %shift_left3A_2039 = arith.constant 16 : i32
          %shift_left3A_2040 = vector.broadcast %shift_left3A_2039 : i32 to vector<16xi32>
          %shift_left3A_2041 = arith.shli %gather3A_2038, %shift_left3A_2040 : vector<16xi32>
          %bitcast3A_2042 = vector.bitcast %shift_left3A_2041 : vector<16xi32> to vector<16xf32>
          %and3A_2043 = arith.andi %gather3A_2038, %broadcast_in_dim3A_480 : vector<16xi32>
          %bitcast3A_2044 = vector.bitcast %and3A_2043 : vector<16xi32> to vector<16xf32>
          %add3A_2045 = arith.addf %add3A_1949, %bitcast3A_2042 : vector<16xf32>
          %add3A_2046 = arith.addf %add3A_1950, %bitcast3A_2044 : vector<16xf32>
          %add3A_2047 = arith.constant 4 : i32
          %add3A_2048 = vector.broadcast %add3A_2047 : i32 to vector<16xi32>
          %add3A_2049 = arith.addi %gather3A_443, %add3A_2048 : vector<16xi32>
          %gather3A_2050 = tpu.vector_load_idx %arg7[%add3A_2049] : memref<2304xi32, #tpu.memory_space<vmem>>[vector<16xi32>], vector<16xi32>,
          %shift_left3A_2051 = arith.constant 16 : i32
          %shift_left3A_2052 = vector.broadcast %shift_left3A_2051 : i32 to vector<16xi32>
          %shift_left3A_2053 = arith.shli %gather3A_2050, %shift_left3A_2052 : vector<16xi32>
          %bitcast3A_2054 = vector.bitcast %shift_left3A_2053 : vector<16xi32> to vector<16xf32>
          %and3A_2055 = arith.andi %gather3A_2050, %broadcast_in_dim3A_480 : vector<16xi32>
          %bitcast3A_2056 = vector.bitcast %and3A_2055 : vector<16xi32> to vector<16xf32>
          %add3A_2057 = arith.addf %add3A_1961, %bitcast3A_2054 : vector<16xf32>
          %add3A_2058 = arith.addf %add3A_1962, %bitcast3A_2056 : vector<16xf32>
          %add3A_2059 = arith.constant 5 : i32
          %add3A_2060 = vector.broadcast %add3A_2059 : i32 to vector<16xi32>
          %add3A_2061 = arith.addi %gather3A_443, %add3A_2060 : vector<16xi32>
          %gather3A_2062 = tpu.vector_load_idx %arg7[%add3A_2061] : memref<2304xi32, #tpu.memory_space<vmem>>[vector<16xi32>], vector<16xi32>,
          %shift_left3A_2063 = arith.constant 16 : i32
          %shift_left3A_2064 = vector.broadcast %shift_left3A_2063 : i32 to vector<16xi32>
          %shift_left3A_2065 = arith.shli %gather3A_2062, %shift_left3A_2064 : vector<16xi32>
          %bitcast3A_2066 = vector.bitcast %shift_left3A_2065 : vector<16xi32> to vector<16xf32>
          %and3A_2067 = arith.andi %gather3A_2062, %broadcast_in_dim3A_480 : vector<16xi32>
          %bitcast3A_2068 = vector.bitcast %and3A_2067 : vector<16xi32> to vector<16xf32>
          %add3A_2069 = arith.addf %add3A_1973, %bitcast3A_2066 : vector<16xf32>
          %add3A_2070 = arith.addf %add3A_1974, %bitcast3A_2068 : vector<16xf32>
          %add3A_2071 = arith.constant 6 : i32
          %add3A_2072 = vector.broadcast %add3A_2071 : i32 to vector<16xi32>
          %add3A_2073 = arith.addi %gather3A_443, %add3A_2072 : vector<16xi32>
          %gather3A_2074 = tpu.vector_load_idx %arg7[%add3A_2073] : memref<2304xi32, #tpu.memory_space<vmem>>[vector<16xi32>], vector<16xi32>,
          %shift_left3A_2075 = arith.constant 16 : i32
          %shift_left3A_2076 = vector.broadcast %shift_left3A_2075 : i32 to vector<16xi32>
          %shift_left3A_2077 = arith.shli %gather3A_2074, %shift_left3A_2076 : vector<16xi32>
          %bitcast3A_2078 = vector.bitcast %shift_left3A_2077 : vector<16xi32> to vector<16xf32>
          %and3A_2079 = arith.andi %gather3A_2074, %broadcast_in_dim3A_480 : vector<16xi32>
          %bitcast3A_2080 = vector.bitcast %and3A_2079 : vector<16xi32> to vector<16xf32>
          %add3A_2081 = arith.addf %add3A_1985, %bitcast3A_2078 : vector<16xf32>
          %add3A_2082 = arith.addf %add3A_1986, %bitcast3A_2080 : vector<16xf32>
          %add3A_2083 = arith.constant 7 : i32
          %add3A_2084 = vector.broadcast %add3A_2083 : i32 to vector<16xi32>
          %add3A_2085 = arith.addi %gather3A_443, %add3A_2084 : vector<16xi32>
          %gather3A_2086 = tpu.vector_load_idx %arg7[%add3A_2085] : memref<2304xi32, #tpu.memory_space<vmem>>[vector<16xi32>], vector<16xi32>,
          %shift_left3A_2087 = arith.constant 16 : i32
          %shift_left3A_2088 = vector.broadcast %shift_left3A_2087 : i32 to vector<16xi32>
          %shift_left3A_2089 = arith.shli %gather3A_2086, %shift_left3A_2088 : vector<16xi32>
          %bitcast3A_2090 = vector.bitcast %shift_left3A_2089 : vector<16xi32> to vector<16xf32>
          %and3A_2091 = arith.andi %gather3A_2086, %broadcast_in_dim3A_480 : vector<16xi32>
          %bitcast3A_2092 = vector.bitcast %and3A_2091 : vector<16xi32> to vector<16xf32>
          %add3A_2093 = arith.addf %add3A_1997, %bitcast3A_2090 : vector<16xf32>
          %add3A_2094 = arith.addf %add3A_1998, %bitcast3A_2092 : vector<16xf32>
          %add3A_2095 = arith.constant 0 : i32
          %add3A_2096 = vector.broadcast %add3A_2095 : i32 to vector<16xi32>
          %add3A_2097 = arith.addi %gather3A_447, %add3A_2096 : vector<16xi32>
          %gather3A_2098 = tpu.vector_load_idx %arg7[%add3A_2097] : memref<2304xi32, #tpu.memory_space<vmem>>[vector<16xi32>], vector<16xi32>,
          %shift_left3A_2099 = arith.constant 16 : i32
          %shift_left3A_2100 = vector.broadcast %shift_left3A_2099 : i32 to vector<16xi32>
          %shift_left3A_2101 = arith.shli %gather3A_2098, %shift_left3A_2100 : vector<16xi32>
          %bitcast3A_2102 = vector.bitcast %shift_left3A_2101 : vector<16xi32> to vector<16xf32>
          %and3A_2103 = arith.andi %gather3A_2098, %broadcast_in_dim3A_480 : vector<16xi32>
          %bitcast3A_2104 = vector.bitcast %and3A_2103 : vector<16xi32> to vector<16xf32>
          %add3A_2105 = arith.addf %add3A_2009, %bitcast3A_2102 : vector<16xf32>
          %add3A_2106 = arith.addf %add3A_2010, %bitcast3A_2104 : vector<16xf32>
          %add3A_2107 = arith.constant 1 : i32
          %add3A_2108 = vector.broadcast %add3A_2107 : i32 to vector<16xi32>
          %add3A_2109 = arith.addi %gather3A_447, %add3A_2108 : vector<16xi32>
          %gather3A_2110 = tpu.vector_load_idx %arg7[%add3A_2109] : memref<2304xi32, #tpu.memory_space<vmem>>[vector<16xi32>], vector<16xi32>,
          %shift_left3A_2111 = arith.constant 16 : i32
          %shift_left3A_2112 = vector.broadcast %shift_left3A_2111 : i32 to vector<16xi32>
          %shift_left3A_2113 = arith.shli %gather3A_2110, %shift_left3A_2112 : vector<16xi32>
          %bitcast3A_2114 = vector.bitcast %shift_left3A_2113 : vector<16xi32> to vector<16xf32>
          %and3A_2115 = arith.andi %gather3A_2110, %broadcast_in_dim3A_480 : vector<16xi32>
          %bitcast3A_2116 = vector.bitcast %and3A_2115 : vector<16xi32> to vector<16xf32>
          %add3A_2117 = arith.addf %add3A_2021, %bitcast3A_2114 : vector<16xf32>
          %add3A_2118 = arith.addf %add3A_2022, %bitcast3A_2116 : vector<16xf32>
          %add3A_2119 = arith.constant 2 : i32
          %add3A_2120 = vector.broadcast %add3A_2119 : i32 to vector<16xi32>
          %add3A_2121 = arith.addi %gather3A_447, %add3A_2120 : vector<16xi32>
          %gather3A_2122 = tpu.vector_load_idx %arg7[%add3A_2121] : memref<2304xi32, #tpu.memory_space<vmem>>[vector<16xi32>], vector<16xi32>,
          %shift_left3A_2123 = arith.constant 16 : i32
          %shift_left3A_2124 = vector.broadcast %shift_left3A_2123 : i32 to vector<16xi32>
          %shift_left3A_2125 = arith.shli %gather3A_2122, %shift_left3A_2124 : vector<16xi32>
          %bitcast3A_2126 = vector.bitcast %shift_left3A_2125 : vector<16xi32> to vector<16xf32>
          %and3A_2127 = arith.andi %gather3A_2122, %broadcast_in_dim3A_480 : vector<16xi32>
          %bitcast3A_2128 = vector.bitcast %and3A_2127 : vector<16xi32> to vector<16xf32>
          %add3A_2129 = arith.addf %add3A_2033, %bitcast3A_2126 : vector<16xf32>
          %add3A_2130 = arith.addf %add3A_2034, %bitcast3A_2128 : vector<16xf32>
          %add3A_2131 = arith.constant 3 : i32
          %add3A_2132 = vector.broadcast %add3A_2131 : i32 to vector<16xi32>
          %add3A_2133 = arith.addi %gather3A_447, %add3A_2132 : vector<16xi32>
          %gather3A_2134 = tpu.vector_load_idx %arg7[%add3A_2133] : memref<2304xi32, #tpu.memory_space<vmem>>[vector<16xi32>], vector<16xi32>,
          %shift_left3A_2135 = arith.constant 16 : i32
          %shift_left3A_2136 = vector.broadcast %shift_left3A_2135 : i32 to vector<16xi32>
          %shift_left3A_2137 = arith.shli %gather3A_2134, %shift_left3A_2136 : vector<16xi32>
          %bitcast3A_2138 = vector.bitcast %shift_left3A_2137 : vector<16xi32> to vector<16xf32>
          %and3A_2139 = arith.andi %gather3A_2134, %broadcast_in_dim3A_480 : vector<16xi32>
          %bitcast3A_2140 = vector.bitcast %and3A_2139 : vector<16xi32> to vector<16xf32>
          %add3A_2141 = arith.addf %add3A_2045, %bitcast3A_2138 : vector<16xf32>
          %add3A_2142 = arith.addf %add3A_2046, %bitcast3A_2140 : vector<16xf32>
          %add3A_2143 = arith.constant 4 : i32
          %add3A_2144 = vector.broadcast %add3A_2143 : i32 to vector<16xi32>
          %add3A_2145 = arith.addi %gather3A_447, %add3A_2144 : vector<16xi32>
          %gather3A_2146 = tpu.vector_load_idx %arg7[%add3A_2145] : memref<2304xi32, #tpu.memory_space<vmem>>[vector<16xi32>], vector<16xi32>,
          %shift_left3A_2147 = arith.constant 16 : i32
          %shift_left3A_2148 = vector.broadcast %shift_left3A_2147 : i32 to vector<16xi32>
          %shift_left3A_2149 = arith.shli %gather3A_2146, %shift_left3A_2148 : vector<16xi32>
          %bitcast3A_2150 = vector.bitcast %shift_left3A_2149 : vector<16xi32> to vector<16xf32>
          %and3A_2151 = arith.andi %gather3A_2146, %broadcast_in_dim3A_480 : vector<16xi32>
          %bitcast3A_2152 = vector.bitcast %and3A_2151 : vector<16xi32> to vector<16xf32>
          %add3A_2153 = arith.addf %add3A_2057, %bitcast3A_2150 : vector<16xf32>
          %add3A_2154 = arith.addf %add3A_2058, %bitcast3A_2152 : vector<16xf32>
          %add3A_2155 = arith.constant 5 : i32
          %add3A_2156 = vector.broadcast %add3A_2155 : i32 to vector<16xi32>
          %add3A_2157 = arith.addi %gather3A_447, %add3A_2156 : vector<16xi32>
          %gather3A_2158 = tpu.vector_load_idx %arg7[%add3A_2157] : memref<2304xi32, #tpu.memory_space<vmem>>[vector<16xi32>], vector<16xi32>,
          %shift_left3A_2159 = arith.constant 16 : i32
          %shift_left3A_2160 = vector.broadcast %shift_left3A_2159 : i32 to vector<16xi32>
          %shift_left3A_2161 = arith.shli %gather3A_2158, %shift_left3A_2160 : vector<16xi32>
          %bitcast3A_2162 = vector.bitcast %shift_left3A_2161 : vector<16xi32> to vector<16xf32>
          %and3A_2163 = arith.andi %gather3A_2158, %broadcast_in_dim3A_480 : vector<16xi32>
          %bitcast3A_2164 = vector.bitcast %and3A_2163 : vector<16xi32> to vector<16xf32>
          %add3A_2165 = arith.addf %add3A_2069, %bitcast3A_2162 : vector<16xf32>
          %add3A_2166 = arith.addf %add3A_2070, %bitcast3A_2164 : vector<16xf32>
          %add3A_2167 = arith.constant 6 : i32
          %add3A_2168 = vector.broadcast %add3A_2167 : i32 to vector<16xi32>
          %add3A_2169 = arith.addi %gather3A_447, %add3A_2168 : vector<16xi32>
          %gather3A_2170 = tpu.vector_load_idx %arg7[%add3A_2169] : memref<2304xi32, #tpu.memory_space<vmem>>[vector<16xi32>], vector<16xi32>,
          %shift_left3A_2171 = arith.constant 16 : i32
          %shift_left3A_2172 = vector.broadcast %shift_left3A_2171 : i32 to vector<16xi32>
          %shift_left3A_2173 = arith.shli %gather3A_2170, %shift_left3A_2172 : vector<16xi32>
          %bitcast3A_2174 = vector.bitcast %shift_left3A_2173 : vector<16xi32> to vector<16xf32>
          %and3A_2175 = arith.andi %gather3A_2170, %broadcast_in_dim3A_480 : vector<16xi32>
          %bitcast3A_2176 = vector.bitcast %and3A_2175 : vector<16xi32> to vector<16xf32>
          %add3A_2177 = arith.addf %add3A_2081, %bitcast3A_2174 : vector<16xf32>
          %add3A_2178 = arith.addf %add3A_2082, %bitcast3A_2176 : vector<16xf32>
          %add3A_2179 = arith.constant 7 : i32
          %add3A_2180 = vector.broadcast %add3A_2179 : i32 to vector<16xi32>
          %add3A_2181 = arith.addi %gather3A_447, %add3A_2180 : vector<16xi32>
          %gather3A_2182 = tpu.vector_load_idx %arg7[%add3A_2181] : memref<2304xi32, #tpu.memory_space<vmem>>[vector<16xi32>], vector<16xi32>,
          %shift_left3A_2183 = arith.constant 16 : i32
          %shift_left3A_2184 = vector.broadcast %shift_left3A_2183 : i32 to vector<16xi32>
          %shift_left3A_2185 = arith.shli %gather3A_2182, %shift_left3A_2184 : vector<16xi32>
          %bitcast3A_2186 = vector.bitcast %shift_left3A_2185 : vector<16xi32> to vector<16xf32>
          %and3A_2187 = arith.andi %gather3A_2182, %broadcast_in_dim3A_480 : vector<16xi32>
          %bitcast3A_2188 = vector.bitcast %and3A_2187 : vector<16xi32> to vector<16xf32>
          %add3A_2189 = arith.addf %add3A_2093, %bitcast3A_2186 : vector<16xf32>
          %add3A_2190 = arith.addf %add3A_2094, %bitcast3A_2188 : vector<16xf32>
          %add3A_2191 = arith.constant 0 : i32
          %add3A_2192 = vector.broadcast %add3A_2191 : i32 to vector<16xi32>
          %add3A_2193 = arith.addi %gather3A_451, %add3A_2192 : vector<16xi32>
          %gather3A_2194 = tpu.vector_load_idx %arg7[%add3A_2193] : memref<2304xi32, #tpu.memory_space<vmem>>[vector<16xi32>], vector<16xi32>,
          %shift_left3A_2195 = arith.constant 16 : i32
          %shift_left3A_2196 = vector.broadcast %shift_left3A_2195 : i32 to vector<16xi32>
          %shift_left3A_2197 = arith.shli %gather3A_2194, %shift_left3A_2196 : vector<16xi32>
          %bitcast3A_2198 = vector.bitcast %shift_left3A_2197 : vector<16xi32> to vector<16xf32>
          %and3A_2199 = arith.andi %gather3A_2194, %broadcast_in_dim3A_480 : vector<16xi32>
          %bitcast3A_2200 = vector.bitcast %and3A_2199 : vector<16xi32> to vector<16xf32>
          %add3A_2201 = arith.addf %add3A_2105, %bitcast3A_2198 : vector<16xf32>
          %add3A_2202 = arith.addf %add3A_2106, %bitcast3A_2200 : vector<16xf32>
          %add3A_2203 = arith.constant 1 : i32
          %add3A_2204 = vector.broadcast %add3A_2203 : i32 to vector<16xi32>
          %add3A_2205 = arith.addi %gather3A_451, %add3A_2204 : vector<16xi32>
          %gather3A_2206 = tpu.vector_load_idx %arg7[%add3A_2205] : memref<2304xi32, #tpu.memory_space<vmem>>[vector<16xi32>], vector<16xi32>,
          %shift_left3A_2207 = arith.constant 16 : i32
          %shift_left3A_2208 = vector.broadcast %shift_left3A_2207 : i32 to vector<16xi32>
          %shift_left3A_2209 = arith.shli %gather3A_2206, %shift_left3A_2208 : vector<16xi32>
          %bitcast3A_2210 = vector.bitcast %shift_left3A_2209 : vector<16xi32> to vector<16xf32>
          %and3A_2211 = arith.andi %gather3A_2206, %broadcast_in_dim3A_480 : vector<16xi32>
          %bitcast3A_2212 = vector.bitcast %and3A_2211 : vector<16xi32> to vector<16xf32>
          %add3A_2213 = arith.addf %add3A_2117, %bitcast3A_2210 : vector<16xf32>
          %add3A_2214 = arith.addf %add3A_2118, %bitcast3A_2212 : vector<16xf32>
          %add3A_2215 = arith.constant 2 : i32
          %add3A_2216 = vector.broadcast %add3A_2215 : i32 to vector<16xi32>
          %add3A_2217 = arith.addi %gather3A_451, %add3A_2216 : vector<16xi32>
          %gather3A_2218 = tpu.vector_load_idx %arg7[%add3A_2217] : memref<2304xi32, #tpu.memory_space<vmem>>[vector<16xi32>], vector<16xi32>,
          %shift_left3A_2219 = arith.constant 16 : i32
          %shift_left3A_2220 = vector.broadcast %shift_left3A_2219 : i32 to vector<16xi32>
          %shift_left3A_2221 = arith.shli %gather3A_2218, %shift_left3A_2220 : vector<16xi32>
          %bitcast3A_2222 = vector.bitcast %shift_left3A_2221 : vector<16xi32> to vector<16xf32>
          %and3A_2223 = arith.andi %gather3A_2218, %broadcast_in_dim3A_480 : vector<16xi32>
          %bitcast3A_2224 = vector.bitcast %and3A_2223 : vector<16xi32> to vector<16xf32>
          %add3A_2225 = arith.addf %add3A_2129, %bitcast3A_2222 : vector<16xf32>
          %add3A_2226 = arith.addf %add3A_2130, %bitcast3A_2224 : vector<16xf32>
          %add3A_2227 = arith.constant 3 : i32
          %add3A_2228 = vector.broadcast %add3A_2227 : i32 to vector<16xi32>
          %add3A_2229 = arith.addi %gather3A_451, %add3A_2228 : vector<16xi32>
          %gather3A_2230 = tpu.vector_load_idx %arg7[%add3A_2229] : memref<2304xi32, #tpu.memory_space<vmem>>[vector<16xi32>], vector<16xi32>,
          %shift_left3A_2231 = arith.constant 16 : i32
          %shift_left3A_2232 = vector.broadcast %shift_left3A_2231 : i32 to vector<16xi32>
          %shift_left3A_2233 = arith.shli %gather3A_2230, %shift_left3A_2232 : vector<16xi32>
          %bitcast3A_2234 = vector.bitcast %shift_left3A_2233 : vector<16xi32> to vector<16xf32>
          %and3A_2235 = arith.andi %gather3A_2230, %broadcast_in_dim3A_480 : vector<16xi32>
          %bitcast3A_2236 = vector.bitcast %and3A_2235 : vector<16xi32> to vector<16xf32>
          %add3A_2237 = arith.addf %add3A_2141, %bitcast3A_2234 : vector<16xf32>
          %add3A_2238 = arith.addf %add3A_2142, %bitcast3A_2236 : vector<16xf32>
          %add3A_2239 = arith.constant 4 : i32
          %add3A_2240 = vector.broadcast %add3A_2239 : i32 to vector<16xi32>
          %add3A_2241 = arith.addi %gather3A_451, %add3A_2240 : vector<16xi32>
          %gather3A_2242 = tpu.vector_load_idx %arg7[%add3A_2241] : memref<2304xi32, #tpu.memory_space<vmem>>[vector<16xi32>], vector<16xi32>,
          %shift_left3A_2243 = arith.constant 16 : i32
          %shift_left3A_2244 = vector.broadcast %shift_left3A_2243 : i32 to vector<16xi32>
          %shift_left3A_2245 = arith.shli %gather3A_2242, %shift_left3A_2244 : vector<16xi32>
          %bitcast3A_2246 = vector.bitcast %shift_left3A_2245 : vector<16xi32> to vector<16xf32>
          %and3A_2247 = arith.andi %gather3A_2242, %broadcast_in_dim3A_480 : vector<16xi32>
          %bitcast3A_2248 = vector.bitcast %and3A_2247 : vector<16xi32> to vector<16xf32>
          %add3A_2249 = arith.addf %add3A_2153, %bitcast3A_2246 : vector<16xf32>
          %add3A_2250 = arith.addf %add3A_2154, %bitcast3A_2248 : vector<16xf32>
          %add3A_2251 = arith.constant 5 : i32
          %add3A_2252 = vector.broadcast %add3A_2251 : i32 to vector<16xi32>
          %add3A_2253 = arith.addi %gather3A_451, %add3A_2252 : vector<16xi32>
          %gather3A_2254 = tpu.vector_load_idx %arg7[%add3A_2253] : memref<2304xi32, #tpu.memory_space<vmem>>[vector<16xi32>], vector<16xi32>,
          %shift_left3A_2255 = arith.constant 16 : i32
          %shift_left3A_2256 = vector.broadcast %shift_left3A_2255 : i32 to vector<16xi32>
          %shift_left3A_2257 = arith.shli %gather3A_2254, %shift_left3A_2256 : vector<16xi32>
          %bitcast3A_2258 = vector.bitcast %shift_left3A_2257 : vector<16xi32> to vector<16xf32>
          %and3A_2259 = arith.andi %gather3A_2254, %broadcast_in_dim3A_480 : vector<16xi32>
          %bitcast3A_2260 = vector.bitcast %and3A_2259 : vector<16xi32> to vector<16xf32>
          %add3A_2261 = arith.addf %add3A_2165, %bitcast3A_2258 : vector<16xf32>
          %add3A_2262 = arith.addf %add3A_2166, %bitcast3A_2260 : vector<16xf32>
          %add3A_2263 = arith.constant 6 : i32
          %add3A_2264 = vector.broadcast %add3A_2263 : i32 to vector<16xi32>
          %add3A_2265 = arith.addi %gather3A_451, %add3A_2264 : vector<16xi32>
          %gather3A_2266 = tpu.vector_load_idx %arg7[%add3A_2265] : memref<2304xi32, #tpu.memory_space<vmem>>[vector<16xi32>], vector<16xi32>,
          %shift_left3A_2267 = arith.constant 16 : i32
          %shift_left3A_2268 = vector.broadcast %shift_left3A_2267 : i32 to vector<16xi32>
          %shift_left3A_2269 = arith.shli %gather3A_2266, %shift_left3A_2268 : vector<16xi32>
          %bitcast3A_2270 = vector.bitcast %shift_left3A_2269 : vector<16xi32> to vector<16xf32>
          %and3A_2271 = arith.andi %gather3A_2266, %broadcast_in_dim3A_480 : vector<16xi32>
          %bitcast3A_2272 = vector.bitcast %and3A_2271 : vector<16xi32> to vector<16xf32>
          %add3A_2273 = arith.addf %add3A_2177, %bitcast3A_2270 : vector<16xf32>
          %add3A_2274 = arith.addf %add3A_2178, %bitcast3A_2272 : vector<16xf32>
          %add3A_2275 = arith.constant 7 : i32
          %add3A_2276 = vector.broadcast %add3A_2275 : i32 to vector<16xi32>
          %add3A_2277 = arith.addi %gather3A_451, %add3A_2276 : vector<16xi32>
          %gather3A_2278 = tpu.vector_load_idx %arg7[%add3A_2277] : memref<2304xi32, #tpu.memory_space<vmem>>[vector<16xi32>], vector<16xi32>,
          %shift_left3A_2279 = arith.constant 16 : i32
          %shift_left3A_2280 = vector.broadcast %shift_left3A_2279 : i32 to vector<16xi32>
          %shift_left3A_2281 = arith.shli %gather3A_2278, %shift_left3A_2280 : vector<16xi32>
          %bitcast3A_2282 = vector.bitcast %shift_left3A_2281 : vector<16xi32> to vector<16xf32>
          %and3A_2283 = arith.andi %gather3A_2278, %broadcast_in_dim3A_480 : vector<16xi32>
          %bitcast3A_2284 = vector.bitcast %and3A_2283 : vector<16xi32> to vector<16xf32>
          %add3A_2285 = arith.addf %add3A_2189, %bitcast3A_2282 : vector<16xf32>
          %add3A_2286 = arith.addf %add3A_2190, %bitcast3A_2284 : vector<16xf32>
          %add3A_2287 = arith.constant 0 : i32
          %add3A_2288 = vector.broadcast %add3A_2287 : i32 to vector<16xi32>
          %add3A_2289 = arith.addi %gather3A_455, %add3A_2288 : vector<16xi32>
          %gather3A_2290 = tpu.vector_load_idx %arg7[%add3A_2289] : memref<2304xi32, #tpu.memory_space<vmem>>[vector<16xi32>], vector<16xi32>,
          %shift_left3A_2291 = arith.constant 16 : i32
          %shift_left3A_2292 = vector.broadcast %shift_left3A_2291 : i32 to vector<16xi32>
          %shift_left3A_2293 = arith.shli %gather3A_2290, %shift_left3A_2292 : vector<16xi32>
          %bitcast3A_2294 = vector.bitcast %shift_left3A_2293 : vector<16xi32> to vector<16xf32>
          %and3A_2295 = arith.andi %gather3A_2290, %broadcast_in_dim3A_480 : vector<16xi32>
          %bitcast3A_2296 = vector.bitcast %and3A_2295 : vector<16xi32> to vector<16xf32>
          %add3A_2297 = arith.addf %add3A_2201, %bitcast3A_2294 : vector<16xf32>
          %add3A_2298 = arith.addf %add3A_2202, %bitcast3A_2296 : vector<16xf32>
          %add3A_2299 = arith.constant 1 : i32
          %add3A_2300 = vector.broadcast %add3A_2299 : i32 to vector<16xi32>
          %add3A_2301 = arith.addi %gather3A_455, %add3A_2300 : vector<16xi32>
          %gather3A_2302 = tpu.vector_load_idx %arg7[%add3A_2301] : memref<2304xi32, #tpu.memory_space<vmem>>[vector<16xi32>], vector<16xi32>,
          %shift_left3A_2303 = arith.constant 16 : i32
          %shift_left3A_2304 = vector.broadcast %shift_left3A_2303 : i32 to vector<16xi32>
          %shift_left3A_2305 = arith.shli %gather3A_2302, %shift_left3A_2304 : vector<16xi32>
          %bitcast3A_2306 = vector.bitcast %shift_left3A_2305 : vector<16xi32> to vector<16xf32>
          %and3A_2307 = arith.andi %gather3A_2302, %broadcast_in_dim3A_480 : vector<16xi32>
          %bitcast3A_2308 = vector.bitcast %and3A_2307 : vector<16xi32> to vector<16xf32>
          %add3A_2309 = arith.addf %add3A_2213, %bitcast3A_2306 : vector<16xf32>
          %add3A_2310 = arith.addf %add3A_2214, %bitcast3A_2308 : vector<16xf32>
          %add3A_2311 = arith.constant 2 : i32
          %add3A_2312 = vector.broadcast %add3A_2311 : i32 to vector<16xi32>
          %add3A_2313 = arith.addi %gather3A_455, %add3A_2312 : vector<16xi32>
          %gather3A_2314 = tpu.vector_load_idx %arg7[%add3A_2313] : memref<2304xi32, #tpu.memory_space<vmem>>[vector<16xi32>], vector<16xi32>,
          %shift_left3A_2315 = arith.constant 16 : i32
          %shift_left3A_2316 = vector.broadcast %shift_left3A_2315 : i32 to vector<16xi32>
          %shift_left3A_2317 = arith.shli %gather3A_2314, %shift_left3A_2316 : vector<16xi32>
          %bitcast3A_2318 = vector.bitcast %shift_left3A_2317 : vector<16xi32> to vector<16xf32>
          %and3A_2319 = arith.andi %gather3A_2314, %broadcast_in_dim3A_480 : vector<16xi32>
          %bitcast3A_2320 = vector.bitcast %and3A_2319 : vector<16xi32> to vector<16xf32>
          %add3A_2321 = arith.addf %add3A_2225, %bitcast3A_2318 : vector<16xf32>
          %add3A_2322 = arith.addf %add3A_2226, %bitcast3A_2320 : vector<16xf32>
          %add3A_2323 = arith.constant 3 : i32
          %add3A_2324 = vector.broadcast %add3A_2323 : i32 to vector<16xi32>
          %add3A_2325 = arith.addi %gather3A_455, %add3A_2324 : vector<16xi32>
          %gather3A_2326 = tpu.vector_load_idx %arg7[%add3A_2325] : memref<2304xi32, #tpu.memory_space<vmem>>[vector<16xi32>], vector<16xi32>,
          %shift_left3A_2327 = arith.constant 16 : i32
          %shift_left3A_2328 = vector.broadcast %shift_left3A_2327 : i32 to vector<16xi32>
          %shift_left3A_2329 = arith.shli %gather3A_2326, %shift_left3A_2328 : vector<16xi32>
          %bitcast3A_2330 = vector.bitcast %shift_left3A_2329 : vector<16xi32> to vector<16xf32>
          %and3A_2331 = arith.andi %gather3A_2326, %broadcast_in_dim3A_480 : vector<16xi32>
          %bitcast3A_2332 = vector.bitcast %and3A_2331 : vector<16xi32> to vector<16xf32>
          %add3A_2333 = arith.addf %add3A_2237, %bitcast3A_2330 : vector<16xf32>
          %add3A_2334 = arith.addf %add3A_2238, %bitcast3A_2332 : vector<16xf32>
          %add3A_2335 = arith.constant 4 : i32
          %add3A_2336 = vector.broadcast %add3A_2335 : i32 to vector<16xi32>
          %add3A_2337 = arith.addi %gather3A_455, %add3A_2336 : vector<16xi32>
          %gather3A_2338 = tpu.vector_load_idx %arg7[%add3A_2337] : memref<2304xi32, #tpu.memory_space<vmem>>[vector<16xi32>], vector<16xi32>,
          %shift_left3A_2339 = arith.constant 16 : i32
          %shift_left3A_2340 = vector.broadcast %shift_left3A_2339 : i32 to vector<16xi32>
          %shift_left3A_2341 = arith.shli %gather3A_2338, %shift_left3A_2340 : vector<16xi32>
          %bitcast3A_2342 = vector.bitcast %shift_left3A_2341 : vector<16xi32> to vector<16xf32>
          %and3A_2343 = arith.andi %gather3A_2338, %broadcast_in_dim3A_480 : vector<16xi32>
          %bitcast3A_2344 = vector.bitcast %and3A_2343 : vector<16xi32> to vector<16xf32>
          %add3A_2345 = arith.addf %add3A_2249, %bitcast3A_2342 : vector<16xf32>
          %add3A_2346 = arith.addf %add3A_2250, %bitcast3A_2344 : vector<16xf32>
          %add3A_2347 = arith.constant 5 : i32
          %add3A_2348 = vector.broadcast %add3A_2347 : i32 to vector<16xi32>
          %add3A_2349 = arith.addi %gather3A_455, %add3A_2348 : vector<16xi32>
          %gather3A_2350 = tpu.vector_load_idx %arg7[%add3A_2349] : memref<2304xi32, #tpu.memory_space<vmem>>[vector<16xi32>], vector<16xi32>,
          %shift_left3A_2351 = arith.constant 16 : i32
          %shift_left3A_2352 = vector.broadcast %shift_left3A_2351 : i32 to vector<16xi32>
          %shift_left3A_2353 = arith.shli %gather3A_2350, %shift_left3A_2352 : vector<16xi32>
          %bitcast3A_2354 = vector.bitcast %shift_left3A_2353 : vector<16xi32> to vector<16xf32>
          %and3A_2355 = arith.andi %gather3A_2350, %broadcast_in_dim3A_480 : vector<16xi32>
          %bitcast3A_2356 = vector.bitcast %and3A_2355 : vector<16xi32> to vector<16xf32>
          %add3A_2357 = arith.addf %add3A_2261, %bitcast3A_2354 : vector<16xf32>
          %add3A_2358 = arith.addf %add3A_2262, %bitcast3A_2356 : vector<16xf32>
          %add3A_2359 = arith.constant 6 : i32
          %add3A_2360 = vector.broadcast %add3A_2359 : i32 to vector<16xi32>
          %add3A_2361 = arith.addi %gather3A_455, %add3A_2360 : vector<16xi32>
          %gather3A_2362 = tpu.vector_load_idx %arg7[%add3A_2361] : memref<2304xi32, #tpu.memory_space<vmem>>[vector<16xi32>], vector<16xi32>,
          %shift_left3A_2363 = arith.constant 16 : i32
          %shift_left3A_2364 = vector.broadcast %shift_left3A_2363 : i32 to vector<16xi32>
          %shift_left3A_2365 = arith.shli %gather3A_2362, %shift_left3A_2364 : vector<16xi32>
          %bitcast3A_2366 = vector.bitcast %shift_left3A_2365 : vector<16xi32> to vector<16xf32>
          %and3A_2367 = arith.andi %gather3A_2362, %broadcast_in_dim3A_480 : vector<16xi32>
          %bitcast3A_2368 = vector.bitcast %and3A_2367 : vector<16xi32> to vector<16xf32>
          %add3A_2369 = arith.addf %add3A_2273, %bitcast3A_2366 : vector<16xf32>
          %add3A_2370 = arith.addf %add3A_2274, %bitcast3A_2368 : vector<16xf32>
          %add3A_2371 = arith.constant 7 : i32
          %add3A_2372 = vector.broadcast %add3A_2371 : i32 to vector<16xi32>
          %add3A_2373 = arith.addi %gather3A_455, %add3A_2372 : vector<16xi32>
          %gather3A_2374 = tpu.vector_load_idx %arg7[%add3A_2373] : memref<2304xi32, #tpu.memory_space<vmem>>[vector<16xi32>], vector<16xi32>,
          %shift_left3A_2375 = arith.constant 16 : i32
          %shift_left3A_2376 = vector.broadcast %shift_left3A_2375 : i32 to vector<16xi32>
          %shift_left3A_2377 = arith.shli %gather3A_2374, %shift_left3A_2376 : vector<16xi32>
          %bitcast3A_2378 = vector.bitcast %shift_left3A_2377 : vector<16xi32> to vector<16xf32>
          %and3A_2379 = arith.andi %gather3A_2374, %broadcast_in_dim3A_480 : vector<16xi32>
          %bitcast3A_2380 = vector.bitcast %and3A_2379 : vector<16xi32> to vector<16xf32>
          %add3A_2381 = arith.addf %add3A_2285, %bitcast3A_2378 : vector<16xf32>
          %add3A_2382 = arith.addf %add3A_2286, %bitcast3A_2380 : vector<16xf32>
          %add3A_2383 = arith.constant 0 : i32
          %add3A_2384 = vector.broadcast %add3A_2383 : i32 to vector<16xi32>
          %add3A_2385 = arith.addi %gather3A_459, %add3A_2384 : vector<16xi32>
          %gather3A_2386 = tpu.vector_load_idx %arg7[%add3A_2385] : memref<2304xi32, #tpu.memory_space<vmem>>[vector<16xi32>], vector<16xi32>,
          %shift_left3A_2387 = arith.constant 16 : i32
          %shift_left3A_2388 = vector.broadcast %shift_left3A_2387 : i32 to vector<16xi32>
          %shift_left3A_2389 = arith.shli %gather3A_2386, %shift_left3A_2388 : vector<16xi32>
          %bitcast3A_2390 = vector.bitcast %shift_left3A_2389 : vector<16xi32> to vector<16xf32>
          %and3A_2391 = arith.andi %gather3A_2386, %broadcast_in_dim3A_480 : vector<16xi32>
          %bitcast3A_2392 = vector.bitcast %and3A_2391 : vector<16xi32> to vector<16xf32>
          %add3A_2393 = arith.addf %add3A_2297, %bitcast3A_2390 : vector<16xf32>
          %add3A_2394 = arith.addf %add3A_2298, %bitcast3A_2392 : vector<16xf32>
          %add3A_2395 = arith.constant 1 : i32
          %add3A_2396 = vector.broadcast %add3A_2395 : i32 to vector<16xi32>
          %add3A_2397 = arith.addi %gather3A_459, %add3A_2396 : vector<16xi32>
          %gather3A_2398 = tpu.vector_load_idx %arg7[%add3A_2397] : memref<2304xi32, #tpu.memory_space<vmem>>[vector<16xi32>], vector<16xi32>,
          %shift_left3A_2399 = arith.constant 16 : i32
          %shift_left3A_2400 = vector.broadcast %shift_left3A_2399 : i32 to vector<16xi32>
          %shift_left3A_2401 = arith.shli %gather3A_2398, %shift_left3A_2400 : vector<16xi32>
          %bitcast3A_2402 = vector.bitcast %shift_left3A_2401 : vector<16xi32> to vector<16xf32>
          %and3A_2403 = arith.andi %gather3A_2398, %broadcast_in_dim3A_480 : vector<16xi32>
          %bitcast3A_2404 = vector.bitcast %and3A_2403 : vector<16xi32> to vector<16xf32>
          %add3A_2405 = arith.addf %add3A_2309, %bitcast3A_2402 : vector<16xf32>
          %add3A_2406 = arith.addf %add3A_2310, %bitcast3A_2404 : vector<16xf32>
          %add3A_2407 = arith.constant 2 : i32
          %add3A_2408 = vector.broadcast %add3A_2407 : i32 to vector<16xi32>
          %add3A_2409 = arith.addi %gather3A_459, %add3A_2408 : vector<16xi32>
          %gather3A_2410 = tpu.vector_load_idx %arg7[%add3A_2409] : memref<2304xi32, #tpu.memory_space<vmem>>[vector<16xi32>], vector<16xi32>,
          %shift_left3A_2411 = arith.constant 16 : i32
          %shift_left3A_2412 = vector.broadcast %shift_left3A_2411 : i32 to vector<16xi32>
          %shift_left3A_2413 = arith.shli %gather3A_2410, %shift_left3A_2412 : vector<16xi32>
          %bitcast3A_2414 = vector.bitcast %shift_left3A_2413 : vector<16xi32> to vector<16xf32>
          %and3A_2415 = arith.andi %gather3A_2410, %broadcast_in_dim3A_480 : vector<16xi32>
          %bitcast3A_2416 = vector.bitcast %and3A_2415 : vector<16xi32> to vector<16xf32>
          %add3A_2417 = arith.addf %add3A_2321, %bitcast3A_2414 : vector<16xf32>
          %add3A_2418 = arith.addf %add3A_2322, %bitcast3A_2416 : vector<16xf32>
          %add3A_2419 = arith.constant 3 : i32
          %add3A_2420 = vector.broadcast %add3A_2419 : i32 to vector<16xi32>
          %add3A_2421 = arith.addi %gather3A_459, %add3A_2420 : vector<16xi32>
          %gather3A_2422 = tpu.vector_load_idx %arg7[%add3A_2421] : memref<2304xi32, #tpu.memory_space<vmem>>[vector<16xi32>], vector<16xi32>,
          %shift_left3A_2423 = arith.constant 16 : i32
          %shift_left3A_2424 = vector.broadcast %shift_left3A_2423 : i32 to vector<16xi32>
          %shift_left3A_2425 = arith.shli %gather3A_2422, %shift_left3A_2424 : vector<16xi32>
          %bitcast3A_2426 = vector.bitcast %shift_left3A_2425 : vector<16xi32> to vector<16xf32>
          %and3A_2427 = arith.andi %gather3A_2422, %broadcast_in_dim3A_480 : vector<16xi32>
          %bitcast3A_2428 = vector.bitcast %and3A_2427 : vector<16xi32> to vector<16xf32>
          %add3A_2429 = arith.addf %add3A_2333, %bitcast3A_2426 : vector<16xf32>
          %add3A_2430 = arith.addf %add3A_2334, %bitcast3A_2428 : vector<16xf32>
          %add3A_2431 = arith.constant 4 : i32
          %add3A_2432 = vector.broadcast %add3A_2431 : i32 to vector<16xi32>
          %add3A_2433 = arith.addi %gather3A_459, %add3A_2432 : vector<16xi32>
          %gather3A_2434 = tpu.vector_load_idx %arg7[%add3A_2433] : memref<2304xi32, #tpu.memory_space<vmem>>[vector<16xi32>], vector<16xi32>,
          %shift_left3A_2435 = arith.constant 16 : i32
          %shift_left3A_2436 = vector.broadcast %shift_left3A_2435 : i32 to vector<16xi32>
          %shift_left3A_2437 = arith.shli %gather3A_2434, %shift_left3A_2436 : vector<16xi32>
          %bitcast3A_2438 = vector.bitcast %shift_left3A_2437 : vector<16xi32> to vector<16xf32>
          %and3A_2439 = arith.andi %gather3A_2434, %broadcast_in_dim3A_480 : vector<16xi32>
          %bitcast3A_2440 = vector.bitcast %and3A_2439 : vector<16xi32> to vector<16xf32>
          %add3A_2441 = arith.addf %add3A_2345, %bitcast3A_2438 : vector<16xf32>
          %add3A_2442 = arith.addf %add3A_2346, %bitcast3A_2440 : vector<16xf32>
          %add3A_2443 = arith.constant 5 : i32
          %add3A_2444 = vector.broadcast %add3A_2443 : i32 to vector<16xi32>
          %add3A_2445 = arith.addi %gather3A_459, %add3A_2444 : vector<16xi32>
          %gather3A_2446 = tpu.vector_load_idx %arg7[%add3A_2445] : memref<2304xi32, #tpu.memory_space<vmem>>[vector<16xi32>], vector<16xi32>,
          %shift_left3A_2447 = arith.constant 16 : i32
          %shift_left3A_2448 = vector.broadcast %shift_left3A_2447 : i32 to vector<16xi32>
          %shift_left3A_2449 = arith.shli %gather3A_2446, %shift_left3A_2448 : vector<16xi32>
          %bitcast3A_2450 = vector.bitcast %shift_left3A_2449 : vector<16xi32> to vector<16xf32>
          %and3A_2451 = arith.andi %gather3A_2446, %broadcast_in_dim3A_480 : vector<16xi32>
          %bitcast3A_2452 = vector.bitcast %and3A_2451 : vector<16xi32> to vector<16xf32>
          %add3A_2453 = arith.addf %add3A_2357, %bitcast3A_2450 : vector<16xf32>
          %add3A_2454 = arith.addf %add3A_2358, %bitcast3A_2452 : vector<16xf32>
          %add3A_2455 = arith.constant 6 : i32
          %add3A_2456 = vector.broadcast %add3A_2455 : i32 to vector<16xi32>
          %add3A_2457 = arith.addi %gather3A_459, %add3A_2456 : vector<16xi32>
          %gather3A_2458 = tpu.vector_load_idx %arg7[%add3A_2457] : memref<2304xi32, #tpu.memory_space<vmem>>[vector<16xi32>], vector<16xi32>,
          %shift_left3A_2459 = arith.constant 16 : i32
          %shift_left3A_2460 = vector.broadcast %shift_left3A_2459 : i32 to vector<16xi32>
          %shift_left3A_2461 = arith.shli %gather3A_2458, %shift_left3A_2460 : vector<16xi32>
          %bitcast3A_2462 = vector.bitcast %shift_left3A_2461 : vector<16xi32> to vector<16xf32>
          %and3A_2463 = arith.andi %gather3A_2458, %broadcast_in_dim3A_480 : vector<16xi32>
          %bitcast3A_2464 = vector.bitcast %and3A_2463 : vector<16xi32> to vector<16xf32>
          %add3A_2465 = arith.addf %add3A_2369, %bitcast3A_2462 : vector<16xf32>
          %add3A_2466 = arith.addf %add3A_2370, %bitcast3A_2464 : vector<16xf32>
          %add3A_2467 = arith.constant 7 : i32
          %add3A_2468 = vector.broadcast %add3A_2467 : i32 to vector<16xi32>
          %add3A_2469 = arith.addi %gather3A_459, %add3A_2468 : vector<16xi32>
          %gather3A_2470 = tpu.vector_load_idx %arg7[%add3A_2469] : memref<2304xi32, #tpu.memory_space<vmem>>[vector<16xi32>], vector<16xi32>,
          %shift_left3A_2471 = arith.constant 16 : i32
          %shift_left3A_2472 = vector.broadcast %shift_left3A_2471 : i32 to vector<16xi32>
          %shift_left3A_2473 = arith.shli %gather3A_2470, %shift_left3A_2472 : vector<16xi32>
          %bitcast3A_2474 = vector.bitcast %shift_left3A_2473 : vector<16xi32> to vector<16xf32>
          %and3A_2475 = arith.andi %gather3A_2470, %broadcast_in_dim3A_480 : vector<16xi32>
          %bitcast3A_2476 = vector.bitcast %and3A_2475 : vector<16xi32> to vector<16xf32>
          %add3A_2477 = arith.addf %add3A_2381, %bitcast3A_2474 : vector<16xf32>
          %add3A_2478 = arith.addf %add3A_2382, %bitcast3A_2476 : vector<16xf32>
          %add3A_2479 = arith.constant 0 : i32
          %add3A_2480 = vector.broadcast %add3A_2479 : i32 to vector<16xi32>
          %add3A_2481 = arith.addi %gather3A_463, %add3A_2480 : vector<16xi32>
          %gather3A_2482 = tpu.vector_load_idx %arg7[%add3A_2481] : memref<2304xi32, #tpu.memory_space<vmem>>[vector<16xi32>], vector<16xi32>,
          %shift_left3A_2483 = arith.constant 16 : i32
          %shift_left3A_2484 = vector.broadcast %shift_left3A_2483 : i32 to vector<16xi32>
          %shift_left3A_2485 = arith.shli %gather3A_2482, %shift_left3A_2484 : vector<16xi32>
          %bitcast3A_2486 = vector.bitcast %shift_left3A_2485 : vector<16xi32> to vector<16xf32>
          %and3A_2487 = arith.andi %gather3A_2482, %broadcast_in_dim3A_480 : vector<16xi32>
          %bitcast3A_2488 = vector.bitcast %and3A_2487 : vector<16xi32> to vector<16xf32>
          %add3A_2489 = arith.addf %add3A_2393, %bitcast3A_2486 : vector<16xf32>
          %add3A_2490 = arith.addf %add3A_2394, %bitcast3A_2488 : vector<16xf32>
          %add3A_2491 = arith.constant 1 : i32
          %add3A_2492 = vector.broadcast %add3A_2491 : i32 to vector<16xi32>
          %add3A_2493 = arith.addi %gather3A_463, %add3A_2492 : vector<16xi32>
          %gather3A_2494 = tpu.vector_load_idx %arg7[%add3A_2493] : memref<2304xi32, #tpu.memory_space<vmem>>[vector<16xi32>], vector<16xi32>,
          %shift_left3A_2495 = arith.constant 16 : i32
          %shift_left3A_2496 = vector.broadcast %shift_left3A_2495 : i32 to vector<16xi32>
          %shift_left3A_2497 = arith.shli %gather3A_2494, %shift_left3A_2496 : vector<16xi32>
          %bitcast3A_2498 = vector.bitcast %shift_left3A_2497 : vector<16xi32> to vector<16xf32>
          %and3A_2499 = arith.andi %gather3A_2494, %broadcast_in_dim3A_480 : vector<16xi32>
          %bitcast3A_2500 = vector.bitcast %and3A_2499 : vector<16xi32> to vector<16xf32>
          %add3A_2501 = arith.addf %add3A_2405, %bitcast3A_2498 : vector<16xf32>
          %add3A_2502 = arith.addf %add3A_2406, %bitcast3A_2500 : vector<16xf32>
          %add3A_2503 = arith.constant 2 : i32
          %add3A_2504 = vector.broadcast %add3A_2503 : i32 to vector<16xi32>
          %add3A_2505 = arith.addi %gather3A_463, %add3A_2504 : vector<16xi32>
          %gather3A_2506 = tpu.vector_load_idx %arg7[%add3A_2505] : memref<2304xi32, #tpu.memory_space<vmem>>[vector<16xi32>], vector<16xi32>,
          %shift_left3A_2507 = arith.constant 16 : i32
          %shift_left3A_2508 = vector.broadcast %shift_left3A_2507 : i32 to vector<16xi32>
          %shift_left3A_2509 = arith.shli %gather3A_2506, %shift_left3A_2508 : vector<16xi32>
          %bitcast3A_2510 = vector.bitcast %shift_left3A_2509 : vector<16xi32> to vector<16xf32>
          %and3A_2511 = arith.andi %gather3A_2506, %broadcast_in_dim3A_480 : vector<16xi32>
          %bitcast3A_2512 = vector.bitcast %and3A_2511 : vector<16xi32> to vector<16xf32>
          %add3A_2513 = arith.addf %add3A_2417, %bitcast3A_2510 : vector<16xf32>
          %add3A_2514 = arith.addf %add3A_2418, %bitcast3A_2512 : vector<16xf32>
          %add3A_2515 = arith.constant 3 : i32
          %add3A_2516 = vector.broadcast %add3A_2515 : i32 to vector<16xi32>
          %add3A_2517 = arith.addi %gather3A_463, %add3A_2516 : vector<16xi32>
          %gather3A_2518 = tpu.vector_load_idx %arg7[%add3A_2517] : memref<2304xi32, #tpu.memory_space<vmem>>[vector<16xi32>], vector<16xi32>,
          %shift_left3A_2519 = arith.constant 16 : i32
          %shift_left3A_2520 = vector.broadcast %shift_left3A_2519 : i32 to vector<16xi32>
          %shift_left3A_2521 = arith.shli %gather3A_2518, %shift_left3A_2520 : vector<16xi32>
          %bitcast3A_2522 = vector.bitcast %shift_left3A_2521 : vector<16xi32> to vector<16xf32>
          %and3A_2523 = arith.andi %gather3A_2518, %broadcast_in_dim3A_480 : vector<16xi32>
          %bitcast3A_2524 = vector.bitcast %and3A_2523 : vector<16xi32> to vector<16xf32>
          %add3A_2525 = arith.addf %add3A_2429, %bitcast3A_2522 : vector<16xf32>
          %add3A_2526 = arith.addf %add3A_2430, %bitcast3A_2524 : vector<16xf32>
          %add3A_2527 = arith.constant 4 : i32
          %add3A_2528 = vector.broadcast %add3A_2527 : i32 to vector<16xi32>
          %add3A_2529 = arith.addi %gather3A_463, %add3A_2528 : vector<16xi32>
          %gather3A_2530 = tpu.vector_load_idx %arg7[%add3A_2529] : memref<2304xi32, #tpu.memory_space<vmem>>[vector<16xi32>], vector<16xi32>,
          %shift_left3A_2531 = arith.constant 16 : i32
          %shift_left3A_2532 = vector.broadcast %shift_left3A_2531 : i32 to vector<16xi32>
          %shift_left3A_2533 = arith.shli %gather3A_2530, %shift_left3A_2532 : vector<16xi32>
          %bitcast3A_2534 = vector.bitcast %shift_left3A_2533 : vector<16xi32> to vector<16xf32>
          %and3A_2535 = arith.andi %gather3A_2530, %broadcast_in_dim3A_480 : vector<16xi32>
          %bitcast3A_2536 = vector.bitcast %and3A_2535 : vector<16xi32> to vector<16xf32>
          %add3A_2537 = arith.addf %add3A_2441, %bitcast3A_2534 : vector<16xf32>
          %add3A_2538 = arith.addf %add3A_2442, %bitcast3A_2536 : vector<16xf32>
          %add3A_2539 = arith.constant 5 : i32
          %add3A_2540 = vector.broadcast %add3A_2539 : i32 to vector<16xi32>
          %add3A_2541 = arith.addi %gather3A_463, %add3A_2540 : vector<16xi32>
          %gather3A_2542 = tpu.vector_load_idx %arg7[%add3A_2541] : memref<2304xi32, #tpu.memory_space<vmem>>[vector<16xi32>], vector<16xi32>,
          %shift_left3A_2543 = arith.constant 16 : i32
          %shift_left3A_2544 = vector.broadcast %shift_left3A_2543 : i32 to vector<16xi32>
          %shift_left3A_2545 = arith.shli %gather3A_2542, %shift_left3A_2544 : vector<16xi32>
          %bitcast3A_2546 = vector.bitcast %shift_left3A_2545 : vector<16xi32> to vector<16xf32>
          %and3A_2547 = arith.andi %gather3A_2542, %broadcast_in_dim3A_480 : vector<16xi32>
          %bitcast3A_2548 = vector.bitcast %and3A_2547 : vector<16xi32> to vector<16xf32>
          %add3A_2549 = arith.addf %add3A_2453, %bitcast3A_2546 : vector<16xf32>
          %add3A_2550 = arith.addf %add3A_2454, %bitcast3A_2548 : vector<16xf32>
          %add3A_2551 = arith.constant 6 : i32
          %add3A_2552 = vector.broadcast %add3A_2551 : i32 to vector<16xi32>
          %add3A_2553 = arith.addi %gather3A_463, %add3A_2552 : vector<16xi32>
          %gather3A_2554 = tpu.vector_load_idx %arg7[%add3A_2553] : memref<2304xi32, #tpu.memory_space<vmem>>[vector<16xi32>], vector<16xi32>,
          %shift_left3A_2555 = arith.constant 16 : i32
          %shift_left3A_2556 = vector.broadcast %shift_left3A_2555 : i32 to vector<16xi32>
          %shift_left3A_2557 = arith.shli %gather3A_2554, %shift_left3A_2556 : vector<16xi32>
          %bitcast3A_2558 = vector.bitcast %shift_left3A_2557 : vector<16xi32> to vector<16xf32>
          %and3A_2559 = arith.andi %gather3A_2554, %broadcast_in_dim3A_480 : vector<16xi32>
          %bitcast3A_2560 = vector.bitcast %and3A_2559 : vector<16xi32> to vector<16xf32>
          %add3A_2561 = arith.addf %add3A_2465, %bitcast3A_2558 : vector<16xf32>
          %add3A_2562 = arith.addf %add3A_2466, %bitcast3A_2560 : vector<16xf32>
          %add3A_2563 = arith.constant 7 : i32
          %add3A_2564 = vector.broadcast %add3A_2563 : i32 to vector<16xi32>
          %add3A_2565 = arith.addi %gather3A_463, %add3A_2564 : vector<16xi32>
          %gather3A_2566 = tpu.vector_load_idx %arg7[%add3A_2565] : memref<2304xi32, #tpu.memory_space<vmem>>[vector<16xi32>], vector<16xi32>,
          %shift_left3A_2567 = arith.constant 16 : i32
          %shift_left3A_2568 = vector.broadcast %shift_left3A_2567 : i32 to vector<16xi32>
          %shift_left3A_2569 = arith.shli %gather3A_2566, %shift_left3A_2568 : vector<16xi32>
          %bitcast3A_2570 = vector.bitcast %shift_left3A_2569 : vector<16xi32> to vector<16xf32>
          %and3A_2571 = arith.andi %gather3A_2566, %broadcast_in_dim3A_480 : vector<16xi32>
          %bitcast3A_2572 = vector.bitcast %and3A_2571 : vector<16xi32> to vector<16xf32>
          %add3A_2573 = arith.addf %add3A_2477, %bitcast3A_2570 : vector<16xf32>
          %add3A_2574 = arith.addf %add3A_2478, %bitcast3A_2572 : vector<16xf32>
          %add3A_2575 = arith.constant 0 : i32
          %add3A_2576 = vector.broadcast %add3A_2575 : i32 to vector<16xi32>
          %add3A_2577 = arith.addi %gather3A_467, %add3A_2576 : vector<16xi32>
          %gather3A_2578 = tpu.vector_load_idx %arg7[%add3A_2577] : memref<2304xi32, #tpu.memory_space<vmem>>[vector<16xi32>], vector<16xi32>,
          %shift_left3A_2579 = arith.constant 16 : i32
          %shift_left3A_2580 = vector.broadcast %shift_left3A_2579 : i32 to vector<16xi32>
          %shift_left3A_2581 = arith.shli %gather3A_2578, %shift_left3A_2580 : vector<16xi32>
          %bitcast3A_2582 = vector.bitcast %shift_left3A_2581 : vector<16xi32> to vector<16xf32>
          %and3A_2583 = arith.andi %gather3A_2578, %broadcast_in_dim3A_480 : vector<16xi32>
          %bitcast3A_2584 = vector.bitcast %and3A_2583 : vector<16xi32> to vector<16xf32>
          %add3A_2585 = arith.addf %add3A_2489, %bitcast3A_2582 : vector<16xf32>
          %add3A_2586 = arith.addf %add3A_2490, %bitcast3A_2584 : vector<16xf32>
          %add3A_2587 = arith.constant 1 : i32
          %add3A_2588 = vector.broadcast %add3A_2587 : i32 to vector<16xi32>
          %add3A_2589 = arith.addi %gather3A_467, %add3A_2588 : vector<16xi32>
          %gather3A_2590 = tpu.vector_load_idx %arg7[%add3A_2589] : memref<2304xi32, #tpu.memory_space<vmem>>[vector<16xi32>], vector<16xi32>,
          %shift_left3A_2591 = arith.constant 16 : i32
          %shift_left3A_2592 = vector.broadcast %shift_left3A_2591 : i32 to vector<16xi32>
          %shift_left3A_2593 = arith.shli %gather3A_2590, %shift_left3A_2592 : vector<16xi32>
          %bitcast3A_2594 = vector.bitcast %shift_left3A_2593 : vector<16xi32> to vector<16xf32>
          %and3A_2595 = arith.andi %gather3A_2590, %broadcast_in_dim3A_480 : vector<16xi32>
          %bitcast3A_2596 = vector.bitcast %and3A_2595 : vector<16xi32> to vector<16xf32>
          %add3A_2597 = arith.addf %add3A_2501, %bitcast3A_2594 : vector<16xf32>
          %add3A_2598 = arith.addf %add3A_2502, %bitcast3A_2596 : vector<16xf32>
          %add3A_2599 = arith.constant 2 : i32
          %add3A_2600 = vector.broadcast %add3A_2599 : i32 to vector<16xi32>
          %add3A_2601 = arith.addi %gather3A_467, %add3A_2600 : vector<16xi32>
          %gather3A_2602 = tpu.vector_load_idx %arg7[%add3A_2601] : memref<2304xi32, #tpu.memory_space<vmem>>[vector<16xi32>], vector<16xi32>,
          %shift_left3A_2603 = arith.constant 16 : i32
          %shift_left3A_2604 = vector.broadcast %shift_left3A_2603 : i32 to vector<16xi32>
          %shift_left3A_2605 = arith.shli %gather3A_2602, %shift_left3A_2604 : vector<16xi32>
          %bitcast3A_2606 = vector.bitcast %shift_left3A_2605 : vector<16xi32> to vector<16xf32>
          %and3A_2607 = arith.andi %gather3A_2602, %broadcast_in_dim3A_480 : vector<16xi32>
          %bitcast3A_2608 = vector.bitcast %and3A_2607 : vector<16xi32> to vector<16xf32>
          %add3A_2609 = arith.addf %add3A_2513, %bitcast3A_2606 : vector<16xf32>
          %add3A_2610 = arith.addf %add3A_2514, %bitcast3A_2608 : vector<16xf32>
          %add3A_2611 = arith.constant 3 : i32
          %add3A_2612 = vector.broadcast %add3A_2611 : i32 to vector<16xi32>
          %add3A_2613 = arith.addi %gather3A_467, %add3A_2612 : vector<16xi32>
          %gather3A_2614 = tpu.vector_load_idx %arg7[%add3A_2613] : memref<2304xi32, #tpu.memory_space<vmem>>[vector<16xi32>], vector<16xi32>,
          %shift_left3A_2615 = arith.constant 16 : i32
          %shift_left3A_2616 = vector.broadcast %shift_left3A_2615 : i32 to vector<16xi32>
          %shift_left3A_2617 = arith.shli %gather3A_2614, %shift_left3A_2616 : vector<16xi32>
          %bitcast3A_2618 = vector.bitcast %shift_left3A_2617 : vector<16xi32> to vector<16xf32>
          %and3A_2619 = arith.andi %gather3A_2614, %broadcast_in_dim3A_480 : vector<16xi32>
          %bitcast3A_2620 = vector.bitcast %and3A_2619 : vector<16xi32> to vector<16xf32>
          %add3A_2621 = arith.addf %add3A_2525, %bitcast3A_2618 : vector<16xf32>
          %add3A_2622 = arith.addf %add3A_2526, %bitcast3A_2620 : vector<16xf32>
          %add3A_2623 = arith.constant 4 : i32
          %add3A_2624 = vector.broadcast %add3A_2623 : i32 to vector<16xi32>
          %add3A_2625 = arith.addi %gather3A_467, %add3A_2624 : vector<16xi32>
          %gather3A_2626 = tpu.vector_load_idx %arg7[%add3A_2625] : memref<2304xi32, #tpu.memory_space<vmem>>[vector<16xi32>], vector<16xi32>,
          %shift_left3A_2627 = arith.constant 16 : i32
          %shift_left3A_2628 = vector.broadcast %shift_left3A_2627 : i32 to vector<16xi32>
          %shift_left3A_2629 = arith.shli %gather3A_2626, %shift_left3A_2628 : vector<16xi32>
          %bitcast3A_2630 = vector.bitcast %shift_left3A_2629 : vector<16xi32> to vector<16xf32>
          %and3A_2631 = arith.andi %gather3A_2626, %broadcast_in_dim3A_480 : vector<16xi32>
          %bitcast3A_2632 = vector.bitcast %and3A_2631 : vector<16xi32> to vector<16xf32>
          %add3A_2633 = arith.addf %add3A_2537, %bitcast3A_2630 : vector<16xf32>
          %add3A_2634 = arith.addf %add3A_2538, %bitcast3A_2632 : vector<16xf32>
          %add3A_2635 = arith.constant 5 : i32
          %add3A_2636 = vector.broadcast %add3A_2635 : i32 to vector<16xi32>
          %add3A_2637 = arith.addi %gather3A_467, %add3A_2636 : vector<16xi32>
          %gather3A_2638 = tpu.vector_load_idx %arg7[%add3A_2637] : memref<2304xi32, #tpu.memory_space<vmem>>[vector<16xi32>], vector<16xi32>,
          %shift_left3A_2639 = arith.constant 16 : i32
          %shift_left3A_2640 = vector.broadcast %shift_left3A_2639 : i32 to vector<16xi32>
          %shift_left3A_2641 = arith.shli %gather3A_2638, %shift_left3A_2640 : vector<16xi32>
          %bitcast3A_2642 = vector.bitcast %shift_left3A_2641 : vector<16xi32> to vector<16xf32>
          %and3A_2643 = arith.andi %gather3A_2638, %broadcast_in_dim3A_480 : vector<16xi32>
          %bitcast3A_2644 = vector.bitcast %and3A_2643 : vector<16xi32> to vector<16xf32>
          %add3A_2645 = arith.addf %add3A_2549, %bitcast3A_2642 : vector<16xf32>
          %add3A_2646 = arith.addf %add3A_2550, %bitcast3A_2644 : vector<16xf32>
          %add3A_2647 = arith.constant 6 : i32
          %add3A_2648 = vector.broadcast %add3A_2647 : i32 to vector<16xi32>
          %add3A_2649 = arith.addi %gather3A_467, %add3A_2648 : vector<16xi32>
          %gather3A_2650 = tpu.vector_load_idx %arg7[%add3A_2649] : memref<2304xi32, #tpu.memory_space<vmem>>[vector<16xi32>], vector<16xi32>,
          %shift_left3A_2651 = arith.constant 16 : i32
          %shift_left3A_2652 = vector.broadcast %shift_left3A_2651 : i32 to vector<16xi32>
          %shift_left3A_2653 = arith.shli %gather3A_2650, %shift_left3A_2652 : vector<16xi32>
          %bitcast3A_2654 = vector.bitcast %shift_left3A_2653 : vector<16xi32> to vector<16xf32>
          %and3A_2655 = arith.andi %gather3A_2650, %broadcast_in_dim3A_480 : vector<16xi32>
          %bitcast3A_2656 = vector.bitcast %and3A_2655 : vector<16xi32> to vector<16xf32>
          %add3A_2657 = arith.addf %add3A_2561, %bitcast3A_2654 : vector<16xf32>
          %add3A_2658 = arith.addf %add3A_2562, %bitcast3A_2656 : vector<16xf32>
          %add3A_2659 = arith.constant 7 : i32
          %add3A_2660 = vector.broadcast %add3A_2659 : i32 to vector<16xi32>
          %add3A_2661 = arith.addi %gather3A_467, %add3A_2660 : vector<16xi32>
          %gather3A_2662 = tpu.vector_load_idx %arg7[%add3A_2661] : memref<2304xi32, #tpu.memory_space<vmem>>[vector<16xi32>], vector<16xi32>,
          %shift_left3A_2663 = arith.constant 16 : i32
          %shift_left3A_2664 = vector.broadcast %shift_left3A_2663 : i32 to vector<16xi32>
          %shift_left3A_2665 = arith.shli %gather3A_2662, %shift_left3A_2664 : vector<16xi32>
          %bitcast3A_2666 = vector.bitcast %shift_left3A_2665 : vector<16xi32> to vector<16xf32>
          %and3A_2667 = arith.andi %gather3A_2662, %broadcast_in_dim3A_480 : vector<16xi32>
          %bitcast3A_2668 = vector.bitcast %and3A_2667 : vector<16xi32> to vector<16xf32>
          %add3A_2669 = arith.addf %add3A_2573, %bitcast3A_2666 : vector<16xf32>
          %add3A_2670 = arith.addf %add3A_2574, %bitcast3A_2668 : vector<16xf32>
          %add3A_2671 = arith.constant 0 : i32
          %add3A_2672 = vector.broadcast %add3A_2671 : i32 to vector<16xi32>
          %add3A_2673 = arith.addi %gather3A_471, %add3A_2672 : vector<16xi32>
          %gather3A_2674 = tpu.vector_load_idx %arg7[%add3A_2673] : memref<2304xi32, #tpu.memory_space<vmem>>[vector<16xi32>], vector<16xi32>,
          %shift_left3A_2675 = arith.constant 16 : i32
          %shift_left3A_2676 = vector.broadcast %shift_left3A_2675 : i32 to vector<16xi32>
          %shift_left3A_2677 = arith.shli %gather3A_2674, %shift_left3A_2676 : vector<16xi32>
          %bitcast3A_2678 = vector.bitcast %shift_left3A_2677 : vector<16xi32> to vector<16xf32>
          %and3A_2679 = arith.andi %gather3A_2674, %broadcast_in_dim3A_480 : vector<16xi32>
          %bitcast3A_2680 = vector.bitcast %and3A_2679 : vector<16xi32> to vector<16xf32>
          %add3A_2681 = arith.addf %add3A_2585, %bitcast3A_2678 : vector<16xf32>
          %add3A_2682 = arith.addf %add3A_2586, %bitcast3A_2680 : vector<16xf32>
          %add3A_2683 = arith.constant 1 : i32
          %add3A_2684 = vector.broadcast %add3A_2683 : i32 to vector<16xi32>
          %add3A_2685 = arith.addi %gather3A_471, %add3A_2684 : vector<16xi32>
          %gather3A_2686 = tpu.vector_load_idx %arg7[%add3A_2685] : memref<2304xi32, #tpu.memory_space<vmem>>[vector<16xi32>], vector<16xi32>,
          %shift_left3A_2687 = arith.constant 16 : i32
          %shift_left3A_2688 = vector.broadcast %shift_left3A_2687 : i32 to vector<16xi32>
          %shift_left3A_2689 = arith.shli %gather3A_2686, %shift_left3A_2688 : vector<16xi32>
          %bitcast3A_2690 = vector.bitcast %shift_left3A_2689 : vector<16xi32> to vector<16xf32>
          %and3A_2691 = arith.andi %gather3A_2686, %broadcast_in_dim3A_480 : vector<16xi32>
          %bitcast3A_2692 = vector.bitcast %and3A_2691 : vector<16xi32> to vector<16xf32>
          %add3A_2693 = arith.addf %add3A_2597, %bitcast3A_2690 : vector<16xf32>
          %add3A_2694 = arith.addf %add3A_2598, %bitcast3A_2692 : vector<16xf32>
          %add3A_2695 = arith.constant 2 : i32
          %add3A_2696 = vector.broadcast %add3A_2695 : i32 to vector<16xi32>
          %add3A_2697 = arith.addi %gather3A_471, %add3A_2696 : vector<16xi32>
          %gather3A_2698 = tpu.vector_load_idx %arg7[%add3A_2697] : memref<2304xi32, #tpu.memory_space<vmem>>[vector<16xi32>], vector<16xi32>,
          %shift_left3A_2699 = arith.constant 16 : i32
          %shift_left3A_2700 = vector.broadcast %shift_left3A_2699 : i32 to vector<16xi32>
          %shift_left3A_2701 = arith.shli %gather3A_2698, %shift_left3A_2700 : vector<16xi32>
          %bitcast3A_2702 = vector.bitcast %shift_left3A_2701 : vector<16xi32> to vector<16xf32>
          %and3A_2703 = arith.andi %gather3A_2698, %broadcast_in_dim3A_480 : vector<16xi32>
          %bitcast3A_2704 = vector.bitcast %and3A_2703 : vector<16xi32> to vector<16xf32>
          %add3A_2705 = arith.addf %add3A_2609, %bitcast3A_2702 : vector<16xf32>
          %add3A_2706 = arith.addf %add3A_2610, %bitcast3A_2704 : vector<16xf32>
          %add3A_2707 = arith.constant 3 : i32
          %add3A_2708 = vector.broadcast %add3A_2707 : i32 to vector<16xi32>
          %add3A_2709 = arith.addi %gather3A_471, %add3A_2708 : vector<16xi32>
          %gather3A_2710 = tpu.vector_load_idx %arg7[%add3A_2709] : memref<2304xi32, #tpu.memory_space<vmem>>[vector<16xi32>], vector<16xi32>,
          %shift_left3A_2711 = arith.constant 16 : i32
          %shift_left3A_2712 = vector.broadcast %shift_left3A_2711 : i32 to vector<16xi32>
          %shift_left3A_2713 = arith.shli %gather3A_2710, %shift_left3A_2712 : vector<16xi32>
          %bitcast3A_2714 = vector.bitcast %shift_left3A_2713 : vector<16xi32> to vector<16xf32>
          %and3A_2715 = arith.andi %gather3A_2710, %broadcast_in_dim3A_480 : vector<16xi32>
          %bitcast3A_2716 = vector.bitcast %and3A_2715 : vector<16xi32> to vector<16xf32>
          %add3A_2717 = arith.addf %add3A_2621, %bitcast3A_2714 : vector<16xf32>
          %add3A_2718 = arith.addf %add3A_2622, %bitcast3A_2716 : vector<16xf32>
          %add3A_2719 = arith.constant 4 : i32
          %add3A_2720 = vector.broadcast %add3A_2719 : i32 to vector<16xi32>
          %add3A_2721 = arith.addi %gather3A_471, %add3A_2720 : vector<16xi32>
          %gather3A_2722 = tpu.vector_load_idx %arg7[%add3A_2721] : memref<2304xi32, #tpu.memory_space<vmem>>[vector<16xi32>], vector<16xi32>,
          %shift_left3A_2723 = arith.constant 16 : i32
          %shift_left3A_2724 = vector.broadcast %shift_left3A_2723 : i32 to vector<16xi32>
          %shift_left3A_2725 = arith.shli %gather3A_2722, %shift_left3A_2724 : vector<16xi32>
          %bitcast3A_2726 = vector.bitcast %shift_left3A_2725 : vector<16xi32> to vector<16xf32>
          %and3A_2727 = arith.andi %gather3A_2722, %broadcast_in_dim3A_480 : vector<16xi32>
          %bitcast3A_2728 = vector.bitcast %and3A_2727 : vector<16xi32> to vector<16xf32>
          %add3A_2729 = arith.addf %add3A_2633, %bitcast3A_2726 : vector<16xf32>
          %add3A_2730 = arith.addf %add3A_2634, %bitcast3A_2728 : vector<16xf32>
          %add3A_2731 = arith.constant 5 : i32
          %add3A_2732 = vector.broadcast %add3A_2731 : i32 to vector<16xi32>
          %add3A_2733 = arith.addi %gather3A_471, %add3A_2732 : vector<16xi32>
          %gather3A_2734 = tpu.vector_load_idx %arg7[%add3A_2733] : memref<2304xi32, #tpu.memory_space<vmem>>[vector<16xi32>], vector<16xi32>,
          %shift_left3A_2735 = arith.constant 16 : i32
          %shift_left3A_2736 = vector.broadcast %shift_left3A_2735 : i32 to vector<16xi32>
          %shift_left3A_2737 = arith.shli %gather3A_2734, %shift_left3A_2736 : vector<16xi32>
          %bitcast3A_2738 = vector.bitcast %shift_left3A_2737 : vector<16xi32> to vector<16xf32>
          %and3A_2739 = arith.andi %gather3A_2734, %broadcast_in_dim3A_480 : vector<16xi32>
          %bitcast3A_2740 = vector.bitcast %and3A_2739 : vector<16xi32> to vector<16xf32>
          %add3A_2741 = arith.addf %add3A_2645, %bitcast3A_2738 : vector<16xf32>
          %add3A_2742 = arith.addf %add3A_2646, %bitcast3A_2740 : vector<16xf32>
          %add3A_2743 = arith.constant 6 : i32
          %add3A_2744 = vector.broadcast %add3A_2743 : i32 to vector<16xi32>
          %add3A_2745 = arith.addi %gather3A_471, %add3A_2744 : vector<16xi32>
          %gather3A_2746 = tpu.vector_load_idx %arg7[%add3A_2745] : memref<2304xi32, #tpu.memory_space<vmem>>[vector<16xi32>], vector<16xi32>,
          %shift_left3A_2747 = arith.constant 16 : i32
          %shift_left3A_2748 = vector.broadcast %shift_left3A_2747 : i32 to vector<16xi32>
          %shift_left3A_2749 = arith.shli %gather3A_2746, %shift_left3A_2748 : vector<16xi32>
          %bitcast3A_2750 = vector.bitcast %shift_left3A_2749 : vector<16xi32> to vector<16xf32>
          %and3A_2751 = arith.andi %gather3A_2746, %broadcast_in_dim3A_480 : vector<16xi32>
          %bitcast3A_2752 = vector.bitcast %and3A_2751 : vector<16xi32> to vector<16xf32>
          %add3A_2753 = arith.addf %add3A_2657, %bitcast3A_2750 : vector<16xf32>
          %add3A_2754 = arith.addf %add3A_2658, %bitcast3A_2752 : vector<16xf32>
          %add3A_2755 = arith.constant 7 : i32
          %add3A_2756 = vector.broadcast %add3A_2755 : i32 to vector<16xi32>
          %add3A_2757 = arith.addi %gather3A_471, %add3A_2756 : vector<16xi32>
          %gather3A_2758 = tpu.vector_load_idx %arg7[%add3A_2757] : memref<2304xi32, #tpu.memory_space<vmem>>[vector<16xi32>], vector<16xi32>,
          %shift_left3A_2759 = arith.constant 16 : i32
          %shift_left3A_2760 = vector.broadcast %shift_left3A_2759 : i32 to vector<16xi32>
          %shift_left3A_2761 = arith.shli %gather3A_2758, %shift_left3A_2760 : vector<16xi32>
          %bitcast3A_2762 = vector.bitcast %shift_left3A_2761 : vector<16xi32> to vector<16xf32>
          %and3A_2763 = arith.andi %gather3A_2758, %broadcast_in_dim3A_480 : vector<16xi32>
          %bitcast3A_2764 = vector.bitcast %and3A_2763 : vector<16xi32> to vector<16xf32>
          %add3A_2765 = arith.addf %add3A_2669, %bitcast3A_2762 : vector<16xf32>
          %add3A_2766 = arith.addf %add3A_2670, %bitcast3A_2764 : vector<16xf32>
          %add3A_2767 = arith.constant 0 : i32
          %add3A_2768 = vector.broadcast %add3A_2767 : i32 to vector<16xi32>
          %add3A_2769 = arith.addi %gather3A_475, %add3A_2768 : vector<16xi32>
          %gather3A_2770 = tpu.vector_load_idx %arg7[%add3A_2769] : memref<2304xi32, #tpu.memory_space<vmem>>[vector<16xi32>], vector<16xi32>,
          %shift_left3A_2771 = arith.constant 16 : i32
          %shift_left3A_2772 = vector.broadcast %shift_left3A_2771 : i32 to vector<16xi32>
          %shift_left3A_2773 = arith.shli %gather3A_2770, %shift_left3A_2772 : vector<16xi32>
          %bitcast3A_2774 = vector.bitcast %shift_left3A_2773 : vector<16xi32> to vector<16xf32>
          %and3A_2775 = arith.andi %gather3A_2770, %broadcast_in_dim3A_480 : vector<16xi32>
          %bitcast3A_2776 = vector.bitcast %and3A_2775 : vector<16xi32> to vector<16xf32>
          %add3A_2777 = arith.addf %add3A_2681, %bitcast3A_2774 : vector<16xf32>
          %add3A_2778 = arith.addf %add3A_2682, %bitcast3A_2776 : vector<16xf32>
          %add3A_2779 = arith.constant 1 : i32
          %add3A_2780 = vector.broadcast %add3A_2779 : i32 to vector<16xi32>
          %add3A_2781 = arith.addi %gather3A_475, %add3A_2780 : vector<16xi32>
          %gather3A_2782 = tpu.vector_load_idx %arg7[%add3A_2781] : memref<2304xi32, #tpu.memory_space<vmem>>[vector<16xi32>], vector<16xi32>,
          %shift_left3A_2783 = arith.constant 16 : i32
          %shift_left3A_2784 = vector.broadcast %shift_left3A_2783 : i32 to vector<16xi32>
          %shift_left3A_2785 = arith.shli %gather3A_2782, %shift_left3A_2784 : vector<16xi32>
          %bitcast3A_2786 = vector.bitcast %shift_left3A_2785 : vector<16xi32> to vector<16xf32>
          %and3A_2787 = arith.andi %gather3A_2782, %broadcast_in_dim3A_480 : vector<16xi32>
          %bitcast3A_2788 = vector.bitcast %and3A_2787 : vector<16xi32> to vector<16xf32>
          %add3A_2789 = arith.addf %add3A_2693, %bitcast3A_2786 : vector<16xf32>
          %add3A_2790 = arith.addf %add3A_2694, %bitcast3A_2788 : vector<16xf32>
          %add3A_2791 = arith.constant 2 : i32
          %add3A_2792 = vector.broadcast %add3A_2791 : i32 to vector<16xi32>
          %add3A_2793 = arith.addi %gather3A_475, %add3A_2792 : vector<16xi32>
          %gather3A_2794 = tpu.vector_load_idx %arg7[%add3A_2793] : memref<2304xi32, #tpu.memory_space<vmem>>[vector<16xi32>], vector<16xi32>,
          %shift_left3A_2795 = arith.constant 16 : i32
          %shift_left3A_2796 = vector.broadcast %shift_left3A_2795 : i32 to vector<16xi32>
          %shift_left3A_2797 = arith.shli %gather3A_2794, %shift_left3A_2796 : vector<16xi32>
          %bitcast3A_2798 = vector.bitcast %shift_left3A_2797 : vector<16xi32> to vector<16xf32>
          %and3A_2799 = arith.andi %gather3A_2794, %broadcast_in_dim3A_480 : vector<16xi32>
          %bitcast3A_2800 = vector.bitcast %and3A_2799 : vector<16xi32> to vector<16xf32>
          %add3A_2801 = arith.addf %add3A_2705, %bitcast3A_2798 : vector<16xf32>
          %add3A_2802 = arith.addf %add3A_2706, %bitcast3A_2800 : vector<16xf32>
          %add3A_2803 = arith.constant 3 : i32
          %add3A_2804 = vector.broadcast %add3A_2803 : i32 to vector<16xi32>
          %add3A_2805 = arith.addi %gather3A_475, %add3A_2804 : vector<16xi32>
          %gather3A_2806 = tpu.vector_load_idx %arg7[%add3A_2805] : memref<2304xi32, #tpu.memory_space<vmem>>[vector<16xi32>], vector<16xi32>,
          %shift_left3A_2807 = arith.constant 16 : i32
          %shift_left3A_2808 = vector.broadcast %shift_left3A_2807 : i32 to vector<16xi32>
          %shift_left3A_2809 = arith.shli %gather3A_2806, %shift_left3A_2808 : vector<16xi32>
          %bitcast3A_2810 = vector.bitcast %shift_left3A_2809 : vector<16xi32> to vector<16xf32>
          %and3A_2811 = arith.andi %gather3A_2806, %broadcast_in_dim3A_480 : vector<16xi32>
          %bitcast3A_2812 = vector.bitcast %and3A_2811 : vector<16xi32> to vector<16xf32>
          %add3A_2813 = arith.addf %add3A_2717, %bitcast3A_2810 : vector<16xf32>
          %add3A_2814 = arith.addf %add3A_2718, %bitcast3A_2812 : vector<16xf32>
          %add3A_2815 = arith.constant 4 : i32
          %add3A_2816 = vector.broadcast %add3A_2815 : i32 to vector<16xi32>
          %add3A_2817 = arith.addi %gather3A_475, %add3A_2816 : vector<16xi32>
          %gather3A_2818 = tpu.vector_load_idx %arg7[%add3A_2817] : memref<2304xi32, #tpu.memory_space<vmem>>[vector<16xi32>], vector<16xi32>,
          %shift_left3A_2819 = arith.constant 16 : i32
          %shift_left3A_2820 = vector.broadcast %shift_left3A_2819 : i32 to vector<16xi32>
          %shift_left3A_2821 = arith.shli %gather3A_2818, %shift_left3A_2820 : vector<16xi32>
          %bitcast3A_2822 = vector.bitcast %shift_left3A_2821 : vector<16xi32> to vector<16xf32>
          %and3A_2823 = arith.andi %gather3A_2818, %broadcast_in_dim3A_480 : vector<16xi32>
          %bitcast3A_2824 = vector.bitcast %and3A_2823 : vector<16xi32> to vector<16xf32>
          %add3A_2825 = arith.addf %add3A_2729, %bitcast3A_2822 : vector<16xf32>
          %add3A_2826 = arith.addf %add3A_2730, %bitcast3A_2824 : vector<16xf32>
          %add3A_2827 = arith.constant 5 : i32
          %add3A_2828 = vector.broadcast %add3A_2827 : i32 to vector<16xi32>
          %add3A_2829 = arith.addi %gather3A_475, %add3A_2828 : vector<16xi32>
          %gather3A_2830 = tpu.vector_load_idx %arg7[%add3A_2829] : memref<2304xi32, #tpu.memory_space<vmem>>[vector<16xi32>], vector<16xi32>,
          %shift_left3A_2831 = arith.constant 16 : i32
          %shift_left3A_2832 = vector.broadcast %shift_left3A_2831 : i32 to vector<16xi32>
          %shift_left3A_2833 = arith.shli %gather3A_2830, %shift_left3A_2832 : vector<16xi32>
          %bitcast3A_2834 = vector.bitcast %shift_left3A_2833 : vector<16xi32> to vector<16xf32>
          %and3A_2835 = arith.andi %gather3A_2830, %broadcast_in_dim3A_480 : vector<16xi32>
          %bitcast3A_2836 = vector.bitcast %and3A_2835 : vector<16xi32> to vector<16xf32>
          %add3A_2837 = arith.addf %add3A_2741, %bitcast3A_2834 : vector<16xf32>
          %add3A_2838 = arith.addf %add3A_2742, %bitcast3A_2836 : vector<16xf32>
          %add3A_2839 = arith.constant 6 : i32
          %add3A_2840 = vector.broadcast %add3A_2839 : i32 to vector<16xi32>
          %add3A_2841 = arith.addi %gather3A_475, %add3A_2840 : vector<16xi32>
          %gather3A_2842 = tpu.vector_load_idx %arg7[%add3A_2841] : memref<2304xi32, #tpu.memory_space<vmem>>[vector<16xi32>], vector<16xi32>,
          %shift_left3A_2843 = arith.constant 16 : i32
          %shift_left3A_2844 = vector.broadcast %shift_left3A_2843 : i32 to vector<16xi32>
          %shift_left3A_2845 = arith.shli %gather3A_2842, %shift_left3A_2844 : vector<16xi32>
          %bitcast3A_2846 = vector.bitcast %shift_left3A_2845 : vector<16xi32> to vector<16xf32>
          %and3A_2847 = arith.andi %gather3A_2842, %broadcast_in_dim3A_480 : vector<16xi32>
          %bitcast3A_2848 = vector.bitcast %and3A_2847 : vector<16xi32> to vector<16xf32>
          %add3A_2849 = arith.addf %add3A_2753, %bitcast3A_2846 : vector<16xf32>
          %add3A_2850 = arith.addf %add3A_2754, %bitcast3A_2848 : vector<16xf32>
          %add3A_2851 = arith.constant 7 : i32
          %add3A_2852 = vector.broadcast %add3A_2851 : i32 to vector<16xi32>
          %add3A_2853 = arith.addi %gather3A_475, %add3A_2852 : vector<16xi32>
          %gather3A_2854 = tpu.vector_load_idx %arg7[%add3A_2853] : memref<2304xi32, #tpu.memory_space<vmem>>[vector<16xi32>], vector<16xi32>,
          %shift_left3A_2855 = arith.constant 16 : i32
          %shift_left3A_2856 = vector.broadcast %shift_left3A_2855 : i32 to vector<16xi32>
          %shift_left3A_2857 = arith.shli %gather3A_2854, %shift_left3A_2856 : vector<16xi32>
          %bitcast3A_2858 = vector.bitcast %shift_left3A_2857 : vector<16xi32> to vector<16xf32>
          %and3A_2859 = arith.andi %gather3A_2854, %broadcast_in_dim3A_480 : vector<16xi32>
          %bitcast3A_2860 = vector.bitcast %and3A_2859 : vector<16xi32> to vector<16xf32>
          %add3A_2861 = arith.addf %add3A_2765, %bitcast3A_2858 : vector<16xf32>
          %add3A_2862 = arith.addf %add3A_2766, %bitcast3A_2860 : vector<16xf32>
          %add3A_2863 = arith.constant 0 : i32
          %add3A_2864 = vector.broadcast %add3A_2863 : i32 to vector<16xi32>
          %add3A_2865 = arith.addi %gather3A_479, %add3A_2864 : vector<16xi32>
          %gather3A_2866 = tpu.vector_load_idx %arg7[%add3A_2865] : memref<2304xi32, #tpu.memory_space<vmem>>[vector<16xi32>], vector<16xi32>,
          %shift_left3A_2867 = arith.constant 16 : i32
          %shift_left3A_2868 = vector.broadcast %shift_left3A_2867 : i32 to vector<16xi32>
          %shift_left3A_2869 = arith.shli %gather3A_2866, %shift_left3A_2868 : vector<16xi32>
          %bitcast3A_2870 = vector.bitcast %shift_left3A_2869 : vector<16xi32> to vector<16xf32>
          %and3A_2871 = arith.andi %gather3A_2866, %broadcast_in_dim3A_480 : vector<16xi32>
          %bitcast3A_2872 = vector.bitcast %and3A_2871 : vector<16xi32> to vector<16xf32>
          %add3A_2873 = arith.addf %add3A_2777, %bitcast3A_2870 : vector<16xf32>
          %add3A_2874 = arith.addf %add3A_2778, %bitcast3A_2872 : vector<16xf32>
          %add3A_2875 = arith.constant 1 : i32
          %add3A_2876 = vector.broadcast %add3A_2875 : i32 to vector<16xi32>
          %add3A_2877 = arith.addi %gather3A_479, %add3A_2876 : vector<16xi32>
          %gather3A_2878 = tpu.vector_load_idx %arg7[%add3A_2877] : memref<2304xi32, #tpu.memory_space<vmem>>[vector<16xi32>], vector<16xi32>,
          %shift_left3A_2879 = arith.constant 16 : i32
          %shift_left3A_2880 = vector.broadcast %shift_left3A_2879 : i32 to vector<16xi32>
          %shift_left3A_2881 = arith.shli %gather3A_2878, %shift_left3A_2880 : vector<16xi32>
          %bitcast3A_2882 = vector.bitcast %shift_left3A_2881 : vector<16xi32> to vector<16xf32>
          %and3A_2883 = arith.andi %gather3A_2878, %broadcast_in_dim3A_480 : vector<16xi32>
          %bitcast3A_2884 = vector.bitcast %and3A_2883 : vector<16xi32> to vector<16xf32>
          %add3A_2885 = arith.addf %add3A_2789, %bitcast3A_2882 : vector<16xf32>
          %add3A_2886 = arith.addf %add3A_2790, %bitcast3A_2884 : vector<16xf32>
          %add3A_2887 = arith.constant 2 : i32
          %add3A_2888 = vector.broadcast %add3A_2887 : i32 to vector<16xi32>
          %add3A_2889 = arith.addi %gather3A_479, %add3A_2888 : vector<16xi32>
          %gather3A_2890 = tpu.vector_load_idx %arg7[%add3A_2889] : memref<2304xi32, #tpu.memory_space<vmem>>[vector<16xi32>], vector<16xi32>,
          %shift_left3A_2891 = arith.constant 16 : i32
          %shift_left3A_2892 = vector.broadcast %shift_left3A_2891 : i32 to vector<16xi32>
          %shift_left3A_2893 = arith.shli %gather3A_2890, %shift_left3A_2892 : vector<16xi32>
          %bitcast3A_2894 = vector.bitcast %shift_left3A_2893 : vector<16xi32> to vector<16xf32>
          %and3A_2895 = arith.andi %gather3A_2890, %broadcast_in_dim3A_480 : vector<16xi32>
          %bitcast3A_2896 = vector.bitcast %and3A_2895 : vector<16xi32> to vector<16xf32>
          %add3A_2897 = arith.addf %add3A_2801, %bitcast3A_2894 : vector<16xf32>
          %add3A_2898 = arith.addf %add3A_2802, %bitcast3A_2896 : vector<16xf32>
          %add3A_2899 = arith.constant 3 : i32
          %add3A_2900 = vector.broadcast %add3A_2899 : i32 to vector<16xi32>
          %add3A_2901 = arith.addi %gather3A_479, %add3A_2900 : vector<16xi32>
          %gather3A_2902 = tpu.vector_load_idx %arg7[%add3A_2901] : memref<2304xi32, #tpu.memory_space<vmem>>[vector<16xi32>], vector<16xi32>,
          %shift_left3A_2903 = arith.constant 16 : i32
          %shift_left3A_2904 = vector.broadcast %shift_left3A_2903 : i32 to vector<16xi32>
          %shift_left3A_2905 = arith.shli %gather3A_2902, %shift_left3A_2904 : vector<16xi32>
          %bitcast3A_2906 = vector.bitcast %shift_left3A_2905 : vector<16xi32> to vector<16xf32>
          %and3A_2907 = arith.andi %gather3A_2902, %broadcast_in_dim3A_480 : vector<16xi32>
          %bitcast3A_2908 = vector.bitcast %and3A_2907 : vector<16xi32> to vector<16xf32>
          %add3A_2909 = arith.addf %add3A_2813, %bitcast3A_2906 : vector<16xf32>
          %add3A_2910 = arith.addf %add3A_2814, %bitcast3A_2908 : vector<16xf32>
          %add3A_2911 = arith.constant 4 : i32
          %add3A_2912 = vector.broadcast %add3A_2911 : i32 to vector<16xi32>
          %add3A_2913 = arith.addi %gather3A_479, %add3A_2912 : vector<16xi32>
          %gather3A_2914 = tpu.vector_load_idx %arg7[%add3A_2913] : memref<2304xi32, #tpu.memory_space<vmem>>[vector<16xi32>], vector<16xi32>,
          %shift_left3A_2915 = arith.constant 16 : i32
          %shift_left3A_2916 = vector.broadcast %shift_left3A_2915 : i32 to vector<16xi32>
          %shift_left3A_2917 = arith.shli %gather3A_2914, %shift_left3A_2916 : vector<16xi32>
          %bitcast3A_2918 = vector.bitcast %shift_left3A_2917 : vector<16xi32> to vector<16xf32>
          %and3A_2919 = arith.andi %gather3A_2914, %broadcast_in_dim3A_480 : vector<16xi32>
          %bitcast3A_2920 = vector.bitcast %and3A_2919 : vector<16xi32> to vector<16xf32>
          %add3A_2921 = arith.addf %add3A_2825, %bitcast3A_2918 : vector<16xf32>
          %add3A_2922 = arith.addf %add3A_2826, %bitcast3A_2920 : vector<16xf32>
          %add3A_2923 = arith.constant 5 : i32
          %add3A_2924 = vector.broadcast %add3A_2923 : i32 to vector<16xi32>
          %add3A_2925 = arith.addi %gather3A_479, %add3A_2924 : vector<16xi32>
          %gather3A_2926 = tpu.vector_load_idx %arg7[%add3A_2925] : memref<2304xi32, #tpu.memory_space<vmem>>[vector<16xi32>], vector<16xi32>,
          %shift_left3A_2927 = arith.constant 16 : i32
          %shift_left3A_2928 = vector.broadcast %shift_left3A_2927 : i32 to vector<16xi32>
          %shift_left3A_2929 = arith.shli %gather3A_2926, %shift_left3A_2928 : vector<16xi32>
          %bitcast3A_2930 = vector.bitcast %shift_left3A_2929 : vector<16xi32> to vector<16xf32>
          %and3A_2931 = arith.andi %gather3A_2926, %broadcast_in_dim3A_480 : vector<16xi32>
          %bitcast3A_2932 = vector.bitcast %and3A_2931 : vector<16xi32> to vector<16xf32>
          %add3A_2933 = arith.addf %add3A_2837, %bitcast3A_2930 : vector<16xf32>
          %add3A_2934 = arith.addf %add3A_2838, %bitcast3A_2932 : vector<16xf32>
          %add3A_2935 = arith.constant 6 : i32
          %add3A_2936 = vector.broadcast %add3A_2935 : i32 to vector<16xi32>
          %add3A_2937 = arith.addi %gather3A_479, %add3A_2936 : vector<16xi32>
          %gather3A_2938 = tpu.vector_load_idx %arg7[%add3A_2937] : memref<2304xi32, #tpu.memory_space<vmem>>[vector<16xi32>], vector<16xi32>,
          %shift_left3A_2939 = arith.constant 16 : i32
          %shift_left3A_2940 = vector.broadcast %shift_left3A_2939 : i32 to vector<16xi32>
          %shift_left3A_2941 = arith.shli %gather3A_2938, %shift_left3A_2940 : vector<16xi32>
          %bitcast3A_2942 = vector.bitcast %shift_left3A_2941 : vector<16xi32> to vector<16xf32>
          %and3A_2943 = arith.andi %gather3A_2938, %broadcast_in_dim3A_480 : vector<16xi32>
          %bitcast3A_2944 = vector.bitcast %and3A_2943 : vector<16xi32> to vector<16xf32>
          %add3A_2945 = arith.addf %add3A_2849, %bitcast3A_2942 : vector<16xf32>
          %add3A_2946 = arith.addf %add3A_2850, %bitcast3A_2944 : vector<16xf32>
          %add3A_2947 = arith.constant 7 : i32
          %add3A_2948 = vector.broadcast %add3A_2947 : i32 to vector<16xi32>
          %add3A_2949 = arith.addi %gather3A_479, %add3A_2948 : vector<16xi32>
          %gather3A_2950 = tpu.vector_load_idx %arg7[%add3A_2949] : memref<2304xi32, #tpu.memory_space<vmem>>[vector<16xi32>], vector<16xi32>,
          %shift_left3A_2951 = arith.constant 16 : i32
          %shift_left3A_2952 = vector.broadcast %shift_left3A_2951 : i32 to vector<16xi32>
          %shift_left3A_2953 = arith.shli %gather3A_2950, %shift_left3A_2952 : vector<16xi32>
          %bitcast3A_2954 = vector.bitcast %shift_left3A_2953 : vector<16xi32> to vector<16xf32>
          %and3A_2955 = arith.andi %gather3A_2950, %broadcast_in_dim3A_480 : vector<16xi32>
          %bitcast3A_2956 = vector.bitcast %and3A_2955 : vector<16xi32> to vector<16xf32>
          %add3A_2957 = arith.addf %add3A_2861, %bitcast3A_2954 : vector<16xf32>
          %add3A_2958 = arith.addf %add3A_2862, %bitcast3A_2956 : vector<16xf32>
          %add3A_2959 = arith.constant 0 : i32
          %add3A_2960 = vector.broadcast %add3A_2959 : i32 to vector<16xi32>
          %add3A_2961 = arith.addi %add3A_376, %add3A_2960 : vector<16xi32>
          tpu.vector_store_idx %arg10[%add3A_2961], %add3A_2873 : memref<6800xf32, #tpu.memory_space<vmem>>[vector<16xi32>], vector<16xf32>,
          %add3A_2962 = arith.constant 1 : i32
          %add3A_2963 = vector.broadcast %add3A_2962 : i32 to vector<16xi32>
          %add3A_2964 = arith.addi %add3A_376, %add3A_2963 : vector<16xi32>
          tpu.vector_store_idx %arg10[%add3A_2964], %add3A_2885 : memref<6800xf32, #tpu.memory_space<vmem>>[vector<16xi32>], vector<16xf32>,
          %add3A_2965 = arith.constant 2 : i32
          %add3A_2966 = vector.broadcast %add3A_2965 : i32 to vector<16xi32>
          %add3A_2967 = arith.addi %add3A_376, %add3A_2966 : vector<16xi32>
          tpu.vector_store_idx %arg10[%add3A_2967], %add3A_2897 : memref<6800xf32, #tpu.memory_space<vmem>>[vector<16xi32>], vector<16xf32>,
          %add3A_2968 = arith.constant 3 : i32
          %add3A_2969 = vector.broadcast %add3A_2968 : i32 to vector<16xi32>
          %add3A_2970 = arith.addi %add3A_376, %add3A_2969 : vector<16xi32>
          tpu.vector_store_idx %arg10[%add3A_2970], %add3A_2909 : memref<6800xf32, #tpu.memory_space<vmem>>[vector<16xi32>], vector<16xf32>,
          %add3A_2971 = arith.constant 4 : i32
          %add3A_2972 = vector.broadcast %add3A_2971 : i32 to vector<16xi32>
          %add3A_2973 = arith.addi %add3A_376, %add3A_2972 : vector<16xi32>
          tpu.vector_store_idx %arg10[%add3A_2973], %add3A_2921 : memref<6800xf32, #tpu.memory_space<vmem>>[vector<16xi32>], vector<16xf32>,
          %add3A_2974 = arith.constant 5 : i32
          %add3A_2975 = vector.broadcast %add3A_2974 : i32 to vector<16xi32>
          %add3A_2976 = arith.addi %add3A_376, %add3A_2975 : vector<16xi32>
          tpu.vector_store_idx %arg10[%add3A_2976], %add3A_2933 : memref<6800xf32, #tpu.memory_space<vmem>>[vector<16xi32>], vector<16xf32>,
          %add3A_2977 = arith.constant 6 : i32
          %add3A_2978 = vector.broadcast %add3A_2977 : i32 to vector<16xi32>
          %add3A_2979 = arith.addi %add3A_376, %add3A_2978 : vector<16xi32>
          tpu.vector_store_idx %arg10[%add3A_2979], %add3A_2945 : memref<6800xf32, #tpu.memory_space<vmem>>[vector<16xi32>], vector<16xf32>,
          %add3A_2980 = arith.constant 7 : i32
          %add3A_2981 = vector.broadcast %add3A_2980 : i32 to vector<16xi32>
          %add3A_2982 = arith.addi %add3A_376, %add3A_2981 : vector<16xi32>
          tpu.vector_store_idx %arg10[%add3A_2982], %add3A_2957 : memref<6800xf32, #tpu.memory_space<vmem>>[vector<16xi32>], vector<16xf32>,
          %add3A_2983 = arith.constant 8 : i32
          %add3A_2984 = vector.broadcast %add3A_2983 : i32 to vector<16xi32>
          %add3A_2985 = arith.addi %add3A_376, %add3A_2984 : vector<16xi32>
          tpu.vector_store_idx %arg10[%add3A_2985], %add3A_2874 : memref<6800xf32, #tpu.memory_space<vmem>>[vector<16xi32>], vector<16xf32>,
          %add3A_2986 = arith.constant 9 : i32
          %add3A_2987 = vector.broadcast %add3A_2986 : i32 to vector<16xi32>
          %add3A_2988 = arith.addi %add3A_376, %add3A_2987 : vector<16xi32>
          tpu.vector_store_idx %arg10[%add3A_2988], %add3A_2886 : memref<6800xf32, #tpu.memory_space<vmem>>[vector<16xi32>], vector<16xf32>,
          %add3A_2989 = arith.constant 10 : i32
          %add3A_2990 = vector.broadcast %add3A_2989 : i32 to vector<16xi32>
          %add3A_2991 = arith.addi %add3A_376, %add3A_2990 : vector<16xi32>
          tpu.vector_store_idx %arg10[%add3A_2991], %add3A_2898 : memref<6800xf32, #tpu.memory_space<vmem>>[vector<16xi32>], vector<16xf32>,
          %add3A_2992 = arith.constant 11 : i32
          %add3A_2993 = vector.broadcast %add3A_2992 : i32 to vector<16xi32>
          %add3A_2994 = arith.addi %add3A_376, %add3A_2993 : vector<16xi32>
          tpu.vector_store_idx %arg10[%add3A_2994], %add3A_2910 : memref<6800xf32, #tpu.memory_space<vmem>>[vector<16xi32>], vector<16xf32>,
          %add3A_2995 = arith.constant 12 : i32
          %add3A_2996 = vector.broadcast %add3A_2995 : i32 to vector<16xi32>
          %add3A_2997 = arith.addi %add3A_376, %add3A_2996 : vector<16xi32>
          tpu.vector_store_idx %arg10[%add3A_2997], %add3A_2922 : memref<6800xf32, #tpu.memory_space<vmem>>[vector<16xi32>], vector<16xf32>,
          %add3A_2998 = arith.constant 13 : i32
          %add3A_2999 = vector.broadcast %add3A_2998 : i32 to vector<16xi32>
          %add3A_3000 = arith.addi %add3A_376, %add3A_2999 : vector<16xi32>
          tpu.vector_store_idx %arg10[%add3A_3000], %add3A_2934 : memref<6800xf32, #tpu.memory_space<vmem>>[vector<16xi32>], vector<16xf32>,
          %add3A_3001 = arith.constant 14 : i32
          %add3A_3002 = vector.broadcast %add3A_3001 : i32 to vector<16xi32>
          %add3A_3003 = arith.addi %add3A_376, %add3A_3002 : vector<16xi32>
          tpu.vector_store_idx %arg10[%add3A_3003], %add3A_2946 : memref<6800xf32, #tpu.memory_space<vmem>>[vector<16xi32>], vector<16xf32>,
          %add3A_3004 = arith.constant 15 : i32
          %add3A_3005 = vector.broadcast %add3A_3004 : i32 to vector<16xi32>
          %add3A_3006 = arith.addi %add3A_376, %add3A_3005 : vector<16xi32>
          tpu.vector_store_idx %arg10[%add3A_3006], %add3A_2958 : memref<6800xf32, #tpu.memory_space<vmem>>[vector<16xi32>], vector<16xf32>,
          %scan3A_3007 = arith.constant 0 : i32
          scf.yield %scan3A_3007 : i32
        }
        %scan3A_352 = arith.constant 25 : i32
        %scan3A_353 = arith.constant 0 : i32
        %scan3A_354 = arith.constant 0 : i32
        %scan3A_355 = arith.constant 25 : i32
        %scan3A_356 = arith.addi %scan3A_354, %scan3A_355 : i32
        %scan3A_357 = arith.constant 1 : i32
        %scan3A_358 = scf.for %scan3A_364 = %scan3A_354 to %scan3A_356 step %scan3A_357 iter_args(%scan3A_365 = %scan3A_353) -> (i32)  : i32 {
          %mul3A_366 = arith.constant 16 : i32
          %mul3A_367 = arith.muli %scan3A_364, %mul3A_366 : i32
          %add3A_368 = arith.constant 0 : i32
          %add3A_369 = arith.addi %mul3A_367, %add3A_368 : i32
          %mul3A_370 = arith.constant 17 : i32
          %mul3A_371 = arith.muli %add3A_369, %mul3A_370 : i32
          %get3A = arith.index_cast %mul3A_371 : i32 to index
          %get3A_372 = tpu.vector_load %arg10[%get3A] {strides = array<i32>} : memref<6800xf32, #tpu.memory_space<vmem>>, vector<16xf32>,
          %mul3A_373 = arith.constant 16 : i32
          %mul3A_374 = arith.muli %add3A_369, %mul3A_373 : i32
          %swap3A = arith.index_cast %mul3A_374 : i32 to index
          %swap3A_375 = tpu.vector_load %arg11[%swap3A] {strides = array<i32>} : memref<6400xf32, #tpu.memory_space<vmem>>, vector<16xf32>,
          tpu.vector_store %arg11[%swap3A], %get3A_372 {strides = array<i32>} : memref<6400xf32, #tpu.memory_space<vmem>>, vector<16xf32>,
          %mul3A_376 = arith.constant 16 : i32
          %mul3A_377 = arith.muli %scan3A_364, %mul3A_376 : i32
          %add3A_378 = arith.constant 1 : i32
          %add3A_379 = arith.addi %mul3A_377, %add3A_378 : i32
          %mul3A_380 = arith.constant 17 : i32
          %mul3A_381 = arith.muli %add3A_379, %mul3A_380 : i32
          %get3A_382 = arith.index_cast %mul3A_381 : i32 to index
          %get3A_383 = tpu.vector_load %arg10[%get3A_382] {strides = array<i32>} : memref<6800xf32, #tpu.memory_space<vmem>>, vector<16xf32>,
          %mul3A_384 = arith.constant 16 : i32
          %mul3A_385 = arith.muli %add3A_379, %mul3A_384 : i32
          %swap3A_386 = arith.index_cast %mul3A_385 : i32 to index
          %swap3A_387 = tpu.vector_load %arg11[%swap3A_386] {strides = array<i32>} : memref<6400xf32, #tpu.memory_space<vmem>>, vector<16xf32>,
          tpu.vector_store %arg11[%swap3A_386], %get3A_383 {strides = array<i32>} : memref<6400xf32, #tpu.memory_space<vmem>>, vector<16xf32>,
          %mul3A_388 = arith.constant 16 : i32
          %mul3A_389 = arith.muli %scan3A_364, %mul3A_388 : i32
          %add3A_390 = arith.constant 2 : i32
          %add3A_391 = arith.addi %mul3A_389, %add3A_390 : i32
          %mul3A_392 = arith.constant 17 : i32
          %mul3A_393 = arith.muli %add3A_391, %mul3A_392 : i32
          %get3A_394 = arith.index_cast %mul3A_393 : i32 to index
          %get3A_395 = tpu.vector_load %arg10[%get3A_394] {strides = array<i32>} : memref<6800xf32, #tpu.memory_space<vmem>>, vector<16xf32>,
          %mul3A_396 = arith.constant 16 : i32
          %mul3A_397 = arith.muli %add3A_391, %mul3A_396 : i32
          %swap3A_398 = arith.index_cast %mul3A_397 : i32 to index
          %swap3A_399 = tpu.vector_load %arg11[%swap3A_398] {strides = array<i32>} : memref<6400xf32, #tpu.memory_space<vmem>>, vector<16xf32>,
          tpu.vector_store %arg11[%swap3A_398], %get3A_395 {strides = array<i32>} : memref<6400xf32, #tpu.memory_space<vmem>>, vector<16xf32>,
          %mul3A_400 = arith.constant 16 : i32
          %mul3A_401 = arith.muli %scan3A_364, %mul3A_400 : i32
          %add3A_402 = arith.constant 3 : i32
          %add3A_403 = arith.addi %mul3A_401, %add3A_402 : i32
          %mul3A_404 = arith.constant 17 : i32
          %mul3A_405 = arith.muli %add3A_403, %mul3A_404 : i32
          %get3A_406 = arith.index_cast %mul3A_405 : i32 to index
          %get3A_407 = tpu.vector_load %arg10[%get3A_406] {strides = array<i32>} : memref<6800xf32, #tpu.memory_space<vmem>>, vector<16xf32>,
          %mul3A_408 = arith.constant 16 : i32
          %mul3A_409 = arith.muli %add3A_403, %mul3A_408 : i32
          %swap3A_410 = arith.index_cast %mul3A_409 : i32 to index
          %swap3A_411 = tpu.vector_load %arg11[%swap3A_410] {strides = array<i32>} : memref<6400xf32, #tpu.memory_space<vmem>>, vector<16xf32>,
          tpu.vector_store %arg11[%swap3A_410], %get3A_407 {strides = array<i32>} : memref<6400xf32, #tpu.memory_space<vmem>>, vector<16xf32>,
          %mul3A_412 = arith.constant 16 : i32
          %mul3A_413 = arith.muli %scan3A_364, %mul3A_412 : i32
          %add3A_414 = arith.constant 4 : i32
          %add3A_415 = arith.addi %mul3A_413, %add3A_414 : i32
          %mul3A_416 = arith.constant 17 : i32
          %mul3A_417 = arith.muli %add3A_415, %mul3A_416 : i32
          %get3A_418 = arith.index_cast %mul3A_417 : i32 to index
          %get3A_419 = tpu.vector_load %arg10[%get3A_418] {strides = array<i32>} : memref<6800xf32, #tpu.memory_space<vmem>>, vector<16xf32>,
          %mul3A_420 = arith.constant 16 : i32
          %mul3A_421 = arith.muli %add3A_415, %mul3A_420 : i32
          %swap3A_422 = arith.index_cast %mul3A_421 : i32 to index
          %swap3A_423 = tpu.vector_load %arg11[%swap3A_422] {strides = array<i32>} : memref<6400xf32, #tpu.memory_space<vmem>>, vector<16xf32>,
          tpu.vector_store %arg11[%swap3A_422], %get3A_419 {strides = array<i32>} : memref<6400xf32, #tpu.memory_space<vmem>>, vector<16xf32>,
          %mul3A_424 = arith.constant 16 : i32
          %mul3A_425 = arith.muli %scan3A_364, %mul3A_424 : i32
          %add3A_426 = arith.constant 5 : i32
          %add3A_427 = arith.addi %mul3A_425, %add3A_426 : i32
          %mul3A_428 = arith.constant 17 : i32
          %mul3A_429 = arith.muli %add3A_427, %mul3A_428 : i32
          %get3A_430 = arith.index_cast %mul3A_429 : i32 to index
          %get3A_431 = tpu.vector_load %arg10[%get3A_430] {strides = array<i32>} : memref<6800xf32, #tpu.memory_space<vmem>>, vector<16xf32>,
          %mul3A_432 = arith.constant 16 : i32
          %mul3A_433 = arith.muli %add3A_427, %mul3A_432 : i32
          %swap3A_434 = arith.index_cast %mul3A_433 : i32 to index
          %swap3A_435 = tpu.vector_load %arg11[%swap3A_434] {strides = array<i32>} : memref<6400xf32, #tpu.memory_space<vmem>>, vector<16xf32>,
          tpu.vector_store %arg11[%swap3A_434], %get3A_431 {strides = array<i32>} : memref<6400xf32, #tpu.memory_space<vmem>>, vector<16xf32>,
          %mul3A_436 = arith.constant 16 : i32
          %mul3A_437 = arith.muli %scan3A_364, %mul3A_436 : i32
          %add3A_438 = arith.constant 6 : i32
          %add3A_439 = arith.addi %mul3A_437, %add3A_438 : i32
          %mul3A_440 = arith.constant 17 : i32
          %mul3A_441 = arith.muli %add3A_439, %mul3A_440 : i32
          %get3A_442 = arith.index_cast %mul3A_441 : i32 to index
          %get3A_443 = tpu.vector_load %arg10[%get3A_442] {strides = array<i32>} : memref<6800xf32, #tpu.memory_space<vmem>>, vector<16xf32>,
          %mul3A_444 = arith.constant 16 : i32
          %mul3A_445 = arith.muli %add3A_439, %mul3A_444 : i32
          %swap3A_446 = arith.index_cast %mul3A_445 : i32 to index
          %swap3A_447 = tpu.vector_load %arg11[%swap3A_446] {strides = array<i32>} : memref<6400xf32, #tpu.memory_space<vmem>>, vector<16xf32>,
          tpu.vector_store %arg11[%swap3A_446], %get3A_443 {strides = array<i32>} : memref<6400xf32, #tpu.memory_space<vmem>>, vector<16xf32>,
          %mul3A_448 = arith.constant 16 : i32
          %mul3A_449 = arith.muli %scan3A_364, %mul3A_448 : i32
          %add3A_450 = arith.constant 7 : i32
          %add3A_451 = arith.addi %mul3A_449, %add3A_450 : i32
          %mul3A_452 = arith.constant 17 : i32
          %mul3A_453 = arith.muli %add3A_451, %mul3A_452 : i32
          %get3A_454 = arith.index_cast %mul3A_453 : i32 to index
          %get3A_455 = tpu.vector_load %arg10[%get3A_454] {strides = array<i32>} : memref<6800xf32, #tpu.memory_space<vmem>>, vector<16xf32>,
          %mul3A_456 = arith.constant 16 : i32
          %mul3A_457 = arith.muli %add3A_451, %mul3A_456 : i32
          %swap3A_458 = arith.index_cast %mul3A_457 : i32 to index
          %swap3A_459 = tpu.vector_load %arg11[%swap3A_458] {strides = array<i32>} : memref<6400xf32, #tpu.memory_space<vmem>>, vector<16xf32>,
          tpu.vector_store %arg11[%swap3A_458], %get3A_455 {strides = array<i32>} : memref<6400xf32, #tpu.memory_space<vmem>>, vector<16xf32>,
          %mul3A_460 = arith.constant 16 : i32
          %mul3A_461 = arith.muli %scan3A_364, %mul3A_460 : i32
          %add3A_462 = arith.constant 8 : i32
          %add3A_463 = arith.addi %mul3A_461, %add3A_462 : i32
          %mul3A_464 = arith.constant 17 : i32
          %mul3A_465 = arith.muli %add3A_463, %mul3A_464 : i32
          %get3A_466 = arith.index_cast %mul3A_465 : i32 to index
          %get3A_467 = tpu.vector_load %arg10[%get3A_466] {strides = array<i32>} : memref<6800xf32, #tpu.memory_space<vmem>>, vector<16xf32>,
          %mul3A_468 = arith.constant 16 : i32
          %mul3A_469 = arith.muli %add3A_463, %mul3A_468 : i32
          %swap3A_470 = arith.index_cast %mul3A_469 : i32 to index
          %swap3A_471 = tpu.vector_load %arg11[%swap3A_470] {strides = array<i32>} : memref<6400xf32, #tpu.memory_space<vmem>>, vector<16xf32>,
          tpu.vector_store %arg11[%swap3A_470], %get3A_467 {strides = array<i32>} : memref<6400xf32, #tpu.memory_space<vmem>>, vector<16xf32>,
          %mul3A_472 = arith.constant 16 : i32
          %mul3A_473 = arith.muli %scan3A_364, %mul3A_472 : i32
          %add3A_474 = arith.constant 9 : i32
          %add3A_475 = arith.addi %mul3A_473, %add3A_474 : i32
          %mul3A_476 = arith.constant 17 : i32
          %mul3A_477 = arith.muli %add3A_475, %mul3A_476 : i32
          %get3A_478 = arith.index_cast %mul3A_477 : i32 to index
          %get3A_479 = tpu.vector_load %arg10[%get3A_478] {strides = array<i32>} : memref<6800xf32, #tpu.memory_space<vmem>>, vector<16xf32>,
          %mul3A_480 = arith.constant 16 : i32
          %mul3A_481 = arith.muli %add3A_475, %mul3A_480 : i32
          %swap3A_482 = arith.index_cast %mul3A_481 : i32 to index
          %swap3A_483 = tpu.vector_load %arg11[%swap3A_482] {strides = array<i32>} : memref<6400xf32, #tpu.memory_space<vmem>>, vector<16xf32>,
          tpu.vector_store %arg11[%swap3A_482], %get3A_479 {strides = array<i32>} : memref<6400xf32, #tpu.memory_space<vmem>>, vector<16xf32>,
          %mul3A_484 = arith.constant 16 : i32
          %mul3A_485 = arith.muli %scan3A_364, %mul3A_484 : i32
          %add3A_486 = arith.constant 10 : i32
          %add3A_487 = arith.addi %mul3A_485, %add3A_486 : i32
          %mul3A_488 = arith.constant 17 : i32
          %mul3A_489 = arith.muli %add3A_487, %mul3A_488 : i32
          %get3A_490 = arith.index_cast %mul3A_489 : i32 to index
          %get3A_491 = tpu.vector_load %arg10[%get3A_490] {strides = array<i32>} : memref<6800xf32, #tpu.memory_space<vmem>>, vector<16xf32>,
          %mul3A_492 = arith.constant 16 : i32
          %mul3A_493 = arith.muli %add3A_487, %mul3A_492 : i32
          %swap3A_494 = arith.index_cast %mul3A_493 : i32 to index
          %swap3A_495 = tpu.vector_load %arg11[%swap3A_494] {strides = array<i32>} : memref<6400xf32, #tpu.memory_space<vmem>>, vector<16xf32>,
          tpu.vector_store %arg11[%swap3A_494], %get3A_491 {strides = array<i32>} : memref<6400xf32, #tpu.memory_space<vmem>>, vector<16xf32>,
          %mul3A_496 = arith.constant 16 : i32
          %mul3A_497 = arith.muli %scan3A_364, %mul3A_496 : i32
          %add3A_498 = arith.constant 11 : i32
          %add3A_499 = arith.addi %mul3A_497, %add3A_498 : i32
          %mul3A_500 = arith.constant 17 : i32
          %mul3A_501 = arith.muli %add3A_499, %mul3A_500 : i32
          %get3A_502 = arith.index_cast %mul3A_501 : i32 to index
          %get3A_503 = tpu.vector_load %arg10[%get3A_502] {strides = array<i32>} : memref<6800xf32, #tpu.memory_space<vmem>>, vector<16xf32>,
          %mul3A_504 = arith.constant 16 : i32
          %mul3A_505 = arith.muli %add3A_499, %mul3A_504 : i32
          %swap3A_506 = arith.index_cast %mul3A_505 : i32 to index
          %swap3A_507 = tpu.vector_load %arg11[%swap3A_506] {strides = array<i32>} : memref<6400xf32, #tpu.memory_space<vmem>>, vector<16xf32>,
          tpu.vector_store %arg11[%swap3A_506], %get3A_503 {strides = array<i32>} : memref<6400xf32, #tpu.memory_space<vmem>>, vector<16xf32>,
          %mul3A_508 = arith.constant 16 : i32
          %mul3A_509 = arith.muli %scan3A_364, %mul3A_508 : i32
          %add3A_510 = arith.constant 12 : i32
          %add3A_511 = arith.addi %mul3A_509, %add3A_510 : i32
          %mul3A_512 = arith.constant 17 : i32
          %mul3A_513 = arith.muli %add3A_511, %mul3A_512 : i32
          %get3A_514 = arith.index_cast %mul3A_513 : i32 to index
          %get3A_515 = tpu.vector_load %arg10[%get3A_514] {strides = array<i32>} : memref<6800xf32, #tpu.memory_space<vmem>>, vector<16xf32>,
          %mul3A_516 = arith.constant 16 : i32
          %mul3A_517 = arith.muli %add3A_511, %mul3A_516 : i32
          %swap3A_518 = arith.index_cast %mul3A_517 : i32 to index
          %swap3A_519 = tpu.vector_load %arg11[%swap3A_518] {strides = array<i32>} : memref<6400xf32, #tpu.memory_space<vmem>>, vector<16xf32>,
          tpu.vector_store %arg11[%swap3A_518], %get3A_515 {strides = array<i32>} : memref<6400xf32, #tpu.memory_space<vmem>>, vector<16xf32>,
          %mul3A_520 = arith.constant 16 : i32
          %mul3A_521 = arith.muli %scan3A_364, %mul3A_520 : i32
          %add3A_522 = arith.constant 13 : i32
          %add3A_523 = arith.addi %mul3A_521, %add3A_522 : i32
          %mul3A_524 = arith.constant 17 : i32
          %mul3A_525 = arith.muli %add3A_523, %mul3A_524 : i32
          %get3A_526 = arith.index_cast %mul3A_525 : i32 to index
          %get3A_527 = tpu.vector_load %arg10[%get3A_526] {strides = array<i32>} : memref<6800xf32, #tpu.memory_space<vmem>>, vector<16xf32>,
          %mul3A_528 = arith.constant 16 : i32
          %mul3A_529 = arith.muli %add3A_523, %mul3A_528 : i32
          %swap3A_530 = arith.index_cast %mul3A_529 : i32 to index
          %swap3A_531 = tpu.vector_load %arg11[%swap3A_530] {strides = array<i32>} : memref<6400xf32, #tpu.memory_space<vmem>>, vector<16xf32>,
          tpu.vector_store %arg11[%swap3A_530], %get3A_527 {strides = array<i32>} : memref<6400xf32, #tpu.memory_space<vmem>>, vector<16xf32>,
          %mul3A_532 = arith.constant 16 : i32
          %mul3A_533 = arith.muli %scan3A_364, %mul3A_532 : i32
          %add3A_534 = arith.constant 14 : i32
          %add3A_535 = arith.addi %mul3A_533, %add3A_534 : i32
          %mul3A_536 = arith.constant 17 : i32
          %mul3A_537 = arith.muli %add3A_535, %mul3A_536 : i32
          %get3A_538 = arith.index_cast %mul3A_537 : i32 to index
          %get3A_539 = tpu.vector_load %arg10[%get3A_538] {strides = array<i32>} : memref<6800xf32, #tpu.memory_space<vmem>>, vector<16xf32>,
          %mul3A_540 = arith.constant 16 : i32
          %mul3A_541 = arith.muli %add3A_535, %mul3A_540 : i32
          %swap3A_542 = arith.index_cast %mul3A_541 : i32 to index
          %swap3A_543 = tpu.vector_load %arg11[%swap3A_542] {strides = array<i32>} : memref<6400xf32, #tpu.memory_space<vmem>>, vector<16xf32>,
          tpu.vector_store %arg11[%swap3A_542], %get3A_539 {strides = array<i32>} : memref<6400xf32, #tpu.memory_space<vmem>>, vector<16xf32>,
          %mul3A_544 = arith.constant 16 : i32
          %mul3A_545 = arith.muli %scan3A_364, %mul3A_544 : i32
          %add3A_546 = arith.constant 15 : i32
          %add3A_547 = arith.addi %mul3A_545, %add3A_546 : i32
          %mul3A_548 = arith.constant 17 : i32
          %mul3A_549 = arith.muli %add3A_547, %mul3A_548 : i32
          %get3A_550 = arith.index_cast %mul3A_549 : i32 to index
          %get3A_551 = tpu.vector_load %arg10[%get3A_550] {strides = array<i32>} : memref<6800xf32, #tpu.memory_space<vmem>>, vector<16xf32>,
          %mul3A_552 = arith.constant 16 : i32
          %mul3A_553 = arith.muli %add3A_547, %mul3A_552 : i32
          %swap3A_554 = arith.index_cast %mul3A_553 : i32 to index
          %swap3A_555 = tpu.vector_load %arg11[%swap3A_554] {strides = array<i32>} : memref<6400xf32, #tpu.memory_space<vmem>>, vector<16xf32>,
          tpu.vector_store %arg11[%swap3A_554], %get3A_551 {strides = array<i32>} : memref<6400xf32, #tpu.memory_space<vmem>>, vector<16xf32>,
          %scan3A_556 = arith.constant 0 : i32
          scf.yield %scan3A_556 : i32
        }
        %scan3A_359 = arith.constant 25 : i32
        %mul3A_360 = arith.constant 400 : i32
        %mul3A_361 = arith.muli %add3A_332, %mul3A_360 : i32
        %mul3A_362 = arith.constant 16 : i32
        %mul3A_363 = arith.muli %mul3A_361, %mul3A_362 : i32
        "tpu.region"() ({
          %run_scoped3A = tpu.sem_alloc : memref<!tpu.dma_semaphore, #tpu.memory_space<semaphore_mem>>
          %dma_start3A = tpu.memref_slice %arg5[%mul3A_363] : memref<3200000xf32, #tpu.memory_space<hbm>> -> memref<6400xf32, #tpu.memory_space<hbm>>
          %dma_start3A_364 = tpu.memref_slice %arg5[%mul3A_363] : memref<3200000xf32, #tpu.memory_space<hbm>> -> memref<6400xf32, #tpu.memory_space<hbm>>
          tpu.enqueue_dma source(%arg11 : memref<6400xf32, #tpu.memory_space<vmem>>) target(%dma_start3A_364 : memref<6400xf32, #tpu.memory_space<hbm>>) target_semaphore(%run_scoped3A : memref<!tpu.dma_semaphore, #tpu.memory_space<semaphore_mem>>)
          %dma_wait3A = tpu.memref_slice %arg5[%mul3A_363] : memref<3200000xf32, #tpu.memory_space<hbm>> -> memref<6400xf32, #tpu.memory_space<hbm>>
          %dma_wait3A_365 = tpu.memref_slice %arg5[%mul3A_363] : memref<3200000xf32, #tpu.memory_space<hbm>> -> memref<6400xf32, #tpu.memory_space<hbm>>
          tpu.wait_dma2 semaphore(%run_scoped3A : memref<!tpu.dma_semaphore, #tpu.memory_space<semaphore_mem>>) src(%arg11 : memref<6400xf32, #tpu.memory_space<vmem>>) dst(%dma_wait3A_365 : memref<6400xf32, #tpu.memory_space<hbm>>)
          tpu.yield
        }) : () -> ()
      } else {
      }
      %scan3A_336 = arith.constant 0 : i32
      scf.yield %scan3A_336 : i32
    }
    %scan3A_327 = arith.constant 16 : i32
    return
  }
}

module attributes {stable_mosaic.version = 14 : i64} {
  func.func @_prep_body(%arg0: i32, %arg1: memref<20000x26xf32, #tpu.memory_space<vmem>>, %arg2: memref<256x1xf32, #tpu.memory_space<vmem>>, %arg3: memref<256x16xf32, #tpu.memory_space<vmem>>, %arg4: memref<16x16xf32, #tpu.memory_space<vmem>>, %arg5: memref<1x16xf32, #tpu.memory_space<vmem>>, %arg6: memref<256x26xf32, #tpu.memory_space<vmem>>, %arg7: memref<256x9xi32, #tpu.memory_space<vmem>>, %arg8: memref<1x26xf32, #tpu.memory_space<vmem>>, %arg9: memref<1x26xf32, #tpu.memory_space<vmem>>) attributes {dimension_semantics = [#tpu.dimension_semantics<arbitrary>], iteration_bounds = array<i64: 10>, scalar_prefetch = 0 : i64, scratch_operands = 2 : i64, tpu.core_type = #tpu.core_type<tc>, window_params = [{transform_indices = @transform_0, window_bounds = array<i64: 20000, 26>}, {pipeline_mode = #tpu.pipeline_mode<synchronous>, transform_indices = @transform_1, window_bounds = array<i64: 256, 1>}, {pipeline_mode = #tpu.pipeline_mode<synchronous>, transform_indices = @transform_2, window_bounds = array<i64: 256, 16>}, {pipeline_mode = #tpu.pipeline_mode<synchronous>, transform_indices = @transform_3, window_bounds = array<i64: 16, 16>}, {pipeline_mode = #tpu.pipeline_mode<synchronous>, transform_indices = @transform_4, window_bounds = array<i64: 1, 16>}, {pipeline_mode = #tpu.pipeline_mode<synchronous>, transform_indices = @transform_5, window_bounds = array<i64: 256, 26>}, {pipeline_mode = #tpu.pipeline_mode<synchronous>, transform_indices = @transform_6, window_bounds = array<i64: 256, 9>}]} {
    %get3A = arith.constant 0 : index
    %get3A_0 = arith.constant 0 : index
    %get3A_1 = vector.load %arg1[%get3A, %get3A_0] : memref<20000x26xf32, #tpu.memory_space<vmem>>, vector<20000x26xf32>
    %reduce_min3A = arith.constant dense<0x7F800000> : vector<26xf32>
    %reduce_min3A_2 = vector.multi_reduction <minimumf>, %get3A_1, %reduce_min3A [0] : vector<20000x26xf32> to vector<26xf32>
    %broadcast_in_dim3A = vector.shape_cast %reduce_min3A_2 : vector<26xf32> to vector<1x26xf32>
    %get3A_3 = arith.constant 0 : index
    %get3A_4 = arith.constant 0 : index
    %get3A_5 = vector.load %arg1[%get3A_3, %get3A_4] : memref<20000x26xf32, #tpu.memory_space<vmem>>, vector<20000x26xf32>
    %reduce_max3A = arith.constant dense<0xFF800000> : vector<26xf32>
    %reduce_max3A_6 = vector.multi_reduction <maximumf>, %get3A_5, %reduce_max3A [0] : vector<20000x26xf32> to vector<26xf32>
    %broadcast_in_dim3A_7 = vector.shape_cast %reduce_max3A_6 : vector<26xf32> to vector<1x26xf32>
    %eq3A = arith.constant 0 : i32
    %eq3A_8 = arith.cmpi eq, %arg0, %eq3A : i32
    %convert_element_type3A = arith.extui %eq3A_8 : i1 to i32
    %cond3A = arith.constant 0 : i32
    %cond3A_9 = arith.cmpi ne, %convert_element_type3A, %cond3A : i32
    scf.if %cond3A_9 {
      %swap3A = arith.constant 0 : index
      %swap3A_19 = arith.constant 0 : index
      %swap3A_20 = vector.load %arg8[%swap3A, %swap3A_19] : memref<1x26xf32, #tpu.memory_space<vmem>>, vector<1x26xf32>
      tpu.vector_store %arg8[%swap3A, %swap3A_19], %broadcast_in_dim3A {strides = array<i32>} : memref<1x26xf32, #tpu.memory_space<vmem>>, vector<1x26xf32>,
      %swap3A_21 = arith.constant 0 : index
      %swap3A_22 = arith.constant 0 : index
      %swap3A_23 = vector.load %arg9[%swap3A_21, %swap3A_22] : memref<1x26xf32, #tpu.memory_space<vmem>>, vector<1x26xf32>
      tpu.vector_store %arg9[%swap3A_21, %swap3A_22], %broadcast_in_dim3A_7 {strides = array<i32>} : memref<1x26xf32, #tpu.memory_space<vmem>>, vector<1x26xf32>,
    } else {
    }
    %gt3A = arith.constant 0 : i32
    %gt3A_10 = arith.cmpi sgt, %arg0, %gt3A : i32
    %convert_element_type3A_11 = arith.extui %gt3A_10 : i1 to i32
    %cond3A_12 = arith.constant 0 : i32
    %cond3A_13 = arith.cmpi ne, %convert_element_type3A_11, %cond3A_12 : i32
    scf.if %cond3A_13 {
      %get3A_19 = arith.constant 0 : index
      %get3A_20 = arith.constant 0 : index
      %get3A_21 = vector.load %arg8[%get3A_19, %get3A_20] : memref<1x26xf32, #tpu.memory_space<vmem>>, vector<1x26xf32>
      %min3A = arith.minimumf %get3A_21, %broadcast_in_dim3A : vector<1x26xf32>
      %swap3A = arith.constant 0 : index
      %swap3A_22 = arith.constant 0 : index
      %swap3A_23 = vector.load %arg8[%swap3A, %swap3A_22] : memref<1x26xf32, #tpu.memory_space<vmem>>, vector<1x26xf32>
      tpu.vector_store %arg8[%swap3A, %swap3A_22], %min3A {strides = array<i32>} : memref<1x26xf32, #tpu.memory_space<vmem>>, vector<1x26xf32>,
      %get3A_24 = arith.constant 0 : index
      %get3A_25 = arith.constant 0 : index
      %get3A_26 = vector.load %arg9[%get3A_24, %get3A_25] : memref<1x26xf32, #tpu.memory_space<vmem>>, vector<1x26xf32>
      %max3A = arith.maximumf %get3A_26, %broadcast_in_dim3A_7 : vector<1x26xf32>
      %swap3A_27 = arith.constant 0 : index
      %swap3A_28 = arith.constant 0 : index
      %swap3A_29 = vector.load %arg9[%swap3A_27, %swap3A_28] : memref<1x26xf32, #tpu.memory_space<vmem>>, vector<1x26xf32>
      tpu.vector_store %arg9[%swap3A_27, %swap3A_28], %max3A {strides = array<i32>} : memref<1x26xf32, #tpu.memory_space<vmem>>, vector<1x26xf32>,
    } else {
    }
    %eq3A_14 = arith.constant 9 : i32
    %eq3A_15 = arith.cmpi eq, %arg0, %eq3A_14 : i32
    %convert_element_type3A_16 = arith.extui %eq3A_15 : i1 to i32
    %cond3A_17 = arith.constant 0 : i32
    %cond3A_18 = arith.cmpi ne, %convert_element_type3A_16, %cond3A_17 : i32
    scf.if %cond3A_18 {
      %get3A_19 = arith.constant 0 : index
      %get3A_20 = arith.constant 0 : index
      %get3A_21 = vector.load %arg9[%get3A_19, %get3A_20] : memref<1x26xf32, #tpu.memory_space<vmem>>, vector<1x26xf32>
      %get3A_22 = arith.constant 0 : index
      %get3A_23 = arith.constant 0 : index
      %get3A_24 = vector.load %arg8[%get3A_22, %get3A_23] : memref<1x26xf32, #tpu.memory_space<vmem>>, vector<1x26xf32>
      %sub3A = arith.subf %get3A_21, %get3A_24 : vector<1x26xf32>
      %add3A = arith.constant 9.99999997E-7 : f32
      %add3A_25 = vector.broadcast %add3A : f32 to vector<1x26xf32>
      %add3A_26 = arith.addf %sub3A, %add3A_25 : vector<1x26xf32>
      %get3A_27 = arith.constant 0 : index
      %get3A_28 = arith.constant 0 : index
      %get3A_29 = vector.load %arg2[%get3A_27, %get3A_28] : memref<256x1xf32, #tpu.memory_space<vmem>>, vector<256x1xf32>
      %mul3A = vector.broadcast %get3A_29 : vector<256x1xf32> to vector<256x26xf32>
      %mul3A_30 = vector.broadcast %add3A_26 : vector<1x26xf32> to vector<256x26xf32>
      %mul3A_31 = arith.mulf %mul3A, %mul3A_30 : vector<256x26xf32>
      %get3A_32 = arith.constant 0 : index
      %get3A_33 = arith.constant 0 : index
      %get3A_34 = vector.load %arg8[%get3A_32, %get3A_33] : memref<1x26xf32, #tpu.memory_space<vmem>>, vector<1x26xf32>
      %add3A_35 = vector.broadcast %get3A_34 : vector<1x26xf32> to vector<256x26xf32>
      %add3A_36 = arith.addf %mul3A_31, %add3A_35 : vector<256x26xf32>
      %swap3A = arith.constant 0 : index
      %swap3A_37 = arith.constant 0 : index
      %swap3A_38 = vector.load %arg6[%swap3A, %swap3A_37] : memref<256x26xf32, #tpu.memory_space<vmem>>, vector<256x26xf32>
      tpu.vector_store %arg6[%swap3A, %swap3A_37], %add3A_36 {strides = array<i32>} : memref<256x26xf32, #tpu.memory_space<vmem>>, vector<256x26xf32>,
      %get3A_39 = arith.constant 0 : index
      %get3A_40 = arith.constant 0 : index
      %get3A_41 = vector.load %arg3[%get3A_39, %get3A_40] : memref<256x16xf32, #tpu.memory_space<vmem>>, vector<256x16xf32>
      %get3A_42 = arith.constant 0 : index
      %get3A_43 = arith.constant 0 : index
      %get3A_44 = vector.load %arg4[%get3A_42, %get3A_43] : memref<16x16xf32, #tpu.memory_space<vmem>>, vector<16x16xf32>
      %dot_general3A = arith.constant dense<0.000000e+00> : vector<256x16xf32>
      %dot_general3A_45 = tpu.matmul %get3A_41, %get3A_44, %dot_general3A {dimension_numbers = #tpu.dot_dimension_numbers<[1], [1], [0], [0], [0, 0, 1, 0], [], []>, precision = #tpu.contract_precision<fp32>, transpose_lhs_hint = false} : vector<256x16xf32>, vector<16x16xf32>, vector<256x16xf32> -> vector<256x16xf32>
      %get3A_46 = arith.constant 0 : index
      %get3A_47 = arith.constant 0 : index
      %get3A_48 = vector.load %arg5[%get3A_46, %get3A_47] : memref<1x16xf32, #tpu.memory_space<vmem>>, vector<1x16xf32>
      %add3A_49 = vector.broadcast %get3A_48 : vector<1x16xf32> to vector<256x16xf32>
      %add3A_50 = arith.addf %dot_general3A_45, %add3A_49 : vector<256x16xf32>
      %slice3A = vector.extract_strided_slice %add3A_50 {offsets = [0, 0], sizes = [256, 8], strides = [1, 1]} : vector<256x16xf32> to vector<256x8xf32>
      %convert_element_type3A_51 = arith.truncf %slice3A : vector<256x8xf32> to vector<256x8xbf16>
      %bitcast_convert_type3A = tpu.bitcast %convert_element_type3A_51 : vector<256x8xbf16> -> vector<256x8xi16>
      %convert_element_type3A_52 = arith.extui %bitcast_convert_type3A : vector<256x8xi16> to vector<256x8xi32>
      %slice3A_53 = vector.extract_strided_slice %add3A_50 {offsets = [0, 8], sizes = [256, 8], strides = [1, 1]} : vector<256x16xf32> to vector<256x8xf32>
      %convert_element_type3A_54 = arith.truncf %slice3A_53 : vector<256x8xf32> to vector<256x8xbf16>
      %bitcast_convert_type3A_55 = tpu.bitcast %convert_element_type3A_54 : vector<256x8xbf16> -> vector<256x8xi16>
      %convert_element_type3A_56 = arith.extui %bitcast_convert_type3A_55 : vector<256x8xi16> to vector<256x8xi32>
      %shift_left3A = arith.constant 16 : i32
      %shift_left3A_57 = vector.broadcast %shift_left3A : i32 to vector<256x8xi32>
      %shift_left3A_58 = arith.shli %convert_element_type3A_56, %shift_left3A_57 : vector<256x8xi32>
      %or3A = arith.ori %convert_element_type3A_52, %shift_left3A_58 : vector<256x8xi32>
      %bitcast_convert_type3A_59 = tpu.bitcast %or3A : vector<256x8xi32> -> vector<256x8xi32>
      %broadcast_in_dim3A_60 = arith.constant 0 : i32
      %broadcast_in_dim3A_61 = vector.broadcast %broadcast_in_dim3A_60 : i32 to vector<256x1xi32>
      %concatenate3A = tpu.concatenate %bitcast_convert_type3A_59, %broadcast_in_dim3A_61 in 1 : vector<256x8xi32>, vector<256x1xi32> -> vector<256x9xi32>
      %swap3A_62 = arith.constant 0 : index
      %swap3A_63 = arith.constant 0 : index
      %swap3A_64 = vector.load %arg7[%swap3A_62, %swap3A_63] : memref<256x9xi32, #tpu.memory_space<vmem>>, vector<256x9xi32>
      tpu.vector_store %arg7[%swap3A_62, %swap3A_63], %concatenate3A {strides = array<i32>} : memref<256x9xi32, #tpu.memory_space<vmem>>, vector<256x9xi32>,
    } else {
    }
    return
  }
  func.func @transform_0(%arg0: i32) -> (i32, i32) {
    %c0_i32 = arith.constant 0 : i32
    %c0_i32_0 = arith.constant 0 : i32
    return %arg0, %c0_i32 : i32, i32
  }
  func.func @transform_1(%arg0: i32) -> (i32, i32) {
    %c0_i32 = arith.constant 0 : i32
    %c0_i32_0 = arith.constant 0 : i32
    %c0_i32_1 = arith.constant 0 : i32
    return %c0_i32, %c0_i32_0 : i32, i32
  }
  func.func @transform_2(%arg0: i32) -> (i32, i32) {
    %c0_i32 = arith.constant 0 : i32
    %c0_i32_0 = arith.constant 0 : i32
    %c0_i32_1 = arith.constant 0 : i32
    return %c0_i32, %c0_i32_0 : i32, i32
  }
  func.func @transform_3(%arg0: i32) -> (i32, i32) {
    %c0_i32 = arith.constant 0 : i32
    %c0_i32_0 = arith.constant 0 : i32
    %c0_i32_1 = arith.constant 0 : i32
    return %c0_i32, %c0_i32_0 : i32, i32
  }
  func.func @transform_4(%arg0: i32) -> (i32, i32) {
    %c0_i32 = arith.constant 0 : i32
    %c0_i32_0 = arith.constant 0 : i32
    %c0_i32_1 = arith.constant 0 : i32
    return %c0_i32, %c0_i32_0 : i32, i32
  }
  func.func @transform_5(%arg0: i32) -> (i32, i32) {
    %c0_i32 = arith.constant 0 : i32
    %c0_i32_0 = arith.constant 0 : i32
    %c0_i32_1 = arith.constant 0 : i32
    return %c0_i32, %c0_i32_0 : i32, i32
  }
  func.func @transform_6(%arg0: i32) -> (i32, i32) {
    %c0_i32 = arith.constant 0 : i32
    %c0_i32_0 = arith.constant 0 : i32
    %c0_i32_1 = arith.constant 0 : i32
    return %c0_i32, %c0_i32_0 : i32, i32
  }
}

</mosaic_0001>

<sc_bundles>
// kernel: kernel.4.cloned.1.call-start
scs
__scs_entry_jumppad:
0x0: {  	(pc) =	sbr.rel $0x88, $3  }
0x1: {  	(tag) =	ssettag $0x0;
	lr =	simm.s32 $0x1  }
0x2: {  	[smem:$0x3F9C] =	sst lr;
	_ =	strace $0xD0000000  }
0x3: {  	_ = 	snop  }
0x4: {  	_ = 	snop  }
0x5: {  	_ = 	snop  }
0x6: {  	_ = 	snop  }
0x7: {  	_ = 	snop  }
__scs_overlays_trampoline_lowered:
0x8: {  	[smem:$0x3FAB] =	sst s0  }
0x9: {  	[smem:$0x3FAC] =	sst s1  }
0xa: {  	[smem:$0x3FAD] =	sst s2  }
0xb: {  	[smem:$0x3FAE] =	sst s3  }
0xc: {  	[smem:$0x3FAF] =	sst s4  }
0xd: {  	[smem:$0x3FB0] =	sst s5  }
0xe: {  	[smem:$0x3FB1] =	sst s6  }
0xf: {  	[smem:$0x3FB2] =	sst s7  }
0x10: {  	[smem:$0x3FB3] =	sst s8  }
0x11: {  	[smem:$0x3FB4] =	sst s9;
	s0 =	simm.s32 @!p0 $0x0  }
0x12: {  	s1 =	sld [smem:$0x3F9A];
	s0 =	simm.s32 @p0 $0x1  }
0x13: {  	[smem:$0x3FB5] =	sst s0;
	s0 =	simm.s32 @!p1 $0x0  }
0x14: {  	s2 =	sld [smem:$0x3F99];
	s0 =	simm.s32 @p1 $0x1  }
0x15: {  	[smem:$0x3FB6] =	sst s0;
	s0 =	simm.s32 @!p2 $0x0  }
0x16: {  	s3 =	sld [smem:$0x3FDB];
	s0 =	simm.s32 @p2 $0x1  }
0x17: {  	s4 =	simm.s32 $0x1BF5;
	[smem:$0x3FB8] =	sst s0  }
0x18: {  	s0 =	sld [smem:$0x3F9B];
	_ =	swait.ge [sflag:s4], $0x0  }
0x19: {  	s7 =	sld [smem:$0x3F9C]  }
0x1a: {  	s8 =	sadd.s32 $0xFFFFE003, lr  }
0x1b: {  	s9 =	sadd.s32 $0xFFFFFEF7, lr;
	s5 =	simm.s32 $0xFFFFFFFF;
	p2 =	slt.u32 s8, $0xFFFFF086  }
0x1c: {  	p1 =	slt.u32 s9, $0xF7A;
	s5 =	simm.s32 @!p2 $0x0  }
0x1d: {  	s5 =	simm.s32 @p1 $0x1;
	p0 =	seq.s32 s7, s2  }
0x1e: {  	s7 =	smul.u32 @!p0 $0xF7A, s2;
	p2 =	seq.s32 @!p0 s5, $0x0  }
0x1f: {  	s9 =	smul.u32 $0xF7A, s1;
	s8 =	simm.s32 @!p0 $0x1BF5;
	p2 =	por !p2, p0  }
0x20: {  	[sflag:s8] =	ssyncset.s32 @!p0 $0xFFFFF086;
	s6 =	sadd.s32 @!p0 s3, s7;
	s7 =	simm.s32 @!p0 $0x108  }
0x21: {  	s3 =	sadd.s32 s3, s9;
	s6 =	sadd.s32 @!p0 $0x88, s6;
	s7 =	simm.s32 @p2 $0x1082  }
0x22: {  	[simem:s7], [sflag:s8] =	dma.local @!p0 [hbm:s6], $0xF7A  }
0x23: {  	s9 =	sor.u32 $0xD0000000, s2;
	s6 =	simm.s32 $0x108;
	_ =	swait.ge @!p0 [sflag:s8], $0x0  }
0x24: {  	s3 =	sadd.s32 $0x88, s3;
	s6 =	simm.s32 @!p1 $0x1082;
	[sflag:s4] =	ssyncset.s32 $0xFFFFF086  }
0x25: {  	[simem:s6], [sflag:s4] =	dma.local [hbm:s3], $0xF7A  }
0x26: {  	[smem:$0x3F9C] =	sst s1;
	(tag) =	ssettag s2;
	_ =	strace s9  }
0x27: {  	s1 =	sld [smem:$0x3FAC]  }
0x28: {  	s2 =	sld [smem:$0x3FAD]  }
0x29: {  	s4 =	sld [smem:$0x3FAF]  }
0x2a: {  	p0 =	seq.s32 s5, $0x0;
	s5 =	sld [smem:$0x3FB0]  }
0x2b: {  	s6 =	sld [smem:$0x3FB1]  }
0x2c: {  	s7 =	sld [smem:$0x3FB2]  }
0x2d: {  	s3 =	simm.s32 $0x108;
	s8 =	sld [smem:$0x3FB3]  }
0x2e: {  	s3 =	simm.s32 @!p0 $0x1082;
	s9 =	sld [smem:$0x3FB4]  }
0x2f: {  	lr =	sadd.s32 s0, s3;
	s0 =	sld [smem:$0x3FAB]  }
0x30: {  	s3 =	sld [smem:$0x3FAE]  }
0x31: {  	[smem:$0x3FB7] =	sst s10  }
0x32: {  	s10 =	sld [smem:$0x3FB5];
	_ =	sdelay $0x3  }
0x33: {  	p0 =	seq.s32 s10, $0x1;
	s10 =	sld [smem:$0x3FB7];
	_ =	sdelay $0x3  }
0x34: {  	[smem:$0x3FB7] =	sst s10  }
0x35: {  	s10 =	sld [smem:$0x3FB6];
	_ =	sdelay $0x3  }
0x36: {  	p1 =	seq.s32 s10, $0x1;
	s10 =	sld [smem:$0x3FB7];
	_ =	sdelay $0x3  }
0x37: {  	[smem:$0x3FB7] =	sst s10  }
0x38: {  	s10 =	sld [smem:$0x3FB8]  }
0x39: {  	_ = 	snop;
	(pc) =	sbr.ind lr, $3  }
0x3a: {  	_ = 	snop  }
0x3b: {  	_ = 	snop  }
0x3c: {  	p2 =	seq.s32 s10, $0x1;
	s10 =	sld [smem:$0x3FB7]  }
0x3d: {  	_ =	shalt  }
0x3e: {  	_ =	shalt  }
0x3f: {  	_ =	shalt  }
0x40: {  	_ =	shalt  }
0x41: {  	_ =	shalt  }
0x42: {  	_ =	shalt  }
0x43: {  	_ =	shalt  }
0x44: {  	_ =	shalt  }
0x45: {  	_ =	shalt  }
0x46: {  	_ =	shalt  }
0x47: {  	_ =	shalt  }
0x48: {  	_ =	shalt  }
0x49: {  	_ =	shalt  }
0x4a: {  	_ =	shalt  }
0x4b: {  	_ =	shalt  }
0x4c: {  	_ =	shalt  }
0x4d: {  	_ =	shalt  }
0x4e: {  	_ =	shalt  }
0x4f: {  	_ =	shalt  }
0x50: {  	_ =	shalt  }
0x51: {  	_ =	shalt  }
0x52: {  	_ =	shalt  }
0x53: {  	_ =	shalt  }
0x54: {  	_ =	shalt  }
0x55: {  	_ =	shalt  }
0x56: {  	_ =	shalt  }
0x57: {  	_ =	shalt  }
0x58: {  	_ =	shalt  }
0x59: {  	_ =	shalt  }
0x5a: {  	_ =	shalt  }
0x5b: {  	_ =	shalt  }
0x5c: {  	_ =	shalt  }
0x5d: {  	_ =	shalt  }
0x5e: {  	_ =	shalt  }
0x5f: {  	_ =	shalt  }
0x60: {  	_ =	shalt  }
0x61: {  	_ =	shalt  }
0x62: {  	_ =	shalt  }
0x63: {  	_ =	shalt  }
0x64: {  	_ =	shalt  }
0x65: {  	_ =	shalt  }
0x66: {  	_ =	shalt  }
0x67: {  	_ =	shalt  }
0x68: {  	_ =	shalt  }
0x69: {  	_ =	shalt  }
0x6a: {  	_ =	shalt  }
0x6b: {  	_ =	shalt  }
0x6c: {  	_ =	shalt  }
0x6d: {  	_ =	shalt  }
0x6e: {  	_ =	shalt  }
0x6f: {  	_ =	shalt  }
0x70: {  	_ =	shalt  }
0x71: {  	_ =	shalt  }
0x72: {  	_ =	shalt  }
0x73: {  	_ =	shalt  }
0x74: {  	_ =	shalt  }
0x75: {  	_ =	shalt  }
0x76: {  	_ =	shalt  }
0x77: {  	_ =	shalt  }
0x78: {  	_ =	shalt  }
0x79: {  	_ =	shalt  }
0x7a: {  	_ =	shalt  }
0x7b: {  	_ =	shalt  }
0x7c: {  	_ =	shalt  }
0x7d: {  	_ =	shalt  }
0x7e: {  	_ =	shalt  }
0x7f: {  	_ =	shalt  }
0x80: {  	_ =	shalt  }
0x81: {  	_ =	shalt  }
0x82: {  	_ =	shalt  }
0x83: {  	_ =	shalt  }
0x84: {  	_ =	shalt  }
0x85: {  	_ =	shalt  }
0x86: {  	_ =	shalt  }
0x87: {  	_ =	shalt  }
.Lfunc_end0:
.L_simem_size_0:
called_computation_lowered:
.L_overlay_start_0:
0x88: {  	s2 =	sld [smem:$0x3FD9]  }
0x89: {  	s3 =	sld [smem:$0x3FFE];
	_ =	sdelay $0x1  }
0x8a: {  	s1 =	srdreg.scid  }
0x8b: {  	s0 =	sand.u32 $0x1, s1  }
0x8c: {  	s17 =	sshll.u32 s0, $0xA;
	s2 =	sadd.s32 s3, s2  }
0x8d: {  	s2 =	sadd.s32 s2, s17  }
0x8e: {  	[smem:$0x3FC3] =	sst s2  }
0x8f: {  	_ = 	snop  }
0x90: {  	s2 =	sld [smem:$0x3FD0];
	(tm) =	ssettm $0x1  }
0x91: {  	s18 =	sld [smem:$0x3FFB];
	_ =	sdelay $0x3  }
0x92: {  	_ =	strace s18  }
0x93: {  	s3 =	sld [smem:$0x3FFC];
	_ =	sdelay $0x3  }
0x94: {  	_ =	strace s3  }
0x95: {  	s3 =	sld [smem:$0x3FFD];
	_ =	sdelay $0x3  }
0x96: {  	_ =	strace s3  }
0x97: {  	_ =	strace $0x8FFFFFFF  }
0x98: {  	s19 =	sld [smem:$0x3FDB];
	_ =	sdelay $0x1  }
0x99: {  	s4 =	simm.s32 $_scs_section_size  }
0x9a: {  	s5 =	simm.s32 $_size__tile_overlayer_lowered;
	s6 =	simm.s32 $_tile_overlayer_lowered  }
0x9b: {  	s22 =	simm.s32 $0x1BFF;
	s21 =	sshll.u32 s6, $0x1;
	s3 =	sadd.s32 s4, s19  }
0x9c: {  	s7 =	simm.s32 $0x0;
	s20 =	sshll.u32 s5, $0x1;
	s5 =	sadd.s32 s21, s3  }
0x9d: {  	[timem:s7], [sflag:s22] =	dma.local [hbm:s5], s20  }
0x9e: {  	_ =	swait.ge [sflag:s22], s20  }
0x9f: {  	s4 =	ssub.s32 $0x0, s20;
	[sflag:s22] =	ssyncset.done $0x0  }
0xa0: {  	[sflag:s22] =	ssyncadd.s32 s4;
	_ =	sdelay $0x1  }
0xa1: {  	s23 =	simm.s32 $0x1B8B  }
0xa2: {  	_ =	swait.ge [sflag:s23], $0x1  }
0xa3: {  	[sflag:s23] =	ssyncset.done $0x0  }
0xa4: {  	s25 =	simm.s32 $0x1B8E;
	s24 =	sld [smem:$0x3FFE];
	[sflag:s23] =	ssyncadd.s32 $0xFFFFFFFF  }
0xa5: {  	s26 =	simm.s32 $execute0_lowered;
	[smem:$0x3FD2] =	sst s25  }
0xa6: {  	s5 =	sshll.u32 s26, $0x1;
	_ =	strace $0x80000046;
	[dreg:$0x1] =	wrdreg $0xFFFFFFFF  }
0xa7: {  	s28 =	simm.s32 $_size_execute0_lowered;
	s3 =	sadd.s32 s3, s5;
	[dreg:$0x0] =	wrdreg $0x0  }
0xa8: {  	s5 =	sshll.u32 s28, $0x1;
	[dreg:$0x2] =	wrdreg s3  }
0xa9: {  	[dreg:$0x3] =	wrdreg s5  }
0xaa: {  	[dreg:$0x4] =	wrdreg $0xC0  }
0xab: {  	_ =	task [dreg:s7], $0x5FFFF  }
0xac: {  	[dreg:$0x1] =	wrdreg $0xFFFFFFFF  }
0xad: {  	[dreg:$0x0] =	wrdreg $0x60  }
0xae: {  	[dreg:$0x2] =	wrdreg s24  }
0xaf: {  	[dreg:$0x3] =	wrdreg s2  }
0xb0: {  	[dreg:$0x4] =	wrdreg $0x9  }
0xb1: {  	_ =	task.clear_ibuf [dreg:s7], $0x5FFFF;
	_ =	strace $0x90000046  }
0xb2: {  	s29 =	simm.s32 $0x9;
	_ =	strace $0x80000048  }
0xb3: {  	_ =	swait.ge [sflag:s29], $0x1  }
0xb4: {  	[sflag:s29] =	ssyncadd.s32 $0xFFFFFFFF  }
0xb5: {  	_ =	strace $0x90000048  }
0xb6: {  	_ =	sfence  }
0xb7: {  	s30 =	sld [smem:$0x0];
	_ =	sdelay $0x2  }
0xb8: {  	s31 =	sshll.u32 s1, $0xD;
	s1 =	sshrl.u32 s1, $0x2  }
0xb9: {  	s3 =	sand.u32 $0x4000, s31;
	s1 =	sadd.s32 s1, s30  }
0xba: {  	s0 =	sor.u32 s3, s0;
	s1 =	sshll.u32 s1, $0x11  }
0xbb: {  	s0 =	sor.u32 s1, s0  }
0xbc: {  	s0 =	sadd.s32 $0x8F2B, s0  }
0xbd: {  	[sflag:s0] =	ssyncadd.remote.s32 $0x1  }
0xbe: {  	_ =	sfence.sel $0xFFFF  }
0xbf: {  	[dreg:$0x0] =	wrdreg $0xFFFFFFFF;
	(pc) =	sbr.abs _section_cstart, $3  }
0xc0: {  	[dreg:$0x1] =	wrdreg $0xFFFFFFFF  }
0xc1: {  	_ =	task.clear_ibuf [dreg:s7], $0x2FFFF;
	_ =	strace $0x9FFFFFFF  }
0xc2: {  	(tm) =	ssettm $0x7FFFFFFF  }
0xc3: {  	_ =	shalt  }
tec
execute0_lowered:
.L_overlay_start_1:
0x0: {  	(tag) =	ssettag $0x1  }
0x1: {  	v0 =	vimm.s32 $0x32107654;
	v1 =	vimm.s32 $0x5040302  }
0x2: {  	v2 =	vimm.s32 $0x54329876;
	v46 =	vimm.s32 $0x1001918;
	vm0 =	vcmask $0x1F10  }
0x3: {  	vm1 =	vcmask $0x2F10;
	v47 =	vimm.s32 $0x19181716;
	v48 =	vimm.s32 $0xB0A0908  }
0x4: {  	v6 =	vimm.s32 $0xD0C0B0A;
	vm12 =	vcmask $0x3F30;
	v49 =	vimm.s32 $0x13121110  }
0x5: {  	v50 =	vimm.s32 $0x17161514;
	v7 =	vimm.s32 $0x15141312;
	v8 =	vimm.s32 $0x3020100  }
0x6: {  	v9 =	vimm.s32 $0x11100F0E;
	vm13 =	vcmask $0x300;
	v51 =	vimm.s32 $0xCEB  }
0x7: {  	v52 =	vimm.s32 $0xCF1;
	v10 =	vimm.s32 $0xD0B;
	v11 =	vimm.s32 $0xD01  }
0x8: {  	v12 =	vimm.s32 $0xD07;
	v13 =	vimm.s32 $0xD0D;
	v14 =	vimm.s32 $0xD03  }
0x9: {  	v15 =	vimm.s32 $0xD09;
	vm14 =	vcmask $0x704;
	vm15 =	vcmask $0xB08  }
0xa: {  	vm4 =	vcmask $0xF0C;
	vm5 =	vcmask $0x1310;
	vm6 =	vcmask $0x1714  }
0xb: {  	vm7 =	vcmask $0x1B18;
	vm8 =	vcmask $0x1F1C;
	vm9 =	vcmask $0x2320  }
0xc: {  	vm10 =	vcmask $0x2724;
	vm11 =	vcmask $0x2B28;
	v23 =	vimm.s32 $0x76543210  }
0xd: {  	v26 =	vimm.s32 $0x98765432;
	v0 =	vunpack.c.l.s4.s8 v0;
	v3 =	vunpack.c.0.s8.s32 v1  }
0xe: {  	v2 =	vunpack.c.l.s4.s8 v2;
	v4 =	vunpack.c.0.s8.s32 v46;
	v5 =	vunpack.c.0.s8.s32 v47  }
0xf: {  	v1 =	vunpack.c.0.s8.s32 v48;
	v6 =	vunpack.c.0.s8.s32 v6;
	v7 =	vunpack.c.0.s8.s32 v7  }
0x10: {  	v8 =	vunpack.c.0.s8.s32 v8;
	v9 =	vunpack.c.0.s8.s32 v9;
	v10 =	vsel vm13, $0xD16, v10  }
0x11: {  	v11 =	vsel vm13, $0xD0C, v11;
	v12 =	vsel vm13, $0xD12, v12;
	v13 =	vsel vm13, $0xD18, v13  }
0x12: {  	v14 =	vsel vm13, $0xD0E, v14;
	v15 =	vsel vm13, $0xD14, v15;
	v28 =	vunpack.c.l.s4.s8 v23  }
0x13: {  	v29 =	vunpack.c.l.s4.s8 v26;
	v10 =	vsel vm14, $0xD17, v10;
	v11 =	vsel vm14, $0xD0D, v11  }
0x14: {  	v12 =	vsel vm14, $0xD13, v12;
	v13 =	vsel vm14, $0xD19, v13;
	v14 =	vsel vm14, $0xD0F, v14  }
0x15: {  	v15 =	vsel vm14, $0xD15, v15;
	v0 =	vunpack.c.0.s8.s32 v0;
	v2 =	vunpack.c.0.s8.s32 v2  }
0x16: {  	v24 =	vsel vm0, v3, v4;
	v3 =	vunpack.c.0.s8.s32 v50;
	v30 =	vsel vm0, v5, v7  }
0x17: {  	v33 =	vsel vm0, v8, v5;
	v34 =	vsel vm0, v7, v9;
	v7 =	vimm.s32 $0xCE9  }
0x18: {  	v8 =	vimm.s32 $0xCEF;
	v9 =	vimm.s32 $0xD05;
	v10 =	vsel vm15, $0xD18, v10  }
0x19: {  	v11 =	vsel vm15, $0xD0E, v11;
	v12 =	vsel vm15, $0xD14, v12;
	v13 =	vsel vm15, $0xD00, v13  }
0x1a: {  	v14 =	vsel vm15, $0xD10, v14;
	v15 =	vsel vm15, $0xD16, v15;
	v31 =	vunpack.c.0.s8.s32 v28  }
0x1b: {  	v35 =	vunpack.c.0.s8.s32 v29;
	v7 =	vsel vm13, $0xCF4, v7;
	v8 =	vsel vm13, $0xCFA, v8  }
0x1c: {  	v9 =	vsel vm13, $0xD10, v9;
	v10 =	vsel vm4, $0xD19, v10;
	v11 =	vsel vm4, $0xD0F, v11  }
0x1d: {  	v12 =	vsel vm4, $0xD15, v12;
	v13 =	vsel vm4, $0xD01, v13;
	v14 =	vsel vm4, $0xD11, v14  }
0x1e: {  	v15 =	vsel vm4, $0xD17, v15;
	v29 =	vcombine.low v34, v33;
	v0 =	vand.u32 $0xF, v0  }
0x1f: {  	v2 =	vand.u32 $0xF, v2;
	v36 =	vsel vm0, v4, v3;
	v7 =	vsel vm14, $0xCF5, v7  }
0x20: {  	v8 =	vsel vm14, $0xCFB, v8;
	v9 =	vsel vm14, $0xD11, v9;
	v10 =	vsel vm5, $0xD00, v10  }
0x21: {  	v11 =	vsel vm5, $0xD10, v11;
	v12 =	vsel vm5, $0xD16, v12;
	v13 =	vsel vm5, $0xD02, v13  }
0x22: {  	v14 =	vsel vm5, $0xD12, v14;
	v15 =	vsel vm5, $0xD18, v15;
	v26 =	vcombine.low v30, v31  }
0x23: {  	v37 =	vand.u32 $0xF, v35;
	v0 =	vsel vm1, v0, v5;
	v2 =	vsel vm1, v2, v4  }
0x24: {  	v4 =	vimm.s32 $0xCE7;
	v5 =	vimm.s32 $0xCED;
	v7 =	vsel vm15, $0xCF6, v7  }
0x25: {  	v8 =	vsel vm15, $0xCFC, v8;
	v9 =	vsel vm15, $0xD12, v9;
	v10 =	vsel vm6, $0xD01, v10  }
0x26: {  	v11 =	vsel vm6, $0xD11, v11;
	v12 =	vsel vm6, $0xD17, v12;
	v13 =	vsel vm6, $0xD03, v13  }
0x27: {  	v14 =	vsel vm6, $0xD13, v14;
	v15 =	vsel vm6, $0xD19, v15;
	v57 =	vsel vm12, v1, v0  }
0x28: {  	v58 =	vsel vm12, v6, v2;
	v6 =	vimm.s32 $0xF0E0D0C;
	v2 =	vunpack.c.0.s8.s32 v49  }
0x29: {  	v4 =	vsel vm13, $0xCF2, v4;
	v5 =	vsel vm13, $0xCF8, v5;
	v7 =	vsel vm4, $0xCF7, v7  }
0x2a: {  	v8 =	vsel vm4, $0xCFD, v8;
	v9 =	vsel vm4, $0xD13, v9;
	v10 =	vsel vm7, $0xD02, v10  }
0x2b: {  	v11 =	vsel vm7, $0xD12, v11;
	v12 =	vsel vm7, $0xD18, v12;
	v13 =	vsel vm7, $0xD04, v13  }
0x2c: {  	v14 =	vsel vm7, $0xD14, v14;
	v15 =	vsel vm7, $0xD00, v15;
	vm12 =	vcmask $0x2F2C  }
0x2d: {  	v6 =	vunpack.c.0.s8.s32 v6;
	v4 =	vsel vm14, $0xCF3, v4;
	v5 =	vsel vm14, $0xCF9, v5  }
0x2e: {  	v7 =	vsel vm5, $0xCF8, v7;
	v8 =	vsel vm5, $0xCFE, v8;
	v9 =	vsel vm5, $0xD14, v9  }
0x2f: {  	v10 =	vsel vm8, $0xD03, v10;
	v11 =	vsel vm8, $0xD13, v11;
	v12 =	vsel vm8, $0xD19, v12  }
0x30: {  	v13 =	vsel vm8, $0xD05, v13;
	v14 =	vsel vm8, $0xD15, v14;
	v15 =	vsel vm8, $0xD01, v15  }
0x31: {  	v25 =	vsel vm0, v3, v2;
	v3 =	vsel vm13, $0xCFC, v52;
	v4 =	vsel vm15, $0xCF4, v4  }
0x32: {  	v5 =	vsel vm15, $0xCFA, v5;
	v7 =	vsel vm6, $0xCF9, v7;
	v8 =	vsel vm6, $0xCFF, v8  }
0x33: {  	v9 =	vsel vm6, $0xD15, v9;
	v10 =	vsel vm9, $0xD04, v10;
	v11 =	vsel vm9, $0xD14, v11  }
0x34: {  	v12 =	vsel vm9, $0xD00, v12;
	v13 =	vsel vm9, $0xD06, v13;
	v14 =	vsel vm9, $0xD16, v14  }
0x35: {  	v15 =	vsel vm9, $0xD02, v15;
	v27 =	vsel vm0, v2, v6;
	v2 =	vsel vm13, $0xCF6, v51  }
0x36: {  	v6 =	vimm.s32 $0xCF3;
	v3 =	vsel vm14, $0xCFD, v3;
	v4 =	vsel vm4, $0xCF5, v4  }
0x37: {  	v5 =	vsel vm4, $0xCFB, v5;
	v7 =	vsel vm7, $0xCFA, v7;
	v8 =	vsel vm7, $0xCE6, v8  }
0x38: {  	v9 =	vsel vm7, $0xD16, v9;
	v10 =	vsel vm10, $0xD05, v10;
	v11 =	vsel vm10, $0xD15, v11  }
0x39: {  	v12 =	vsel vm10, $0xD01, v12;
	v13 =	vsel vm10, $0xD07, v13;
	v14 =	vsel vm10, $0xD17, v14  }
0x3a: {  	v15 =	vsel vm10, $0xD03, v15;
	v38 =	vcombine.low v25, v24;
	v6 =	vsel vm13, $0xCFE, v6  }
0x3b: {  	v2 =	vsel vm14, $0xCF7, v2;
	v3 =	vsel vm15, $0xCFE, v3;
	v4 =	vsel vm5, $0xCF6, v4  }
0x3c: {  	v5 =	vsel vm5, $0xCFC, v5;
	v7 =	vsel vm8, $0xCFB, v7;
	v8 =	vsel vm8, $0xCE7, v8  }
0x3d: {  	v9 =	vsel vm8, $0xD17, v9;
	v10 =	vsel vm11, $0xD06, v10;
	v11 =	vsel vm11, $0xD16, v11  }
0x3e: {  	v12 =	vsel vm11, $0xD02, v12;
	v13 =	vsel vm11, $0xD08, v13;
	v14 =	vsel vm11, $0xD18, v14  }
0x3f: {  	v15 =	vsel vm11, $0xD04, v15;
	vm13 =	vcmask $0x3330;
	v6 =	vsel vm14, $0xCFF, v6  }
0x40: {  	v2 =	vsel vm15, $0xCF8, v2;
	v3 =	vsel vm4, $0xCFF, v3;
	v4 =	vsel vm6, $0xCF7, v4  }
0x41: {  	v5 =	vsel vm6, $0xCFD, v5;
	v7 =	vsel vm9, $0xCFC, v7;
	v8 =	vsel vm9, $0xCE8, v8  }
0x42: {  	v9 =	vsel vm9, $0xD18, v9;
	v10 =	vsel vm12, $0xD07, v10;
	v11 =	vsel vm12, $0xD17, v11  }
0x43: {  	v12 =	vsel vm12, $0xD03, v12;
	v13 =	vsel vm12, $0xD09, v13;
	v14 =	vsel vm12, $0xD19, v14  }
0x44: {  	v15 =	vsel vm12, $0xD05, v15;
	vm14 =	vcmask $0x3734;
	v6 =	vsel vm15, $0xCE6, v6  }
0x45: {  	v2 =	vsel vm4, $0xCF9, v2;
	v3 =	vsel vm5, $0xCE6, v3;
	v4 =	vsel vm7, $0xCF8, v4  }
0x46: {  	v5 =	vsel vm7, $0xCFE, v5;
	v7 =	vsel vm10, $0xCFD, v7;
	v8 =	vsel vm10, $0xCE9, v8  }
0x47: {  	v9 =	vsel vm10, $0xD19, v9;
	v10 =	vsel vm13, $0xD08, v10;
	v11 =	vsel vm13, $0xD18, v11  }
0x48: {  	s0 =	rddreg [dreg:$0x0];
	v12 =	vsel vm13, $0xD04, v12;
	v13 =	vsel vm13, $0xD0A, v13;
	v14 =	vsel vm13, $0xD00, v14  }
0x49: {  	s2 =	rddreg [dreg:$0x1];
	s3 =	simm.s32 $0x0;
	v15 =	vsel vm13, $0xD06, v15;
	vm15 =	vcmask $0x3B38;
	v6 =	vsel vm4, $0xCE7, v6  }
0x4a: {  	[smem:$0x7FF] =	sst s3;
	v2 =	vsel vm5, $0xCFA, v2;
	v3 =	vsel vm6, $0xCE7, v3;
	v4 =	vsel vm8, $0xCF9, v4  }
0x4b: {  	s1 =	rddreg [dreg:$0x2];
	_ =	strace $0x80000047;
	[tilespmem:$0x1FF30] =	vst v29;
	v5 =	vsel vm8, $0xCFF, v5;
	v7 =	vsel vm11, $0xCFE, v7;
	v8 =	vsel vm11, $0xCEA, v8  }
0x4c: {  	[tilespmem:$0x1FF00] =	vst v26;
	v9 =	vsel vm11, $0xD00, v9;
	v10 =	vsel vm14, $0xD09, v10;
	v11 =	vsel vm14, $0xD19, v11  }
0x4d: {  	[tilespmem:$0x1FF90] =	vst v57;
	v12 =	vsel vm14, $0xD05, v12;
	v13 =	vsel vm14, $0xD0B, v13;
	v14 =	vsel vm14, $0xD01, v14  }
0x4e: {  	[tilespmem:$0x1FFA0] =	vst v58;
	v15 =	vsel vm14, $0xD07, v15;
	v6 =	vsel vm5, $0xCE8, v6;
	v2 =	vsel vm6, $0xCFB, v2  }
0x4f: {  	[tilespmem:$0x1FEA0] =	vst v38;
	v3 =	vsel vm7, $0xCE8, v3;
	v4 =	vsel vm9, $0xCFA, v4;
	v54 =	vsel vm15, $0xD02, v14  }
0x50: {  	v5 =	vsel vm9, $0xCE6, v5;
	v7 =	vsel vm12, $0xCFF, v7;
	v55 =	vsel vm15, $0xD08, v15;
	[tilespmem:$0x1FE10] =	vst v54  }
0x51: {  	v8 =	vsel vm12, $0xCEB, v8;
	v9 =	vsel vm12, $0xD01, v9;
	v20 =	vsel vm15, $0xD0A, v10;
	[tilespmem:$0x1FE20] =	vst v55  }
0x52: {  	v21 =	vsel vm15, $0xD00, v11;
	v53 =	vsel vm15, $0xD06, v12;
	v63 =	vsel vm15, $0xD0C, v13;
	[tilespmem:$0x1FFC0] =	vst v20  }
0x53: {  	v15 =	vcombine.low v27, v36;
	v10 =	vcombine.low v36, v37;
	v6 =	vsel vm6, $0xCE9, v6;
	[tilespmem:$0x1FFD0] =	vst v21  }
0x54: {  	v2 =	vsel vm7, $0xCFC, v2;
	v3 =	vsel vm8, $0xCE9, v3;
	v4 =	vsel vm10, $0xCFB, v4;
	[tilespmem:$0x1FFE0] =	vst v53  }
0x55: {  	v5 =	vsel vm10, $0xCE7, v5;
	v8 =	vsel vm13, $0xCEC, v8;
	v9 =	vsel vm13, $0xD02, v9;
	[tilespmem:$0x1FFF0] =	vst v63  }
0x56: {  	v7 =	vsel vm13, $0xCE6, v7;
	v8 =	vsel vm14, $0xCED, v8;
	v9 =	vsel vm14, $0xD03, v9;
	[tilespmem:$0x1FED0] =	vst v15  }
0x57: {  	[tilespmem:$0x1FF60] =	vst v10;
	v19 =	vsel vm15, $0xCEE, v8;
	v22 =	vsel vm15, $0xD04, v9;
	v9 =	vlaneseq.u32  }
0x58: {  	v6 =	vsel vm7, $0xCEA, v6;
	v2 =	vsel vm8, $0xCFD, v2;
	v56 =	vadd.s32 $0xCE6, v9;
	[tilespmem:$0x1FFB0] =	vst v19  }
0x59: {  	v3 =	vsel vm9, $0xCEA, v3;
	v7 =	vsel vm14, $0xCE7, v7;
	v32 =	vadd.s32 $0xCEC, v9;
	[tilespmem:$0x1FE30] =	vst v56  }
0x5a: {  	v4 =	vsel vm11, $0xCFC, v4;
	v62 =	vsel vm15, $0xCE8, v7;
	v7 =	vor.u32 $0xCF0, v9;
	[tilespmem:$0x1FE40] =	vst v32  }
0x5b: {  	v5 =	vsel vm11, $0xCE8, v5;
	v6 =	vsel vm8, $0xCEB, v6;
	v8 =	vor.u32 $0xD00, v9;
	[tilespmem:$0x1FE80] =	vst v7  }
0x5c: {  	v2 =	vsel vm9, $0xCFE, v2;
	v3 =	vsel vm10, $0xCEB, v3;
	v16 =	vadd.s32 $0x6, v9;
	[tilespmem:$0x1FE90] =	vst v8  }
0x5d: {  	v4 =	vsel vm12, $0xCFD, v4;
	v5 =	vsel vm12, $0xCE9, v5;
	v14 =	vadd.s32 $0xD06, v9;
	[tilespmem:$0x1FEB0] =	vst v16  }
0x5e: {  	v6 =	vsel vm9, $0xCEC, v6;
	v2 =	vsel vm10, $0xCFF, v2;
	v23 =	vadd.s32 $0x2, v9;
	[tilespmem:$0x1FEC0] =	vst v14  }
0x5f: {  	v3 =	vsel vm11, $0xCEC, v3;
	v4 =	vsel vm13, $0xCFE, v4;
	v25 =	vadd.s32 $0xD02, v9;
	[tilespmem:$0x1FEE0] =	vst v23  }
0x60: {  	v5 =	vsel vm13, $0xCEA, v5;
	v27 =	vadd.s32 $0x8, v9;
	v28 =	vadd.s32 $0xD08, v9;
	[tilespmem:$0x1FEF0] =	vst v25  }
0x61: {  	v30 =	vadd.s32 $0x4, v9;
	v31 =	vadd.s32 $0xD04, v9;
	v33 =	vadd.s32 $0xA, v9;
	[tilespmem:$0x1FF10] =	vst v27  }
0x62: {  	v34 =	vadd.s32 $0xD0A, v9;
	v6 =	vsel vm10, $0xCED, v6;
	v2 =	vsel vm11, $0xCE6, v2;
	[tilespmem:$0x1FF20] =	vst v28  }
0x63: {  	s4 =	srdreg.scid;
	v3 =	vsel vm12, $0xCED, v3;
	v4 =	vsel vm14, $0xCFF, v4;
	v5 =	vsel vm14, $0xCEB, v5;
	[tilespmem:$0x1FF40] =	vst v30  }
0x64: {  	s5 =	stileid.u32;
	s10 =	simm.s32 $0x1;
	s11 =	simm.s32 $0x1A00;
	[tilespmem:$0x1FF50] =	vst v31;
	v6 =	vsel vm11, $0xCEE, v6;
	v2 =	vsel vm12, $0xCE7, v2;
	v3 =	vsel vm13, $0xCEE, v3  }
.Ltmp0:
0x65: {  	s12 =	simm.s32 $0x2300;
	s4 =	sand.u32 $0x1, s4;
	[tilespmem:$0x1FF70] =	vst v33;
	v18 =	vsel vm15, $0xCE6, v4;
	v60 =	vsel vm15, $0xCEC, v5;
	v6 =	vsel vm12, $0xCEF, v6;
	(pc) =	sbr.rel .LBB2_1-.Ltmp0, $4  }
0x66: {  	s13 =	simm.s32 $0x2;
	s14 =	simm.s32 $0x4C00;
	s8 =	ssub.s32 $0x2, s4;
	[tilespmem:$0x1FF80] =	vst v34;
	v4 =	vadd.s32 $0xCE8, v9;
	v5 =	vadd.s32 $0xCEE, v9;
	v6 =	vsel vm13, $0xCF0, v6  }
0x67: {  	s15 =	simm.s32 $0x7500;
	s16 =	simm.s32 $0x9000;
	s9 =	sshrl.u32 s8, $0x1;
	v2 =	vsel vm13, $0xCE8, v2;
	v3 =	vsel vm14, $0xCEF, v3;
	[tilespmem:$0x1FE50] =	vst v4;
	v6 =	vsel vm14, $0xCF1, v6  }
0x68: {  	s17 =	simm.s32 $0x0;
	s6 =	sadd.s32 $0x30D400, s0;
	s9 =	ssub.s32 s8, s9;
	[tilespmem:$0x1FE60] =	vst v5;
	v2 =	vsel vm14, $0xCE9, v2;
	v61 =	vsel vm15, $0xCF2, v6;
	v6 =	vadd.s32 $0xCEA, v9  }
0x69: {  	v39 =	vimm.s32 $0x0;
	s7 =	sadd.s32 $0x400, s0;
	s8 =	sshll.u32 s5, $0x1;
	s9 =	smax.u32 s9, $0x1;
	v17 =	vsel vm15, $0xCF0, v3;
	v59 =	vsel vm15, $0xCEA, v2;
	[tilespmem:$0x1FE70] =	vst v6  }
.LBB2_11:
0x6a: {  	s17 =	sadd.s32 $0x1, s17  }
0x6b: {  	p0 =	sne.s32 s17, s9  }
.Ltmp1:
0x6c: {  	_ = 	snop;
	(pc) =	sbr.rel @!p0 .LBB2_12-.Ltmp1, $1  }
0x6d: {  	_ =	sdelay $0x3  }
.LBB2_1:
0x6e: {  	[tilespmem:s3], [sflag:$0x1] =	stream.linear.gather [hbm4b:s0+s3], $0x1A00, $0x38;
	[tilespmem:$0xA900] =	vst v63  }
0x6f: {  	_ =	swait.ge [sflag:s10], $0x1A00  }
0x70: {  	[sflag:s10] =	ssyncset.done $0x0  }
.Ltmp2:
0x71: {  	[sflag:s10] =	ssyncadd.s32 $0xFFFFE600;
	(pc) =	sbr.rel .LBB2_2-.Ltmp2, $4  }
0x72: {  	[tilespmem:s11], [sflag:$0x1] =	stream.linear.gather [hbm4b:s7+s3], $0x900, $0x38;
	[tilespmem:$0xA900] =	vst v63  }
0x73: {  	_ =	swait.ge [sflag:s10], $0x900  }
0x74: {  	[sflag:s10] =	ssyncset.done $0x0  }
0x75: {  	s18 =	simm.s32 $0x0;
	[sflag:s10] =	ssyncadd.s32 $0xFFFFF700  }
.LBB2_10:
0x76: {  	s18 =	sadd.s32 $0x1, s18  }
0x77: {  	p0 =	sne.s32 s18, $0x10  }
.Ltmp3:
0x78: {  	_ = 	snop;
	(pc) =	sbr.rel @!p0 .LBB2_11-.Ltmp3, $1  }
0x79: {  	_ =	sdelay $0x3  }
.LBB2_2:
0x7a: {  	s19 =	sshll.u32 s18, $0x5  }
0x7b: {  	s19 =	sor.u32 s8, s19  }
0x7c: {  	p0 =	sgt.u32 s19, $0x1F3  }
.Ltmp4:
0x7d: {  	_ = 	snop;
	(pc) =	sbr.rel @p0 .LBB2_10-.Ltmp4, $1  }
0x7e: {  	_ =	sdelay $0x3  }
0x7f: {  	s19 =	sor.u32 s4, s19  }
0x80: {  	s20 =	smul.u32 $0x514, s19;
	_ =	sdelay $0x1  }
0x81: {  	s21 =	sadd.s32 s6, s20;
	s20 =	simm.s32 $0x0  }
0x82: {  	[tilespmem:s12], [sflag:$0x2] =	stream.linear.gather [hbm4b:s21+s20], $0x28A0, $0x38;
	[tilespmem:$0xA900] =	vst v63  }
0x83: {  	_ =	swait.ge [sflag:s13], $0x28A0  }
0x84: {  	s22 =	simm.s32 $0x4C60;
	[sflag:s13] =	ssyncset.done $0x0  }
0x85: {  	s23 =	simm.s32 $0x0;
	v35 =	vmovc v6;
	v36 =	vmov v7;
	v37 =	vmov v8;
	v32 =	vmov v10;
	s21 =	simm.s32 $0x2360;
	[sflag:s13] =	ssyncadd.s32 $0xFFFFD760  }
.LBB2_4:
0x86: {  	v48 =	vld [tilespmem:s21+$0xFFFFFFA0]  }
0x87: {  	v40 =	vld [tilespmem:s21+$0xFFFFFFB0]  }
0x88: {  	v41 =	vld [tilespmem:s21+$0xFFFFFFC0]  }
0x89: {  	v42 =	vld [tilespmem:s21+$0xFFFFFFD0]  }
0x8a: {  	v43 =	vld [tilespmem:s21+$0xFFFFFFE0]  }
0x8b: {  	v44 =	vld [tilespmem:s21+$0xFFFFFFF0]  }
0x8c: {  	v45 =	vld [tilespmem:s21+$0x0]  }
0x8d: {  	v46 =	vld [tilespmem:s21+$0x10]  }
0x8e: {  	v50 =	vld [tilespmem:s21+$0x30]  }
0x8f: {  	v51 =	vld [tilespmem:s21+$0x40]  }
0x90: {  	v52 =	vld [tilespmem:s21+$0x50]  }
0x91: {  	v47 =	vld [tilespmem:s21+$0x60]  }
0x92: {  	v0 =	vld [tilespmem:$0x1FE30]  }
0x93: {  	v54 =	vld.idx.msk [tilespmem:v59+s20+$0x0], $0xffff  }
0x94: {  	v5 =	vld [tilespmem:$0x1FE40]  }
0x95: {  	v56 =	vld.idx.msk [tilespmem:v17+s20+$0x0], $0xffff  }
0x96: {  	v57 =	vld.idx.msk [tilespmem:v18+s20+$0x0], $0xffff  }
0x97: {  	v6 =	vld [tilespmem:$0x1FE50]  }
0x98: {  	v19 =	vmov v18;
	v18 =	vmov v17;
	v17 =	vmov v59;
	v59 =	vld.idx.msk [tilespmem:v60+s20+$0x0], $0xffff  }
0x99: {  	v7 =	vld [tilespmem:$0x1FE60]  }
0x9a: {  	v63 =	vld.idx.msk [tilespmem:v35+s20+$0x0], $0xffff  }
0x9b: {  	v10 =	vld [tilespmem:$0x1FF90]  }
0x9c: {  	v1 =	vld [tilespmem:$0x1FFC0]  }
0x9d: {  	v11 =	vld [tilespmem:$0x1FFB0]  }
0x9e: {  	v2 =	vld [tilespmem:$0x1FFD0]  }
0x9f: {  	s24 =	sand.u32 $0x3FF0, s23;
	v3 =	vld.idx.msk [tilespmem:v36+s20+$0x0], $0xffff  }
0xa0: {  	v49 =	vld [tilespmem:s24+$0x2380]  }
0xa1: {  	v53 =	vld.idx.msk [tilespmem:v0+s20+$0x0], $0xffff  }
0xa2: {  	v20 =	vmov v60;
	v60 =	vld.idx.msk [tilespmem:v7+s20+$0x0], $0xffff  }
0xa3: {  	v55 =	vld.idx.msk [tilespmem:v5+s20+$0x0], $0xffff  }
0xa4: {  	vm1 =	vlt.f32 v54, v40;
	vm9 =	vlt.f32 v56, v42;
	v58 =	vld.idx.msk [tilespmem:v6+s20+$0x0], $0xffff  }
0xa5: {  	vm10 =	vlt.f32 v57, v43;
	vm12 =	vlt.f32 v59, v45;
	v0 =	vsel vm9, v1, v10;
	v1 =	vld.idx.msk [tilespmem:v11+s20+$0x0], $0xffff  }
0xa6: {  	v2 =	vsel vm10, v2, v15;
	v5 =	vld [tilespmem:$0x1FFE0];
	v59 =	vadd.s32 $0x666, v0;
	vm0 =	vlt.f32 v53, v48  }
0xa7: {  	v21 =	vmovc v61;
	v53 =	vld.idx.msk [tilespmem:v61+s20+$0x0], $0xffff;
	v61 =	vsel vm1, v22, v38;
	vm13 =	vlt.f32 v60, v46;
	v60 =	vadd.s32 $0x666, v2  }
0xa8: {  	v8 =	vlaneseq.u32;
	vm8 =	vlt.f32 v55, v41;
	v55 =	vld.idx.msk [tilespmem:v62+s20+$0x0], $0xffff;
	v57 =	vadd.s32 $0x666, v61  }
0xa9: {  	v7 =	vld [tilespmem:$0x1FFA0];
	v54 =	vsel vm0, v37, v8  }
0xaa: {  	v24 =	vmov v22;
	v22 =	vmov v62;
	v8 =	vld [tilespmem:$0x1FFF0];
	v9 =	vadd.s32 $0x666, v54  }
0xab: {  	vm11 =	vlt.f32 v58, v44;
	vm5 =	vlt.f32 v1, v52;
	v62 =	vsel vm8, v14, v16;
	v1 =	vld.idx.msk [tilespmem:v59+s20+$0x0], $0xffff  }
0xac: {  	vm4 =	vlt.f32 v63, v51;
	v4 =	vsel vm11, v25, v23;
	v58 =	vadd.s32 $0x666, v62;
	v60 =	vld.idx.msk [tilespmem:v60+s20+$0x0], $0xffff  }
0xad: {  	v6 =	vsel vm13, v28, v27;
	v56 =	vadd.s32 $0x666, v4;
	vm15 =	vlt.f32 v55, v50;
	v55 =	vld.idx.msk [tilespmem:v57+s20+$0x0], $0xffff  }
0xae: {  	vm6 =	vlt.f32 v3, v47;
	v63 =	vsel vm4, v31, v30;
	v3 =	vadd.s32 $0x666, v6;
	v57 =	vld [tilespmem:$0x1FE10]  }
0xaf: {  	v12 =	vadd.s32 $0x666, v63;
	vm14 =	vlt.f32 v53, v49;
	v53 =	vld.idx.msk [tilespmem:v9+s20+$0x0], $0xffff  }
0xb0: {  	v5 =	vsel vm12, v5, v26;
	v9 =	vld [tilespmem:$0x1FE20]  }
0xb1: {  	v7 =	vsel vm14, v8, v7;
	v8 =	vadd.s32 $0x666, v5;
	v58 =	vld.idx.msk [tilespmem:v58+s20+$0x0], $0xffff  }
0xb2: {  	v10 =	vadd.s32 $0x666, v7;
	v56 =	vld.idx.msk [tilespmem:v56+s20+$0x0], $0xffff  }
0xb3: {  	vm10 =	vlt.f32 v1, v42;
	v3 =	vld.idx.msk [tilespmem:v3+s20+$0x0], $0xffff;
	vm11 =	vlt.f32 v60, v43  }
0xb4: {  	v12 =	vld.idx.msk [tilespmem:v12+s20+$0x0], $0xffff;
	v57 =	vsel vm15, v57, v29;
	vm8 =	vlt.f32 v55, v40;
	v60 =	vsel vm11, $0x680, v39  }
0xb5: {  	v59 =	vsel vm5, v9, v32;
	v9 =	vsel vm6, v34, v33;
	v11 =	vadd.s32 $0x666, v57  }
0xb6: {  	v8 =	vld.idx.msk [tilespmem:v8+s20+$0x0], $0xffff;
	vm7 =	vlt.f32 v53, v48;
	vm9 =	vlt.f32 v58, v41;
	v58 =	vsel vm8, $0x680, v39  }
0xb7: {  	v1 =	vld.idx.msk [tilespmem:v10+s20+$0x0], $0xffff;
	v10 =	vsel vm10, $0x680, v39;
	vm12 =	vlt.f32 v56, v44;
	v13 =	vadd.s32 $0x666, v59  }
0xb8: {  	v2 =	vadd.s32 v2, v60;
	vm14 =	vlt.f32 v3, v46;
	v53 =	vadd.s32 $0x666, v9  }
0xb9: {  	vm5 =	vlt.f32 v12, v51;
	v55 =	vsel vm7, $0x680, v39;
	v0 =	vadd.s32 v0, v10  }
0xba: {  	v60 =	vsel vm12, $0x680, v39;
	v54 =	vadd.s32 v54, v55;
	v55 =	vadd.s32 v61, v58  }
0xbb: {  	v61 =	vsel vm9, $0x680, v39;
	v4 =	vadd.s32 v4, v60;
	v3 =	vadd.s32 $0x326, v55;
	v11 =	vld.idx.msk [tilespmem:v11+s20+$0x0], $0xffff  }
0xbc: {  	v58 =	vadd.s32 v62, v61;
	vm13 =	vlt.f32 v8, v45;
	v8 =	vadd.s32 $0x326, v54;
	v10 =	vld.idx.msk [tilespmem:v13+s20+$0x0], $0xffff  }
0xbd: {  	v12 =	vadd.s32 $0x326, v4;
	v56 =	vadd.s32 $0x326, v58;
	v13 =	vsel vm13, $0x680, v39;
	v53 =	vld.idx.msk [tilespmem:v53+s20+$0x0], $0xffff  }
0xbe: {  	vm15 =	vlt.f32 v1, v49;
	v5 =	vadd.s32 v5, v13;
	v13 =	vsel vm14, $0x680, v39  }
0xbf: {  	v1 =	vadd.s32 $0x326, v0;
	v6 =	vadd.s32 v6, v13;
	v13 =	vsel vm15, $0x680, v39  }
0xc0: {  	v3 =	vld.idx.msk [tilespmem:v3+s20+$0x0], $0xffff;
	v7 =	vadd.s32 v7, v13;
	v61 =	vadd.s32 $0x326, v6;
	vm4 =	vlt.f32 v11, v50  }
0xc1: {  	v8 =	vld.idx.msk [tilespmem:v8+s20+$0x0], $0xffff;
	v11 =	vadd.s32 $0x326, v2;
	v60 =	vsel vm4, $0x680, v39;
	vm6 =	vlt.f32 v10, v52  }
0xc2: {  	v12 =	vld.idx.msk [tilespmem:v12+s20+$0x0], $0xffff;
	vm7 =	vlt.f32 v53, v47;
	v53 =	vadd.s32 $0x326, v5;
	v13 =	vadd.s32 v57, v60  }
0xc3: {  	v10 =	vld.idx.msk [tilespmem:v56+s20+$0x0], $0xffff;
	v57 =	vsel vm5, $0x680, v39;
	v56 =	vsel vm6, $0x680, v39;
	v60 =	vsel vm7, $0x680, v39  }
0xc4: {  	v1 =	vld.idx.msk [tilespmem:v1+s20+$0x0], $0xffff;
	v57 =	vadd.s32 v63, v57;
	v56 =	vadd.s32 v59, v56;
	v59 =	vadd.s32 $0x326, v7  }
0xc5: {  	v9 =	vadd.s32 v9, v60;
	v60 =	vadd.s32 $0x326, v13;
	v63 =	vadd.s32 $0x326, v56  }
0xc6: {  	vm9 =	vlt.f32 v3, v40;
	vm8 =	vlt.f32 v8, v48;
	v8 =	vadd.s32 $0x326, v9;
	v11 =	vld.idx.msk [tilespmem:v11+s20+$0x0], $0xffff  }
0xc7: {  	vm13 =	vlt.f32 v12, v44;
	v62 =	vadd.s32 $0x326, v57;
	v3 =	vsel vm8, $0x340, v39;
	v53 =	vld.idx.msk [tilespmem:v53+s20+$0x0], $0xffff  }
0xc8: {  	vm10 =	vlt.f32 v10, v41;
	v10 =	vld.idx.msk [tilespmem:v61+s20+$0x0], $0xffff;
	v3 =	vadd.s32 v54, v3;
	v54 =	vsel vm9, $0x340, v39  }
0xc9: {  	vm11 =	vlt.f32 v1, v42;
	v61 =	vsel vm10, $0x340, v39;
	v54 =	vadd.s32 v55, v54;
	v1 =	vld.idx.msk [tilespmem:v59+s20+$0x0], $0xffff  }
0xca: {  	v55 =	vadd.s32 v58, v61;
	v61 =	vsel vm11, $0x340, v39;
	v59 =	vadd.s32 $0x186, v54;
	v58 =	vld.idx.msk [tilespmem:v63+s20+$0x0], $0xffff  }
0xcb: {  	v0 =	vadd.s32 v0, v61;
	v61 =	vsel vm13, $0x340, v39;
	v8 =	vld.idx.msk [tilespmem:v8+s20+$0x0], $0xffff;
	vm12 =	vlt.f32 v11, v43  }
0xcc: {  	v11 =	vld.idx.msk [tilespmem:v60+s20+$0x0], $0xffff;
	v4 =	vadd.s32 v4, v61;
	v12 =	vsel vm12, $0x340, v39;
	vm14 =	vlt.f32 v53, v45  }
0xcd: {  	vm15 =	vlt.f32 v10, v46;
	v10 =	vadd.s32 $0x186, v3;
	v53 =	vsel vm14, $0x340, v39  }
0xce: {  	v2 =	vadd.s32 v2, v12;
	v12 =	vld.idx.msk [tilespmem:v62+s20+$0x0], $0xffff;
	v63 =	vsel vm15, $0x340, v39;
	v5 =	vadd.s32 v5, v53  }
0xcf: {  	v6 =	vadd.s32 v6, v63;
	vm4 =	vlt.f32 v1, v49;
	v1 =	vadd.s32 $0x186, v55  }
0xd0: {  	v60 =	vsel vm4, $0x340, v39;
	vm7 =	vlt.f32 v58, v52;
	v58 =	vld.idx.msk [tilespmem:v59+s20+$0x0], $0xffff;
	v59 =	vadd.s32 $0x186, v5  }
0xd1: {  	vm8 =	vlt.f32 v8, v47;
	vm5 =	vlt.f32 v11, v50;
	v11 =	vadd.s32 $0x186, v0  }
0xd2: {  	v7 =	vadd.s32 v7, v60;
	v60 =	vadd.s32 $0x186, v2;
	v62 =	vsel vm7, $0x340, v39  }
0xd3: {  	v63 =	vsel vm8, $0x340, v39;
	v53 =	vsel vm5, $0x340, v39;
	v10 =	vld.idx.msk [tilespmem:v10+s20+$0x0], $0xffff;
	vm6 =	vlt.f32 v12, v51  }
0xd4: {  	v8 =	vadd.s32 v56, v62;
	v12 =	vadd.s32 $0x186, v4;
	v61 =	vsel vm6, $0x340, v39;
	v1 =	vld.idx.msk [tilespmem:v1+s20+$0x0], $0xffff  }
0xd5: {  	v13 =	vadd.s32 v13, v53;
	v53 =	vadd.s32 v57, v61;
	v57 =	vadd.s32 $0x186, v6  }
0xd6: {  	v9 =	vadd.s32 v9, v63;
	v63 =	vadd.s32 $0x186, v8;
	v11 =	vld.idx.msk [tilespmem:v11+s20+$0x0], $0xffff  }
0xd7: {  	v61 =	vadd.s32 $0x186, v13;
	v56 =	vld.idx.msk [tilespmem:v60+s20+$0x0], $0xffff;
	v60 =	vadd.s32 $0x186, v7  }
0xd8: {  	vm10 =	vlt.f32 v58, v40;
	v62 =	vadd.s32 $0x186, v53;
	vm9 =	vlt.f32 v10, v48;
	v10 =	vld.idx.msk [tilespmem:v59+s20+$0x0], $0xffff  }
0xd9: {  	v59 =	vadd.s32 $0x186, v9;
	v12 =	vld.idx.msk [tilespmem:v12+s20+$0x0], $0xffff;
	v58 =	vsel vm9, $0x1A0, v39;
	vm11 =	vlt.f32 v1, v41  }
0xda: {  	v3 =	vadd.s32 v3, v58;
	v58 =	vsel vm10, $0x1A0, v39;
	v1 =	vld.idx.msk [tilespmem:v57+s20+$0x0], $0xffff;
	v57 =	vsel vm11, $0x1A0, v39  }
0xdb: {  	v54 =	vadd.s32 v54, v58;
	v58 =	vld.idx.msk [tilespmem:v63+s20+$0x0], $0xffff;
	vm12 =	vlt.f32 v11, v42;
	v55 =	vadd.s32 v55, v57  }
0xdc: {  	v11 =	vld.idx.msk [tilespmem:v60+s20+$0x0], $0xffff;
	vm13 =	vlt.f32 v56, v43;
	v57 =	vadd.s32 $0xB6, v3;
	v60 =	vsel vm12, $0x1A0, v39  }
0xdd: {  	v56 =	vld.idx.msk [tilespmem:v61+s20+$0x0], $0xffff;
	v61 =	vsel vm13, $0x1A0, v39;
	vm15 =	vlt.f32 v10, v45;
	v0 =	vadd.s32 v0, v60  }
0xde: {  	vm14 =	vlt.f32 v12, v44;
	v12 =	vld.idx.msk [tilespmem:v62+s20+$0x0], $0xffff;
	v2 =	vadd.s32 v2, v61;
	v10 =	vsel vm15, $0x1A0, v39  }
0xdf: {  	v62 =	vsel vm14, $0x1A0, v39;
	v5 =	vadd.s32 v5, v10;
	v10 =	vld.idx.msk [tilespmem:v59+s20+$0x0], $0xffff;
	v60 =	vadd.s32 $0xB6, v0  }
0xe0: {  	v4 =	vadd.s32 v4, v62;
	vm4 =	vlt.f32 v1, v46;
	v1 =	vadd.s32 $0xB6, v54  }
0xe1: {  	vm8 =	vlt.f32 v58, v52;
	vm5 =	vlt.f32 v11, v49;
	v11 =	vadd.s32 $0xB6, v55  }
0xe2: {  	v63 =	vsel vm4, $0x1A0, v39;
	vm6 =	vlt.f32 v56, v50;
	v57 =	vld.idx.msk [tilespmem:v57+s20+$0x0], $0xffff;
	v62 =	vadd.s32 $0xB6, v4  }
0xe3: {  	v59 =	vsel vm5, $0x1A0, v39;
	vm7 =	vlt.f32 v12, v51;
	v12 =	vadd.s32 $0xB6, v2  }
0xe4: {  	v6 =	vadd.s32 v6, v63;
	v7 =	vadd.s32 v7, v59;
	vm9 =	vlt.f32 v10, v47;
	v59 =	vld.idx.msk [tilespmem:v60+s20+$0x0], $0xffff  }
0xe5: {  	v56 =	vsel vm6, $0x1A0, v39;
	v60 =	vadd.s32 $0xB6, v6;
	v1 =	vld.idx.msk [tilespmem:v1+s20+$0x0], $0xffff;
	v58 =	vsel vm9, $0x1A0, v39  }
0xe6: {  	v13 =	vadd.s32 v13, v56;
	v10 =	vld.idx.msk [tilespmem:v11+s20+$0x0], $0xffff;
	v11 =	vadd.s32 $0xB6, v5;
	v9 =	vadd.s32 v9, v58  }
0xe7: {  	v56 =	vsel vm8, $0x1A0, v39;
	v58 =	vld.idx.msk [tilespmem:v62+s20+$0x0], $0xffff;
	vm10 =	vlt.f32 v57, v48;
	v57 =	vadd.s32 $0xB6, v9  }
0xe8: {  	v61 =	vsel vm7, $0x1A0, v39;
	v8 =	vadd.s32 v8, v56;
	v56 =	vadd.s32 $0xB6, v7;
	v12 =	vld.idx.msk [tilespmem:v12+s20+$0x0], $0xffff  }
0xe9: {  	v53 =	vadd.s32 v53, v61;
	v61 =	vadd.s32 $0xB6, v13  }
0xea: {  	v63 =	vadd.s32 $0xB6, v8;
	v62 =	vadd.s32 $0xB6, v53;
	v60 =	vld.idx.msk [tilespmem:v60+s20+$0x0], $0xffff;
	vm13 =	vlt.f32 v59, v42  }
0xeb: {  	vm11 =	vlt.f32 v1, v40;
	v1 =	vld.idx.msk [tilespmem:v11+s20+$0x0], $0xffff;
	v11 =	vsel vm10, $0xD0, v39;
	vm12 =	vlt.f32 v10, v41  }
0xec: {  	v10 =	vsel vm11, $0xD0, v39;
	vm15 =	vlt.f32 v58, v44;
	v3 =	vadd.s32 v3, v11;
	v57 =	vld.idx.msk [tilespmem:v57+s20+$0x0], $0xffff  }
0xed: {  	v10 =	vadd.s32 v54, v10;
	v54 =	vsel vm12, $0xD0, v39;
	vm14 =	vlt.f32 v12, v43;
	v12 =	vld.idx.msk [tilespmem:v56+s20+$0x0], $0xffff  }
0xee: {  	v11 =	vadd.s32 v55, v54;
	v54 =	vsel vm13, $0xD0, v39;
	v56 =	vld.idx.msk [tilespmem:v61+s20+$0x0], $0xffff;
	v61 =	vsel vm15, $0xD0, v39  }
0xef: {  	v59 =	vadd.s32 $0x4E, v10;
	v55 =	vsel vm14, $0xD0, v39;
	v0 =	vadd.s32 v0, v54;
	v54 =	vld.idx.msk [tilespmem:v63+s20+$0x0], $0xffff  }
0xf0: {  	vm5 =	vlt.f32 v60, v46;
	v60 =	vadd.s32 $0x4E, v11;
	v2 =	vadd.s32 v2, v55;
	v55 =	vld.idx.msk [tilespmem:v62+s20+$0x0], $0xffff  }
0xf1: {  	v4 =	vadd.s32 v4, v61;
	vm4 =	vlt.f32 v1, v45;
	v1 =	vadd.s32 $0x4E, v3  }
0xf2: {  	v58 =	vsel vm5, $0xD0, v39;
	vm6 =	vlt.f32 v12, v49;
	v12 =	vadd.s32 $0x4E, v0  }
0xf3: {  	v62 =	vsel vm4, $0xD0, v39;
	vm7 =	vlt.f32 v56, v50;
	v56 =	vadd.s32 $0x4E, v2  }
0xf4: {  	v6 =	vadd.s32 v6, v58;
	vm10 =	vlt.f32 v57, v47;
	v5 =	vadd.s32 v5, v62;
	v58 =	vld.idx.msk [tilespmem:v59+s20+$0x0], $0xffff  }
0xf5: {  	vm9 =	vlt.f32 v54, v52;
	v54 =	vld.idx.msk [tilespmem:v60+s20+$0x0], $0xffff;
	v57 =	vadd.s32 $0x4E, v5;
	vm8 =	vlt.f32 v55, v51  }
0xf6: {  	v59 =	vadd.s32 $0x4E, v4;
	v63 =	vsel vm6, $0xD0, v39;
	v1 =	vld.idx.msk [tilespmem:v1+s20+$0x0], $0xffff;
	v55 =	vsel vm8, $0xD0, v39  }
0xf7: {  	v60 =	vsel vm10, $0xD0, v39;
	v53 =	vadd.s32 v53, v55;
	v55 =	vsel vm9, $0xD0, v39;
	v12 =	vld.idx.msk [tilespmem:v12+s20+$0x0], $0xffff  }
0xf8: {  	v7 =	vadd.s32 v7, v63;
	v8 =	vadd.s32 v8, v55;
	v55 =	vld.idx.msk [tilespmem:v56+s20+$0x0], $0xffff;
	v56 =	vadd.s32 $0x4E, v6  }
0xf9: {  	v61 =	vsel vm7, $0xD0, v39;
	v9 =	vadd.s32 v9, v60;
	v60 =	vadd.s32 $0x4E, v7  }
0xfa: {  	v13 =	vadd.s32 v13, v61;
	vm12 =	vlt.f32 v58, v40;
	v57 =	vld.idx.msk [tilespmem:v57+s20+$0x0], $0xffff;
	v58 =	vadd.s32 $0x4E, v8  }
0xfb: {  	v61 =	vadd.s32 $0x4E, v13;
	v63 =	vadd.s32 $0x4E, v9;
	vm11 =	vlt.f32 v1, v48  }
0xfc: {  	vm13 =	vlt.f32 v54, v41;
	v1 =	vld.idx.msk [tilespmem:v59+s20+$0x0], $0xffff;
	v59 =	vadd.s32 $0x4E, v53;
	v62 =	vsel vm11, $0x68, v39  }
0xfd: {  	v3 =	vadd.s32 v3, v62;
	v62 =	vsel vm12, $0x68, v39;
	v54 =	vld.idx.msk [tilespmem:v56+s20+$0x0], $0xffff;
	vm14 =	vlt.f32 v12, v42  }
0xfe: {  	vm15 =	vlt.f32 v55, v43;
	v12 =	vld.idx.msk [tilespmem:v60+s20+$0x0], $0xffff;
	v10 =	vadd.s32 v10, v62;
	v62 =	vsel vm13, $0x68, v39  }
0xff: {  	v60 =	vsel vm15, $0x68, v39;
	vm5 =	vlt.f32 v57, v45;
	v56 =	vadd.s32 $0x1A, v3;
	v55 =	vld.idx.msk [tilespmem:v58+s20+$0x0], $0xffff  }
0x100: {  	v11 =	vadd.s32 v11, v62;
	v62 =	vsel vm14, $0x68, v39;
	v2 =	vadd.s32 v2, v60;
	v60 =	vld.idx.msk [tilespmem:v63+s20+$0x0], $0xffff  }
0x101: {  	v0 =	vadd.s32 v0, v62;
	vm4 =	vlt.f32 v1, v44;
	v1 =	vld.idx.msk [tilespmem:v61+s20+$0x0], $0xffff;
	v62 =	vsel vm5, $0x68, v39  }
0x102: {  	v57 =	vld.idx.msk [tilespmem:v59+s20+$0x0], $0xffff;
	v59 =	vadd.s32 $0x1A, v10;
	v61 =	vsel vm4, $0x68, v39;
	v5 =	vadd.s32 v5, v62  }
0x103: {  	v4 =	vadd.s32 v4, v61;
	vm6 =	vlt.f32 v54, v46;
	v54 =	vadd.s32 $0x1A, v11  }
0x104: {  	vm7 =	vlt.f32 v12, v49;
	v12 =	vadd.s32 $0x1A, v0;
	v58 =	vsel vm6, $0x68, v39  }
0x105: {  	v61 =	vadd.s32 $0x1A, v2;
	vm10 =	vlt.f32 v55, v52;
	v6 =	vadd.s32 v6, v58  }
0x106: {  	v58 =	vsel vm7, $0x68, v39;
	vm8 =	vlt.f32 v1, v50;
	v1 =	vld.idx.msk [tilespmem:v56+s20+$0x0], $0xffff;
	v56 =	vadd.s32 $0x1A, v4  }
0x107: {  	vm11 =	vlt.f32 v60, v47;
	vm9 =	vlt.f32 v57, v51;
	v57 =	vld.idx.msk [tilespmem:v59+s20+$0x0], $0xffff;
	v59 =	vadd.s32 $0x1A, v5  }
0x108: {  	v7 =	vadd.s32 v7, v58;
	v62 =	vadd.s32 $0x1A, v6;
	v63 =	vsel vm8, $0x68, v39;
	v54 =	vld.idx.msk [tilespmem:v54+s20+$0x0], $0xffff  }
0x109: {  	v58 =	vsel vm9, $0x68, v39;
	v55 =	vadd.s32 $0x1A, v7;
	v13 =	vadd.s32 v13, v63;
	v12 =	vld.idx.msk [tilespmem:v12+s20+$0x0], $0xffff  }
0x10a: {  	v53 =	vadd.s32 v53, v58;
	v58 =	vsel vm10, $0x68, v39;
	v60 =	vld.idx.msk [tilespmem:v61+s20+$0x0], $0xffff;
	v61 =	vadd.s32 $0x1A, v13  }
0x10b: {  	v8 =	vadd.s32 v8, v58;
	v58 =	vsel vm11, $0x68, v39;
	v63 =	vadd.s32 $0x1A, v53;
	v56 =	vld.idx.msk [tilespmem:v56+s20+$0x0], $0xffff  }
0x10c: {  	v9 =	vadd.s32 v9, v58;
	v58 =	vld.idx.msk [tilespmem:v59+s20+$0x0], $0xffff;
	v59 =	vadd.s32 $0x1A, v8;
	vm12 =	vlt.f32 v1, v48  }
0x10d: {  	v1 =	vld.idx.msk [tilespmem:v62+s20+$0x0], $0xffff;
	v62 =	vadd.s32 $0x1A, v9;
	vm13 =	vlt.f32 v57, v40;
	v57 =	vsel vm12, $0x34, v39  }
0x10e: {  	v55 =	vld.idx.msk [tilespmem:v55+s20+$0x0], $0xffff;
	v3 =	vadd.s32 v3, v57;
	v57 =	vsel vm13, $0x34, v39;
	vm14 =	vlt.f32 v54, v41  }
0x10f: {  	vm4 =	vlt.f32 v60, v43;
	v54 =	vld.idx.msk [tilespmem:v61+s20+$0x0], $0xffff;
	v10 =	vadd.s32 v10, v57;
	v61 =	vsel vm14, $0x34, v39  }
0x110: {  	vm15 =	vlt.f32 v12, v42;
	v12 =	vld.idx.msk [tilespmem:v63+s20+$0x0], $0xffff;
	v63 =	vsel vm4, $0x34, v39;
	v11 =	vadd.s32 v11, v61  }
0x111: {  	v61 =	vsel vm15, $0x34, v39;
	v2 =	vadd.s32 v2, v63;
	v59 =	vld.idx.msk [tilespmem:v59+s20+$0x0], $0xffff;
	vm5 =	vlt.f32 v56, v44  }
0x112: {  	v0 =	vadd.s32 v0, v61;
	v56 =	vld.idx.msk [tilespmem:v62+s20+$0x0], $0xffff;
	vm6 =	vlt.f32 v58, v45;
	v60 =	vsel vm5, $0x34, v39  }
0x113: {  	vm7 =	vlt.f32 v1, v46;
	v61 =	vsel vm6, $0x34, v39;
	v4 =	vadd.s32 v4, v60;
	v1 =	vld.idx.msk [tilespmem:v3+s20+$0x0], $0xffff  }
0x114: {  	v62 =	vsel vm7, $0x34, v39;
	vm8 =	vlt.f32 v55, v49;
	v5 =	vadd.s32 v5, v61;
	v55 =	vld.idx.msk [tilespmem:v10+s20+$0x0], $0xffff  }
0x115: {  	v6 =	vadd.s32 v6, v62;
	v63 =	vsel vm8, $0x34, v39;
	vm9 =	vlt.f32 v54, v50;
	v54 =	vld.idx.msk [tilespmem:v11+s20+$0x0], $0xffff  }
0x116: {  	v7 =	vadd.s32 v7, v63;
	v58 =	vld.idx.msk [tilespmem:v2+s20+$0x0], $0xffff  }
0x117: {  	vm10 =	vlt.f32 v12, v51;
	v12 =	vld.idx.msk [tilespmem:v0+s20+$0x0], $0xffff  }
0x118: {  	v60 =	vsel vm9, $0x34, v39;
	vm12 =	vlt.f32 v56, v47;
	v56 =	vld.idx.msk [tilespmem:v4+s20+$0x0], $0xffff  }
0x119: {  	v61 =	vsel vm10, $0x34, v39;
	v13 =	vadd.s32 v13, v60;
	vm11 =	vlt.f32 v59, v52;
	v59 =	vld.idx.msk [tilespmem:v5+s20+$0x0], $0xffff  }
0x11a: {  	v53 =	vadd.s32 v53, v61;
	v62 =	vsel vm11, $0x34, v39;
	v63 =	vsel vm12, $0x34, v39;
	v57 =	vld.idx.msk [tilespmem:v6+s20+$0x0], $0xffff  }
0x11b: {  	v8 =	vadd.s32 v8, v62;
	v9 =	vadd.s32 v9, v63;
	vm13 =	vlt.f32 v1, v48;
	v60 =	vld.idx.msk [tilespmem:v7+s20+$0x0], $0xffff  }
0x11c: {  	vm14 =	vlt.f32 v55, v40;
	vm3 =	vlt.f32 v12, v42;
	v12 =	vsel vm13, $0x1A, v39  }
0x11d: {  	vm2 =	vlt.f32 v54, v41;
	vm4 =	vlt.f32 v58, v43;
	v3 =	vadd.s32 v3, v12  }
0x11e: {  	v61 =	vld.idx.msk [tilespmem:v13+s20+$0x0], $0xffff;
	v12 =	vsel vm2, $0x1A, v39;
	vm5 =	vlt.f32 v56, v44;
	vm6 =	vlt.f32 v59, v45  }
0x11f: {  	v62 =	vld.idx.msk [tilespmem:v53+s20+$0x0], $0xffff;
	vm7 =	vlt.f32 v57, v46;
	v11 =	vadd.s32 v11, v12;
	v12 =	vsel vm4, $0x1A, v39  }
0x120: {  	v3 =	vmul.u32 $0x4EC5, v3;
	vm8 =	vlt.f32 v60, v49;
	v54 =	vsel vm5, $0x1A, v39  }
0x121: {  	v2 =	vadd.s32 v2, v12;
	v12 =	vsel vm6, $0x1A, v39;
	v55 =	vsel vm7, $0x1A, v39  }
0x122: {  	v11 =	vmul.u32 $0x4EC5, v11;
	v4 =	vadd.s32 v4, v54;
	v5 =	vadd.s32 v5, v12  }
0x123: {  	v63 =	vld.idx.msk [tilespmem:v8+s20+$0x0], $0xffff;
	v12 =	vsel vm8, $0x1A, v39;
	v6 =	vadd.s32 v6, v55;
	v3 =	vshrl.u32 v3, $0x13  }
0x124: {  	v48 =	vld.idx.msk [tilespmem:v9+s20+$0x0], $0xffff;
	v2 =	vmul.u32 $0x4EC5, v2;
	vm9 =	vlt.f32 v61, v50;
	vm10 =	vlt.f32 v62, v51  }
0x125: {  	v51 =	vsel vm14, $0x1A, v39;
	v7 =	vadd.s32 v7, v12;
	v3 =	vmul.u32 $0x9, v3  }
0x126: {  	v11 =	vshrl.u32 v11, $0x13;
	v4 =	vmul.u32 $0x4EC5, v4;
	v40 =	vmul.u32 $0x4EC5, v6  }
0x127: {  	v1 =	vadd.s32 v10, v51;
	v56 =	vsel vm9, $0x1A, v39;
	v12 =	vsel vm10, $0x1A, v39  }
0x128: {  	v57 =	vmul.u32 $0x9, v11;
	v58 =	vshrl.u32 v2, $0x13;
	v42 =	vmul.u32 $0x4EC5, v7  }
0x129: {  	vm11 =	vlt.f32 v63, v52;
	vm15 =	vlt.f32 v48, v47;
	v52 =	vsel vm3, $0x1A, v39  }
0x12a: {  	v10 =	vadd.s32 v13, v56;
	v12 =	vadd.s32 v53, v12;
	v1 =	vmul.u32 $0x4EC5, v1  }
0x12b: {  	v63 =	vmul.u32 $0x4EC5, v5;
	v11 =	vshrl.u32 v4, $0x13;
	v44 =	vshrl.u32 v40, $0x13  }
0x12c: {  	[tilespmem:s22+$0xFFFFFFA0] =	vst v3;
	v0 =	vadd.s32 v0, v52;
	v13 =	vsel vm11, $0x1A, v39;
	v41 =	vmul.u32 $0x9, v11  }
0x12d: {  	[tilespmem:s22+$0xFFFFFFC0] =	vst v57;
	v46 =	vmul.u32 $0x9, v44;
	v1 =	vshrl.u32 v1, $0x13;
	v0 =	vmul.u32 $0x4EC5, v0  }
0x12e: {  	v45 =	vmul.u32 $0x4EC5, v10;
	v2 =	vshrl.u32 v63, $0x13;
	v1 =	vmul.u32 $0x9, v1;
	[tilespmem:s22+$0xFFFFFFF0] =	vst v41  }
0x12f: {  	v47 =	vshrl.u32 v42, $0x13;
	v43 =	vmul.u32 $0x9, v2;
	[tilespmem:s22+$0x10] =	vst v46;
	v0 =	vshrl.u32 v0, $0x13  }
0x130: {  	v48 =	vmul.u32 $0x4EC5, v12;
	v8 =	vadd.s32 v8, v13;
	[tilespmem:s22+$0xFFFFFFB0] =	vst v1;
	v0 =	vmul.u32 $0x9, v0  }
0x131: {  	v13 =	vsel vm15, $0x1A, v39;
	v49 =	vmul.u32 $0x9, v47;
	v1 =	vmul.u32 $0x9, v58;
	[tilespmem:s22+$0x0] =	vst v43  }
0x132: {  	v9 =	vadd.s32 v9, v13;
	v50 =	vshrl.u32 v45, $0x13;
	v51 =	vmul.u32 $0x4EC5, v8;
	[tilespmem:s22+$0xFFFFFFD0] =	vst v0  }
0x133: {  	p0 =	sne.s32 s23, $0x27D0;
	v53 =	vshrl.u32 v48, $0x13;
	v52 =	vmul.u32 $0x9, v50;
	v54 =	vmul.u32 $0x4EC5, v9;
	[tilespmem:s22+$0xFFFFFFE0] =	vst v1  }
.Ltmp5:
0x134: {  	v55 =	vmul.u32 $0x9, v53;
	v56 =	vshrl.u32 v51, $0x13;
	[tilespmem:s24+$0x4C80] =	vst v49;
	(pc) =	sbr.rel @p0 .LBB2_4-.Ltmp5, $4  }
0x135: {  	v57 =	vmul.u32 $0x9, v56;
	v58 =	vshrl.u32 v54, $0x13;
	[tilespmem:s22+$0x30] =	vst v52  }
0x136: {  	v63 =	vmul.u32 $0x9, v58;
	[tilespmem:s22+$0x40] =	vst v55  }
0x137: {  	v59 =	vmov v17;
	v17 =	vmov v18;
	[tilespmem:s22+$0x50] =	vst v57  }
0x138: {  	s21 =	sadd.s32 $0xD0, s21;
	s23 =	sadd.s32 $0xD0, s23;
	v18 =	vmovc v19;
	v60 =	vmovc v20;
	v61 =	vmov v21;
	v62 =	vmov v22;
	v22 =	vmov v24;
	[tilespmem:s22+$0x60] =	vst v63;
	s22 =	sadd.s32 $0xD0, s22  }
0x139: {  	s21 =	simm.s32 $0x0;
	v14 =	vlaneseq.u32  }
.LBB2_6:
0x13a: {  	v40 =	vmul.u32 $0x1A, v14;
	_ =	sdelay $0x1  }
0x13b: {  	v0 =	vadd.s32 s21, v40;
	v1 =	vor.u32 $0x1, v40  }
0x13c: {  	v10 =	vadd.s32 $0x2, v40;
	v1 =	vadd.s32 s21, v1  }
0x13d: {  	v10 =	vadd.s32 s21, v10;
	_ =	sdelay $0x2  }
0x13e: {  	v0 =	vld.idx.msk [tilespmem:v0+s14+$0x0], $0xffff  }
0x13f: {  	v11 =	vadd.s32 $0x3, v40;
	v1 =	vld.idx.msk [tilespmem:v1+s14+$0x0], $0xffff  }
0x140: {  	v11 =	vadd.s32 s21, v11;
	v10 =	vld.idx.msk [tilespmem:v10+s14+$0x0], $0xffff;
	_ =	sdelay $0x3  }
0x141: {  	v2 =	vadd.s32 $0x1, v0  }
0x142: {  	v11 =	vld.idx.msk [tilespmem:v11+s14+$0x0], $0xffff;
	v3 =	vadd.s32 $0x2, v0  }
0x143: {  	v4 =	vadd.s32 $0x3, v0;
	v6 =	vld.idx.msk [tilespmem:v0+s11+$0x0], $0xffff  }
0x144: {  	v5 =	vadd.s32 $0x4, v0;
	v41 =	vld.idx.msk [tilespmem:v1+s11+$0x0], $0xffff  }
0x145: {  	v7 =	vadd.s32 $0x5, v0;
	v38 =	vld.idx.msk [tilespmem:v10+s11+$0x0], $0xffff  }
0x146: {  	v8 =	vadd.s32 $0x6, v0;
	v2 =	vld.idx.msk [tilespmem:v2+s11+$0x0], $0xffff  }
0x147: {  	v9 =	vadd.s32 $0x1, v1;
	v12 =	vadd.s32 $0x2, v1;
	v3 =	vld.idx.msk [tilespmem:v3+s11+$0x0], $0xffff  }
0x148: {  	v42 =	vadd.s32 $0x3, v1;
	v46 =	vadd.s32 $0x4, v1;
	v49 =	vadd.s32 $0x5, v1;
	v4 =	vld.idx.msk [tilespmem:v4+s11+$0x0], $0xffff  }
0x149: {  	v27 =	vadd.s32 $0x6, v1;
	v34 =	vadd.s32 $0x1, v10;
	v36 =	vadd.s32 $0x2, v10;
	v5 =	vld.idx.msk [tilespmem:v5+s11+$0x0], $0xffff  }
0x14a: {  	v56 =	vadd.s32 $0x3, v10;
	v58 =	vadd.s32 $0x4, v10;
	v25 =	vadd.s32 $0x5, v10;
	v7 =	vld.idx.msk [tilespmem:v7+s11+$0x0], $0xffff  }
0x14b: {  	v0 =	vadd.s32 $0x7, v0;
	v1 =	vadd.s32 $0x7, v1;
	v8 =	vld.idx.msk [tilespmem:v8+s11+$0x0], $0xffff;
	v13 =	vshll.u32 v6, $0x10  }
0x14c: {  	v9 =	vld.idx.msk [tilespmem:v9+s11+$0x0], $0xffff;
	v6 =	vand.u32 $0xFFFF0000, v6;
	v51 =	vshll.u32 v41, $0x10;
	v41 =	vand.u32 $0xFFFF0000, v41  }
0x14d: {  	v12 =	vld.idx.msk [tilespmem:v12+s11+$0x0], $0xffff;
	v26 =	vshll.u32 v38, $0x10;
	v43 =	vshll.u32 v2, $0x10;
	v2 =	vand.u32 $0xFFFF0000, v2  }
0x14e: {  	v42 =	vld.idx.msk [tilespmem:v42+s11+$0x0], $0xffff;
	v44 =	vshll.u32 v3, $0x10;
	v3 =	vand.u32 $0xFFFF0000, v3;
	v45 =	vshll.u32 v4, $0x10  }
0x14f: {  	v46 =	vld.idx.msk [tilespmem:v46+s11+$0x0], $0xffff;
	v4 =	vand.u32 $0xFFFF0000, v4;
	v47 =	vshll.u32 v5, $0x10;
	v5 =	vand.u32 $0xFFFF0000, v5  }
0x150: {  	v31 =	vld.idx.msk [tilespmem:v49+s11+$0x0], $0xffff;
	v48 =	vshll.u32 v7, $0x10;
	v7 =	vand.u32 $0xFFFF0000, v7;
	v50 =	vshll.u32 v8, $0x10  }
0x151: {  	v33 =	vld.idx.msk [tilespmem:v27+s11+$0x0], $0xffff;
	v13 =	vadd.f32 v51, v13;
	v6 =	vadd.f32 v41, v6;
	v8 =	vand.u32 $0xFFFF0000, v8  }
0x152: {  	v51 =	vld.idx.msk [tilespmem:v56+s11+$0x0], $0xffff;
	v56 =	vadd.s32 $0x4, v11;
	v28 =	vshll.u32 v9, $0x10;
	v9 =	vand.u32 $0xFFFF0000, v9  }
0x153: {  	v29 =	vshll.u32 v12, $0x10;
	v30 =	vand.u32 $0xFFFF0000, v12;
	v32 =	vshll.u32 v42, $0x10  }
0x154: {  	v63 =	vld.idx.msk [tilespmem:v36+s11+$0x0], $0xffff;
	v42 =	vand.u32 $0xFFFF0000, v42;
	v35 =	vshll.u32 v46, $0x10;
	v41 =	vadd.f32 v28, v43  }
0x155: {  	v46 =	vand.u32 $0xFFFF0000, v46;
	v2 =	vadd.f32 v9, v2;
	v12 =	vadd.f32 v29, v44  }
0x156: {  	v37 =	vshll.u32 v31, $0x10;
	v3 =	vadd.f32 v30, v3;
	v9 =	vadd.f32 v32, v45  }
0x157: {  	v0 =	vld.idx.msk [tilespmem:v0+s11+$0x0], $0xffff;
	v57 =	vshll.u32 v33, $0x10;
	v4 =	vadd.f32 v42, v4;
	v45 =	vadd.f32 v35, v47  }
0x158: {  	v1 =	vld.idx.msk [tilespmem:v1+s11+$0x0], $0xffff;
	v5 =	vadd.f32 v46, v5;
	v43 =	vand.u32 $0xFFFF0000, v31;
	v46 =	vadd.f32 v37, v48  }
0x159: {  	v42 =	vand.u32 $0xFFFF0000, v33;
	v44 =	vld.idx.msk [tilespmem:v34+s11+$0x0], $0xffff;
	v47 =	vand.u32 $0xFFFF0000, v38;
	v28 =	vshll.u32 v63, $0x10  }
0x15a: {  	v48 =	vld.idx.msk [tilespmem:v58+s11+$0x0], $0xffff;
	v32 =	vadd.s32 $0x1, v11;
	v34 =	vadd.s32 $0x2, v11;
	v35 =	vadd.s32 $0x4, v40  }
0x15b: {  	v29 =	vld.idx.msk [tilespmem:v25+s11+$0x0], $0xffff;
	v38 =	vadd.s32 $0x3, v11;
	v58 =	vadd.s32 $0x5, v11;
	v25 =	vadd.s32 $0x6, v11  }
0x15c: {  	v52 =	vshll.u32 v0, $0x10;
	v7 =	vadd.f32 v43, v7;
	v43 =	vadd.f32 v57, v50  }
0x15d: {  	v0 =	vand.u32 $0xFFFF0000, v0;
	v8 =	vadd.f32 v42, v8;
	v6 =	vadd.f32 v47, v6  }
0x15e: {  	v42 =	vand.u32 $0xFFFF0000, v63;
	v24 =	vshll.u32 v1, $0x10;
	v12 =	vadd.f32 v28, v12  }
0x15f: {  	v1 =	vand.u32 $0xFFFF0000, v1;
	v3 =	vadd.f32 v42, v3;
	v49 =	vadd.f32 v24, v52  }
0x160: {  	v37 =	vld.idx.msk [tilespmem:v11+s11+$0x0], $0xffff;
	v11 =	vadd.s32 $0x7, v11;
	v0 =	vadd.f32 v1, v0;
	v1 =	vadd.f32 v26, v13  }
0x161: {  	v13 =	vadd.s32 $0x6, v10;
	v10 =	vadd.s32 $0x7, v10;
	v30 =	vshll.u32 v51, $0x10  }
0x162: {  	v31 =	vand.u32 $0xFFFF0000, v51;
	v51 =	vadd.s32 s21, v35;
	v9 =	vadd.f32 v30, v9  }
0x163: {  	v47 =	vld.idx.msk [tilespmem:v56+s11+$0x0], $0xffff;
	v4 =	vadd.f32 v31, v4;
	v27 =	vshll.u32 v44, $0x10;
	v44 =	vand.u32 $0xFFFF0000, v44  }
0x164: {  	v33 =	vshll.u32 v48, $0x10;
	v48 =	vand.u32 $0xFFFF0000, v48;
	v36 =	vshll.u32 v29, $0x10;
	v42 =	vld.idx.msk [tilespmem:v32+s11+$0x0], $0xffff  }
0x165: {  	v63 =	vshll.u32 v37, $0x10;
	v24 =	vld.idx.msk [tilespmem:v38+s11+$0x0], $0xffff;
	v41 =	vadd.f32 v27, v41;
	v2 =	vadd.f32 v44, v2  }
0x166: {  	v28 =	vld.idx.msk [tilespmem:v58+s11+$0x0], $0xffff;
	v32 =	vadd.s32 $0x5, v40;
	v45 =	vadd.f32 v33, v45;
	v5 =	vadd.f32 v48, v5  }
0x167: {  	v11 =	vld.idx.msk [tilespmem:v11+s11+$0x0], $0xffff;
	v44 =	vand.u32 $0xFFFF0000, v29;
	v46 =	vadd.f32 v36, v46;
	v48 =	vand.u32 $0xFFFF0000, v37  }
0x168: {  	v1 =	vadd.f32 v63, v1;
	v50 =	vadd.s32 s21, v32;
	v7 =	vadd.f32 v44, v7;
	v13 =	vld.idx.msk [tilespmem:v13+s11+$0x0], $0xffff  }
0x169: {  	v6 =	vadd.f32 v48, v6;
	v10 =	vld.idx.msk [tilespmem:v10+s11+$0x0], $0xffff;
	v30 =	vshll.u32 v47, $0x10;
	v47 =	vand.u32 $0xFFFF0000, v47  }
0x16a: {  	v51 =	vld.idx.msk [tilespmem:v51+s14+$0x0], $0xffff;
	v45 =	vadd.f32 v30, v45;
	v5 =	vadd.f32 v47, v5;
	v30 =	vadd.s32 $0x6, v40  }
0x16b: {  	v26 =	vshll.u32 v42, $0x10;
	v42 =	vand.u32 $0xFFFF0000, v42;
	v29 =	vand.u32 $0xFFFF0000, v24  }
0x16c: {  	v33 =	vshll.u32 v28, $0x10;
	v54 =	vshll.u32 v11, $0x10;
	v41 =	vadd.f32 v26, v41  }
0x16d: {  	v11 =	vand.u32 $0xFFFF0000, v11;
	v2 =	vadd.f32 v42, v2;
	v4 =	vadd.f32 v29, v4  }
0x16e: {  	v50 =	vld.idx.msk [tilespmem:v50+s14+$0x0], $0xffff;
	v55 =	vshll.u32 v13, $0x10;
	v13 =	vand.u32 $0xFFFF0000, v13;
	v57 =	vshll.u32 v10, $0x10  }
0x16f: {  	v10 =	vand.u32 $0xFFFF0000, v10;
	v35 =	vadd.s32 $0x3, v51;
	v8 =	vadd.f32 v13, v8;
	v13 =	vld.idx.msk [tilespmem:v34+s11+$0x0], $0xffff  }
0x170: {  	v42 =	vand.u32 $0xFFFF0000, v28;
	v46 =	vadd.f32 v33, v46;
	v0 =	vadd.f32 v10, v0;
	v10 =	vld.idx.msk [tilespmem:v25+s11+$0x0], $0xffff  }
0x171: {  	v7 =	vadd.f32 v42, v7;
	v31 =	vadd.s32 $0x2, v51;
	v37 =	vadd.s32 $0x4, v51  }
0x172: {  	v58 =	vadd.s32 $0x6, v51;
	v43 =	vadd.f32 v55, v43;
	v44 =	vadd.f32 v57, v49  }
0x173: {  	v55 =	vadd.s32 $0x5, v51;
	v49 =	vadd.s32 s21, v30;
	v34 =	vld.idx.msk [tilespmem:v51+s11+$0x0], $0xffff;
	v0 =	vadd.f32 v11, v0  }
0x174: {  	v29 =	vadd.s32 $0x2, v50;
	v57 =	vld.idx.msk [tilespmem:v35+s11+$0x0], $0xffff;
	v35 =	vadd.s32 $0x4, v50;
	v27 =	vshll.u32 v13, $0x10  }
0x175: {  	v13 =	vand.u32 $0xFFFF0000, v13;
	v36 =	vshll.u32 v10, $0x10;
	v12 =	vadd.f32 v27, v12  }
0x176: {  	v38 =	vld.idx.msk [tilespmem:v31+s11+$0x0], $0xffff;
	v10 =	vand.u32 $0xFFFF0000, v10;
	v3 =	vadd.f32 v13, v3;
	v42 =	vadd.f32 v36, v43  }
0x177: {  	v47 =	vld.idx.msk [tilespmem:v37+s11+$0x0], $0xffff;
	v13 =	vshll.u32 v24, $0x10;
	v8 =	vadd.f32 v10, v8;
	v43 =	vadd.f32 v54, v44  }
0x178: {  	v26 =	vld.idx.msk [tilespmem:v58+s11+$0x0], $0xffff;
	v27 =	vadd.s32 $0x1, v50;
	v9 =	vadd.f32 v13, v9;
	v13 =	vadd.s32 $0x1, v51  }
0x179: {  	v33 =	vld.idx.msk [tilespmem:v50+s11+$0x0], $0xffff;
	v56 =	vshll.u32 v34, $0x10;
	v48 =	vand.u32 $0xFFFF0000, v34;
	v51 =	vadd.s32 $0x7, v51  }
0x17a: {  	v34 =	vadd.s32 $0x3, v50;
	v36 =	vld.idx.msk [tilespmem:v29+s11+$0x0], $0xffff;
	v29 =	vadd.s32 $0x7, v40;
	v1 =	vadd.f32 v56, v1  }
0x17b: {  	v49 =	vld.idx.msk [tilespmem:v49+s14+$0x0], $0xffff;
	v6 =	vadd.f32 v48, v6;
	v56 =	vadd.s32 $0x6, v50;
	v24 =	vshll.u32 v38, $0x10  }
0x17c: {  	v10 =	vand.u32 $0xFFFF0000, v38;
	v25 =	vshll.u32 v57, $0x10;
	v44 =	vand.u32 $0xFFFF0000, v57  }
0x17d: {  	v28 =	vshll.u32 v47, $0x10;
	v12 =	vadd.f32 v24, v12;
	v3 =	vadd.f32 v10, v3  }
0x17e: {  	v47 =	vand.u32 $0xFFFF0000, v47;
	v9 =	vadd.f32 v25, v9;
	v4 =	vadd.f32 v44, v4  }
0x17f: {  	v38 =	vadd.s32 $0x5, v50;
	v44 =	vadd.f32 v28, v45;
	v5 =	vadd.f32 v47, v5;
	v47 =	vld.idx.msk [tilespmem:v35+s11+$0x0], $0xffff  }
0x180: {  	v10 =	vand.u32 $0xFFFF0000, v26;
	v54 =	vshll.u32 v33, $0x10;
	v28 =	vadd.s32 $0x2, v49;
	v13 =	vld.idx.msk [tilespmem:v13+s11+$0x0], $0xffff  }
0x181: {  	v50 =	vadd.s32 $0x7, v50;
	v11 =	vld.idx.msk [tilespmem:v27+s11+$0x0], $0xffff;
	v8 =	vadd.f32 v10, v8;
	v1 =	vadd.f32 v54, v1  }
0x182: {  	v54 =	vadd.s32 $0x6, v49;
	v31 =	vld.idx.msk [tilespmem:v51+s11+$0x0], $0xffff;
	v51 =	vand.u32 $0xFFFF0000, v33;
	v58 =	vshll.u32 v36, $0x10  }
0x183: {  	v10 =	vand.u32 $0xFFFF0000, v36;
	v33 =	vadd.s32 $0x3, v49;
	v36 =	vadd.s32 $0x5, v49  }
0x184: {  	v6 =	vadd.f32 v51, v6;
	v3 =	vadd.f32 v10, v3;
	v25 =	vld.idx.msk [tilespmem:v56+s11+$0x0], $0xffff;
	v51 =	vadd.s32 s21, v29  }
0x185: {  	v27 =	vshll.u32 v47, $0x10;
	v35 =	vld.idx.msk [tilespmem:v28+s11+$0x0], $0xffff;
	v63 =	vshll.u32 v13, $0x10;
	v13 =	vand.u32 $0xFFFF0000, v13  }
0x186: {  	v47 =	vand.u32 $0xFFFF0000, v47;
	v57 =	vshll.u32 v11, $0x10;
	v2 =	vadd.f32 v13, v2;
	v13 =	vld.idx.msk [tilespmem:v55+s11+$0x0], $0xffff  }
0x187: {  	v11 =	vand.u32 $0xFFFF0000, v11;
	v44 =	vadd.f32 v27, v44;
	v5 =	vadd.f32 v47, v5;
	v55 =	vld.idx.msk [tilespmem:v34+s11+$0x0], $0xffff  }
0x188: {  	v45 =	vand.u32 $0xFFFF0000, v31;
	v41 =	vadd.f32 v63, v41;
	v63 =	vadd.f32 v58, v12;
	v12 =	vld.idx.msk [tilespmem:v38+s11+$0x0], $0xffff  }
0x189: {  	v27 =	vadd.s32 $0x8, v40;
	v0 =	vadd.f32 v45, v0;
	v10 =	vand.u32 $0xFFFF0000, v25;
	v38 =	vld.idx.msk [tilespmem:v33+s11+$0x0], $0xffff  }
0x18a: {  	v37 =	vshll.u32 v31, $0x10;
	v51 =	vld.idx.msk [tilespmem:v51+s14+$0x0], $0xffff;
	v8 =	vadd.f32 v10, v8;
	v41 =	vadd.f32 v57, v41  }
0x18b: {  	v2 =	vadd.f32 v11, v2;
	v56 =	vshll.u32 v35, $0x10;
	v10 =	vand.u32 $0xFFFF0000, v35  }
0x18c: {  	v34 =	vadd.s32 $0x4, v49;
	v11 =	vadd.f32 v56, v63;
	v3 =	vadd.f32 v10, v3  }
0x18d: {  	v30 =	vld.idx.msk [tilespmem:v50+s11+$0x0], $0xffff;
	v32 =	vshll.u32 v13, $0x10;
	v13 =	vand.u32 $0xFFFF0000, v13;
	v24 =	vshll.u32 v55, $0x10  }
0x18e: {  	v45 =	vand.u32 $0xFFFF0000, v55;
	v31 =	vshll.u32 v12, $0x10;
	v12 =	vand.u32 $0xFFFF0000, v12  }
0x18f: {  	v57 =	vld.idx.msk [tilespmem:v36+s11+$0x0], $0xffff;
	v58 =	vshll.u32 v38, $0x10;
	v33 =	vadd.s32 $0x4, v51;
	v36 =	vadd.s32 $0x5, v51  }
0x190: {  	v63 =	vld.idx.msk [tilespmem:v54+s11+$0x0], $0xffff;
	v54 =	vadd.s32 $0x6, v51;
	v46 =	vadd.f32 v32, v46;
	v7 =	vadd.f32 v13, v7  }
0x191: {  	v13 =	vshll.u32 v26, $0x10;
	v9 =	vadd.f32 v24, v9;
	v4 =	vadd.f32 v45, v4  }
0x192: {  	v26 =	vadd.s32 $0x1, v49;
	v32 =	vld.idx.msk [tilespmem:v49+s11+$0x0], $0xffff;
	v45 =	vand.u32 $0xFFFF0000, v30;
	v49 =	vadd.s32 $0x7, v49  }
0x193: {  	v47 =	vld.idx.msk [tilespmem:v34+s11+$0x0], $0xffff;
	v24 =	vadd.s32 $0x1, v51;
	v13 =	vadd.f32 v13, v42;
	v42 =	vadd.f32 v37, v43  }
0x194: {  	v0 =	vadd.f32 v45, v0;
	v45 =	vand.u32 $0xFFFF0000, v38;
	v29 =	vshll.u32 v57, $0x10  }
0x195: {  	v46 =	vadd.f32 v31, v46;
	v7 =	vadd.f32 v12, v7;
	v12 =	vshll.u32 v25, $0x10  }
0x196: {  	v9 =	vadd.f32 v58, v9;
	v4 =	vadd.f32 v45, v4;
	v31 =	vadd.s32 $0x3, v51  }
0x197: {  	v10 =	vand.u32 $0xFFFF0000, v63;
	v12 =	vadd.f32 v12, v13;
	v13 =	vshll.u32 v30, $0x10  }
0x198: {  	v30 =	vld.idx.msk [tilespmem:v51+s11+$0x0], $0xffff;
	v8 =	vadd.f32 v10, v8;
	v13 =	vadd.f32 v13, v42;
	v25 =	vshll.u32 v47, $0x10  }
0x199: {  	v47 =	vand.u32 $0xFFFF0000, v47;
	v46 =	vadd.f32 v29, v46;
	v43 =	vld.idx.msk [tilespmem:v26+s11+$0x0], $0xffff;
	v37 =	vshll.u32 v32, $0x10  }
0x19a: {  	v50 =	vand.u32 $0xFFFF0000, v32;
	v26 =	vadd.s32 $0x2, v51;
	v44 =	vadd.f32 v25, v44;
	v28 =	vld.idx.msk [tilespmem:v49+s11+$0x0], $0xffff  }
0x19b: {  	v5 =	vadd.f32 v47, v5;
	v32 =	vshll.u32 v63, $0x10;
	v47 =	vld.idx.msk [tilespmem:v33+s11+$0x0], $0xffff;
	v51 =	vadd.s32 $0x7, v51  }
0x19c: {  	v63 =	vld.idx.msk [tilespmem:v54+s11+$0x0], $0xffff;
	v1 =	vadd.f32 v37, v1;
	v6 =	vadd.f32 v50, v6;
	v50 =	vadd.s32 s21, v27  }
0x19d: {  	v12 =	vadd.f32 v32, v12;
	v37 =	vshll.u32 v30, $0x10;
	v49 =	vand.u32 $0xFFFF0000, v30  }
0x19e: {  	v42 =	vld.idx.msk [tilespmem:v24+s11+$0x0], $0xffff;
	v27 =	vadd.s32 $0x9, v40;
	v1 =	vadd.f32 v37, v1;
	v6 =	vadd.f32 v49, v6  }
0x19f: {  	v49 =	vadd.s32 s21, v27;
	v27 =	vadd.s32 $0xA, v40;
	v55 =	vshll.u32 v43, $0x10  }
0x1a0: {  	v38 =	vld.idx.msk [tilespmem:v31+s11+$0x0], $0xffff;
	v43 =	vand.u32 $0xFFFF0000, v43;
	v35 =	vshll.u32 v28, $0x10;
	v45 =	vand.u32 $0xFFFF0000, v28  }
0x1a1: {  	v25 =	vshll.u32 v47, $0x10;
	v47 =	vand.u32 $0xFFFF0000, v47;
	v32 =	vshll.u32 v63, $0x10;
	v50 =	vld.idx.msk [tilespmem:v50+s14+$0x0], $0xffff  }
0x1a2: {  	v41 =	vadd.f32 v55, v41;
	v2 =	vadd.f32 v43, v2;
	v43 =	vand.u32 $0xFFFF0000, v57  }
0x1a3: {  	v34 =	vld.idx.msk [tilespmem:v26+s11+$0x0], $0xffff;
	v13 =	vadd.f32 v35, v13;
	v0 =	vadd.f32 v45, v0;
	v55 =	vshll.u32 v42, $0x10  }
0x1a4: {  	v28 =	vld.idx.msk [tilespmem:v51+s11+$0x0], $0xffff;
	v42 =	vand.u32 $0xFFFF0000, v42;
	v44 =	vadd.f32 v25, v44;
	v5 =	vadd.f32 v47, v5  }
0x1a5: {  	v12 =	vadd.f32 v32, v12;
	v7 =	vadd.f32 v43, v7;
	v58 =	vshll.u32 v38, $0x10  }
0x1a6: {  	v57 =	vld.idx.msk [tilespmem:v36+s11+$0x0], $0xffff;
	v45 =	vand.u32 $0xFFFF0000, v38;
	v41 =	vadd.f32 v55, v41;
	v24 =	vadd.s32 $0x1, v50  }
0x1a7: {  	v2 =	vadd.f32 v42, v2;
	v9 =	vadd.f32 v58, v9;
	v26 =	vadd.s32 $0x2, v50  }
0x1a8: {  	v4 =	vadd.f32 v45, v4;
	v56 =	vshll.u32 v34, $0x10;
	v31 =	vadd.s32 $0x3, v50  }
0x1a9: {  	v49 =	vld.idx.msk [tilespmem:v49+s14+$0x0], $0xffff;
	v10 =	vand.u32 $0xFFFF0000, v34;
	v35 =	vshll.u32 v28, $0x10;
	v33 =	vadd.s32 $0x4, v50  }
0x1aa: {  	v45 =	vand.u32 $0xFFFF0000, v28;
	v11 =	vadd.f32 v56, v11;
	v36 =	vadd.s32 $0x5, v50;
	v30 =	vld.idx.msk [tilespmem:v50+s11+$0x0], $0xffff  }
0x1ab: {  	v3 =	vadd.f32 v10, v3;
	v29 =	vshll.u32 v57, $0x10;
	v54 =	vadd.s32 $0x6, v50;
	v43 =	vld.idx.msk [tilespmem:v24+s11+$0x0], $0xffff  }
0x1ac: {  	v42 =	vand.u32 $0xFFFF0000, v57;
	v13 =	vadd.f32 v35, v13;
	v0 =	vadd.f32 v45, v0;
	v34 =	vld.idx.msk [tilespmem:v26+s11+$0x0], $0xffff  }
0x1ad: {  	v10 =	vand.u32 $0xFFFF0000, v63;
	v46 =	vadd.f32 v29, v46;
	v7 =	vadd.f32 v42, v7;
	v38 =	vld.idx.msk [tilespmem:v31+s11+$0x0], $0xffff  }
0x1ae: {  	v8 =	vadd.f32 v10, v8;
	v50 =	vadd.s32 $0x7, v50;
	v47 =	vld.idx.msk [tilespmem:v33+s11+$0x0], $0xffff;
	v24 =	vadd.s32 $0x1, v49  }
0x1af: {  	v57 =	vld.idx.msk [tilespmem:v36+s11+$0x0], $0xffff;
	v26 =	vadd.s32 $0x2, v49;
	v31 =	vadd.s32 $0x3, v49;
	v33 =	vadd.s32 $0x4, v49  }
0x1b0: {  	v63 =	vld.idx.msk [tilespmem:v54+s11+$0x0], $0xffff;
	v36 =	vadd.s32 $0x5, v49;
	v54 =	vadd.s32 $0x6, v49;
	v37 =	vshll.u32 v30, $0x10  }
0x1b1: {  	v51 =	vand.u32 $0xFFFF0000, v30;
	v30 =	vld.idx.msk [tilespmem:v49+s11+$0x0], $0xffff;
	v49 =	vadd.s32 $0x7, v49;
	v1 =	vadd.f32 v37, v1  }
0x1b2: {  	v6 =	vadd.f32 v51, v6;
	v51 =	vadd.s32 s21, v27;
	v55 =	vshll.u32 v43, $0x10  }
0x1b3: {  	v43 =	vand.u32 $0xFFFF0000, v43;
	v56 =	vshll.u32 v34, $0x10;
	v10 =	vand.u32 $0xFFFF0000, v34  }
0x1b4: {  	v58 =	vshll.u32 v38, $0x10;
	v45 =	vand.u32 $0xFFFF0000, v38;
	v25 =	vshll.u32 v47, $0x10  }
0x1b5: {  	v47 =	vand.u32 $0xFFFF0000, v47;
	v41 =	vadd.f32 v55, v41;
	v2 =	vadd.f32 v43, v2  }
0x1b6: {  	v28 =	vld.idx.msk [tilespmem:v50+s11+$0x0], $0xffff;
	v29 =	vshll.u32 v57, $0x10;
	v11 =	vadd.f32 v56, v11;
	v3 =	vadd.f32 v10, v3  }
0x1b7: {  	v32 =	vshll.u32 v63, $0x10;
	v9 =	vadd.f32 v58, v9;
	v4 =	vadd.f32 v45, v4  }
0x1b8: {  	v44 =	vadd.f32 v25, v44;
	v5 =	vadd.f32 v47, v5;
	v43 =	vand.u32 $0xFFFF0000, v57  }
0x1b9: {  	v42 =	vld.idx.msk [tilespmem:v24+s11+$0x0], $0xffff;
	v46 =	vadd.f32 v29, v46;
	v10 =	vand.u32 $0xFFFF0000, v63;
	v12 =	vadd.f32 v32, v12  }
0x1ba: {  	v27 =	vadd.s32 $0xB, v40;
	v34 =	vld.idx.msk [tilespmem:v26+s11+$0x0], $0xffff;
	v7 =	vadd.f32 v43, v7;
	v8 =	vadd.f32 v10, v8  }
0x1bb: {  	v38 =	vld.idx.msk [tilespmem:v31+s11+$0x0], $0xffff;
	v35 =	vshll.u32 v28, $0x10;
	v45 =	vand.u32 $0xFFFF0000, v28;
	v37 =	vshll.u32 v30, $0x10  }
0x1bc: {  	v47 =	vld.idx.msk [tilespmem:v33+s11+$0x0], $0xffff;
	v50 =	vand.u32 $0xFFFF0000, v30;
	v13 =	vadd.f32 v35, v13;
	v0 =	vadd.f32 v45, v0  }
0x1bd: {  	v51 =	vld.idx.msk [tilespmem:v51+s14+$0x0], $0xffff;
	v1 =	vadd.f32 v37, v1;
	v6 =	vadd.f32 v50, v6;
	v50 =	vadd.s32 s21, v27  }
0x1be: {  	v57 =	vld.idx.msk [tilespmem:v36+s11+$0x0], $0xffff;
	v27 =	vadd.s32 $0xC, v40;
	v55 =	vshll.u32 v42, $0x10;
	v42 =	vand.u32 $0xFFFF0000, v42  }
0x1bf: {  	v63 =	vld.idx.msk [tilespmem:v54+s11+$0x0], $0xffff;
	v56 =	vshll.u32 v34, $0x10;
	v10 =	vand.u32 $0xFFFF0000, v34;
	v41 =	vadd.f32 v55, v41  }
0x1c0: {  	v58 =	vshll.u32 v38, $0x10;
	v2 =	vadd.f32 v42, v2;
	v11 =	vadd.f32 v56, v11  }
0x1c1: {  	v45 =	vand.u32 $0xFFFF0000, v38;
	v3 =	vadd.f32 v10, v3;
	v9 =	vadd.f32 v58, v9  }
0x1c2: {  	v4 =	vadd.f32 v45, v4;
	v25 =	vshll.u32 v47, $0x10;
	v24 =	vadd.s32 $0x1, v51  }
0x1c3: {  	v28 =	vld.idx.msk [tilespmem:v49+s11+$0x0], $0xffff;
	v47 =	vand.u32 $0xFFFF0000, v47;
	v29 =	vshll.u32 v57, $0x10;
	v26 =	vadd.s32 $0x2, v51  }
0x1c4: {  	v42 =	vand.u32 $0xFFFF0000, v57;
	v32 =	vshll.u32 v63, $0x10;
	v31 =	vadd.s32 $0x3, v51  }
0x1c5: {  	v10 =	vand.u32 $0xFFFF0000, v63;
	v44 =	vadd.f32 v25, v44;
	v33 =	vadd.s32 $0x4, v51;
	v50 =	vld.idx.msk [tilespmem:v50+s14+$0x0], $0xffff  }
0x1c6: {  	v5 =	vadd.f32 v47, v5;
	v46 =	vadd.f32 v29, v46;
	v36 =	vadd.s32 $0x5, v51;
	v30 =	vld.idx.msk [tilespmem:v51+s11+$0x0], $0xffff  }
0x1c7: {  	v7 =	vadd.f32 v42, v7;
	v12 =	vadd.f32 v32, v12;
	v54 =	vadd.s32 $0x6, v51;
	v43 =	vld.idx.msk [tilespmem:v24+s11+$0x0], $0xffff  }
0x1c8: {  	v8 =	vadd.f32 v10, v8;
	v35 =	vshll.u32 v28, $0x10;
	v45 =	vand.u32 $0xFFFF0000, v28;
	v34 =	vld.idx.msk [tilespmem:v26+s11+$0x0], $0xffff  }
0x1c9: {  	v13 =	vadd.f32 v35, v13;
	v0 =	vadd.f32 v45, v0;
	v51 =	vadd.s32 $0x7, v51;
	v38 =	vld.idx.msk [tilespmem:v31+s11+$0x0], $0xffff  }
0x1ca: {  	v47 =	vld.idx.msk [tilespmem:v33+s11+$0x0], $0xffff;
	v24 =	vadd.s32 $0x1, v50;
	v26 =	vadd.s32 $0x2, v50;
	v31 =	vadd.s32 $0x3, v50  }
0x1cb: {  	v57 =	vld.idx.msk [tilespmem:v36+s11+$0x0], $0xffff;
	v33 =	vadd.s32 $0x4, v50;
	v36 =	vadd.s32 $0x5, v50;
	v37 =	vshll.u32 v30, $0x10  }
0x1cc: {  	v63 =	vld.idx.msk [tilespmem:v54+s11+$0x0], $0xffff;
	v54 =	vadd.s32 $0x6, v50;
	v49 =	vand.u32 $0xFFFF0000, v30;
	v1 =	vadd.f32 v37, v1  }
0x1cd: {  	v6 =	vadd.f32 v49, v6;
	v49 =	vadd.s32 s21, v27;
	v55 =	vshll.u32 v43, $0x10  }
0x1ce: {  	v43 =	vand.u32 $0xFFFF0000, v43;
	v56 =	vshll.u32 v34, $0x10;
	v10 =	vand.u32 $0xFFFF0000, v34  }
0x1cf: {  	v58 =	vshll.u32 v38, $0x10;
	v45 =	vand.u32 $0xFFFF0000, v38;
	v25 =	vshll.u32 v47, $0x10  }
0x1d0: {  	v28 =	vld.idx.msk [tilespmem:v51+s11+$0x0], $0xffff;
	v47 =	vand.u32 $0xFFFF0000, v47;
	v41 =	vadd.f32 v55, v41;
	v2 =	vadd.f32 v43, v2  }
0x1d1: {  	v30 =	vld.idx.msk [tilespmem:v50+s11+$0x0], $0xffff;
	v29 =	vshll.u32 v57, $0x10;
	v11 =	vadd.f32 v56, v11;
	v3 =	vadd.f32 v10, v3  }
0x1d2: {  	v32 =	vshll.u32 v63, $0x10;
	v9 =	vadd.f32 v58, v9;
	v4 =	vadd.f32 v45, v4  }
0x1d3: {  	v44 =	vadd.f32 v25, v44;
	v5 =	vadd.f32 v47, v5;
	v43 =	vand.u32 $0xFFFF0000, v57  }
0x1d4: {  	v42 =	vld.idx.msk [tilespmem:v24+s11+$0x0], $0xffff;
	v46 =	vadd.f32 v29, v46;
	v10 =	vand.u32 $0xFFFF0000, v63;
	v12 =	vadd.f32 v32, v12  }
0x1d5: {  	v50 =	vadd.s32 $0x7, v50;
	v34 =	vld.idx.msk [tilespmem:v26+s11+$0x0], $0xffff;
	v7 =	vadd.f32 v43, v7;
	v8 =	vadd.f32 v10, v8  }
0x1d6: {  	v38 =	vld.idx.msk [tilespmem:v31+s11+$0x0], $0xffff;
	v35 =	vshll.u32 v28, $0x10;
	v45 =	vand.u32 $0xFFFF0000, v28;
	v37 =	vshll.u32 v30, $0x10  }
0x1d7: {  	v47 =	vld.idx.msk [tilespmem:v33+s11+$0x0], $0xffff;
	v51 =	vand.u32 $0xFFFF0000, v30;
	v13 =	vadd.f32 v35, v13;
	v0 =	vadd.f32 v45, v0  }
0x1d8: {  	v27 =	vadd.s32 $0xD, v40;
	v49 =	vld.idx.msk [tilespmem:v49+s14+$0x0], $0xffff;
	v1 =	vadd.f32 v37, v1;
	v6 =	vadd.f32 v51, v6  }
0x1d9: {  	v57 =	vld.idx.msk [tilespmem:v36+s11+$0x0], $0xffff;
	v51 =	vadd.s32 s21, v27;
	v55 =	vshll.u32 v42, $0x10;
	v42 =	vand.u32 $0xFFFF0000, v42  }
0x1da: {  	v63 =	vld.idx.msk [tilespmem:v54+s11+$0x0], $0xffff;
	v56 =	vshll.u32 v34, $0x10;
	v10 =	vand.u32 $0xFFFF0000, v34;
	v41 =	vadd.f32 v55, v41  }
0x1db: {  	v58 =	vshll.u32 v38, $0x10;
	v2 =	vadd.f32 v42, v2;
	v11 =	vadd.f32 v56, v11  }
0x1dc: {  	v45 =	vand.u32 $0xFFFF0000, v38;
	v3 =	vadd.f32 v10, v3;
	v9 =	vadd.f32 v58, v9  }
0x1dd: {  	v4 =	vadd.f32 v45, v4;
	v25 =	vshll.u32 v47, $0x10;
	v24 =	vadd.s32 $0x1, v49  }
0x1de: {  	v28 =	vld.idx.msk [tilespmem:v50+s11+$0x0], $0xffff;
	v47 =	vand.u32 $0xFFFF0000, v47;
	v29 =	vshll.u32 v57, $0x10;
	v26 =	vadd.s32 $0x2, v49  }
0x1df: {  	v42 =	vand.u32 $0xFFFF0000, v57;
	v32 =	vshll.u32 v63, $0x10;
	v31 =	vadd.s32 $0x3, v49  }
0x1e0: {  	v10 =	vand.u32 $0xFFFF0000, v63;
	v44 =	vadd.f32 v25, v44;
	v33 =	vadd.s32 $0x4, v49;
	v51 =	vld.idx.msk [tilespmem:v51+s14+$0x0], $0xffff  }
0x1e1: {  	v5 =	vadd.f32 v47, v5;
	v46 =	vadd.f32 v29, v46;
	v36 =	vadd.s32 $0x5, v49;
	v30 =	vld.idx.msk [tilespmem:v49+s11+$0x0], $0xffff  }
0x1e2: {  	v7 =	vadd.f32 v42, v7;
	v12 =	vadd.f32 v32, v12;
	v54 =	vadd.s32 $0x6, v49;
	v43 =	vld.idx.msk [tilespmem:v24+s11+$0x0], $0xffff  }
0x1e3: {  	v8 =	vadd.f32 v10, v8;
	v35 =	vshll.u32 v28, $0x10;
	v45 =	vand.u32 $0xFFFF0000, v28;
	v34 =	vld.idx.msk [tilespmem:v26+s11+$0x0], $0xffff  }
0x1e4: {  	v27 =	vadd.s32 $0xE, v40;
	v13 =	vadd.f32 v35, v13;
	v0 =	vadd.f32 v45, v0;
	v38 =	vld.idx.msk [tilespmem:v31+s11+$0x0], $0xffff  }
0x1e5: {  	v49 =	vadd.s32 $0x7, v49;
	v47 =	vld.idx.msk [tilespmem:v33+s11+$0x0], $0xffff;
	v24 =	vadd.s32 $0x1, v51;
	v26 =	vadd.s32 $0x2, v51  }
0x1e6: {  	v57 =	vld.idx.msk [tilespmem:v36+s11+$0x0], $0xffff;
	v31 =	vadd.s32 $0x3, v51;
	v33 =	vadd.s32 $0x4, v51;
	v36 =	vadd.s32 $0x5, v51  }
0x1e7: {  	v63 =	vld.idx.msk [tilespmem:v54+s11+$0x0], $0xffff;
	v54 =	vadd.s32 $0x6, v51;
	v37 =	vshll.u32 v30, $0x10;
	v50 =	vand.u32 $0xFFFF0000, v30  }
0x1e8: {  	v30 =	vld.idx.msk [tilespmem:v51+s11+$0x0], $0xffff;
	v51 =	vadd.s32 $0x7, v51;
	v1 =	vadd.f32 v37, v1;
	v6 =	vadd.f32 v50, v6  }
0x1e9: {  	v50 =	vadd.s32 s21, v27;
	v27 =	vadd.s32 $0xF, v40;
	v55 =	vshll.u32 v43, $0x10  }
0x1ea: {  	v43 =	vand.u32 $0xFFFF0000, v43;
	v56 =	vshll.u32 v34, $0x10;
	v10 =	vand.u32 $0xFFFF0000, v34  }
0x1eb: {  	v58 =	vshll.u32 v38, $0x10;
	v45 =	vand.u32 $0xFFFF0000, v38;
	v25 =	vshll.u32 v47, $0x10  }
0x1ec: {  	v28 =	vld.idx.msk [tilespmem:v49+s11+$0x0], $0xffff;
	v47 =	vand.u32 $0xFFFF0000, v47;
	v41 =	vadd.f32 v55, v41;
	v2 =	vadd.f32 v43, v2  }
0x1ed: {  	v29 =	vshll.u32 v57, $0x10;
	v11 =	vadd.f32 v56, v11;
	v3 =	vadd.f32 v10, v3  }
0x1ee: {  	v32 =	vshll.u32 v63, $0x10;
	v9 =	vadd.f32 v58, v9;
	v4 =	vadd.f32 v45, v4  }
0x1ef: {  	v42 =	vld.idx.msk [tilespmem:v24+s11+$0x0], $0xffff;
	v44 =	vadd.f32 v25, v44;
	v5 =	vadd.f32 v47, v5;
	v43 =	vand.u32 $0xFFFF0000, v57  }
0x1f0: {  	v34 =	vld.idx.msk [tilespmem:v26+s11+$0x0], $0xffff;
	v46 =	vadd.f32 v29, v46;
	v10 =	vand.u32 $0xFFFF0000, v63;
	v12 =	vadd.f32 v32, v12  }
0x1f1: {  	v38 =	vld.idx.msk [tilespmem:v31+s11+$0x0], $0xffff;
	v7 =	vadd.f32 v43, v7;
	v8 =	vadd.f32 v10, v8;
	v35 =	vshll.u32 v28, $0x10  }
0x1f2: {  	v45 =	vand.u32 $0xFFFF0000, v28;
	v37 =	vshll.u32 v30, $0x10;
	v13 =	vadd.f32 v35, v13  }
0x1f3: {  	v49 =	vand.u32 $0xFFFF0000, v30;
	v0 =	vadd.f32 v45, v0;
	v50 =	vld.idx.msk [tilespmem:v50+s14+$0x0], $0xffff;
	v1 =	vadd.f32 v37, v1  }
0x1f4: {  	v47 =	vld.idx.msk [tilespmem:v33+s11+$0x0], $0xffff;
	v6 =	vadd.f32 v49, v6;
	v49 =	vadd.s32 s21, v27;
	v27 =	vadd.s32 $0x10, v40  }
0x1f5: {  	v57 =	vld.idx.msk [tilespmem:v36+s11+$0x0], $0xffff;
	v55 =	vshll.u32 v42, $0x10;
	v42 =	vand.u32 $0xFFFF0000, v42;
	v56 =	vshll.u32 v34, $0x10  }
0x1f6: {  	v63 =	vld.idx.msk [tilespmem:v54+s11+$0x0], $0xffff;
	v10 =	vand.u32 $0xFFFF0000, v34;
	v58 =	vshll.u32 v38, $0x10;
	v41 =	vadd.f32 v55, v41  }
0x1f7: {  	v45 =	vand.u32 $0xFFFF0000, v38;
	v2 =	vadd.f32 v42, v2;
	v11 =	vadd.f32 v56, v11  }
0x1f8: {  	v3 =	vadd.f32 v10, v3;
	v9 =	vadd.f32 v58, v9;
	v24 =	vadd.s32 $0x1, v50  }
0x1f9: {  	v28 =	vld.idx.msk [tilespmem:v51+s11+$0x0], $0xffff;
	v4 =	vadd.f32 v45, v4;
	v25 =	vshll.u32 v47, $0x10;
	v26 =	vadd.s32 $0x2, v50  }
0x1fa: {  	v47 =	vand.u32 $0xFFFF0000, v47;
	v29 =	vshll.u32 v57, $0x10;
	v31 =	vadd.s32 $0x3, v50  }
0x1fb: {  	v42 =	vand.u32 $0xFFFF0000, v57;
	v32 =	vshll.u32 v63, $0x10;
	v33 =	vadd.s32 $0x4, v50;
	v49 =	vld.idx.msk [tilespmem:v49+s14+$0x0], $0xffff  }
0x1fc: {  	v10 =	vand.u32 $0xFFFF0000, v63;
	v44 =	vadd.f32 v25, v44;
	v36 =	vadd.s32 $0x5, v50;
	v30 =	vld.idx.msk [tilespmem:v50+s11+$0x0], $0xffff  }
0x1fd: {  	v5 =	vadd.f32 v47, v5;
	v46 =	vadd.f32 v29, v46;
	v54 =	vadd.s32 $0x6, v50;
	v43 =	vld.idx.msk [tilespmem:v24+s11+$0x0], $0xffff  }
0x1fe: {  	v7 =	vadd.f32 v42, v7;
	v12 =	vadd.f32 v32, v12;
	v35 =	vshll.u32 v28, $0x10;
	v34 =	vld.idx.msk [tilespmem:v26+s11+$0x0], $0xffff  }
0x1ff: {  	v8 =	vadd.f32 v10, v8;
	v45 =	vand.u32 $0xFFFF0000, v28;
	v13 =	vadd.f32 v35, v13;
	v38 =	vld.idx.msk [tilespmem:v31+s11+$0x0], $0xffff  }
0x200: {  	v0 =	vadd.f32 v45, v0;
	v50 =	vadd.s32 $0x7, v50;
	v47 =	vld.idx.msk [tilespmem:v33+s11+$0x0], $0xffff;
	v24 =	vadd.s32 $0x1, v49  }
0x201: {  	v57 =	vld.idx.msk [tilespmem:v36+s11+$0x0], $0xffff;
	v26 =	vadd.s32 $0x2, v49;
	v31 =	vadd.s32 $0x3, v49;
	v33 =	vadd.s32 $0x4, v49  }
0x202: {  	v63 =	vld.idx.msk [tilespmem:v54+s11+$0x0], $0xffff;
	v36 =	vadd.s32 $0x5, v49;
	v54 =	vadd.s32 $0x6, v49;
	v37 =	vshll.u32 v30, $0x10  }
0x203: {  	v51 =	vand.u32 $0xFFFF0000, v30;
	v30 =	vld.idx.msk [tilespmem:v49+s11+$0x0], $0xffff;
	v49 =	vadd.s32 $0x7, v49;
	v1 =	vadd.f32 v37, v1  }
0x204: {  	v6 =	vadd.f32 v51, v6;
	v51 =	vadd.s32 s21, v27;
	v55 =	vshll.u32 v43, $0x10  }
0x205: {  	v43 =	vand.u32 $0xFFFF0000, v43;
	v56 =	vshll.u32 v34, $0x10;
	v10 =	vand.u32 $0xFFFF0000, v34  }
0x206: {  	v58 =	vshll.u32 v38, $0x10;
	v45 =	vand.u32 $0xFFFF0000, v38;
	v25 =	vshll.u32 v47, $0x10  }
0x207: {  	v47 =	vand.u32 $0xFFFF0000, v47;
	v41 =	vadd.f32 v55, v41;
	v2 =	vadd.f32 v43, v2  }
0x208: {  	v28 =	vld.idx.msk [tilespmem:v50+s11+$0x0], $0xffff;
	v29 =	vshll.u32 v57, $0x10;
	v11 =	vadd.f32 v56, v11;
	v3 =	vadd.f32 v10, v3  }
0x209: {  	v32 =	vshll.u32 v63, $0x10;
	v9 =	vadd.f32 v58, v9;
	v4 =	vadd.f32 v45, v4  }
0x20a: {  	v44 =	vadd.f32 v25, v44;
	v5 =	vadd.f32 v47, v5;
	v43 =	vand.u32 $0xFFFF0000, v57  }
0x20b: {  	v42 =	vld.idx.msk [tilespmem:v24+s11+$0x0], $0xffff;
	v46 =	vadd.f32 v29, v46;
	v10 =	vand.u32 $0xFFFF0000, v63;
	v12 =	vadd.f32 v32, v12  }
0x20c: {  	v27 =	vadd.s32 $0x11, v40;
	v34 =	vld.idx.msk [tilespmem:v26+s11+$0x0], $0xffff;
	v7 =	vadd.f32 v43, v7;
	v8 =	vadd.f32 v10, v8  }
0x20d: {  	v38 =	vld.idx.msk [tilespmem:v31+s11+$0x0], $0xffff;
	v35 =	vshll.u32 v28, $0x10;
	v45 =	vand.u32 $0xFFFF0000, v28;
	v37 =	vshll.u32 v30, $0x10  }
0x20e: {  	v47 =	vld.idx.msk [tilespmem:v33+s11+$0x0], $0xffff;
	v50 =	vand.u32 $0xFFFF0000, v30;
	v13 =	vadd.f32 v35, v13;
	v0 =	vadd.f32 v45, v0  }
0x20f: {  	v51 =	vld.idx.msk [tilespmem:v51+s14+$0x0], $0xffff;
	v1 =	vadd.f32 v37, v1;
	v6 =	vadd.f32 v50, v6;
	v50 =	vadd.s32 s21, v27  }
0x210: {  	v57 =	vld.idx.msk [tilespmem:v36+s11+$0x0], $0xffff;
	v27 =	vadd.s32 $0x12, v40;
	v55 =	vshll.u32 v42, $0x10;
	v42 =	vand.u32 $0xFFFF0000, v42  }
0x211: {  	v63 =	vld.idx.msk [tilespmem:v54+s11+$0x0], $0xffff;
	v56 =	vshll.u32 v34, $0x10;
	v10 =	vand.u32 $0xFFFF0000, v34;
	v41 =	vadd.f32 v55, v41  }
0x212: {  	v58 =	vshll.u32 v38, $0x10;
	v2 =	vadd.f32 v42, v2;
	v11 =	vadd.f32 v56, v11  }
0x213: {  	v45 =	vand.u32 $0xFFFF0000, v38;
	v3 =	vadd.f32 v10, v3;
	v9 =	vadd.f32 v58, v9  }
0x214: {  	v4 =	vadd.f32 v45, v4;
	v25 =	vshll.u32 v47, $0x10;
	v24 =	vadd.s32 $0x1, v51  }
0x215: {  	v28 =	vld.idx.msk [tilespmem:v49+s11+$0x0], $0xffff;
	v47 =	vand.u32 $0xFFFF0000, v47;
	v29 =	vshll.u32 v57, $0x10;
	v26 =	vadd.s32 $0x2, v51  }
0x216: {  	v42 =	vand.u32 $0xFFFF0000, v57;
	v32 =	vshll.u32 v63, $0x10;
	v31 =	vadd.s32 $0x3, v51  }
0x217: {  	v10 =	vand.u32 $0xFFFF0000, v63;
	v44 =	vadd.f32 v25, v44;
	v33 =	vadd.s32 $0x4, v51;
	v50 =	vld.idx.msk [tilespmem:v50+s14+$0x0], $0xffff  }
0x218: {  	v5 =	vadd.f32 v47, v5;
	v46 =	vadd.f32 v29, v46;
	v36 =	vadd.s32 $0x5, v51;
	v30 =	vld.idx.msk [tilespmem:v51+s11+$0x0], $0xffff  }
0x219: {  	v7 =	vadd.f32 v42, v7;
	v12 =	vadd.f32 v32, v12;
	v54 =	vadd.s32 $0x6, v51;
	v43 =	vld.idx.msk [tilespmem:v24+s11+$0x0], $0xffff  }
0x21a: {  	v8 =	vadd.f32 v10, v8;
	v35 =	vshll.u32 v28, $0x10;
	v45 =	vand.u32 $0xFFFF0000, v28;
	v34 =	vld.idx.msk [tilespmem:v26+s11+$0x0], $0xffff  }
0x21b: {  	v13 =	vadd.f32 v35, v13;
	v0 =	vadd.f32 v45, v0;
	v51 =	vadd.s32 $0x7, v51;
	v38 =	vld.idx.msk [tilespmem:v31+s11+$0x0], $0xffff  }
0x21c: {  	v47 =	vld.idx.msk [tilespmem:v33+s11+$0x0], $0xffff;
	v24 =	vadd.s32 $0x1, v50;
	v26 =	vadd.s32 $0x2, v50;
	v31 =	vadd.s32 $0x3, v50  }
0x21d: {  	v57 =	vld.idx.msk [tilespmem:v36+s11+$0x0], $0xffff;
	v33 =	vadd.s32 $0x4, v50;
	v36 =	vadd.s32 $0x5, v50;
	v37 =	vshll.u32 v30, $0x10  }
0x21e: {  	v63 =	vld.idx.msk [tilespmem:v54+s11+$0x0], $0xffff;
	v54 =	vadd.s32 $0x6, v50;
	v49 =	vand.u32 $0xFFFF0000, v30;
	v1 =	vadd.f32 v37, v1  }
0x21f: {  	v6 =	vadd.f32 v49, v6;
	v49 =	vadd.s32 s21, v27;
	v55 =	vshll.u32 v43, $0x10  }
0x220: {  	v43 =	vand.u32 $0xFFFF0000, v43;
	v56 =	vshll.u32 v34, $0x10;
	v10 =	vand.u32 $0xFFFF0000, v34  }
0x221: {  	v58 =	vshll.u32 v38, $0x10;
	v45 =	vand.u32 $0xFFFF0000, v38;
	v25 =	vshll.u32 v47, $0x10  }
0x222: {  	v28 =	vld.idx.msk [tilespmem:v51+s11+$0x0], $0xffff;
	v47 =	vand.u32 $0xFFFF0000, v47;
	v41 =	vadd.f32 v55, v41;
	v2 =	vadd.f32 v43, v2  }
0x223: {  	v30 =	vld.idx.msk [tilespmem:v50+s11+$0x0], $0xffff;
	v29 =	vshll.u32 v57, $0x10;
	v11 =	vadd.f32 v56, v11;
	v3 =	vadd.f32 v10, v3  }
0x224: {  	v32 =	vshll.u32 v63, $0x10;
	v9 =	vadd.f32 v58, v9;
	v4 =	vadd.f32 v45, v4  }
0x225: {  	v44 =	vadd.f32 v25, v44;
	v5 =	vadd.f32 v47, v5;
	v43 =	vand.u32 $0xFFFF0000, v57  }
0x226: {  	v42 =	vld.idx.msk [tilespmem:v24+s11+$0x0], $0xffff;
	v46 =	vadd.f32 v29, v46;
	v10 =	vand.u32 $0xFFFF0000, v63;
	v12 =	vadd.f32 v32, v12  }
0x227: {  	v50 =	vadd.s32 $0x7, v50;
	v34 =	vld.idx.msk [tilespmem:v26+s11+$0x0], $0xffff;
	v7 =	vadd.f32 v43, v7;
	v8 =	vadd.f32 v10, v8  }
0x228: {  	v38 =	vld.idx.msk [tilespmem:v31+s11+$0x0], $0xffff;
	v35 =	vshll.u32 v28, $0x10;
	v45 =	vand.u32 $0xFFFF0000, v28;
	v37 =	vshll.u32 v30, $0x10  }
0x229: {  	v47 =	vld.idx.msk [tilespmem:v33+s11+$0x0], $0xffff;
	v51 =	vand.u32 $0xFFFF0000, v30;
	v13 =	vadd.f32 v35, v13;
	v0 =	vadd.f32 v45, v0  }
0x22a: {  	v27 =	vadd.s32 $0x13, v40;
	v49 =	vld.idx.msk [tilespmem:v49+s14+$0x0], $0xffff;
	v1 =	vadd.f32 v37, v1;
	v6 =	vadd.f32 v51, v6  }
0x22b: {  	v57 =	vld.idx.msk [tilespmem:v36+s11+$0x0], $0xffff;
	v51 =	vadd.s32 s21, v27;
	v55 =	vshll.u32 v42, $0x10;
	v42 =	vand.u32 $0xFFFF0000, v42  }
0x22c: {  	v63 =	vld.idx.msk [tilespmem:v54+s11+$0x0], $0xffff;
	v56 =	vshll.u32 v34, $0x10;
	v10 =	vand.u32 $0xFFFF0000, v34;
	v41 =	vadd.f32 v55, v41  }
0x22d: {  	v58 =	vshll.u32 v38, $0x10;
	v2 =	vadd.f32 v42, v2;
	v11 =	vadd.f32 v56, v11  }
0x22e: {  	v45 =	vand.u32 $0xFFFF0000, v38;
	v3 =	vadd.f32 v10, v3;
	v9 =	vadd.f32 v58, v9  }
0x22f: {  	v4 =	vadd.f32 v45, v4;
	v25 =	vshll.u32 v47, $0x10;
	v24 =	vadd.s32 $0x1, v49  }
0x230: {  	v28 =	vld.idx.msk [tilespmem:v50+s11+$0x0], $0xffff;
	v47 =	vand.u32 $0xFFFF0000, v47;
	v29 =	vshll.u32 v57, $0x10;
	v26 =	vadd.s32 $0x2, v49  }
0x231: {  	v42 =	vand.u32 $0xFFFF0000, v57;
	v32 =	vshll.u32 v63, $0x10;
	v31 =	vadd.s32 $0x3, v49  }
0x232: {  	v10 =	vand.u32 $0xFFFF0000, v63;
	v44 =	vadd.f32 v25, v44;
	v33 =	vadd.s32 $0x4, v49;
	v51 =	vld.idx.msk [tilespmem:v51+s14+$0x0], $0xffff  }
0x233: {  	v5 =	vadd.f32 v47, v5;
	v46 =	vadd.f32 v29, v46;
	v36 =	vadd.s32 $0x5, v49;
	v30 =	vld.idx.msk [tilespmem:v49+s11+$0x0], $0xffff  }
0x234: {  	v7 =	vadd.f32 v42, v7;
	v12 =	vadd.f32 v32, v12;
	v54 =	vadd.s32 $0x6, v49;
	v43 =	vld.idx.msk [tilespmem:v24+s11+$0x0], $0xffff  }
0x235: {  	v8 =	vadd.f32 v10, v8;
	v35 =	vshll.u32 v28, $0x10;
	v45 =	vand.u32 $0xFFFF0000, v28;
	v34 =	vld.idx.msk [tilespmem:v26+s11+$0x0], $0xffff  }
0x236: {  	v27 =	vadd.s32 $0x14, v40;
	v13 =	vadd.f32 v35, v13;
	v0 =	vadd.f32 v45, v0;
	v38 =	vld.idx.msk [tilespmem:v31+s11+$0x0], $0xffff  }
0x237: {  	v49 =	vadd.s32 $0x7, v49;
	v47 =	vld.idx.msk [tilespmem:v33+s11+$0x0], $0xffff;
	v24 =	vadd.s32 $0x1, v51;
	v26 =	vadd.s32 $0x2, v51  }
0x238: {  	v57 =	vld.idx.msk [tilespmem:v36+s11+$0x0], $0xffff;
	v31 =	vadd.s32 $0x3, v51;
	v33 =	vadd.s32 $0x4, v51;
	v36 =	vadd.s32 $0x5, v51  }
0x239: {  	v63 =	vld.idx.msk [tilespmem:v54+s11+$0x0], $0xffff;
	v54 =	vadd.s32 $0x6, v51;
	v37 =	vshll.u32 v30, $0x10;
	v50 =	vand.u32 $0xFFFF0000, v30  }
0x23a: {  	v30 =	vld.idx.msk [tilespmem:v51+s11+$0x0], $0xffff;
	v51 =	vadd.s32 $0x7, v51;
	v1 =	vadd.f32 v37, v1;
	v6 =	vadd.f32 v50, v6  }
0x23b: {  	v50 =	vadd.s32 s21, v27;
	v27 =	vadd.s32 $0x15, v40;
	v55 =	vshll.u32 v43, $0x10  }
0x23c: {  	v43 =	vand.u32 $0xFFFF0000, v43;
	v56 =	vshll.u32 v34, $0x10;
	v10 =	vand.u32 $0xFFFF0000, v34  }
0x23d: {  	v58 =	vshll.u32 v38, $0x10;
	v45 =	vand.u32 $0xFFFF0000, v38;
	v25 =	vshll.u32 v47, $0x10  }
0x23e: {  	v28 =	vld.idx.msk [tilespmem:v49+s11+$0x0], $0xffff;
	v47 =	vand.u32 $0xFFFF0000, v47;
	v41 =	vadd.f32 v55, v41;
	v2 =	vadd.f32 v43, v2  }
0x23f: {  	v29 =	vshll.u32 v57, $0x10;
	v11 =	vadd.f32 v56, v11;
	v3 =	vadd.f32 v10, v3  }
0x240: {  	v32 =	vshll.u32 v63, $0x10;
	v9 =	vadd.f32 v58, v9;
	v4 =	vadd.f32 v45, v4  }
0x241: {  	v42 =	vld.idx.msk [tilespmem:v24+s11+$0x0], $0xffff;
	v44 =	vadd.f32 v25, v44;
	v5 =	vadd.f32 v47, v5;
	v43 =	vand.u32 $0xFFFF0000, v57  }
0x242: {  	v34 =	vld.idx.msk [tilespmem:v26+s11+$0x0], $0xffff;
	v46 =	vadd.f32 v29, v46;
	v10 =	vand.u32 $0xFFFF0000, v63;
	v12 =	vadd.f32 v32, v12  }
0x243: {  	v38 =	vld.idx.msk [tilespmem:v31+s11+$0x0], $0xffff;
	v7 =	vadd.f32 v43, v7;
	v8 =	vadd.f32 v10, v8;
	v35 =	vshll.u32 v28, $0x10  }
0x244: {  	v45 =	vand.u32 $0xFFFF0000, v28;
	v37 =	vshll.u32 v30, $0x10;
	v13 =	vadd.f32 v35, v13  }
0x245: {  	v47 =	vld.idx.msk [tilespmem:v33+s11+$0x0], $0xffff;
	v49 =	vand.u32 $0xFFFF0000, v30;
	v0 =	vadd.f32 v45, v0;
	v1 =	vadd.f32 v37, v1  }
0x246: {  	v50 =	vld.idx.msk [tilespmem:v50+s14+$0x0], $0xffff;
	v6 =	vadd.f32 v49, v6;
	v49 =	vadd.s32 s21, v27;
	v55 =	vshll.u32 v42, $0x10  }
0x247: {  	v57 =	vld.idx.msk [tilespmem:v36+s11+$0x0], $0xffff;
	v42 =	vand.u32 $0xFFFF0000, v42;
	v56 =	vshll.u32 v34, $0x10;
	v10 =	vand.u32 $0xFFFF0000, v34  }
0x248: {  	v63 =	vld.idx.msk [tilespmem:v54+s11+$0x0], $0xffff;
	v58 =	vshll.u32 v38, $0x10;
	v41 =	vadd.f32 v55, v41;
	v2 =	vadd.f32 v42, v2  }
0x249: {  	v45 =	vand.u32 $0xFFFF0000, v38;
	v11 =	vadd.f32 v56, v11;
	v3 =	vadd.f32 v10, v3  }
0x24a: {  	v9 =	vadd.f32 v58, v9;
	v4 =	vadd.f32 v45, v4  }
0x24b: {  	v25 =	vshll.u32 v47, $0x10;
	v47 =	vand.u32 $0xFFFF0000, v47;
	v24 =	vadd.s32 $0x1, v50  }
0x24c: {  	v28 =	vld.idx.msk [tilespmem:v51+s11+$0x0], $0xffff;
	v29 =	vshll.u32 v57, $0x10;
	v42 =	vand.u32 $0xFFFF0000, v57;
	v26 =	vadd.s32 $0x2, v50  }
0x24d: {  	v32 =	vshll.u32 v63, $0x10;
	v10 =	vand.u32 $0xFFFF0000, v63;
	v31 =	vadd.s32 $0x3, v50  }
0x24e: {  	v44 =	vadd.f32 v25, v44;
	v5 =	vadd.f32 v47, v5;
	v33 =	vadd.s32 $0x4, v50;
	v49 =	vld.idx.msk [tilespmem:v49+s14+$0x0], $0xffff  }
0x24f: {  	v46 =	vadd.f32 v29, v46;
	v7 =	vadd.f32 v42, v7;
	v36 =	vadd.s32 $0x5, v50;
	v30 =	vld.idx.msk [tilespmem:v50+s11+$0x0], $0xffff  }
0x250: {  	v27 =	vadd.s32 $0x16, v40;
	v12 =	vadd.f32 v32, v12;
	v8 =	vadd.f32 v10, v8;
	v43 =	vld.idx.msk [tilespmem:v24+s11+$0x0], $0xffff  }
0x251: {  	v35 =	vshll.u32 v28, $0x10;
	v45 =	vand.u32 $0xFFFF0000, v28;
	v54 =	vadd.s32 $0x6, v50;
	v34 =	vld.idx.msk [tilespmem:v26+s11+$0x0], $0xffff  }
0x252: {  	v13 =	vadd.f32 v35, v13;
	v0 =	vadd.f32 v45, v0;
	v50 =	vadd.s32 $0x7, v50;
	v38 =	vld.idx.msk [tilespmem:v31+s11+$0x0], $0xffff  }
0x253: {  	v47 =	vld.idx.msk [tilespmem:v33+s11+$0x0], $0xffff;
	v24 =	vadd.s32 $0x1, v49;
	v26 =	vadd.s32 $0x2, v49;
	v31 =	vadd.s32 $0x3, v49  }
0x254: {  	v57 =	vld.idx.msk [tilespmem:v36+s11+$0x0], $0xffff;
	v33 =	vadd.s32 $0x4, v49;
	v36 =	vadd.s32 $0x5, v49;
	v37 =	vshll.u32 v30, $0x10  }
0x255: {  	v53 =	vadd.s32 $0x6, v49;
	v51 =	vand.u32 $0xFFFF0000, v30;
	v1 =	vadd.f32 v37, v1  }
0x256: {  	v63 =	vld.idx.msk [tilespmem:v54+s11+$0x0], $0xffff;
	v6 =	vadd.f32 v51, v6;
	v51 =	vadd.s32 s21, v27;
	v55 =	vshll.u32 v43, $0x10  }
0x257: {  	v43 =	vand.u32 $0xFFFF0000, v43;
	v56 =	vshll.u32 v34, $0x10;
	v10 =	vand.u32 $0xFFFF0000, v34  }
0x258: {  	v58 =	vshll.u32 v38, $0x10;
	v45 =	vand.u32 $0xFFFF0000, v38;
	v25 =	vshll.u32 v47, $0x10  }
0x259: {  	v28 =	vld.idx.msk [tilespmem:v50+s11+$0x0], $0xffff;
	v47 =	vand.u32 $0xFFFF0000, v47;
	v41 =	vadd.f32 v55, v41;
	v2 =	vadd.f32 v43, v2  }
0x25a: {  	v30 =	vld.idx.msk [tilespmem:v49+s11+$0x0], $0xffff;
	v29 =	vshll.u32 v57, $0x10;
	v11 =	vadd.f32 v56, v11;
	v3 =	vadd.f32 v10, v3  }
0x25b: {  	v32 =	vshll.u32 v63, $0x10;
	v9 =	vadd.f32 v58, v9;
	v4 =	vadd.f32 v45, v4  }
0x25c: {  	v44 =	vadd.f32 v25, v44;
	v5 =	vadd.f32 v47, v5;
	v43 =	vand.u32 $0xFFFF0000, v57  }
0x25d: {  	v42 =	vld.idx.msk [tilespmem:v24+s11+$0x0], $0xffff;
	v46 =	vadd.f32 v29, v46;
	v10 =	vand.u32 $0xFFFF0000, v63;
	v12 =	vadd.f32 v32, v12  }
0x25e: {  	v49 =	vadd.s32 $0x7, v49;
	v34 =	vld.idx.msk [tilespmem:v26+s11+$0x0], $0xffff;
	v7 =	vadd.f32 v43, v7;
	v8 =	vadd.f32 v10, v8  }
0x25f: {  	v38 =	vld.idx.msk [tilespmem:v31+s11+$0x0], $0xffff;
	v35 =	vshll.u32 v28, $0x10;
	v45 =	vand.u32 $0xFFFF0000, v28;
	v37 =	vshll.u32 v30, $0x10  }
0x260: {  	v47 =	vld.idx.msk [tilespmem:v33+s11+$0x0], $0xffff;
	v50 =	vand.u32 $0xFFFF0000, v30;
	v13 =	vadd.f32 v35, v13;
	v0 =	vadd.f32 v45, v0  }
0x261: {  	v26 =	vadd.s32 $0x17, v40;
	v56 =	vld.idx.msk [tilespmem:v36+s11+$0x0], $0xffff;
	v1 =	vadd.f32 v37, v1;
	v6 =	vadd.f32 v50, v6  }
0x262: {  	v51 =	vld.idx.msk [tilespmem:v51+s14+$0x0], $0xffff;
	v50 =	vadd.s32 s21, v26;
	v54 =	vshll.u32 v42, $0x10;
	v42 =	vand.u32 $0xFFFF0000, v42  }
0x263: {  	v58 =	vld.idx.msk [tilespmem:v53+s11+$0x0], $0xffff;
	v55 =	vshll.u32 v34, $0x10;
	v10 =	vand.u32 $0xFFFF0000, v34;
	v41 =	vadd.f32 v54, v41  }
0x264: {  	v57 =	vshll.u32 v38, $0x10;
	v2 =	vadd.f32 v42, v2;
	v11 =	vadd.f32 v55, v11  }
0x265: {  	v45 =	vand.u32 $0xFFFF0000, v38;
	v3 =	vadd.f32 v10, v3;
	v9 =	vadd.f32 v57, v9  }
0x266: {  	v4 =	vadd.f32 v45, v4;
	v24 =	vshll.u32 v47, $0x10;
	v47 =	vand.u32 $0xFFFF0000, v47  }
0x267: {  	v27 =	vld.idx.msk [tilespmem:v49+s11+$0x0], $0xffff;
	v28 =	vshll.u32 v56, $0x10;
	v42 =	vand.u32 $0xFFFF0000, v56;
	v63 =	vadd.s32 $0x1, v51  }
0x268: {  	v31 =	vshll.u32 v58, $0x10;
	v10 =	vand.u32 $0xFFFF0000, v58;
	v25 =	vadd.s32 $0x2, v51  }
0x269: {  	v44 =	vadd.f32 v24, v44;
	v5 =	vadd.f32 v47, v5;
	v30 =	vadd.s32 $0x3, v51;
	v50 =	vld.idx.msk [tilespmem:v50+s14+$0x0], $0xffff  }
0x26a: {  	v46 =	vadd.f32 v28, v46;
	v7 =	vadd.f32 v42, v7;
	v32 =	vadd.s32 $0x4, v51  }
0x26b: {  	v12 =	vadd.f32 v31, v12;
	v8 =	vadd.f32 v10, v8;
	v29 =	vld.idx.msk [tilespmem:v51+s11+$0x0], $0xffff  }
0x26c: {  	v34 =	vshll.u32 v27, $0x10;
	v45 =	vand.u32 $0xFFFF0000, v27;
	v35 =	vadd.s32 $0x5, v51;
	v43 =	vld.idx.msk [tilespmem:v63+s11+$0x0], $0xffff  }
0x26d: {  	v13 =	vadd.f32 v34, v13;
	v0 =	vadd.f32 v45, v0;
	v38 =	vadd.s32 $0x6, v51;
	v33 =	vld.idx.msk [tilespmem:v25+s11+$0x0], $0xffff  }
0x26e: {  	v51 =	vadd.s32 $0x7, v51;
	v37 =	vld.idx.msk [tilespmem:v30+s11+$0x0], $0xffff;
	v58 =	vadd.s32 $0x1, v50;
	v24 =	vadd.s32 $0x2, v50  }
0x26f: {  	v47 =	vld.idx.msk [tilespmem:v32+s11+$0x0], $0xffff;
	v25 =	vadd.s32 $0x18, v40;
	v31 =	vadd.s32 $0x4, v50;
	v40 =	vadd.s32 $0x19, v40  }
0x270: {  	v34 =	vadd.s32 $0x5, v50;
	v40 =	vadd.s32 s21, v40;
	v36 =	vshll.u32 v29, $0x10  }
0x271: {  	v55 =	vld.idx.msk [tilespmem:v35+s11+$0x0], $0xffff;
	v49 =	vand.u32 $0xFFFF0000, v29;
	v29 =	vadd.s32 $0x3, v50;
	v1 =	vadd.f32 v36, v1  }
0x272: {  	v57 =	vld.idx.msk [tilespmem:v38+s11+$0x0], $0xffff;
	v6 =	vadd.f32 v49, v6;
	v49 =	vadd.s32 s21, v25;
	v53 =	vshll.u32 v43, $0x10  }
0x273: {  	v43 =	vand.u32 $0xFFFF0000, v43;
	v54 =	vshll.u32 v33, $0x10;
	v10 =	vand.u32 $0xFFFF0000, v33  }
0x274: {  	v56 =	vshll.u32 v37, $0x10;
	v45 =	vand.u32 $0xFFFF0000, v37;
	v63 =	vshll.u32 v47, $0x10  }
0x275: {  	v26 =	vld.idx.msk [tilespmem:v51+s11+$0x0], $0xffff;
	v47 =	vand.u32 $0xFFFF0000, v47;
	v41 =	vadd.f32 v53, v41;
	v2 =	vadd.f32 v43, v2  }
0x276: {  	v28 =	vld.idx.msk [tilespmem:v50+s11+$0x0], $0xffff;
	v27 =	vshll.u32 v55, $0x10;
	v11 =	vadd.f32 v54, v11;
	v3 =	vadd.f32 v10, v3  }
0x277: {  	v30 =	vshll.u32 v57, $0x10;
	v9 =	vadd.f32 v56, v9;
	v4 =	vadd.f32 v45, v4  }
0x278: {  	v42 =	vld.idx.msk [tilespmem:v58+s11+$0x0], $0xffff;
	v44 =	vadd.f32 v63, v44;
	v5 =	vadd.f32 v47, v5;
	v43 =	vand.u32 $0xFFFF0000, v55  }
0x279: {  	v32 =	vld.idx.msk [tilespmem:v24+s11+$0x0], $0xffff;
	v46 =	vadd.f32 v27, v46;
	v10 =	vand.u32 $0xFFFF0000, v57;
	v12 =	vadd.f32 v30, v12  }
0x27a: {  	v37 =	vadd.s32 $0x6, v50;
	v7 =	vadd.f32 v43, v7;
	v8 =	vadd.f32 v10, v8  }
0x27b: {  	v47 =	vld.idx.msk [tilespmem:v31+s11+$0x0], $0xffff;
	v33 =	vshll.u32 v26, $0x10;
	v45 =	vand.u32 $0xFFFF0000, v26;
	v35 =	vshll.u32 v28, $0x10  }
0x27c: {  	v51 =	vand.u32 $0xFFFF0000, v28;
	v13 =	vadd.f32 v33, v13;
	v0 =	vadd.f32 v45, v0;
	v49 =	vld.idx.msk [tilespmem:v49+s14+$0x0], $0xffff  }
0x27d: {  	v50 =	vadd.s32 $0x7, v50;
	v55 =	vld.idx.msk [tilespmem:v34+s11+$0x0], $0xffff;
	v1 =	vadd.f32 v35, v1;
	v6 =	vadd.f32 v51, v6  }
0x27e: {  	v38 =	vshll.u32 v42, $0x10;
	v42 =	vand.u32 $0xFFFF0000, v42;
	v54 =	vshll.u32 v32, $0x10  }
0x27f: {  	v40 =	vld.idx.msk [tilespmem:v40+s14+$0x0], $0xffff;
	v10 =	vand.u32 $0xFFFF0000, v32;
	v41 =	vadd.f32 v38, v41;
	v2 =	vadd.f32 v42, v2  }
0x280: {  	v36 =	vld.idx.msk [tilespmem:v29+s11+$0x0], $0xffff;
	v51 =	vmul.u32 $0x11, v14;
	v11 =	vadd.f32 v54, v11;
	v3 =	vadd.f32 v10, v3  }
0x281: {  	v58 =	vshll.u32 v47, $0x10;
	v63 =	vand.u32 $0xFFFF0000, v47;
	v24 =	vadd.s32 $0x1, v49  }
0x282: {  	v57 =	vld.idx.msk [tilespmem:v37+s11+$0x0], $0xffff;
	v26 =	vshll.u32 v55, $0x10;
	v42 =	vand.u32 $0xFFFF0000, v55;
	v27 =	vadd.s32 $0x2, v49  }
0x283: {  	v25 =	vld.idx.msk [tilespmem:v50+s11+$0x0], $0xffff;
	v43 =	vadd.f32 v58, v44;
	v5 =	vadd.f32 v63, v5;
	v30 =	vadd.s32 $0x3, v49  }
0x284: {  	v7 =	vadd.f32 v42, v7;
	v58 =	vadd.s32 $0x1, v40;
	v33 =	vadd.s32 $0x4, v49  }
0x285: {  	v56 =	vshll.u32 v36, $0x10;
	v45 =	vand.u32 $0xFFFF0000, v36;
	v36 =	vadd.s32 $0x5, v49;
	v28 =	vld.idx.msk [tilespmem:v49+s11+$0x0], $0xffff  }
0x286: {  	v9 =	vadd.f32 v56, v9;
	v4 =	vadd.f32 v45, v4;
	v52 =	vadd.s32 $0x6, v49;
	v31 =	vld.idx.msk [tilespmem:v24+s11+$0x0], $0xffff  }
0x287: {  	v45 =	vadd.f32 v26, v46;
	v55 =	vadd.s32 $0x7, v49;
	v29 =	vshll.u32 v57, $0x10;
	v34 =	vld.idx.msk [tilespmem:v27+s11+$0x0], $0xffff  }
0x288: {  	v10 =	vand.u32 $0xFFFF0000, v57;
	v32 =	vshll.u32 v25, $0x10;
	v44 =	vand.u32 $0xFFFF0000, v25;
	v37 =	vld.idx.msk [tilespmem:v30+s11+$0x0], $0xffff  }
0x289: {  	v25 =	vadd.s32 $0x2, v40;
	v12 =	vadd.f32 v29, v12;
	v8 =	vadd.f32 v10, v8;
	v53 =	vld.idx.msk [tilespmem:v33+s11+$0x0], $0xffff  }
0x28a: {  	v13 =	vadd.f32 v32, v13;
	v0 =	vadd.f32 v44, v0;
	v29 =	vadd.s32 $0x3, v40;
	v56 =	vld.idx.msk [tilespmem:v36+s11+$0x0], $0xffff  }
0x28b: {  	v32 =	vadd.s32 $0x4, v40;
	v63 =	vld.idx.msk [tilespmem:v52+s11+$0x0], $0xffff;
	v33 =	vadd.s32 s20, v51;
	v36 =	vadd.s32 $0x5, v40  }
0x28c: {  	v26 =	vld.idx.msk [tilespmem:v55+s11+$0x0], $0xffff;
	v55 =	vadd.s32 $0x1, v51;
	v35 =	vshll.u32 v28, $0x10;
	v42 =	vand.u32 $0xFFFF0000, v28  }
0x28d: {  	v30 =	vld.idx.msk [tilespmem:v58+s11+$0x0], $0xffff;
	v58 =	vadd.s32 $0x3, v51;
	v1 =	vadd.f32 v35, v1;
	v6 =	vadd.f32 v42, v6  }
0x28e: {  	v38 =	vshll.u32 v31, $0x10;
	v10 =	vand.u32 $0xFFFF0000, v31;
	v54 =	vshll.u32 v34, $0x10  }
0x28f: {  	v44 =	vand.u32 $0xFFFF0000, v34;
	v57 =	vshll.u32 v37, $0x10;
	v42 =	vand.u32 $0xFFFF0000, v37  }
0x290: {  	v24 =	vshll.u32 v53, $0x10;
	v27 =	vshll.u32 v56, $0x10;
	v41 =	vadd.f32 v38, v41  }
0x291: {  	v31 =	vshll.u32 v63, $0x10;
	v2 =	vadd.f32 v10, v2;
	v11 =	vadd.f32 v54, v11  }
0x292: {  	v35 =	vshll.u32 v26, $0x10;
	v3 =	vadd.f32 v44, v3;
	v9 =	vadd.f32 v57, v9  }
0x293: {  	v4 =	vadd.f32 v42, v4;
	v10 =	vand.u32 $0xFFFF0000, v53;
	v43 =	vadd.f32 v24, v43  }
0x294: {  	v50 =	vld.idx.msk [tilespmem:v29+s11+$0x0], $0xffff;
	v44 =	vand.u32 $0xFFFF0000, v56;
	v45 =	vadd.f32 v27, v45;
	v42 =	vand.u32 $0xFFFF0000, v63  }
0x295: {  	v28 =	vld.idx.msk [tilespmem:v40+s11+$0x0], $0xffff;
	v12 =	vadd.f32 v31, v12;
	v13 =	vadd.f32 v35, v13;
	v38 =	vshll.u32 v30, $0x10  }
0x296: {  	v53 =	vadd.s32 $0x6, v40;
	v40 =	vadd.s32 $0x7, v40;
	v57 =	vadd.s32 $0x2, v51  }
0x297: {  	v24 =	vadd.s32 $0x5, v51;
	v31 =	vadd.s32 $0x8, v51;
	v5 =	vadd.f32 v10, v5  }
0x298: {  	v7 =	vadd.f32 v44, v7;
	v8 =	vadd.f32 v42, v8;
	v10 =	vand.u32 $0xFFFF0000, v26  }
0x299: {  	v34 =	vld.idx.msk [tilespmem:v25+s11+$0x0], $0xffff;
	v44 =	vand.u32 $0xFFFF0000, v30;
	v56 =	vshll.u32 v50, $0x10;
	v49 =	vadd.s32 s20, v57  }
0x29a: {  	v25 =	vadd.s32 s20, v24;
	v26 =	vadd.s32 $0x6, v51;
	v47 =	vand.u32 $0xFFFF0000, v28  }
0x29b: {  	v46 =	vld.idx.msk [tilespmem:v32+s11+$0x0], $0xffff;
	v32 =	vadd.s32 s20, v31;
	v6 =	vadd.f32 v47, v6;
	v47 =	vadd.s32 s20, v55  }
0x29c: {  	v37 =	vshll.u32 v28, $0x10;
	v41 =	vadd.f32 v38, v41;
	v2 =	vadd.f32 v44, v2;
	v44 =	vld.idx.msk [tilespmem:v36+s11+$0x0], $0xffff  }
0x29d: {  	v1 =	vadd.f32 v37, v1;
	v55 =	vadd.s32 $0x4, v51;
	v48 =	vld.idx.msk [tilespmem:v53+s11+$0x0], $0xffff;
	v53 =	vadd.s32 s20, v58  }
0x29e: {  	v9 =	vadd.f32 v56, v9;
	v54 =	vshll.u32 v34, $0x10;
	v63 =	vadd.s32 s20, v55;
	v40 =	vld.idx.msk [tilespmem:v40+s11+$0x0], $0xffff  }
0x29f: {  	v27 =	vadd.s32 s20, v26;
	v28 =	vadd.s32 $0x7, v51;
	v11 =	vadd.f32 v54, v11;
	[tilespmem:v33+s15+$0x0] =	vst.idx.msk $0xffff, v1  }
0x2a0: {  	v36 =	vadd.s32 $0xA, v51;
	v30 =	vadd.s32 s20, v28;
	v54 =	vshll.u32 v46, $0x10;
	[tilespmem:v47+s15+$0x0] =	vst.idx.msk $0xffff, v41  }
0x2a1: {  	v42 =	vand.u32 $0xFFFF0000, v34;
	v43 =	vadd.f32 v54, v43;
	v56 =	vshll.u32 v44, $0x10;
	[tilespmem:v49+s15+$0x0] =	vst.idx.msk $0xffff, v11  }
0x2a2: {  	v33 =	vadd.s32 $0x9, v51;
	v45 =	vadd.f32 v56, v45;
	v29 =	vshll.u32 v48, $0x10;
	[tilespmem:v53+s15+$0x0] =	vst.idx.msk $0xffff, v9  }
0x2a3: {  	v35 =	vadd.s32 s20, v33;
	v34 =	vshll.u32 v40, $0x10;
	v12 =	vadd.f32 v29, v12;
	[tilespmem:v63+s15+$0x0] =	vst.idx.msk $0xffff, v43  }
0x2a4: {  	v38 =	vadd.s32 $0xB, v51;
	v37 =	vadd.s32 s20, v36;
	v13 =	vadd.f32 v34, v13;
	[tilespmem:v25+s15+$0x0] =	vst.idx.msk $0xffff, v45  }
0x2a5: {  	v52 =	vadd.s32 $0xE, v51;
	v45 =	vadd.s32 $0xC, v51;
	[tilespmem:v27+s15+$0x0] =	vst.idx.msk $0xffff, v12;
	v12 =	vadd.s32 s20, v38  }
0x2a6: {  	v3 =	vadd.f32 v42, v3;
	v49 =	vadd.s32 s20, v45;
	[tilespmem:v30+s15+$0x0] =	vst.idx.msk $0xffff, v13;
	v13 =	vadd.s32 $0xD, v51  }
0x2a7: {  	v54 =	vadd.s32 $0xF, v51;
	v47 =	vand.u32 $0xFFFF0000, v50;
	[tilespmem:v32+s15+$0x0] =	vst.idx.msk $0xffff, v6;
	v50 =	vadd.s32 s20, v13  }
0x2a8: {  	v4 =	vadd.f32 v47, v4;
	v53 =	vadd.s32 s20, v52;
	v13 =	vand.u32 $0xFFFF0000, v46;
	[tilespmem:v35+s15+$0x0] =	vst.idx.msk $0xffff, v2  }
0x2a9: {  	p0 =	sne.s32 s21, $0x2700;
	v55 =	vadd.s32 s20, v54;
	v5 =	vadd.f32 v13, v5;
	v13 =	vand.u32 $0xFFFF0000, v44;
	[tilespmem:v37+s15+$0x0] =	vst.idx.msk $0xffff, v3  }
.Ltmp6:
0x2aa: {  	v0 =	vadd.f32 v10, v0;
	v57 =	vand.u32 $0xFFFF0000, v48;
	v56 =	vadd.f32 v13, v7;
	[tilespmem:v12+s15+$0x0] =	vst.idx.msk $0xffff, v4;
	(pc) =	sbr.rel @p0 .LBB2_6-.Ltmp6, $4  }
0x2ab: {  	v58 =	vadd.f32 v57, v8;
	v63 =	vand.u32 $0xFFFF0000, v40;
	[tilespmem:v49+s15+$0x0] =	vst.idx.msk $0xffff, v5  }
0x2ac: {  	v0 =	vadd.f32 v63, v0;
	[tilespmem:v50+s15+$0x0] =	vst.idx.msk $0xffff, v56  }
0x2ad: {  	[tilespmem:v53+s15+$0x0] =	vst.idx.msk $0xffff, v58  }
0x2ae: {  	s21 =	sadd.s32 $0x1A0, s21;
	s20 =	sadd.s32 $0x110, s20;
	[tilespmem:v55+s15+$0x0] =	vst.idx.msk $0xffff, v0  }
0x2af: {  	s20 =	simm.s32 $0x7588  }
0x2b0: {  	s21 =	simm.s32 $0x0;
	s22 =	simm.s32 $0x400;
	v40 =	vld [tilespmem:s20+$0xFFFFFF78]  }
.LBB2_8:
0x2b1: {  	p0 =	sne.s32 s22, $0x6000;
	_ =	sdelay $0x2  }
0x2b2: {  	s23 =	sshra.s32 s21, $0x2;
	s21 =	smov.u32 s22  }
0x2b3: {  	[tilespmem:s23+$0x9000] =	vst v40  }
0x2b4: {  	v0 =	vld [tilespmem:s20+$0xFFFFFF89];
	_ =	sdelay $0x4  }
0x2b5: {  	[tilespmem:s23+$0x9010] =	vst v0  }
0x2b6: {  	v0 =	vld [tilespmem:s20+$0xFFFFFF9A];
	_ =	sdelay $0x4  }
0x2b7: {  	[tilespmem:s23+$0x9020] =	vst v0  }
0x2b8: {  	v0 =	vld [tilespmem:s20+$0xFFFFFFAB];
	_ =	sdelay $0x4  }
0x2b9: {  	[tilespmem:s23+$0x9030] =	vst v0  }
0x2ba: {  	v0 =	vld [tilespmem:s20+$0xFFFFFFBC];
	_ =	sdelay $0x4  }
0x2bb: {  	[tilespmem:s23+$0x9040] =	vst v0  }
0x2bc: {  	v0 =	vld [tilespmem:s20+$0xFFFFFFCD];
	_ =	sdelay $0x4  }
0x2bd: {  	[tilespmem:s23+$0x9050] =	vst v0  }
0x2be: {  	v0 =	vld [tilespmem:s20+$0xFFFFFFDE];
	_ =	sdelay $0x4  }
0x2bf: {  	[tilespmem:s23+$0x9060] =	vst v0  }
0x2c0: {  	v0 =	vld [tilespmem:s20+$0xFFFFFFEF];
	_ =	sdelay $0x4  }
0x2c1: {  	[tilespmem:s23+$0x9070] =	vst v0  }
0x2c2: {  	v0 =	vld [tilespmem:s20+$0x0];
	_ =	sdelay $0x4  }
0x2c3: {  	[tilespmem:s23+$0x9080] =	vst v0  }
0x2c4: {  	v0 =	vld [tilespmem:s20+$0x11];
	_ =	sdelay $0x4  }
0x2c5: {  	[tilespmem:s23+$0x9090] =	vst v0  }
0x2c6: {  	v0 =	vld [tilespmem:s20+$0x22];
	_ =	sdelay $0x4  }
0x2c7: {  	[tilespmem:s23+$0x90A0] =	vst v0  }
0x2c8: {  	v0 =	vld [tilespmem:s20+$0x33];
	_ =	sdelay $0x4  }
0x2c9: {  	[tilespmem:s23+$0x90B0] =	vst v0  }
0x2ca: {  	v0 =	vld [tilespmem:s20+$0x44];
	_ =	sdelay $0x4  }
0x2cb: {  	[tilespmem:s23+$0x90C0] =	vst v0  }
0x2cc: {  	v0 =	vld [tilespmem:s20+$0x55];
	_ =	sdelay $0x4  }
0x2cd: {  	[tilespmem:s23+$0x90D0] =	vst v0  }
0x2ce: {  	v0 =	vld [tilespmem:s20+$0x66];
	_ =	sdelay $0x4  }
0x2cf: {  	[tilespmem:s23+$0x90E0] =	vst v0  }
0x2d0: {  	v0 =	vld [tilespmem:s20+$0x77];
	_ =	sdelay $0x1  }
.Ltmp7:
0x2d1: {  	(pc) =	sbr.rel @p0 .LBB2_8-.Ltmp7, $3  }
0x2d2: {  	_ =	sdelay $0x1  }
0x2d3: {  	s20 =	sadd.s32 $0x110, s20;
	[tilespmem:s23+$0x90F0] =	vst v0  }
0x2d4: {  	s22 =	sadd.s32 $0x400, s22;
	v40 =	vld [tilespmem:s20+$0xFFFFFF78]  }
0x2d5: {  	_ =	sdelay $0x2  }
0x2d6: {  	s21 =	sshra.s32 s21, $0x2  }
0x2d7: {  	[tilespmem:s21+$0x9000] =	vst v40  }
0x2d8: {  	v0 =	vld [tilespmem:s20+$0xFFFFFF89];
	_ =	sdelay $0x4  }
0x2d9: {  	[tilespmem:s21+$0x9010] =	vst v0  }
0x2da: {  	v0 =	vld [tilespmem:s20+$0xFFFFFF9A];
	_ =	sdelay $0x4  }
0x2db: {  	[tilespmem:s21+$0x9020] =	vst v0  }
0x2dc: {  	v0 =	vld [tilespmem:s20+$0xFFFFFFAB];
	_ =	sdelay $0x4  }
0x2dd: {  	[tilespmem:s21+$0x9030] =	vst v0  }
0x2de: {  	v0 =	vld [tilespmem:s20+$0xFFFFFFBC];
	_ =	sdelay $0x4  }
0x2df: {  	[tilespmem:s21+$0x9040] =	vst v0  }
0x2e0: {  	v0 =	vld [tilespmem:s20+$0xFFFFFFCD];
	_ =	sdelay $0x4  }
0x2e1: {  	[tilespmem:s21+$0x9050] =	vst v0  }
0x2e2: {  	v0 =	vld [tilespmem:s20+$0xFFFFFFDE];
	_ =	sdelay $0x4  }
0x2e3: {  	[tilespmem:s21+$0x9060] =	vst v0  }
0x2e4: {  	v0 =	vld [tilespmem:s20+$0xFFFFFFEF];
	_ =	sdelay $0x4  }
0x2e5: {  	[tilespmem:s21+$0x9070] =	vst v0  }
0x2e6: {  	v0 =	vld [tilespmem:s20+$0x0];
	_ =	sdelay $0x4  }
0x2e7: {  	[tilespmem:s21+$0x9080] =	vst v0  }
0x2e8: {  	v0 =	vld [tilespmem:s20+$0x11];
	_ =	sdelay $0x4  }
0x2e9: {  	[tilespmem:s21+$0x9090] =	vst v0  }
0x2ea: {  	v0 =	vld [tilespmem:s20+$0x22];
	_ =	sdelay $0x4  }
0x2eb: {  	[tilespmem:s21+$0x90A0] =	vst v0  }
0x2ec: {  	v0 =	vld [tilespmem:s20+$0x33];
	_ =	sdelay $0x4  }
0x2ed: {  	[tilespmem:s21+$0x90B0] =	vst v0  }
0x2ee: {  	v0 =	vld [tilespmem:s20+$0x44];
	_ =	sdelay $0x4  }
0x2ef: {  	[tilespmem:s21+$0x90C0] =	vst v0  }
0x2f0: {  	v0 =	vld [tilespmem:s20+$0x55];
	_ =	sdelay $0x4  }
0x2f1: {  	[tilespmem:s21+$0x90D0] =	vst v0  }
0x2f2: {  	v0 =	vld [tilespmem:s20+$0x66];
	_ =	sdelay $0x4  }
0x2f3: {  	[tilespmem:s21+$0x90E0] =	vst v0  }
0x2f4: {  	v0 =	vld [tilespmem:s20+$0x77];
	_ =	sdelay $0x2  }
0x2f5: {  	s19 =	smul.u32 $0x320, s19;
	_ =	sdelay $0x1  }
0x2f6: {  	s19 =	sadd.s32 s2, s19;
	[tilespmem:s21+$0x90F0] =	vst v0  }
0x2f7: {  	[hbm4b:s19+s3] =	stream.linear.scatter [tilespmem:s16], [sflag:$0x1], $0x1900, $0x38;
	[tilespmem:$0xA900] =	vst v63  }
0x2f8: {  	_ =	swait.ge [sflag:s10], $0x1900  }
0x2f9: {  	v6 =	vld [tilespmem:$0x1FE70]  }
0x2fa: {  	v7 =	vld [tilespmem:$0x1FE80]  }
0x2fb: {  	v8 =	vld [tilespmem:$0x1FE90]  }
0x2fc: {  	v38 =	vld [tilespmem:$0x1FEA0]  }
0x2fd: {  	v16 =	vld [tilespmem:$0x1FEB0]  }
0x2fe: {  	v14 =	vld [tilespmem:$0x1FEC0]  }
0x2ff: {  	v15 =	vld [tilespmem:$0x1FED0]  }
0x300: {  	v23 =	vld [tilespmem:$0x1FEE0]  }
0x301: {  	v25 =	vld [tilespmem:$0x1FEF0]  }
0x302: {  	v26 =	vld [tilespmem:$0x1FF00]  }
0x303: {  	v27 =	vld [tilespmem:$0x1FF10]  }
0x304: {  	v28 =	vld [tilespmem:$0x1FF20]  }
0x305: {  	v29 =	vld [tilespmem:$0x1FF30]  }
.Ltmp8:
0x306: {  	v30 =	vld [tilespmem:$0x1FF40];
	(pc) =	sbr.rel .LBB2_10-.Ltmp8, $4  }
0x307: {  	v31 =	vld [tilespmem:$0x1FF50]  }
0x308: {  	v10 =	vld [tilespmem:$0x1FF60]  }
0x309: {  	[sflag:s10] =	ssyncset.done $0x0;
	v33 =	vld [tilespmem:$0x1FF70]  }
0x30a: {  	v34 =	vld [tilespmem:$0x1FF80];
	[sflag:s10] =	ssyncadd.s32 $0xFFFFE700  }
.LBB2_12:
0x30b: {  	_ =	sfence.sel $0x180000  }
0x30c: {  	[bflag:$0x0] =	sbarrier.arrive $0xFFFF  }
0x30d: {  	p0 =	sne.s32 s5, $0x0;
	_ =	strace $0x90000047  }
0x30e: {  	s0 =	sadd.s32 @!p0 $0x100000, s1;
	[bflag:$0x2] =	sbarrier.arrive $0xFFFF  }
0x30f: {  	[sflag:s0] =	ssyncadd.tile.s32 @!p0 $0x1;
	_ =	shalt  }
.Lfunc_end2:
_tile_overlayer_lowered:
.L_overlay_start_2:
0x310: {  	(tag) =	ssettag $0x2  }
0x311: {  	s0 =	rddreg [dreg:$0x0];
	s2 =	stileid.u32  }
0x312: {  	s1 =	rddreg [dreg:$0x1];
	p0 =	sne.s32 s2, $0x0  }
0x313: {  	s3 =	rddreg [dreg:$0x2];
	[bflag:$0x3] =	sbarrier.arrive $0xFFFF;
	s2 =	simm.s32 @!p0 $0x1C01  }
0x314: {  	[timem:s3], [sflag:s2] =	dma.local @!p0 [hbm:s0], s1  }
0x315: {  	s0 =	simm.s32 @!p0 $0x1  }
0x316: {  	_ =	swait.ge @!p0 [sflag:s0], s1  }
0x317: {  	s1 =	ssub.s32 @!p0 $0x0, s1;
	[sflag:s0] =	ssyncset.done @!p0 $0x0  }
0x318: {  	[sflag:s0] =	ssyncadd.s32 @!p0 s1  }
0x319: {  	[bflag:$0x3] =	sbarrier.arrive $0xFFFF  }
0x31a: {  	_ =	shalt  }

</sc_bundles>
